<compile_context>
chip_gen: v7x
topology: tpu7x:2x2x1
jax: 0.10.2.dev20260603
libtpu: 0.0.44.dev20260713+nightly
codegen_flags: <defaults>
</compile_context>

<pallas_src>
import functools

import jax
import jax.numpy as jnp
from jax import lax
from jax.experimental import pallas as pl
from jax.experimental.pallas import tpu as pltpu
from jax.experimental.pallas import tpu_sc as plsc

_BN_EPS = 1e-5


def _fps(xp, yp, zp, npoint):
    B, n = xp.shape

    def body(x_ref, y_ref, z_ref, idx_ref, nx_ref, ny_ref, nz_ref):
        x = x_ref[...]
        y = y_ref[...]
        z = z_ref[...]
        iota_n = lax.broadcasted_iota(jnp.int32, (B, n), 1)
        iota_p = lax.broadcasted_iota(jnp.int32, (B, npoint), 1)

        def step(i, st):
            dist, far, acc, ax, ay, az = st
            sel = iota_p == i
            acc = jnp.where(sel, far.astype(jnp.float32), acc)
            oh = (iota_n == far).astype(jnp.float32)
            cx = jnp.sum(x * oh, axis=1, keepdims=True)
            cy = jnp.sum(y * oh, axis=1, keepdims=True)
            cz = jnp.sum(z * oh, axis=1, keepdims=True)
            ax = jnp.where(sel, cx, ax)
            ay = jnp.where(sel, cy, ay)
            az = jnp.where(sel, cz, az)
            d = (x - cx) ** 2 + (y - cy) ** 2 + (z - cz) ** 2
            dist = jnp.minimum(dist, d)
            mx = jnp.max(dist, axis=1, keepdims=True)
            far = jnp.min(jnp.where(dist == mx, iota_n, n), axis=1,
                          keepdims=True)
            return dist, far, acc, ax, ay, az

        init = (jnp.full((B, n), 1e10, jnp.float32),
                jnp.zeros((B, 1), jnp.int32),
                x[:, :npoint] * 0.0,
                x[:, :npoint],
                y[:, :npoint],
                z[:, :npoint])
        _, _, acc, ax, ay, az = lax.fori_loop(0, npoint, step, init)
        idx_ref[...] = acc
        nx_ref[...] = ax
        ny_ref[...] = ay
        nz_ref[...] = az

    idxf, nx, ny, nz = pl.pallas_call(
        body,
        out_shape=(jax.ShapeDtypeStruct((B, npoint), jnp.float32),
                   jax.ShapeDtypeStruct((B, npoint), jnp.float32),
                   jax.ShapeDtypeStruct((B, npoint), jnp.float32),
                   jax.ShapeDtypeStruct((B, npoint), jnp.float32)),
    )(xp, yp, zp)
    return idxf.astype(jnp.int32), nx, ny, nz


def _gather_rows(points, idx):
    return jax.vmap(lambda p, i: p[i])(points, idx)


def _sqd_formula(src, dst):
    return (jnp.sum(src ** 2, axis=-1)[:, :, None] +
            jnp.sum(dst ** 2, axis=-1)[:, None, :] -
            2.0 * jnp.matmul(src, dst.transpose(0, 2, 1)))


_BQ_PAD = 80


def _ball_query_sc(xyzf, newf, sq, *, n, s, nv, r2, nsample=64):
    B = xyzf.shape[0] // 3
    NW = 32
    per = NW // B
    sw = s // per
    mesh = plsc.VectorSubcoreMesh(core_axis_name="c", subcore_axis_name="s",
                                  num_cores=2, num_subcores=16)
    out_type = (jax.ShapeDtypeStruct((B, per, sw * _BQ_PAD), jnp.float32),
                jax.ShapeDtypeStruct((B, per, sw * _BQ_PAD), jnp.float32),
                jax.ShapeDtypeStruct((B, per, sw * _BQ_PAD), jnp.float32),
                jax.ShapeDtypeStruct((B, per, sw * _BQ_PAD), jnp.float32))
    scratch = [pltpu.VMEM((n,), jnp.float32)] * 3 + \
              [pltpu.VMEM((sw + 16,), jnp.float32)] * 3 + \
              [pltpu.VMEM((sw * _BQ_PAD,), jnp.float32)] * 4 + \
              [pltpu.VMEM((n,), jnp.float32)]

    @functools.partial(
        pl.kernel, mesh=mesh, out_type=out_type, scratch_types=scratch,
        compiler_params=pltpu.CompilerParams(needs_layout_passes=False))
    def k(xyz_hbm, new_hbm, sq_hbm, oi_hbm, ox_hbm, oy_hbm, oz_hbm,
          xb, yb, zb, cxb, cyb, czb, ib, gxb, gyb, gzb, db):
        cid = lax.axis_index("c")
        sid = lax.axis_index("s")
        wid = sid * 2 + cid
        b = wid // per
        q = lax.rem(wid, per)
        pltpu.sync_copy(xyz_hbm.at[3 * b + 0], xb)
        pltpu.sync_copy(xyz_hbm.at[3 * b + 1], yb)
        pltpu.sync_copy(xyz_hbm.at[3 * b + 2], zb)
        pltpu.sync_copy(new_hbm.at[3 * b + 0, pl.ds(q * sw, sw)],
                        cxb.at[pl.ds(0, sw)])
        pltpu.sync_copy(new_hbm.at[3 * b + 1, pl.ds(q * sw, sw)],
                        cyb.at[pl.ds(0, sw)])
        pltpu.sync_copy(new_hbm.at[3 * b + 2, pl.ds(q * sw, sw)],
                        czb.at[pl.ds(0, sw)])
        lanes = lax.iota(jnp.int32, 16)

        def per_center(si, carry):
            cx = cxb[pl.ds(si, 16)][0]
            cy = cyb[pl.ds(si, 16)][0]
            cz = czb[pl.ds(si, 16)][0]
            base = si * _BQ_PAD
            pltpu.sync_copy(sq_hbm.at[b, q * sw + si], db)

            def bw(j, cnt):
                off = j * 16
                xv = xb[pl.ds(off, 16)]
                yv = yb[pl.ds(off, 16)]
                zv = zb[pl.ds(off, 16)]
                dx = xv - cx
                dy = yv - cy
                dz = zv - cz
                m = db[pl.ds(off, 16)] <= r2
                iv = (lanes + off).astype(jnp.float32)
                wat = base + jnp.minimum(cnt, nsample)
                plsc.store_compressed(ib.at[pl.ds(wat, 16)], iv, mask=m)
                plsc.store_compressed(gxb.at[pl.ds(wat, 16)], dx, mask=m)
                plsc.store_compressed(gyb.at[pl.ds(wat, 16)], dy, mask=m)
                plsc.store_compressed(gzb.at[pl.ds(wat, 16)], dz, mask=m)
                return cnt + plsc.all_reduce_population_count(m)[0]

            cnt = lax.fori_loop(0, nv, bw, 0)
            cnt = jnp.minimum(cnt, nsample)
            i0 = ib[pl.ds(base, 16)][0]
            x0 = gxb[pl.ds(base, 16)][0]
            y0 = gyb[pl.ds(base, 16)][0]
            z0 = gzb[pl.ds(base, 16)][0]
            for jj in range(nsample // 16):
                mp = (lanes + jj * 16) >= cnt
                o2 = base + jj * 16
                ib[pl.ds(o2, 16)] = jnp.where(mp, i0, ib[pl.ds(o2, 16)])
                gxb[pl.ds(o2, 16)] = jnp.where(mp, x0, gxb[pl.ds(o2, 16)])
                gyb[pl.ds(o2, 16)] = jnp.where(mp, y0, gyb[pl.ds(o2, 16)])
                gzb[pl.ds(o2, 16)] = jnp.where(mp, z0, gzb[pl.ds(o2, 16)])
            return carry

        lax.fori_loop(0, sw, per_center, 0)
        pltpu.sync_copy(ib, oi_hbm.at[b, q])
        pltpu.sync_copy(gxb, ox_hbm.at[b, q])
        pltpu.sync_copy(gyb, oy_hbm.at[b, q])
        pltpu.sync_copy(gzb, oz_hbm.at[b, q])

    oi, ox, oy, oz = k(xyzf, newf, sq)
    def _fix(a):
        return a.reshape(B, s, _BQ_PAD)[:, :, :nsample]
    idx = _fix(oi).astype(jnp.int32)
    return idx, _fix(ox), _fix(oy), _fix(oz)


def _mm(x, w, b, *, norm=None, block=2048):
    R, cin = x.shape
    cout = w.shape[1]
    br = min(block, R)
    grid = R // br
    b2 = b.reshape(1, cout)

    out_shape = jax.ShapeDtypeStruct((R, cout), jnp.float32)
    out_specs = pl.BlockSpec((br, cout), lambda i: (i, 0))

    if norm is None:
        def body(x_ref, w_ref, b_ref, y_ref):
            y_ref[...] = jnp.dot(x_ref[...], w_ref[...],
                                 preferred_element_type=jnp.float32
                                 ) + b_ref[...]

        return pl.pallas_call(
            body,
            grid=(grid,),
            in_specs=[pl.BlockSpec((br, cin), lambda i: (i, 0)),
                      pl.BlockSpec((cin, cout), lambda i: (0, 0)),
                      pl.BlockSpec((1, cout), lambda i: (0, 0))],
            out_specs=out_specs,
            out_shape=out_shape,
        )(x, w, b2)

    mean, var, g, be = norm
    g2 = g.reshape(1, cin)
    be2 = be.reshape(1, cin)

    def body(x_ref, m_ref, v_ref, g_ref, be_ref, w_ref, b_ref, y_ref):
        xv = x_ref[...]
        xv = (xv - m_ref[...]) / jnp.sqrt(v_ref[...] + _BN_EPS)
        xv = xv * g_ref[...] + be_ref[...]
        xv = jnp.maximum(xv, 0.0)
        y_ref[...] = jnp.dot(xv, w_ref[...],
                             preferred_element_type=jnp.float32) + b_ref[...]

    return pl.pallas_call(
        body,
        grid=(grid,),
        in_specs=[pl.BlockSpec((br, cin), lambda i: (i, 0)),
                  pl.BlockSpec((1, cin), lambda i: (0, 0)),
                  pl.BlockSpec((1, cin), lambda i: (0, 0)),
                  pl.BlockSpec((1, cin), lambda i: (0, 0)),
                  pl.BlockSpec((1, cin), lambda i: (0, 0)),
                  pl.BlockSpec((cin, cout), lambda i: (0, 0)),
                  pl.BlockSpec((1, cout), lambda i: (0, 0))],
        out_specs=out_specs,
        out_shape=out_shape,
    )(x, mean, var, g2, be2, w, b2)


def _finalize_pool(y, mv, g, be, *, bm):
    M, K, C = y.shape
    mean, var = mv
    g3 = g.reshape(1, 1, C)
    be3 = be.reshape(1, 1, C)

    def body(y_ref, m_ref, v_ref, g_ref, be_ref, o_ref):
        yv = y_ref[...]
        mean = m_ref[...].reshape(1, 1, C)
        var = v_ref[...].reshape(1, 1, C)
        h = (yv - mean) / jnp.sqrt(var + _BN_EPS) * g_ref[...] + be_ref[...]
        h = jnp.maximum(h, 0.0)
        o_ref[...] = jnp.max(h, axis=1)

    return pl.pallas_call(
        body,
        grid=(M // bm,),
        in_specs=[pl.BlockSpec((bm, K, C), lambda i: (i, 0, 0)),
                  pl.BlockSpec((1, C), lambda i: (0, 0)),
                  pl.BlockSpec((1, C), lambda i: (0, 0)),
                  pl.BlockSpec((1, 1, C), lambda i: (0, 0, 0)),
                  pl.BlockSpec((1, 1, C), lambda i: (0, 0, 0))],
        out_specs=pl.BlockSpec((bm, C), lambda i: (i, 0)),
        out_shape=jax.ShapeDtypeStruct((M, C), jnp.float32),
    )(y, mean, var, g3, be3)


def _finalize_flat(y, mv, g, be, *, block=2048):
    R, C = y.shape
    br = min(block, R)
    mean, var = mv
    g2 = g.reshape(1, C)
    be2 = be.reshape(1, C)

    def body(y_ref, m_ref, v_ref, g_ref, be_ref, o_ref):
        yv = y_ref[...]
        h = (yv - m_ref[...]) / jnp.sqrt(v_ref[...] + _BN_EPS)
        h = h * g_ref[...] + be_ref[...]
        o_ref[...] = jnp.maximum(h, 0.0)

    return pl.pallas_call(
        body,
        grid=(R // br,),
        in_specs=[pl.BlockSpec((br, C), lambda i: (i, 0)),
                  pl.BlockSpec((1, C), lambda i: (0, 0)),
                  pl.BlockSpec((1, C), lambda i: (0, 0)),
                  pl.BlockSpec((1, C), lambda i: (0, 0)),
                  pl.BlockSpec((1, C), lambda i: (0, 0))],
        out_specs=pl.BlockSpec((br, C), lambda i: (i, 0)),
        out_shape=jax.ShapeDtypeStruct((R, C), jnp.float32),
    )(y, mean, var, g2, be2)


def _gather_feats(idx, table, *, bi=1024):
    B, S, K = idx.shape
    V, C = table.shape[1], table.shape[2]
    rows = S * K
    nb = rows // bi
    idx4 = idx.reshape(B, nb, bi, 1)

    def body(i_ref, t_ref, o_ref):
        idxc = i_ref[...].reshape(bi, 1)
        oh = (idxc == lax.broadcasted_iota(jnp.int32, (bi, V), 1))
        oh = oh.astype(jnp.float32)
        t = t_ref[...].reshape(V, C)
        o_ref[...] = jnp.dot(oh, t, preferred_element_type=jnp.float32
                             ).reshape(1, 1, bi, C)

    out = pl.pallas_call(
        body,
        grid=(B, nb),
        in_specs=[pl.BlockSpec((1, 1, bi, 1), lambda b, j: (b, j, 0, 0)),
                  pl.BlockSpec((1, V, C), lambda b, j: (b, 0, 0))],
        out_specs=pl.BlockSpec((1, 1, bi, C), lambda b, j: (b, j, 0, 0)),
        out_shape=jax.ShapeDtypeStruct((B, nb, bi, C), jnp.float32),
    )(idx4, table)
    return out.reshape(B, rows, C)


def _interp3(dmat, p2, bn=512):
    B, N, S = dmat.shape
    C = p2.shape[2]
    bn = min(bn, N)

    def body(d_ref, p_ref, o_ref):
        d = d_ref[...].reshape(bn, S)
        iota_s = lax.broadcasted_iota(jnp.int32, (bn, S), 1)
        rem = d
        wmat = jnp.zeros((bn, S), jnp.float32)
        ws = []
        ohs = []
        for _ in range(3):
            mn = jnp.min(rem, axis=1, keepdims=True)
            ik = jnp.min(jnp.where(rem == mn, iota_s, S), axis=1,
                         keepdims=True)
            dk = jnp.maximum(mn, 0.0)
            wk = 1.0 / (dk + 1e-8)
            oh = (iota_s == ik)
            rem = jnp.where(oh, 1e30, rem)
            ws.append(wk)
            ohs.append(oh)
        wsum = ws[0] + ws[1] + ws[2]
        for wk, oh in zip(ws, ohs):
            wmat = wmat + jnp.where(oh, wk / wsum, 0.0)
        o_ref[...] = jnp.dot(wmat, p_ref[...].reshape(S, C),
                             preferred_element_type=jnp.float32
                             ).reshape(1, bn, C)

    return pl.pallas_call(
        body,
        grid=(B, N // bn),
        in_specs=[pl.BlockSpec((1, bn, S), lambda b, j: (b, j, 0)),
                  pl.BlockSpec((1, S, C), lambda b, j: (b, 0, 0))],
        out_specs=pl.BlockSpec((1, bn, C), lambda b, j: (b, j, 0)),
        out_shape=jax.ShapeDtypeStruct((B, N, C), jnp.float32),
    )(dmat, p2)


def _mlp_chain(x, layers, stat_dims):
    axes = tuple(range(len(stat_dims)))
    h = x
    hx = x.reshape(stat_dims + (x.shape[-1],))
    y = None
    mv = None
    for li, (w, b, g, be) in enumerate(layers):
        if li > 0:
            h = _finalize_flat(y, mv, layers[li - 1][2], layers[li - 1][3])
        y = _mm(h, w, b)
        yx = jnp.matmul(hx, w) + b
        mean = jnp.mean(yx, axis=axes, keepdims=True)
        var = jnp.var(yx, axis=axes, keepdims=True)
        hx = jax.nn.relu((yx - mean) / jnp.sqrt(var + _BN_EPS) * g + be)
        mv = (mean.reshape(1, -1), var.reshape(1, -1))
    return y, mv


def kernel(x, params):
    B, N, _ = x.shape
    xyz = x[..., :3]
    xp = xyz[..., 0]
    yp = xyz[..., 1]
    zp = xyz[..., 2]

    fpsi1, n1x, n1y, n1z = _fps(xp, yp, zp, 512)
    xyzf = jnp.stack([xp, yp, zp], axis=1).reshape(3 * B, N)
    newf1 = jnp.stack([n1x, n1y, n1z], axis=1).reshape(3 * B, 512)
    l1_xyz = _gather_rows(xyz, fpsi1)
    sq1 = _sqd_formula(l1_xyz, xyz)
    _, g1x, g1y, g1z = _ball_query_sc(xyzf, newf1, sq1, n=N, s=512,
                                      nv=N // 16, r2=0.2 ** 2)
    x1 = jnp.stack([g1x, g1y, g1z], axis=-1).reshape(B * 512 * 64, 3)
    y, mv = _mlp_chain(x1, params['sa1'], (B, 512, 64))
    gl, bl = params['sa1'][-1][2], params['sa1'][-1][3]
    l1_f = _finalize_pool(y.reshape(B * 512, 64, 128), mv, gl, bl,
                          bm=64).reshape(B, 512, 128)

    fpsi2, n2x, n2y, n2z = _fps(n1x, n1y, n1z, 128)
    newf2 = jnp.stack([n2x, n2y, n2z], axis=1).reshape(3 * B, 128)
    l2_xyz = _gather_rows(l1_xyz, fpsi2)
    sq2 = _sqd_formula(l2_xyz, l1_xyz)
    idx2, g2x, g2y, g2z = _ball_query_sc(newf1, newf2, sq2, n=512, s=128,
                                         nv=512 // 16, r2=0.4 ** 2)
    gxyz2 = jnp.stack([g2x, g2y, g2z], axis=-1).reshape(B, 128 * 64, 3)
    gf2 = _gather_feats(idx2, l1_f)
    x2 = jnp.concatenate([gxyz2, gf2], axis=-1).reshape(B * 128 * 64, 131)
    y, mv = _mlp_chain(x2, params['sa2'], (B, 128, 64))
    gl, bl = params['sa2'][-1][2], params['sa2'][-1][3]
    l2_f = _finalize_pool(y.reshape(B * 128, 64, 256), mv, gl, bl,
                          bm=32).reshape(B, 128, 256)

    x3 = jnp.concatenate([l2_xyz, l2_f], axis=-1).reshape(B * 128, 259)
    y, mv = _mlp_chain(x3, params['sa3'], (B, 1, 128))
    gl, bl = params['sa3'][-1][2], params['sa3'][-1][3]
    l3_f = _finalize_pool(y.reshape(B, 128, 1024), mv, gl, bl, bm=B)

    interp1 = jnp.broadcast_to(l3_f[:, None, :], (B, 128, 1024))
    xf1 = jnp.concatenate([l2_f, interp1], axis=-1).reshape(B * 128, 1280)
    y, mv = _mlp_chain(xf1, params['sfp1'], (B, 128))
    gl, bl = params['sfp1'][-1][2], params['sfp1'][-1][3]
    l4_f = _finalize_flat(y, mv, gl, bl).reshape(B, 128, 256)

    interp2 = _interp3(_sqd_formula(l1_xyz, l2_xyz), l4_f)
    xf2 = jnp.concatenate([l1_f, interp2], axis=-1).reshape(B * 512, 384)
    y, mv = _mlp_chain(xf2, params['sfp2'], (B, 512))
    gl, bl = params['sfp2'][-1][2], params['sfp2'][-1][3]
    l5_f = _finalize_flat(y, mv, gl, bl).reshape(B, 512, 128)

    interp3 = _interp3(_sqd_formula(xyz, l1_xyz), l5_f)
    xf3 = interp3.reshape(B * N, 128)
    y, mv = _mlp_chain(xf3, params['sfp3'], (B, N))
    gl, bl = params['sfp3'][-1][2], params['sfp3'][-1][3]
    wf, bf = params['fc1']
    out = _mm(y, wf, bf, norm=(mv[0], mv[1], gl, bl))
    out = out.reshape(B, N, 128)

    return (l3_f[:, None, :].transpose(0, 2, 1), out.transpose(0, 2, 1))

# --- scband reference (transcript-rebuilt; emitter-appended) ---
"""Pipeline reference for scband-point-net2-6055903887568 (READ-ONLY COPY).

The authoritative reference and input builder live on the scoring server;
editing this copy changes nothing except your own understanding.
"""

import jax, jax.numpy as jnp
import numpy as np

DIM_POS = 3

def square_distance(src, dst):
    return jnp.sum(src ** 2, axis=-1)[:, :, None] + jnp.sum(dst ** 2, axis=-1)[:, None, :] - 2.0 * jnp.matmul(src, dst.transpose(0, 2, 1))

def index_points(points, idx):
    return jax.vmap(lambda p, i: p[i])(points, idx)

def farthest_point_sample(xyz, npoint):
    xyz = jax.lax.stop_gradient(xyz)
    B, N, _ = xyz.shape
    def body(i, state):
        centroids, distance, farthest = state
        centroids = centroids.at[:, i].set(farthest)
        centroid = index_points(xyz, farthest[:, None])
        dist = jnp.sum((xyz - centroid) ** 2, axis=-1)
        distance = jnp.minimum(distance, dist)
        farthest = jnp.argmax(distance, axis=-1).astype(jnp.int32)
        return (centroids, distance, farthest)
    centroids = jnp.zeros((B, npoint), dtype=jnp.int32)
    distance = jnp.full((B, N), 1e10, dtype=xyz.dtype)
    farthest = jnp.zeros((B,), dtype=jnp.int32)
    centroids, _, _ = jax.lax.fori_loop(0, npoint, body, (centroids, distance, farthest))
    return centroids

def query_ball_point(radius, nsample, xyz, new_xyz):
    B, N, _ = xyz.shape
    S = new_xyz.shape[1]
    sqrdists = square_distance(new_xyz, xyz)
    group_idx = jnp.broadcast_to(jnp.arange(N, dtype=jnp.int32), (B, S, N))
    group_idx = jnp.where(sqrdists > radius ** 2, N, group_idx)
    group_idx = jnp.sort(group_idx, axis=-1)[:, :, :nsample]
    group_first = jnp.broadcast_to(group_idx[:, :, :1], group_idx.shape)
    group_idx = jnp.where(group_idx == N, group_first, group_idx)
    return group_idx

def mlp_block(x, layers, axes):
    for (W, b, g, beta) in layers:
        x = jnp.matmul(x, W) + b
        mean = jnp.mean(x, axis=axes, keepdims=True)
        var = jnp.var(x, axis=axes, keepdims=True)
        x = (x - mean) / jnp.sqrt(var + 1e-5)
        x = x * g + beta
        x = jax.nn.relu(x)
    return x

def set_abstraction(xyz, feats, npoint, radius, nsample, layers):
    fps_idx = farthest_point_sample(xyz, npoint)
    new_xyz = index_points(xyz, fps_idx)
    idx = query_ball_point(radius, nsample, xyz, new_xyz)
    grouped_xyz = index_points(xyz, idx) - new_xyz[:, :, None, :]
    if feats is not None:
        grouped = jnp.concatenate([grouped_xyz, index_points(feats, idx)], axis=-1)
    else:
        grouped = grouped_xyz
    out = mlp_block(grouped, layers, axes=(0, 1, 2))
    return new_xyz, jnp.max(out, axis=2)

def set_abstraction_all(xyz, feats, layers):
    grouped = jnp.concatenate([xyz, feats], axis=-1)[:, None, :, :]
    out = mlp_block(grouped, layers, axes=(0, 1, 2))
    new_xyz = jnp.zeros((xyz.shape[0], 1, xyz.shape[2]), dtype=xyz.dtype)
    return new_xyz, jnp.max(out, axis=2)

def feature_propagation(xyz1, xyz2, points1, points2, layers):
    B, N, _ = xyz1.shape
    S = xyz2.shape[1]
    if S == 1:
        interpolated = jnp.broadcast_to(points2, (B, N, points2.shape[-1]))
    else:
        dists = square_distance(xyz1, xyz2)
        neg, idx = jax.lax.top_k(-dists, 3)
        d = jnp.maximum(-neg, 0.0)
        w = 1.0 / (d + 1e-8)
        w = w / jnp.sum(w, axis=-1, keepdims=True)
        gathered = index_points(points2, idx)
        interpolated = jnp.sum(gathered * w[..., None], axis=2)
    if points1 is not None:
        new_points = jnp.concatenate([points1, interpolated], axis=-1)
    else:
        new_points = interpolated
    return mlp_block(new_points, layers, axes=(0, 1))

def pointnet2_forward(x, params):
    xyz = x[..., :DIM_POS]
    l1_xyz, l1_f = set_abstraction(xyz, None, 512, 0.2, 64, params['sa1'])
    l2_xyz, l2_f = set_abstraction(l1_xyz, l1_f, 128, 0.4, 64, params['sa2'])
    l3_xyz, l3_f = set_abstraction_all(l2_xyz, l2_f, params['sa3'])
    l4_f = feature_propagation(l2_xyz, l3_xyz, l2_f, l3_f, params['sfp1'])
    l5_f = feature_propagation(l1_xyz, l2_xyz, l1_f, l4_f, params['sfp2'])
    l6_f = feature_propagation(xyz, l1_xyz, None, l5_f, params['sfp3'])
    Wf, bf = params['fc1']
    out = jnp.matmul(l6_f, Wf) + bf
    return (l3_f.transpose(0, 2, 1), out.transpose(0, 2, 1))

def make_mlp(key, cin, channels):
    layers = []
    for i, cout in enumerate(channels):
        k1 = jax.random.fold_in(key, i)
        W = jax.random.normal(k1, (cin, cout), dtype=jnp.float32) * (1.0 / np.sqrt(cin))
        layers.append((W, jnp.zeros((cout,), jnp.float32), jnp.ones((cout,), jnp.float32), jnp.zeros((cout,), jnp.float32)))
        cin = cout
    return layers

def setup_inputs(seed: int = 0):
    key = jax.random.key(seed)
    x = jax.random.uniform(jax.random.fold_in(key, 1), (8, 4096, 3), dtype=jnp.float32)
    params = {
        'sa1': make_mlp(jax.random.fold_in(key, 10), 3, [64, 64, 128]),
        'sa2': make_mlp(jax.random.fold_in(key, 11), 131, [128, 128, 256]),
        'sa3': make_mlp(jax.random.fold_in(key, 12), 259, [256, 512, 1024]),
        'sfp1': make_mlp(jax.random.fold_in(key, 13), 1280, [256, 256]),
        'sfp2': make_mlp(jax.random.fold_in(key, 14), 384, [256, 128]),
        'sfp3': make_mlp(jax.random.fold_in(key, 15), 128, [128, 128, 128]),
        'fc1': (jax.random.normal(jax.random.fold_in(key, 16), (128, 128), dtype=jnp.float32) * (1.0 / np.sqrt(128)), jnp.zeros((128,), jnp.float32)),
    }
    return {'x': x, 'params': params}

def reference(x, params):
    return pointnet2_forward(x, params)

if __name__ == "__main__":
    import jax
    _d = setup_inputs()
    print(jax.jit(kernel)(*tuple(_d.values())))

</pallas_src>

<mosaic_0001>
#map = affine_map<(d0, d1) -> (0, 0)>
#map1 = affine_map<(d0, d1) -> (0, 0, 0)>
module attributes {stable_mosaic.version = 14 : i64} {
  func.func @k(%arg0: i32, %arg1: i32, %arg2: memref<24x512xf32, #tpu.memory_space<hbm>>, %arg3: memref<24x128xf32, #tpu.memory_space<hbm>>, %arg4: memref<8x128x512xf32, #tpu.memory_space<hbm>>, %arg5: memref<8x4x2560xf32, #tpu.memory_space<hbm>>, %arg6: memref<8x4x2560xf32, #tpu.memory_space<hbm>>, %arg7: memref<8x4x2560xf32, #tpu.memory_space<hbm>>, %arg8: memref<8x4x2560xf32, #tpu.memory_space<hbm>>, %arg9: memref<512xf32, #tpu.memory_space<vmem>>, %arg10: memref<512xf32, #tpu.memory_space<vmem>>, %arg11: memref<512xf32, #tpu.memory_space<vmem>>, %arg12: memref<48xf32, #tpu.memory_space<vmem>>, %arg13: memref<48xf32, #tpu.memory_space<vmem>>, %arg14: memref<48xf32, #tpu.memory_space<vmem>>, %arg15: memref<2560xf32, #tpu.memory_space<vmem>>, %arg16: memref<2560xf32, #tpu.memory_space<vmem>>, %arg17: memref<2560xf32, #tpu.memory_space<vmem>>, %arg18: memref<2560xf32, #tpu.memory_space<vmem>>, %arg19: memref<512xf32, #tpu.memory_space<vmem>>) attributes {dimension_semantics = [#tpu.dimension_semantics<core_parallel>, #tpu.dimension_semantics<subcore_parallel>], iteration_bounds = array<i64: 2, 16>, scalar_prefetch = 0 : i64, scratch_operands = 11 : i64, tpu.core_type = #tpu.core_type<sc_vector_subcore>, window_params = [{transform_indices = #map}, {transform_indices = #map}, {transform_indices = #map1}, {transform_indices = #map1}, {transform_indices = #map1}, {transform_indices = #map1}, {transform_indices = #map1}]} {
    %mul3A = arith.constant 2 : i32
    %mul3A_0 = arith.muli %arg1, %mul3A : i32
    %add3A = arith.addi %mul3A_0, %arg0 : i32
    %jit3A = arith.constant 4 : i32
    %div3A = arith.divsi %add3A, %jit3A : i32
    %sign3A = arith.constant 0 : i32
    %sign3A_1 = arith.cmpi sgt, %add3A, %sign3A : i32
    %sign3A_2 = arith.extui %sign3A_1 : i1 to i32
    %sign3A_3 = arith.constant 0 : i32
    %sign3A_4 = arith.cmpi slt, %add3A, %sign3A_3 : i32
    %sign3A_5 = arith.extui %sign3A_4 : i1 to i32
    %sign3A_6 = arith.subi %sign3A_2, %sign3A_5 : i32
    %sign3A_7 = arith.constant 0 : i32
    %sign3A_8 = arith.cmpi sgt, %jit3A, %sign3A_7 : i32
    %sign3A_9 = arith.extui %sign3A_8 : i1 to i32
    %sign3A_10 = arith.constant 0 : i32
    %sign3A_11 = arith.cmpi slt, %jit3A, %sign3A_10 : i32
    %sign3A_12 = arith.extui %sign3A_11 : i1 to i32
    %sign3A_13 = arith.subi %sign3A_9, %sign3A_12 : i32
    %ne3A = arith.cmpi ne, %sign3A_6, %sign3A_13 : i32
    %rem3A = arith.remsi %add3A, %jit3A : i32
    %ne3A_14 = arith.constant 0 : i32
    %ne3A_15 = arith.cmpi ne, %rem3A, %ne3A_14 : i32
    %and3A = arith.andi %ne3A, %ne3A_15 : i1
    %sub3A = arith.constant 1 : i32
    %sub3A_16 = arith.subi %div3A, %sub3A : i32
    %select_n3A = arith.select %and3A, %sub3A_16, %div3A : i32
    %rem3A_17 = arith.constant 4 : i32
    %rem3A_18 = arith.remsi %add3A, %rem3A_17 : i32
    %mul3A_19 = arith.constant 3 : i32
    %mul3A_20 = arith.muli %mul3A_19, %select_n3A : i32
    %add3A_21 = arith.constant 0 : i32
    %add3A_22 = arith.addi %mul3A_20, %add3A_21 : i32
    "tpu.region"() ({
      %run_scoped3A = tpu.sem_alloc : memref<!tpu.dma_semaphore, #tpu.memory_space<semaphore_mem>>
      %dma_start3A = arith.constant 0 : i32
      %dma_start3A_54 = tpu.memref_slice %arg2[%add3A_22, %dma_start3A] : memref<24x512xf32, #tpu.memory_space<hbm>> -> memref<1x512xf32, #tpu.memory_space<hbm>>
      %dma_start3A_55 = tpu.memref_squeeze %dma_start3A_54 : memref<1x512xf32, #tpu.memory_space<hbm>> -> memref<512xf32, #tpu.memory_space<hbm>>
      %dma_start3A_56 = arith.constant 0 : i32
      %dma_start3A_57 = tpu.memref_slice %arg2[%add3A_22, %dma_start3A_56] : memref<24x512xf32, #tpu.memory_space<hbm>> -> memref<1x512xf32, #tpu.memory_space<hbm>>
      %dma_start3A_58 = tpu.memref_squeeze %dma_start3A_57 : memref<1x512xf32, #tpu.memory_space<hbm>> -> memref<512xf32, #tpu.memory_space<hbm>>
      tpu.enqueue_dma source(%dma_start3A_58 : memref<512xf32, #tpu.memory_space<hbm>>) target(%arg9 : memref<512xf32, #tpu.memory_space<vmem>>) target_semaphore(%run_scoped3A : memref<!tpu.dma_semaphore, #tpu.memory_space<semaphore_mem>>)
      %dma_wait3A = arith.constant 0 : i32
      %dma_wait3A_59 = tpu.memref_slice %arg2[%add3A_22, %dma_wait3A] : memref<24x512xf32, #tpu.memory_space<hbm>> -> memref<1x512xf32, #tpu.memory_space<hbm>>
      %dma_wait3A_60 = tpu.memref_squeeze %dma_wait3A_59 : memref<1x512xf32, #tpu.memory_space<hbm>> -> memref<512xf32, #tpu.memory_space<hbm>>
      %dma_wait3A_61 = arith.constant 0 : i32
      %dma_wait3A_62 = tpu.memref_slice %arg2[%add3A_22, %dma_wait3A_61] : memref<24x512xf32, #tpu.memory_space<hbm>> -> memref<1x512xf32, #tpu.memory_space<hbm>>
      %dma_wait3A_63 = tpu.memref_squeeze %dma_wait3A_62 : memref<1x512xf32, #tpu.memory_space<hbm>> -> memref<512xf32, #tpu.memory_space<hbm>>
      tpu.wait_dma2 semaphore(%run_scoped3A : memref<!tpu.dma_semaphore, #tpu.memory_space<semaphore_mem>>) src(%dma_wait3A_63 : memref<512xf32, #tpu.memory_space<hbm>>) dst(%arg9 : memref<512xf32, #tpu.memory_space<vmem>>)
      tpu.yield
    }) : () -> ()
    %mul3A_23 = arith.constant 3 : i32
    %mul3A_24 = arith.muli %mul3A_23, %select_n3A : i32
    %add3A_25 = arith.constant 1 : i32
    %add3A_26 = arith.addi %mul3A_24, %add3A_25 : i32
    "tpu.region"() ({
      %run_scoped3A = tpu.sem_alloc : memref<!tpu.dma_semaphore, #tpu.memory_space<semaphore_mem>>
      %dma_start3A = arith.constant 0 : i32
      %dma_start3A_54 = tpu.memref_slice %arg2[%add3A_26, %dma_start3A] : memref<24x512xf32, #tpu.memory_space<hbm>> -> memref<1x512xf32, #tpu.memory_space<hbm>>
      %dma_start3A_55 = tpu.memref_squeeze %dma_start3A_54 : memref<1x512xf32, #tpu.memory_space<hbm>> -> memref<512xf32, #tpu.memory_space<hbm>>
      %dma_start3A_56 = arith.constant 0 : i32
      %dma_start3A_57 = tpu.memref_slice %arg2[%add3A_26, %dma_start3A_56] : memref<24x512xf32, #tpu.memory_space<hbm>> -> memref<1x512xf32, #tpu.memory_space<hbm>>
      %dma_start3A_58 = tpu.memref_squeeze %dma_start3A_57 : memref<1x512xf32, #tpu.memory_space<hbm>> -> memref<512xf32, #tpu.memory_space<hbm>>
      tpu.enqueue_dma source(%dma_start3A_58 : memref<512xf32, #tpu.memory_space<hbm>>) target(%arg10 : memref<512xf32, #tpu.memory_space<vmem>>) target_semaphore(%run_scoped3A : memref<!tpu.dma_semaphore, #tpu.memory_space<semaphore_mem>>)
      %dma_wait3A = arith.constant 0 : i32
      %dma_wait3A_59 = tpu.memref_slice %arg2[%add3A_26, %dma_wait3A] : memref<24x512xf32, #tpu.memory_space<hbm>> -> memref<1x512xf32, #tpu.memory_space<hbm>>
      %dma_wait3A_60 = tpu.memref_squeeze %dma_wait3A_59 : memref<1x512xf32, #tpu.memory_space<hbm>> -> memref<512xf32, #tpu.memory_space<hbm>>
      %dma_wait3A_61 = arith.constant 0 : i32
      %dma_wait3A_62 = tpu.memref_slice %arg2[%add3A_26, %dma_wait3A_61] : memref<24x512xf32, #tpu.memory_space<hbm>> -> memref<1x512xf32, #tpu.memory_space<hbm>>
      %dma_wait3A_63 = tpu.memref_squeeze %dma_wait3A_62 : memref<1x512xf32, #tpu.memory_space<hbm>> -> memref<512xf32, #tpu.memory_space<hbm>>
      tpu.wait_dma2 semaphore(%run_scoped3A : memref<!tpu.dma_semaphore, #tpu.memory_space<semaphore_mem>>) src(%dma_wait3A_63 : memref<512xf32, #tpu.memory_space<hbm>>) dst(%arg10 : memref<512xf32, #tpu.memory_space<vmem>>)
      tpu.yield
    }) : () -> ()
    %mul3A_27 = arith.constant 3 : i32
    %mul3A_28 = arith.muli %mul3A_27, %select_n3A : i32
    %add3A_29 = arith.constant 2 : i32
    %add3A_30 = arith.addi %mul3A_28, %add3A_29 : i32
    "tpu.region"() ({
      %run_scoped3A = tpu.sem_alloc : memref<!tpu.dma_semaphore, #tpu.memory_space<semaphore_mem>>
      %dma_start3A = arith.constant 0 : i32
      %dma_start3A_54 = tpu.memref_slice %arg2[%add3A_30, %dma_start3A] : memref<24x512xf32, #tpu.memory_space<hbm>> -> memref<1x512xf32, #tpu.memory_space<hbm>>
      %dma_start3A_55 = tpu.memref_squeeze %dma_start3A_54 : memref<1x512xf32, #tpu.memory_space<hbm>> -> memref<512xf32, #tpu.memory_space<hbm>>
      %dma_start3A_56 = arith.constant 0 : i32
      %dma_start3A_57 = tpu.memref_slice %arg2[%add3A_30, %dma_start3A_56] : memref<24x512xf32, #tpu.memory_space<hbm>> -> memref<1x512xf32, #tpu.memory_space<hbm>>
      %dma_start3A_58 = tpu.memref_squeeze %dma_start3A_57 : memref<1x512xf32, #tpu.memory_space<hbm>> -> memref<512xf32, #tpu.memory_space<hbm>>
      tpu.enqueue_dma source(%dma_start3A_58 : memref<512xf32, #tpu.memory_space<hbm>>) target(%arg11 : memref<512xf32, #tpu.memory_space<vmem>>) target_semaphore(%run_scoped3A : memref<!tpu.dma_semaphore, #tpu.memory_space<semaphore_mem>>)
      %dma_wait3A = arith.constant 0 : i32
      %dma_wait3A_59 = tpu.memref_slice %arg2[%add3A_30, %dma_wait3A] : memref<24x512xf32, #tpu.memory_space<hbm>> -> memref<1x512xf32, #tpu.memory_space<hbm>>
      %dma_wait3A_60 = tpu.memref_squeeze %dma_wait3A_59 : memref<1x512xf32, #tpu.memory_space<hbm>> -> memref<512xf32, #tpu.memory_space<hbm>>
      %dma_wait3A_61 = arith.constant 0 : i32
      %dma_wait3A_62 = tpu.memref_slice %arg2[%add3A_30, %dma_wait3A_61] : memref<24x512xf32, #tpu.memory_space<hbm>> -> memref<1x512xf32, #tpu.memory_space<hbm>>
      %dma_wait3A_63 = tpu.memref_squeeze %dma_wait3A_62 : memref<1x512xf32, #tpu.memory_space<hbm>> -> memref<512xf32, #tpu.memory_space<hbm>>
      tpu.wait_dma2 semaphore(%run_scoped3A : memref<!tpu.dma_semaphore, #tpu.memory_space<semaphore_mem>>) src(%dma_wait3A_63 : memref<512xf32, #tpu.memory_space<hbm>>) dst(%arg11 : memref<512xf32, #tpu.memory_space<vmem>>)
      tpu.yield
    }) : () -> ()
    %mul3A_31 = arith.constant 3 : i32
    %mul3A_32 = arith.muli %mul3A_31, %select_n3A : i32
    %add3A_33 = arith.constant 0 : i32
    %add3A_34 = arith.addi %mul3A_32, %add3A_33 : i32
    %mul3A_35 = arith.constant 32 : i32
    %mul3A_36 = arith.muli %rem3A_18, %mul3A_35 : i32
    "tpu.region"() ({
      %run_scoped3A = tpu.sem_alloc : memref<!tpu.dma_semaphore, #tpu.memory_space<semaphore_mem>>
      %dma_start3A = arith.constant 0 : i32
      %dma_start3A_54 = tpu.memref_slice %arg12[%dma_start3A] : memref<48xf32, #tpu.memory_space<vmem>> -> memref<32xf32, #tpu.memory_space<vmem>>
      %dma_start3A_55 = tpu.memref_slice %arg3[%add3A_34, %mul3A_36] : memref<24x128xf32, #tpu.memory_space<hbm>> -> memref<1x32xf32, #tpu.memory_space<hbm>>
      %dma_start3A_56 = tpu.memref_squeeze %dma_start3A_55 : memref<1x32xf32, #tpu.memory_space<hbm>> -> memref<32xf32, #tpu.memory_space<hbm>>
      %dma_start3A_57 = arith.constant 0 : i32
      %dma_start3A_58 = tpu.memref_slice %arg12[%dma_start3A_57] : memref<48xf32, #tpu.memory_space<vmem>> -> memref<32xf32, #tpu.memory_space<vmem>>
      %dma_start3A_59 = tpu.memref_slice %arg3[%add3A_34, %mul3A_36] : memref<24x128xf32, #tpu.memory_space<hbm>> -> memref<1x32xf32, #tpu.memory_space<hbm>>
      %dma_start3A_60 = tpu.memref_squeeze %dma_start3A_59 : memref<1x32xf32, #tpu.memory_space<hbm>> -> memref<32xf32, #tpu.memory_space<hbm>>
      tpu.enqueue_dma source(%dma_start3A_60 : memref<32xf32, #tpu.memory_space<hbm>>) target(%dma_start3A_58 : memref<32xf32, #tpu.memory_space<vmem>>) target_semaphore(%run_scoped3A : memref<!tpu.dma_semaphore, #tpu.memory_space<semaphore_mem>>)
      %dma_wait3A = arith.constant 0 : i32
      %dma_wait3A_61 = tpu.memref_slice %arg12[%dma_wait3A] : memref<48xf32, #tpu.memory_space<vmem>> -> memref<32xf32, #tpu.memory_space<vmem>>
      %dma_wait3A_62 = tpu.memref_slice %arg3[%add3A_34, %mul3A_36] : memref<24x128xf32, #tpu.memory_space<hbm>> -> memref<1x32xf32, #tpu.memory_space<hbm>>
      %dma_wait3A_63 = tpu.memref_squeeze %dma_wait3A_62 : memref<1x32xf32, #tpu.memory_space<hbm>> -> memref<32xf32, #tpu.memory_space<hbm>>
      %dma_wait3A_64 = arith.constant 0 : i32
      %dma_wait3A_65 = tpu.memref_slice %arg12[%dma_wait3A_64] : memref<48xf32, #tpu.memory_space<vmem>> -> memref<32xf32, #tpu.memory_space<vmem>>
      %dma_wait3A_66 = tpu.memref_slice %arg3[%add3A_34, %mul3A_36] : memref<24x128xf32, #tpu.memory_space<hbm>> -> memref<1x32xf32, #tpu.memory_space<hbm>>
      %dma_wait3A_67 = tpu.memref_squeeze %dma_wait3A_66 : memref<1x32xf32, #tpu.memory_space<hbm>> -> memref<32xf32, #tpu.memory_space<hbm>>
      tpu.wait_dma2 semaphore(%run_scoped3A : memref<!tpu.dma_semaphore, #tpu.memory_space<semaphore_mem>>) src(%dma_wait3A_67 : memref<32xf32, #tpu.memory_space<hbm>>) dst(%dma_wait3A_65 : memref<32xf32, #tpu.memory_space<vmem>>)
      tpu.yield
    }) : () -> ()
    %mul3A_37 = arith.constant 3 : i32
    %mul3A_38 = arith.muli %mul3A_37, %select_n3A : i32
    %add3A_39 = arith.constant 1 : i32
    %add3A_40 = arith.addi %mul3A_38, %add3A_39 : i32
    %mul3A_41 = arith.constant 32 : i32
    %mul3A_42 = arith.muli %rem3A_18, %mul3A_41 : i32
    "tpu.region"() ({
      %run_scoped3A = tpu.sem_alloc : memref<!tpu.dma_semaphore, #tpu.memory_space<semaphore_mem>>
      %dma_start3A = arith.constant 0 : i32
      %dma_start3A_54 = tpu.memref_slice %arg13[%dma_start3A] : memref<48xf32, #tpu.memory_space<vmem>> -> memref<32xf32, #tpu.memory_space<vmem>>
      %dma_start3A_55 = tpu.memref_slice %arg3[%add3A_40, %mul3A_42] : memref<24x128xf32, #tpu.memory_space<hbm>> -> memref<1x32xf32, #tpu.memory_space<hbm>>
      %dma_start3A_56 = tpu.memref_squeeze %dma_start3A_55 : memref<1x32xf32, #tpu.memory_space<hbm>> -> memref<32xf32, #tpu.memory_space<hbm>>
      %dma_start3A_57 = arith.constant 0 : i32
      %dma_start3A_58 = tpu.memref_slice %arg13[%dma_start3A_57] : memref<48xf32, #tpu.memory_space<vmem>> -> memref<32xf32, #tpu.memory_space<vmem>>
      %dma_start3A_59 = tpu.memref_slice %arg3[%add3A_40, %mul3A_42] : memref<24x128xf32, #tpu.memory_space<hbm>> -> memref<1x32xf32, #tpu.memory_space<hbm>>
      %dma_start3A_60 = tpu.memref_squeeze %dma_start3A_59 : memref<1x32xf32, #tpu.memory_space<hbm>> -> memref<32xf32, #tpu.memory_space<hbm>>
      tpu.enqueue_dma source(%dma_start3A_60 : memref<32xf32, #tpu.memory_space<hbm>>) target(%dma_start3A_58 : memref<32xf32, #tpu.memory_space<vmem>>) target_semaphore(%run_scoped3A : memref<!tpu.dma_semaphore, #tpu.memory_space<semaphore_mem>>)
      %dma_wait3A = arith.constant 0 : i32
      %dma_wait3A_61 = tpu.memref_slice %arg13[%dma_wait3A] : memref<48xf32, #tpu.memory_space<vmem>> -> memref<32xf32, #tpu.memory_space<vmem>>
      %dma_wait3A_62 = tpu.memref_slice %arg3[%add3A_40, %mul3A_42] : memref<24x128xf32, #tpu.memory_space<hbm>> -> memref<1x32xf32, #tpu.memory_space<hbm>>
      %dma_wait3A_63 = tpu.memref_squeeze %dma_wait3A_62 : memref<1x32xf32, #tpu.memory_space<hbm>> -> memref<32xf32, #tpu.memory_space<hbm>>
      %dma_wait3A_64 = arith.constant 0 : i32
      %dma_wait3A_65 = tpu.memref_slice %arg13[%dma_wait3A_64] : memref<48xf32, #tpu.memory_space<vmem>> -> memref<32xf32, #tpu.memory_space<vmem>>
      %dma_wait3A_66 = tpu.memref_slice %arg3[%add3A_40, %mul3A_42] : memref<24x128xf32, #tpu.memory_space<hbm>> -> memref<1x32xf32, #tpu.memory_space<hbm>>
      %dma_wait3A_67 = tpu.memref_squeeze %dma_wait3A_66 : memref<1x32xf32, #tpu.memory_space<hbm>> -> memref<32xf32, #tpu.memory_space<hbm>>
      tpu.wait_dma2 semaphore(%run_scoped3A : memref<!tpu.dma_semaphore, #tpu.memory_space<semaphore_mem>>) src(%dma_wait3A_67 : memref<32xf32, #tpu.memory_space<hbm>>) dst(%dma_wait3A_65 : memref<32xf32, #tpu.memory_space<vmem>>)
      tpu.yield
    }) : () -> ()
    %mul3A_43 = arith.constant 3 : i32
    %mul3A_44 = arith.muli %mul3A_43, %select_n3A : i32
    %add3A_45 = arith.constant 2 : i32
    %add3A_46 = arith.addi %mul3A_44, %add3A_45 : i32
    %mul3A_47 = arith.constant 32 : i32
    %mul3A_48 = arith.muli %rem3A_18, %mul3A_47 : i32
    "tpu.region"() ({
      %run_scoped3A = tpu.sem_alloc : memref<!tpu.dma_semaphore, #tpu.memory_space<semaphore_mem>>
      %dma_start3A = arith.constant 0 : i32
      %dma_start3A_54 = tpu.memref_slice %arg14[%dma_start3A] : memref<48xf32, #tpu.memory_space<vmem>> -> memref<32xf32, #tpu.memory_space<vmem>>
      %dma_start3A_55 = tpu.memref_slice %arg3[%add3A_46, %mul3A_48] : memref<24x128xf32, #tpu.memory_space<hbm>> -> memref<1x32xf32, #tpu.memory_space<hbm>>
      %dma_start3A_56 = tpu.memref_squeeze %dma_start3A_55 : memref<1x32xf32, #tpu.memory_space<hbm>> -> memref<32xf32, #tpu.memory_space<hbm>>
      %dma_start3A_57 = arith.constant 0 : i32
      %dma_start3A_58 = tpu.memref_slice %arg14[%dma_start3A_57] : memref<48xf32, #tpu.memory_space<vmem>> -> memref<32xf32, #tpu.memory_space<vmem>>
      %dma_start3A_59 = tpu.memref_slice %arg3[%add3A_46, %mul3A_48] : memref<24x128xf32, #tpu.memory_space<hbm>> -> memref<1x32xf32, #tpu.memory_space<hbm>>
      %dma_start3A_60 = tpu.memref_squeeze %dma_start3A_59 : memref<1x32xf32, #tpu.memory_space<hbm>> -> memref<32xf32, #tpu.memory_space<hbm>>
      tpu.enqueue_dma source(%dma_start3A_60 : memref<32xf32, #tpu.memory_space<hbm>>) target(%dma_start3A_58 : memref<32xf32, #tpu.memory_space<vmem>>) target_semaphore(%run_scoped3A : memref<!tpu.dma_semaphore, #tpu.memory_space<semaphore_mem>>)
      %dma_wait3A = arith.constant 0 : i32
      %dma_wait3A_61 = tpu.memref_slice %arg14[%dma_wait3A] : memref<48xf32, #tpu.memory_space<vmem>> -> memref<32xf32, #tpu.memory_space<vmem>>
      %dma_wait3A_62 = tpu.memref_slice %arg3[%add3A_46, %mul3A_48] : memref<24x128xf32, #tpu.memory_space<hbm>> -> memref<1x32xf32, #tpu.memory_space<hbm>>
      %dma_wait3A_63 = tpu.memref_squeeze %dma_wait3A_62 : memref<1x32xf32, #tpu.memory_space<hbm>> -> memref<32xf32, #tpu.memory_space<hbm>>
      %dma_wait3A_64 = arith.constant 0 : i32
      %dma_wait3A_65 = tpu.memref_slice %arg14[%dma_wait3A_64] : memref<48xf32, #tpu.memory_space<vmem>> -> memref<32xf32, #tpu.memory_space<vmem>>
      %dma_wait3A_66 = tpu.memref_slice %arg3[%add3A_46, %mul3A_48] : memref<24x128xf32, #tpu.memory_space<hbm>> -> memref<1x32xf32, #tpu.memory_space<hbm>>
      %dma_wait3A_67 = tpu.memref_squeeze %dma_wait3A_66 : memref<1x32xf32, #tpu.memory_space<hbm>> -> memref<32xf32, #tpu.memory_space<hbm>>
      tpu.wait_dma2 semaphore(%run_scoped3A : memref<!tpu.dma_semaphore, #tpu.memory_space<semaphore_mem>>) src(%dma_wait3A_67 : memref<32xf32, #tpu.memory_space<hbm>>) dst(%dma_wait3A_65 : memref<32xf32, #tpu.memory_space<vmem>>)
      tpu.yield
    }) : () -> ()
    %iota3A = tpu.iota {dimensions = array<i32: 0>} : vector<16xi32>
    %scan3A = arith.constant 0 : i32
    %scan3A_49 = arith.constant 0 : i32
    %scan3A_50 = arith.constant 32 : i32
    %scan3A_51 = arith.addi %scan3A_49, %scan3A_50 : i32
    %scan3A_52 = arith.constant 1 : i32
    scf.for %scan3A_54 = %scan3A_49 to %scan3A_51 step %scan3A_52  : i32 {
      %get3A = arith.index_cast %scan3A_54 : i32 to index
      %get3A_55 = tpu.vector_load %arg12[%get3A] {strides = array<i32>} : memref<48xf32, #tpu.memory_space<vmem>>, vector<16xf32>,
      %slice3A = vector.extract_strided_slice %get3A_55 {offsets = [0], sizes = [1], strides = [1]} : vector<16xf32> to vector<1xf32>
      %squeeze3A = vector.extract %slice3A[0] : f32 from vector<1xf32>
      %get3A_56 = arith.index_cast %scan3A_54 : i32 to index
      %get3A_57 = tpu.vector_load %arg13[%get3A_56] {strides = array<i32>} : memref<48xf32, #tpu.memory_space<vmem>>, vector<16xf32>,
      %slice3A_58 = vector.extract_strided_slice %get3A_57 {offsets = [0], sizes = [1], strides = [1]} : vector<16xf32> to vector<1xf32>
      %squeeze3A_59 = vector.extract %slice3A_58[0] : f32 from vector<1xf32>
      %get3A_60 = arith.index_cast %scan3A_54 : i32 to index
      %get3A_61 = tpu.vector_load %arg14[%get3A_60] {strides = array<i32>} : memref<48xf32, #tpu.memory_space<vmem>>, vector<16xf32>,
      %slice3A_62 = vector.extract_strided_slice %get3A_61 {offsets = [0], sizes = [1], strides = [1]} : vector<16xf32> to vector<1xf32>
      %squeeze3A_63 = vector.extract %slice3A_62[0] : f32 from vector<1xf32>
      %mul3A_64 = arith.constant 80 : i32
      %mul3A_65 = arith.muli %scan3A_54, %mul3A_64 : i32
      %mul3A_66 = arith.constant 32 : i32
      %mul3A_67 = arith.muli %rem3A_18, %mul3A_66 : i32
      %add3A_68 = arith.addi %mul3A_67, %scan3A_54 : i32
      "tpu.region"() ({
        %run_scoped3A = tpu.sem_alloc : memref<!tpu.dma_semaphore, #tpu.memory_space<semaphore_mem>>
        %dma_start3A = arith.constant 0 : i32
        %dma_start3A_214 = tpu.memref_slice %arg4[%select_n3A, %add3A_68, %dma_start3A] : memref<8x128x512xf32, #tpu.memory_space<hbm>> -> memref<1x1x512xf32, #tpu.memory_space<hbm>>
        %dma_start3A_215 = tpu.memref_squeeze %dma_start3A_214 : memref<1x1x512xf32, #tpu.memory_space<hbm>> -> memref<512xf32, #tpu.memory_space<hbm>>
        %dma_start3A_216 = arith.constant 0 : i32
        %dma_start3A_217 = tpu.memref_slice %arg4[%select_n3A, %add3A_68, %dma_start3A_216] : memref<8x128x512xf32, #tpu.memory_space<hbm>> -> memref<1x1x512xf32, #tpu.memory_space<hbm>>
        %dma_start3A_218 = tpu.memref_squeeze %dma_start3A_217 : memref<1x1x512xf32, #tpu.memory_space<hbm>> -> memref<512xf32, #tpu.memory_space<hbm>>
        tpu.enqueue_dma source(%dma_start3A_218 : memref<512xf32, #tpu.memory_space<hbm>>) target(%arg19 : memref<512xf32, #tpu.memory_space<vmem>>) target_semaphore(%run_scoped3A : memref<!tpu.dma_semaphore, #tpu.memory_space<semaphore_mem>>)
        %dma_wait3A = arith.constant 0 : i32
        %dma_wait3A_219 = tpu.memref_slice %arg4[%select_n3A, %add3A_68, %dma_wait3A] : memref<8x128x512xf32, #tpu.memory_space<hbm>> -> memref<1x1x512xf32, #tpu.memory_space<hbm>>
        %dma_wait3A_220 = tpu.memref_squeeze %dma_wait3A_219 : memref<1x1x512xf32, #tpu.memory_space<hbm>> -> memref<512xf32, #tpu.memory_space<hbm>>
        %dma_wait3A_221 = arith.constant 0 : i32
        %dma_wait3A_222 = tpu.memref_slice %arg4[%select_n3A, %add3A_68, %dma_wait3A_221] : memref<8x128x512xf32, #tpu.memory_space<hbm>> -> memref<1x1x512xf32, #tpu.memory_space<hbm>>
        %dma_wait3A_223 = tpu.memref_squeeze %dma_wait3A_222 : memref<1x1x512xf32, #tpu.memory_space<hbm>> -> memref<512xf32, #tpu.memory_space<hbm>>
        tpu.wait_dma2 semaphore(%run_scoped3A : memref<!tpu.dma_semaphore, #tpu.memory_space<semaphore_mem>>) src(%dma_wait3A_223 : memref<512xf32, #tpu.memory_space<hbm>>) dst(%arg19 : memref<512xf32, #tpu.memory_space<vmem>>)
        tpu.yield
      }) : () -> ()
      %scan3A_69 = arith.constant 0 : i32
      %scan3A_70 = arith.constant 0 : i32
      %scan3A_71 = arith.constant 32 : i32
      %scan3A_72 = arith.addi %scan3A_70, %scan3A_71 : i32
      %scan3A_73 = arith.constant 1 : i32
      %scan3A_74 = scf.for %scan3A_214 = %scan3A_70 to %scan3A_72 step %scan3A_73 iter_args(%scan3A_215 = %scan3A_69) -> (i32)  : i32 {
        %mul3A_216 = arith.constant 16 : i32
        %mul3A_217 = arith.muli %scan3A_214, %mul3A_216 : i32
        %get3A_218 = arith.index_cast %mul3A_217 : i32 to index
        %get3A_219 = tpu.vector_load %arg9[%get3A_218] {strides = array<i32>} : memref<512xf32, #tpu.memory_space<vmem>>, vector<16xf32>,
        %get3A_220 = arith.index_cast %mul3A_217 : i32 to index
        %get3A_221 = tpu.vector_load %arg10[%get3A_220] {strides = array<i32>} : memref<512xf32, #tpu.memory_space<vmem>>, vector<16xf32>,
        %get3A_222 = arith.index_cast %mul3A_217 : i32 to index
        %get3A_223 = tpu.vector_load %arg11[%get3A_222] {strides = array<i32>} : memref<512xf32, #tpu.memory_space<vmem>>, vector<16xf32>,
        %sub3A_224 = vector.broadcast %squeeze3A : f32 to vector<16xf32>
        %sub3A_225 = arith.subf %get3A_219, %sub3A_224 : vector<16xf32>
        %sub3A_226 = vector.broadcast %squeeze3A_59 : f32 to vector<16xf32>
        %sub3A_227 = arith.subf %get3A_221, %sub3A_226 : vector<16xf32>
        %sub3A_228 = vector.broadcast %squeeze3A_63 : f32 to vector<16xf32>
        %sub3A_229 = arith.subf %get3A_223, %sub3A_228 : vector<16xf32>
        %get3A_230 = arith.index_cast %mul3A_217 : i32 to index
        %get3A_231 = tpu.vector_load %arg19[%get3A_230] {strides = array<i32>} : memref<512xf32, #tpu.memory_space<vmem>>, vector<16xf32>,
        %le3A = arith.constant 1.600000e-01 : f32
        %le3A_232 = vector.broadcast %le3A : f32 to vector<16xf32>
        %le3A_233 = arith.cmpf ole, %get3A_231, %le3A_232 : vector<16xf32>
        %add3A_234 = vector.broadcast %mul3A_217 : i32 to vector<16xi32>
        %add3A_235 = arith.addi %iota3A, %add3A_234 : vector<16xi32>
        %convert_element_type3A = arith.sitofp %add3A_235 : vector<16xi32> to vector<16xf32>
        %min3A_236 = arith.constant 64 : i32
        %min3A_237 = arith.minsi %scan3A_215, %min3A_236 : i32
        %add3A_238 = arith.addi %mul3A_65, %min3A_237 : i32
        %swap3A_239 = arith.index_cast %add3A_238 : i32 to index
        %swap3A_240 = tpu.vector_load %arg15[%swap3A_239] masked %le3A_233 {strides = array<i32>} : memref<2560xf32, #tpu.memory_space<vmem>>, vector<16xf32>, vector<16xi1>
        tpu.vector_store %arg15[%swap3A_239], %convert_element_type3A masked %le3A_233 {strides = array<i32>} : memref<2560xf32, #tpu.memory_space<vmem>>, vector<16xf32>, vector<16xi1>
        %swap3A_241 = arith.index_cast %add3A_238 : i32 to index
        %swap3A_242 = tpu.vector_load %arg16[%swap3A_241] masked %le3A_233 {strides = array<i32>} : memref<2560xf32, #tpu.memory_space<vmem>>, vector<16xf32>, vector<16xi1>
        tpu.vector_store %arg16[%swap3A_241], %sub3A_225 masked %le3A_233 {strides = array<i32>} : memref<2560xf32, #tpu.memory_space<vmem>>, vector<16xf32>, vector<16xi1>
        %swap3A_243 = arith.index_cast %add3A_238 : i32 to index
        %swap3A_244 = tpu.vector_load %arg17[%swap3A_243] masked %le3A_233 {strides = array<i32>} : memref<2560xf32, #tpu.memory_space<vmem>>, vector<16xf32>, vector<16xi1>
        tpu.vector_store %arg17[%swap3A_243], %sub3A_227 masked %le3A_233 {strides = array<i32>} : memref<2560xf32, #tpu.memory_space<vmem>>, vector<16xf32>, vector<16xi1>
        %swap3A_245 = arith.index_cast %add3A_238 : i32 to index
        %swap3A_246 = tpu.vector_load %arg18[%swap3A_245] masked %le3A_233 {strides = array<i32>} : memref<2560xf32, #tpu.memory_space<vmem>>, vector<16xf32>, vector<16xi1>
        tpu.vector_store %arg18[%swap3A_245], %sub3A_229 masked %le3A_233 {strides = array<i32>} : memref<2560xf32, #tpu.memory_space<vmem>>, vector<16xf32>, vector<16xi1>
        %all_reduce_population_count3A = tpu.all_reduce %le3A_233 {dim = 0 : i64, kind = #tpu.reduction_kind<sum>} : vector<16xi1> -> vector<16xi32>
        %slice3A_247 = vector.extract_strided_slice %all_reduce_population_count3A {offsets = [0], sizes = [1], strides = [1]} : vector<16xi32> to vector<1xi32>
        %squeeze3A_248 = vector.extract %slice3A_247[0] : i32 from vector<1xi32>
        %add3A_249 = arith.addi %scan3A_215, %squeeze3A_248 : i32
        scf.yield %add3A_249 : i32
      }
      %scan3A_75 = arith.constant 32 : i32
      %min3A = arith.constant 64 : i32
      %min3A_76 = arith.minsi %scan3A_74, %min3A : i32
      %get3A_77 = arith.index_cast %mul3A_65 : i32 to index
      %get3A_78 = tpu.vector_load %arg15[%get3A_77] {strides = array<i32>} : memref<2560xf32, #tpu.memory_space<vmem>>, vector<16xf32>,
      %slice3A_79 = vector.extract_strided_slice %get3A_78 {offsets = [0], sizes = [1], strides = [1]} : vector<16xf32> to vector<1xf32>
      %squeeze3A_80 = vector.extract %slice3A_79[0] : f32 from vector<1xf32>
      %get3A_81 = arith.index_cast %mul3A_65 : i32 to index
      %get3A_82 = tpu.vector_load %arg16[%get3A_81] {strides = array<i32>} : memref<2560xf32, #tpu.memory_space<vmem>>, vector<16xf32>,
      %slice3A_83 = vector.extract_strided_slice %get3A_82 {offsets = [0], sizes = [1], strides = [1]} : vector<16xf32> to vector<1xf32>
      %squeeze3A_84 = vector.extract %slice3A_83[0] : f32 from vector<1xf32>
      %get3A_85 = arith.index_cast %mul3A_65 : i32 to index
      %get3A_86 = tpu.vector_load %arg17[%get3A_85] {strides = array<i32>} : memref<2560xf32, #tpu.memory_space<vmem>>, vector<16xf32>,
      %slice3A_87 = vector.extract_strided_slice %get3A_86 {offsets = [0], sizes = [1], strides = [1]} : vector<16xf32> to vector<1xf32>
      %squeeze3A_88 = vector.extract %slice3A_87[0] : f32 from vector<1xf32>
      %get3A_89 = arith.index_cast %mul3A_65 : i32 to index
      %get3A_90 = tpu.vector_load %arg18[%get3A_89] {strides = array<i32>} : memref<2560xf32, #tpu.memory_space<vmem>>, vector<16xf32>,
      %slice3A_91 = vector.extract_strided_slice %get3A_90 {offsets = [0], sizes = [1], strides = [1]} : vector<16xf32> to vector<1xf32>
      %squeeze3A_92 = vector.extract %slice3A_91[0] : f32 from vector<1xf32>
      %add3A_93 = arith.constant 0 : i32
      %add3A_94 = vector.broadcast %add3A_93 : i32 to vector<16xi32>
      %add3A_95 = arith.addi %iota3A, %add3A_94 : vector<16xi32>
      %ge3A = vector.broadcast %min3A_76 : i32 to vector<16xi32>
      %ge3A_96 = arith.cmpi sge, %add3A_95, %ge3A : vector<16xi32>
      %add3A_97 = arith.constant 0 : i32
      %add3A_98 = arith.addi %mul3A_65, %add3A_97 : i32
      %get3A_99 = arith.index_cast %add3A_98 : i32 to index
      %get3A_100 = tpu.vector_load %arg15[%get3A_99] {strides = array<i32>} : memref<2560xf32, #tpu.memory_space<vmem>>, vector<16xf32>,
      %broadcast_in_dim3A = vector.broadcast %squeeze3A_80 : f32 to vector<16xf32>
      %select_n3A_101 = arith.select %ge3A_96, %broadcast_in_dim3A, %get3A_100 : vector<16xi1>, vector<16xf32>
      %swap3A = arith.index_cast %add3A_98 : i32 to index
      %swap3A_102 = tpu.vector_load %arg15[%swap3A] {strides = array<i32>} : memref<2560xf32, #tpu.memory_space<vmem>>, vector<16xf32>,
      tpu.vector_store %arg15[%swap3A], %select_n3A_101 {strides = array<i32>} : memref<2560xf32, #tpu.memory_space<vmem>>, vector<16xf32>,
      %get3A_103 = arith.index_cast %add3A_98 : i32 to index
      %get3A_104 = tpu.vector_load %arg16[%get3A_103] {strides = array<i32>} : memref<2560xf32, #tpu.memory_space<vmem>>, vector<16xf32>,
      %broadcast_in_dim3A_105 = vector.broadcast %squeeze3A_84 : f32 to vector<16xf32>
      %select_n3A_106 = arith.select %ge3A_96, %broadcast_in_dim3A_105, %get3A_104 : vector<16xi1>, vector<16xf32>
      %swap3A_107 = arith.index_cast %add3A_98 : i32 to index
      %swap3A_108 = tpu.vector_load %arg16[%swap3A_107] {strides = array<i32>} : memref<2560xf32, #tpu.memory_space<vmem>>, vector<16xf32>,
      tpu.vector_store %arg16[%swap3A_107], %select_n3A_106 {strides = array<i32>} : memref<2560xf32, #tpu.memory_space<vmem>>, vector<16xf32>,
      %get3A_109 = arith.index_cast %add3A_98 : i32 to index
      %get3A_110 = tpu.vector_load %arg17[%get3A_109] {strides = array<i32>} : memref<2560xf32, #tpu.memory_space<vmem>>, vector<16xf32>,
      %broadcast_in_dim3A_111 = vector.broadcast %squeeze3A_88 : f32 to vector<16xf32>
      %select_n3A_112 = arith.select %ge3A_96, %broadcast_in_dim3A_111, %get3A_110 : vector<16xi1>, vector<16xf32>
      %swap3A_113 = arith.index_cast %add3A_98 : i32 to index
      %swap3A_114 = tpu.vector_load %arg17[%swap3A_113] {strides = array<i32>} : memref<2560xf32, #tpu.memory_space<vmem>>, vector<16xf32>,
      tpu.vector_store %arg17[%swap3A_113], %select_n3A_112 {strides = array<i32>} : memref<2560xf32, #tpu.memory_space<vmem>>, vector<16xf32>,
      %get3A_115 = arith.index_cast %add3A_98 : i32 to index
      %get3A_116 = tpu.vector_load %arg18[%get3A_115] {strides = array<i32>} : memref<2560xf32, #tpu.memory_space<vmem>>, vector<16xf32>,
      %broadcast_in_dim3A_117 = vector.broadcast %squeeze3A_92 : f32 to vector<16xf32>
      %select_n3A_118 = arith.select %ge3A_96, %broadcast_in_dim3A_117, %get3A_116 : vector<16xi1>, vector<16xf32>
      %swap3A_119 = arith.index_cast %add3A_98 : i32 to index
      %swap3A_120 = tpu.vector_load %arg18[%swap3A_119] {strides = array<i32>} : memref<2560xf32, #tpu.memory_space<vmem>>, vector<16xf32>,
      tpu.vector_store %arg18[%swap3A_119], %select_n3A_118 {strides = array<i32>} : memref<2560xf32, #tpu.memory_space<vmem>>, vector<16xf32>,
      %add3A_121 = arith.constant 16 : i32
      %add3A_122 = vector.broadcast %add3A_121 : i32 to vector<16xi32>
      %add3A_123 = arith.addi %iota3A, %add3A_122 : vector<16xi32>
      %ge3A_124 = vector.broadcast %min3A_76 : i32 to vector<16xi32>
      %ge3A_125 = arith.cmpi sge, %add3A_123, %ge3A_124 : vector<16xi32>
      %add3A_126 = arith.constant 16 : i32
      %add3A_127 = arith.addi %mul3A_65, %add3A_126 : i32
      %get3A_128 = arith.index_cast %add3A_127 : i32 to index
      %get3A_129 = tpu.vector_load %arg15[%get3A_128] {strides = array<i32>} : memref<2560xf32, #tpu.memory_space<vmem>>, vector<16xf32>,
      %broadcast_in_dim3A_130 = vector.broadcast %squeeze3A_80 : f32 to vector<16xf32>
      %select_n3A_131 = arith.select %ge3A_125, %broadcast_in_dim3A_130, %get3A_129 : vector<16xi1>, vector<16xf32>
      %swap3A_132 = arith.index_cast %add3A_127 : i32 to index
      %swap3A_133 = tpu.vector_load %arg15[%swap3A_132] {strides = array<i32>} : memref<2560xf32, #tpu.memory_space<vmem>>, vector<16xf32>,
      tpu.vector_store %arg15[%swap3A_132], %select_n3A_131 {strides = array<i32>} : memref<2560xf32, #tpu.memory_space<vmem>>, vector<16xf32>,
      %get3A_134 = arith.index_cast %add3A_127 : i32 to index
      %get3A_135 = tpu.vector_load %arg16[%get3A_134] {strides = array<i32>} : memref<2560xf32, #tpu.memory_space<vmem>>, vector<16xf32>,
      %broadcast_in_dim3A_136 = vector.broadcast %squeeze3A_84 : f32 to vector<16xf32>
      %select_n3A_137 = arith.select %ge3A_125, %broadcast_in_dim3A_136, %get3A_135 : vector<16xi1>, vector<16xf32>
      %swap3A_138 = arith.index_cast %add3A_127 : i32 to index
      %swap3A_139 = tpu.vector_load %arg16[%swap3A_138] {strides = array<i32>} : memref<2560xf32, #tpu.memory_space<vmem>>, vector<16xf32>,
      tpu.vector_store %arg16[%swap3A_138], %select_n3A_137 {strides = array<i32>} : memref<2560xf32, #tpu.memory_space<vmem>>, vector<16xf32>,
      %get3A_140 = arith.index_cast %add3A_127 : i32 to index
      %get3A_141 = tpu.vector_load %arg17[%get3A_140] {strides = array<i32>} : memref<2560xf32, #tpu.memory_space<vmem>>, vector<16xf32>,
      %broadcast_in_dim3A_142 = vector.broadcast %squeeze3A_88 : f32 to vector<16xf32>
      %select_n3A_143 = arith.select %ge3A_125, %broadcast_in_dim3A_142, %get3A_141 : vector<16xi1>, vector<16xf32>
      %swap3A_144 = arith.index_cast %add3A_127 : i32 to index
      %swap3A_145 = tpu.vector_load %arg17[%swap3A_144] {strides = array<i32>} : memref<2560xf32, #tpu.memory_space<vmem>>, vector<16xf32>,
      tpu.vector_store %arg17[%swap3A_144], %select_n3A_143 {strides = array<i32>} : memref<2560xf32, #tpu.memory_space<vmem>>, vector<16xf32>,
      %get3A_146 = arith.index_cast %add3A_127 : i32 to index
      %get3A_147 = tpu.vector_load %arg18[%get3A_146] {strides = array<i32>} : memref<2560xf32, #tpu.memory_space<vmem>>, vector<16xf32>,
      %broadcast_in_dim3A_148 = vector.broadcast %squeeze3A_92 : f32 to vector<16xf32>
      %select_n3A_149 = arith.select %ge3A_125, %broadcast_in_dim3A_148, %get3A_147 : vector<16xi1>, vector<16xf32>
      %swap3A_150 = arith.index_cast %add3A_127 : i32 to index
      %swap3A_151 = tpu.vector_load %arg18[%swap3A_150] {strides = array<i32>} : memref<2560xf32, #tpu.memory_space<vmem>>, vector<16xf32>,
      tpu.vector_store %arg18[%swap3A_150], %select_n3A_149 {strides = array<i32>} : memref<2560xf32, #tpu.memory_space<vmem>>, vector<16xf32>,
      %add3A_152 = arith.constant 32 : i32
      %add3A_153 = vector.broadcast %add3A_152 : i32 to vector<16xi32>
      %add3A_154 = arith.addi %iota3A, %add3A_153 : vector<16xi32>
      %ge3A_155 = vector.broadcast %min3A_76 : i32 to vector<16xi32>
      %ge3A_156 = arith.cmpi sge, %add3A_154, %ge3A_155 : vector<16xi32>
      %add3A_157 = arith.constant 32 : i32
      %add3A_158 = arith.addi %mul3A_65, %add3A_157 : i32
      %get3A_159 = arith.index_cast %add3A_158 : i32 to index
      %get3A_160 = tpu.vector_load %arg15[%get3A_159] {strides = array<i32>} : memref<2560xf32, #tpu.memory_space<vmem>>, vector<16xf32>,
      %broadcast_in_dim3A_161 = vector.broadcast %squeeze3A_80 : f32 to vector<16xf32>
      %select_n3A_162 = arith.select %ge3A_156, %broadcast_in_dim3A_161, %get3A_160 : vector<16xi1>, vector<16xf32>
      %swap3A_163 = arith.index_cast %add3A_158 : i32 to index
      %swap3A_164 = tpu.vector_load %arg15[%swap3A_163] {strides = array<i32>} : memref<2560xf32, #tpu.memory_space<vmem>>, vector<16xf32>,
      tpu.vector_store %arg15[%swap3A_163], %select_n3A_162 {strides = array<i32>} : memref<2560xf32, #tpu.memory_space<vmem>>, vector<16xf32>,
      %get3A_165 = arith.index_cast %add3A_158 : i32 to index
      %get3A_166 = tpu.vector_load %arg16[%get3A_165] {strides = array<i32>} : memref<2560xf32, #tpu.memory_space<vmem>>, vector<16xf32>,
      %broadcast_in_dim3A_167 = vector.broadcast %squeeze3A_84 : f32 to vector<16xf32>
      %select_n3A_168 = arith.select %ge3A_156, %broadcast_in_dim3A_167, %get3A_166 : vector<16xi1>, vector<16xf32>
      %swap3A_169 = arith.index_cast %add3A_158 : i32 to index
      %swap3A_170 = tpu.vector_load %arg16[%swap3A_169] {strides = array<i32>} : memref<2560xf32, #tpu.memory_space<vmem>>, vector<16xf32>,
      tpu.vector_store %arg16[%swap3A_169], %select_n3A_168 {strides = array<i32>} : memref<2560xf32, #tpu.memory_space<vmem>>, vector<16xf32>,
      %get3A_171 = arith.index_cast %add3A_158 : i32 to index
      %get3A_172 = tpu.vector_load %arg17[%get3A_171] {strides = array<i32>} : memref<2560xf32, #tpu.memory_space<vmem>>, vector<16xf32>,
      %broadcast_in_dim3A_173 = vector.broadcast %squeeze3A_88 : f32 to vector<16xf32>
      %select_n3A_174 = arith.select %ge3A_156, %broadcast_in_dim3A_173, %get3A_172 : vector<16xi1>, vector<16xf32>
      %swap3A_175 = arith.index_cast %add3A_158 : i32 to index
      %swap3A_176 = tpu.vector_load %arg17[%swap3A_175] {strides = array<i32>} : memref<2560xf32, #tpu.memory_space<vmem>>, vector<16xf32>,
      tpu.vector_store %arg17[%swap3A_175], %select_n3A_174 {strides = array<i32>} : memref<2560xf32, #tpu.memory_space<vmem>>, vector<16xf32>,
      %get3A_177 = arith.index_cast %add3A_158 : i32 to index
      %get3A_178 = tpu.vector_load %arg18[%get3A_177] {strides = array<i32>} : memref<2560xf32, #tpu.memory_space<vmem>>, vector<16xf32>,
      %broadcast_in_dim3A_179 = vector.broadcast %squeeze3A_92 : f32 to vector<16xf32>
      %select_n3A_180 = arith.select %ge3A_156, %broadcast_in_dim3A_179, %get3A_178 : vector<16xi1>, vector<16xf32>
      %swap3A_181 = arith.index_cast %add3A_158 : i32 to index
      %swap3A_182 = tpu.vector_load %arg18[%swap3A_181] {strides = array<i32>} : memref<2560xf32, #tpu.memory_space<vmem>>, vector<16xf32>,
      tpu.vector_store %arg18[%swap3A_181], %select_n3A_180 {strides = array<i32>} : memref<2560xf32, #tpu.memory_space<vmem>>, vector<16xf32>,
      %add3A_183 = arith.constant 48 : i32
      %add3A_184 = vector.broadcast %add3A_183 : i32 to vector<16xi32>
      %add3A_185 = arith.addi %iota3A, %add3A_184 : vector<16xi32>
      %ge3A_186 = vector.broadcast %min3A_76 : i32 to vector<16xi32>
      %ge3A_187 = arith.cmpi sge, %add3A_185, %ge3A_186 : vector<16xi32>
      %add3A_188 = arith.constant 48 : i32
      %add3A_189 = arith.addi %mul3A_65, %add3A_188 : i32
      %get3A_190 = arith.index_cast %add3A_189 : i32 to index
      %get3A_191 = tpu.vector_load %arg15[%get3A_190] {strides = array<i32>} : memref<2560xf32, #tpu.memory_space<vmem>>, vector<16xf32>,
      %broadcast_in_dim3A_192 = vector.broadcast %squeeze3A_80 : f32 to vector<16xf32>
      %select_n3A_193 = arith.select %ge3A_187, %broadcast_in_dim3A_192, %get3A_191 : vector<16xi1>, vector<16xf32>
      %swap3A_194 = arith.index_cast %add3A_189 : i32 to index
      %swap3A_195 = tpu.vector_load %arg15[%swap3A_194] {strides = array<i32>} : memref<2560xf32, #tpu.memory_space<vmem>>, vector<16xf32>,
      tpu.vector_store %arg15[%swap3A_194], %select_n3A_193 {strides = array<i32>} : memref<2560xf32, #tpu.memory_space<vmem>>, vector<16xf32>,
      %get3A_196 = arith.index_cast %add3A_189 : i32 to index
      %get3A_197 = tpu.vector_load %arg16[%get3A_196] {strides = array<i32>} : memref<2560xf32, #tpu.memory_space<vmem>>, vector<16xf32>,
      %broadcast_in_dim3A_198 = vector.broadcast %squeeze3A_84 : f32 to vector<16xf32>
      %select_n3A_199 = arith.select %ge3A_187, %broadcast_in_dim3A_198, %get3A_197 : vector<16xi1>, vector<16xf32>
      %swap3A_200 = arith.index_cast %add3A_189 : i32 to index
      %swap3A_201 = tpu.vector_load %arg16[%swap3A_200] {strides = array<i32>} : memref<2560xf32, #tpu.memory_space<vmem>>, vector<16xf32>,
      tpu.vector_store %arg16[%swap3A_200], %select_n3A_199 {strides = array<i32>} : memref<2560xf32, #tpu.memory_space<vmem>>, vector<16xf32>,
      %get3A_202 = arith.index_cast %add3A_189 : i32 to index
      %get3A_203 = tpu.vector_load %arg17[%get3A_202] {strides = array<i32>} : memref<2560xf32, #tpu.memory_space<vmem>>, vector<16xf32>,
      %broadcast_in_dim3A_204 = vector.broadcast %squeeze3A_88 : f32 to vector<16xf32>
      %select_n3A_205 = arith.select %ge3A_187, %broadcast_in_dim3A_204, %get3A_203 : vector<16xi1>, vector<16xf32>
      %swap3A_206 = arith.index_cast %add3A_189 : i32 to index
      %swap3A_207 = tpu.vector_load %arg17[%swap3A_206] {strides = array<i32>} : memref<2560xf32, #tpu.memory_space<vmem>>, vector<16xf32>,
      tpu.vector_store %arg17[%swap3A_206], %select_n3A_205 {strides = array<i32>} : memref<2560xf32, #tpu.memory_space<vmem>>, vector<16xf32>,
      %get3A_208 = arith.index_cast %add3A_189 : i32 to index
      %get3A_209 = tpu.vector_load %arg18[%get3A_208] {strides = array<i32>} : memref<2560xf32, #tpu.memory_space<vmem>>, vector<16xf32>,
      %broadcast_in_dim3A_210 = vector.broadcast %squeeze3A_92 : f32 to vector<16xf32>
      %select_n3A_211 = arith.select %ge3A_187, %broadcast_in_dim3A_210, %get3A_209 : vector<16xi1>, vector<16xf32>
      %swap3A_212 = arith.index_cast %add3A_189 : i32 to index
      %swap3A_213 = tpu.vector_load %arg18[%swap3A_212] {strides = array<i32>} : memref<2560xf32, #tpu.memory_space<vmem>>, vector<16xf32>,
      tpu.vector_store %arg18[%swap3A_212], %select_n3A_211 {strides = array<i32>} : memref<2560xf32, #tpu.memory_space<vmem>>, vector<16xf32>,
    }
    %scan3A_53 = arith.constant 32 : i32
    "tpu.region"() ({
      %run_scoped3A = tpu.sem_alloc : memref<!tpu.dma_semaphore, #tpu.memory_space<semaphore_mem>>
      %dma_start3A = arith.constant 0 : i32
      %dma_start3A_54 = tpu.memref_slice %arg5[%select_n3A, %rem3A_18, %dma_start3A] : memref<8x4x2560xf32, #tpu.memory_space<hbm>> -> memref<1x1x2560xf32, #tpu.memory_space<hbm>>
      %dma_start3A_55 = tpu.memref_squeeze %dma_start3A_54 : memref<1x1x2560xf32, #tpu.memory_space<hbm>> -> memref<2560xf32, #tpu.memory_space<hbm>>
      %dma_start3A_56 = arith.constant 0 : i32
      %dma_start3A_57 = tpu.memref_slice %arg5[%select_n3A, %rem3A_18, %dma_start3A_56] : memref<8x4x2560xf32, #tpu.memory_space<hbm>> -> memref<1x1x2560xf32, #tpu.memory_space<hbm>>
      %dma_start3A_58 = tpu.memref_squeeze %dma_start3A_57 : memref<1x1x2560xf32, #tpu.memory_space<hbm>> -> memref<2560xf32, #tpu.memory_space<hbm>>
      tpu.enqueue_dma source(%arg15 : memref<2560xf32, #tpu.memory_space<vmem>>) target(%dma_start3A_58 : memref<2560xf32, #tpu.memory_space<hbm>>) target_semaphore(%run_scoped3A : memref<!tpu.dma_semaphore, #tpu.memory_space<semaphore_mem>>)
      %dma_wait3A = arith.constant 0 : i32
      %dma_wait3A_59 = tpu.memref_slice %arg5[%select_n3A, %rem3A_18, %dma_wait3A] : memref<8x4x2560xf32, #tpu.memory_space<hbm>> -> memref<1x1x2560xf32, #tpu.memory_space<hbm>>
      %dma_wait3A_60 = tpu.memref_squeeze %dma_wait3A_59 : memref<1x1x2560xf32, #tpu.memory_space<hbm>> -> memref<2560xf32, #tpu.memory_space<hbm>>
      %dma_wait3A_61 = arith.constant 0 : i32
      %dma_wait3A_62 = tpu.memref_slice %arg5[%select_n3A, %rem3A_18, %dma_wait3A_61] : memref<8x4x2560xf32, #tpu.memory_space<hbm>> -> memref<1x1x2560xf32, #tpu.memory_space<hbm>>
      %dma_wait3A_63 = tpu.memref_squeeze %dma_wait3A_62 : memref<1x1x2560xf32, #tpu.memory_space<hbm>> -> memref<2560xf32, #tpu.memory_space<hbm>>
      tpu.wait_dma2 semaphore(%run_scoped3A : memref<!tpu.dma_semaphore, #tpu.memory_space<semaphore_mem>>) src(%arg15 : memref<2560xf32, #tpu.memory_space<vmem>>) dst(%dma_wait3A_63 : memref<2560xf32, #tpu.memory_space<hbm>>)
      tpu.yield
    }) : () -> ()
    "tpu.region"() ({
      %run_scoped3A = tpu.sem_alloc : memref<!tpu.dma_semaphore, #tpu.memory_space<semaphore_mem>>
      %dma_start3A = arith.constant 0 : i32
      %dma_start3A_54 = tpu.memref_slice %arg6[%select_n3A, %rem3A_18, %dma_start3A] : memref<8x4x2560xf32, #tpu.memory_space<hbm>> -> memref<1x1x2560xf32, #tpu.memory_space<hbm>>
      %dma_start3A_55 = tpu.memref_squeeze %dma_start3A_54 : memref<1x1x2560xf32, #tpu.memory_space<hbm>> -> memref<2560xf32, #tpu.memory_space<hbm>>
      %dma_start3A_56 = arith.constant 0 : i32
      %dma_start3A_57 = tpu.memref_slice %arg6[%select_n3A, %rem3A_18, %dma_start3A_56] : memref<8x4x2560xf32, #tpu.memory_space<hbm>> -> memref<1x1x2560xf32, #tpu.memory_space<hbm>>
      %dma_start3A_58 = tpu.memref_squeeze %dma_start3A_57 : memref<1x1x2560xf32, #tpu.memory_space<hbm>> -> memref<2560xf32, #tpu.memory_space<hbm>>
      tpu.enqueue_dma source(%arg16 : memref<2560xf32, #tpu.memory_space<vmem>>) target(%dma_start3A_58 : memref<2560xf32, #tpu.memory_space<hbm>>) target_semaphore(%run_scoped3A : memref<!tpu.dma_semaphore, #tpu.memory_space<semaphore_mem>>)
      %dma_wait3A = arith.constant 0 : i32
      %dma_wait3A_59 = tpu.memref_slice %arg6[%select_n3A, %rem3A_18, %dma_wait3A] : memref<8x4x2560xf32, #tpu.memory_space<hbm>> -> memref<1x1x2560xf32, #tpu.memory_space<hbm>>
      %dma_wait3A_60 = tpu.memref_squeeze %dma_wait3A_59 : memref<1x1x2560xf32, #tpu.memory_space<hbm>> -> memref<2560xf32, #tpu.memory_space<hbm>>
      %dma_wait3A_61 = arith.constant 0 : i32
      %dma_wait3A_62 = tpu.memref_slice %arg6[%select_n3A, %rem3A_18, %dma_wait3A_61] : memref<8x4x2560xf32, #tpu.memory_space<hbm>> -> memref<1x1x2560xf32, #tpu.memory_space<hbm>>
      %dma_wait3A_63 = tpu.memref_squeeze %dma_wait3A_62 : memref<1x1x2560xf32, #tpu.memory_space<hbm>> -> memref<2560xf32, #tpu.memory_space<hbm>>
      tpu.wait_dma2 semaphore(%run_scoped3A : memref<!tpu.dma_semaphore, #tpu.memory_space<semaphore_mem>>) src(%arg16 : memref<2560xf32, #tpu.memory_space<vmem>>) dst(%dma_wait3A_63 : memref<2560xf32, #tpu.memory_space<hbm>>)
      tpu.yield
    }) : () -> ()
    "tpu.region"() ({
      %run_scoped3A = tpu.sem_alloc : memref<!tpu.dma_semaphore, #tpu.memory_space<semaphore_mem>>
      %dma_start3A = arith.constant 0 : i32
      %dma_start3A_54 = tpu.memref_slice %arg7[%select_n3A, %rem3A_18, %dma_start3A] : memref<8x4x2560xf32, #tpu.memory_space<hbm>> -> memref<1x1x2560xf32, #tpu.memory_space<hbm>>
      %dma_start3A_55 = tpu.memref_squeeze %dma_start3A_54 : memref<1x1x2560xf32, #tpu.memory_space<hbm>> -> memref<2560xf32, #tpu.memory_space<hbm>>
      %dma_start3A_56 = arith.constant 0 : i32
      %dma_start3A_57 = tpu.memref_slice %arg7[%select_n3A, %rem3A_18, %dma_start3A_56] : memref<8x4x2560xf32, #tpu.memory_space<hbm>> -> memref<1x1x2560xf32, #tpu.memory_space<hbm>>
      %dma_start3A_58 = tpu.memref_squeeze %dma_start3A_57 : memref<1x1x2560xf32, #tpu.memory_space<hbm>> -> memref<2560xf32, #tpu.memory_space<hbm>>
      tpu.enqueue_dma source(%arg17 : memref<2560xf32, #tpu.memory_space<vmem>>) target(%dma_start3A_58 : memref<2560xf32, #tpu.memory_space<hbm>>) target_semaphore(%run_scoped3A : memref<!tpu.dma_semaphore, #tpu.memory_space<semaphore_mem>>)
      %dma_wait3A = arith.constant 0 : i32
      %dma_wait3A_59 = tpu.memref_slice %arg7[%select_n3A, %rem3A_18, %dma_wait3A] : memref<8x4x2560xf32, #tpu.memory_space<hbm>> -> memref<1x1x2560xf32, #tpu.memory_space<hbm>>
      %dma_wait3A_60 = tpu.memref_squeeze %dma_wait3A_59 : memref<1x1x2560xf32, #tpu.memory_space<hbm>> -> memref<2560xf32, #tpu.memory_space<hbm>>
      %dma_wait3A_61 = arith.constant 0 : i32
      %dma_wait3A_62 = tpu.memref_slice %arg7[%select_n3A, %rem3A_18, %dma_wait3A_61] : memref<8x4x2560xf32, #tpu.memory_space<hbm>> -> memref<1x1x2560xf32, #tpu.memory_space<hbm>>
      %dma_wait3A_63 = tpu.memref_squeeze %dma_wait3A_62 : memref<1x1x2560xf32, #tpu.memory_space<hbm>> -> memref<2560xf32, #tpu.memory_space<hbm>>
      tpu.wait_dma2 semaphore(%run_scoped3A : memref<!tpu.dma_semaphore, #tpu.memory_space<semaphore_mem>>) src(%arg17 : memref<2560xf32, #tpu.memory_space<vmem>>) dst(%dma_wait3A_63 : memref<2560xf32, #tpu.memory_space<hbm>>)
      tpu.yield
    }) : () -> ()
    "tpu.region"() ({
      %run_scoped3A = tpu.sem_alloc : memref<!tpu.dma_semaphore, #tpu.memory_space<semaphore_mem>>
      %dma_start3A = arith.constant 0 : i32
      %dma_start3A_54 = tpu.memref_slice %arg8[%select_n3A, %rem3A_18, %dma_start3A] : memref<8x4x2560xf32, #tpu.memory_space<hbm>> -> memref<1x1x2560xf32, #tpu.memory_space<hbm>>
      %dma_start3A_55 = tpu.memref_squeeze %dma_start3A_54 : memref<1x1x2560xf32, #tpu.memory_space<hbm>> -> memref<2560xf32, #tpu.memory_space<hbm>>
      %dma_start3A_56 = arith.constant 0 : i32
      %dma_start3A_57 = tpu.memref_slice %arg8[%select_n3A, %rem3A_18, %dma_start3A_56] : memref<8x4x2560xf32, #tpu.memory_space<hbm>> -> memref<1x1x2560xf32, #tpu.memory_space<hbm>>
      %dma_start3A_58 = tpu.memref_squeeze %dma_start3A_57 : memref<1x1x2560xf32, #tpu.memory_space<hbm>> -> memref<2560xf32, #tpu.memory_space<hbm>>
      tpu.enqueue_dma source(%arg18 : memref<2560xf32, #tpu.memory_space<vmem>>) target(%dma_start3A_58 : memref<2560xf32, #tpu.memory_space<hbm>>) target_semaphore(%run_scoped3A : memref<!tpu.dma_semaphore, #tpu.memory_space<semaphore_mem>>)
      %dma_wait3A = arith.constant 0 : i32
      %dma_wait3A_59 = tpu.memref_slice %arg8[%select_n3A, %rem3A_18, %dma_wait3A] : memref<8x4x2560xf32, #tpu.memory_space<hbm>> -> memref<1x1x2560xf32, #tpu.memory_space<hbm>>
      %dma_wait3A_60 = tpu.memref_squeeze %dma_wait3A_59 : memref<1x1x2560xf32, #tpu.memory_space<hbm>> -> memref<2560xf32, #tpu.memory_space<hbm>>
      %dma_wait3A_61 = arith.constant 0 : i32
      %dma_wait3A_62 = tpu.memref_slice %arg8[%select_n3A, %rem3A_18, %dma_wait3A_61] : memref<8x4x2560xf32, #tpu.memory_space<hbm>> -> memref<1x1x2560xf32, #tpu.memory_space<hbm>>
      %dma_wait3A_63 = tpu.memref_squeeze %dma_wait3A_62 : memref<1x1x2560xf32, #tpu.memory_space<hbm>> -> memref<2560xf32, #tpu.memory_space<hbm>>
      tpu.wait_dma2 semaphore(%run_scoped3A : memref<!tpu.dma_semaphore, #tpu.memory_space<semaphore_mem>>) src(%arg18 : memref<2560xf32, #tpu.memory_space<vmem>>) dst(%dma_wait3A_63 : memref<2560xf32, #tpu.memory_space<hbm>>)
      tpu.yield
    }) : () -> ()
    return
  }
}

#map = affine_map<(d0, d1) -> (0, 0)>
#map1 = affine_map<(d0, d1) -> (0, 0, 0)>
module attributes {stable_mosaic.version = 14 : i64} {
  func.func @k(%arg0: i32, %arg1: i32, %arg2: memref<24x4096xf32, #tpu.memory_space<hbm>>, %arg3: memref<24x512xf32, #tpu.memory_space<hbm>>, %arg4: memref<8x512x4096xf32, #tpu.memory_space<hbm>>, %arg5: memref<8x4x10240xf32, #tpu.memory_space<hbm>>, %arg6: memref<8x4x10240xf32, #tpu.memory_space<hbm>>, %arg7: memref<8x4x10240xf32, #tpu.memory_space<hbm>>, %arg8: memref<8x4x10240xf32, #tpu.memory_space<hbm>>, %arg9: memref<4096xf32, #tpu.memory_space<vmem>>, %arg10: memref<4096xf32, #tpu.memory_space<vmem>>, %arg11: memref<4096xf32, #tpu.memory_space<vmem>>, %arg12: memref<144xf32, #tpu.memory_space<vmem>>, %arg13: memref<144xf32, #tpu.memory_space<vmem>>, %arg14: memref<144xf32, #tpu.memory_space<vmem>>, %arg15: memref<10240xf32, #tpu.memory_space<vmem>>, %arg16: memref<10240xf32, #tpu.memory_space<vmem>>, %arg17: memref<10240xf32, #tpu.memory_space<vmem>>, %arg18: memref<10240xf32, #tpu.memory_space<vmem>>, %arg19: memref<4096xf32, #tpu.memory_space<vmem>>) attributes {dimension_semantics = [#tpu.dimension_semantics<core_parallel>, #tpu.dimension_semantics<subcore_parallel>], iteration_bounds = array<i64: 2, 16>, scalar_prefetch = 0 : i64, scratch_operands = 11 : i64, tpu.core_type = #tpu.core_type<sc_vector_subcore>, window_params = [{transform_indices = #map}, {transform_indices = #map}, {transform_indices = #map1}, {transform_indices = #map1}, {transform_indices = #map1}, {transform_indices = #map1}, {transform_indices = #map1}]} {
    %mul3A = arith.constant 2 : i32
    %mul3A_0 = arith.muli %arg1, %mul3A : i32
    %add3A = arith.addi %mul3A_0, %arg0 : i32
    %jit3A = arith.constant 4 : i32
    %div3A = arith.divsi %add3A, %jit3A : i32
    %sign3A = arith.constant 0 : i32
    %sign3A_1 = arith.cmpi sgt, %add3A, %sign3A : i32
    %sign3A_2 = arith.extui %sign3A_1 : i1 to i32
    %sign3A_3 = arith.constant 0 : i32
    %sign3A_4 = arith.cmpi slt, %add3A, %sign3A_3 : i32
    %sign3A_5 = arith.extui %sign3A_4 : i1 to i32
    %sign3A_6 = arith.subi %sign3A_2, %sign3A_5 : i32
    %sign3A_7 = arith.constant 0 : i32
    %sign3A_8 = arith.cmpi sgt, %jit3A, %sign3A_7 : i32
    %sign3A_9 = arith.extui %sign3A_8 : i1 to i32
    %sign3A_10 = arith.constant 0 : i32
    %sign3A_11 = arith.cmpi slt, %jit3A, %sign3A_10 : i32
    %sign3A_12 = arith.extui %sign3A_11 : i1 to i32
    %sign3A_13 = arith.subi %sign3A_9, %sign3A_12 : i32
    %ne3A = arith.cmpi ne, %sign3A_6, %sign3A_13 : i32
    %rem3A = arith.remsi %add3A, %jit3A : i32
    %ne3A_14 = arith.constant 0 : i32
    %ne3A_15 = arith.cmpi ne, %rem3A, %ne3A_14 : i32
    %and3A = arith.andi %ne3A, %ne3A_15 : i1
    %sub3A = arith.constant 1 : i32
    %sub3A_16 = arith.subi %div3A, %sub3A : i32
    %select_n3A = arith.select %and3A, %sub3A_16, %div3A : i32
    %rem3A_17 = arith.constant 4 : i32
    %rem3A_18 = arith.remsi %add3A, %rem3A_17 : i32
    %mul3A_19 = arith.constant 3 : i32
    %mul3A_20 = arith.muli %mul3A_19, %select_n3A : i32
    %add3A_21 = arith.constant 0 : i32
    %add3A_22 = arith.addi %mul3A_20, %add3A_21 : i32
    "tpu.region"() ({
      %run_scoped3A = tpu.sem_alloc : memref<!tpu.dma_semaphore, #tpu.memory_space<semaphore_mem>>
      %dma_start3A = arith.constant 0 : i32
      %dma_start3A_54 = tpu.memref_slice %arg2[%add3A_22, %dma_start3A] : memref<24x4096xf32, #tpu.memory_space<hbm>> -> memref<1x4096xf32, #tpu.memory_space<hbm>>
      %dma_start3A_55 = tpu.memref_squeeze %dma_start3A_54 : memref<1x4096xf32, #tpu.memory_space<hbm>> -> memref<4096xf32, #tpu.memory_space<hbm>>
      %dma_start3A_56 = arith.constant 0 : i32
      %dma_start3A_57 = tpu.memref_slice %arg2[%add3A_22, %dma_start3A_56] : memref<24x4096xf32, #tpu.memory_space<hbm>> -> memref<1x4096xf32, #tpu.memory_space<hbm>>
      %dma_start3A_58 = tpu.memref_squeeze %dma_start3A_57 : memref<1x4096xf32, #tpu.memory_space<hbm>> -> memref<4096xf32, #tpu.memory_space<hbm>>
      tpu.enqueue_dma source(%dma_start3A_58 : memref<4096xf32, #tpu.memory_space<hbm>>) target(%arg9 : memref<4096xf32, #tpu.memory_space<vmem>>) target_semaphore(%run_scoped3A : memref<!tpu.dma_semaphore, #tpu.memory_space<semaphore_mem>>)
      %dma_wait3A = arith.constant 0 : i32
      %dma_wait3A_59 = tpu.memref_slice %arg2[%add3A_22, %dma_wait3A] : memref<24x4096xf32, #tpu.memory_space<hbm>> -> memref<1x4096xf32, #tpu.memory_space<hbm>>
      %dma_wait3A_60 = tpu.memref_squeeze %dma_wait3A_59 : memref<1x4096xf32, #tpu.memory_space<hbm>> -> memref<4096xf32, #tpu.memory_space<hbm>>
      %dma_wait3A_61 = arith.constant 0 : i32
      %dma_wait3A_62 = tpu.memref_slice %arg2[%add3A_22, %dma_wait3A_61] : memref<24x4096xf32, #tpu.memory_space<hbm>> -> memref<1x4096xf32, #tpu.memory_space<hbm>>
      %dma_wait3A_63 = tpu.memref_squeeze %dma_wait3A_62 : memref<1x4096xf32, #tpu.memory_space<hbm>> -> memref<4096xf32, #tpu.memory_space<hbm>>
      tpu.wait_dma2 semaphore(%run_scoped3A : memref<!tpu.dma_semaphore, #tpu.memory_space<semaphore_mem>>) src(%dma_wait3A_63 : memref<4096xf32, #tpu.memory_space<hbm>>) dst(%arg9 : memref<4096xf32, #tpu.memory_space<vmem>>)
      tpu.yield
    }) : () -> ()
    %mul3A_23 = arith.constant 3 : i32
    %mul3A_24 = arith.muli %mul3A_23, %select_n3A : i32
    %add3A_25 = arith.constant 1 : i32
    %add3A_26 = arith.addi %mul3A_24, %add3A_25 : i32
    "tpu.region"() ({
      %run_scoped3A = tpu.sem_alloc : memref<!tpu.dma_semaphore, #tpu.memory_space<semaphore_mem>>
      %dma_start3A = arith.constant 0 : i32
      %dma_start3A_54 = tpu.memref_slice %arg2[%add3A_26, %dma_start3A] : memref<24x4096xf32, #tpu.memory_space<hbm>> -> memref<1x4096xf32, #tpu.memory_space<hbm>>
      %dma_start3A_55 = tpu.memref_squeeze %dma_start3A_54 : memref<1x4096xf32, #tpu.memory_space<hbm>> -> memref<4096xf32, #tpu.memory_space<hbm>>
      %dma_start3A_56 = arith.constant 0 : i32
      %dma_start3A_57 = tpu.memref_slice %arg2[%add3A_26, %dma_start3A_56] : memref<24x4096xf32, #tpu.memory_space<hbm>> -> memref<1x4096xf32, #tpu.memory_space<hbm>>
      %dma_start3A_58 = tpu.memref_squeeze %dma_start3A_57 : memref<1x4096xf32, #tpu.memory_space<hbm>> -> memref<4096xf32, #tpu.memory_space<hbm>>
      tpu.enqueue_dma source(%dma_start3A_58 : memref<4096xf32, #tpu.memory_space<hbm>>) target(%arg10 : memref<4096xf32, #tpu.memory_space<vmem>>) target_semaphore(%run_scoped3A : memref<!tpu.dma_semaphore, #tpu.memory_space<semaphore_mem>>)
      %dma_wait3A = arith.constant 0 : i32
      %dma_wait3A_59 = tpu.memref_slice %arg2[%add3A_26, %dma_wait3A] : memref<24x4096xf32, #tpu.memory_space<hbm>> -> memref<1x4096xf32, #tpu.memory_space<hbm>>
      %dma_wait3A_60 = tpu.memref_squeeze %dma_wait3A_59 : memref<1x4096xf32, #tpu.memory_space<hbm>> -> memref<4096xf32, #tpu.memory_space<hbm>>
      %dma_wait3A_61 = arith.constant 0 : i32
      %dma_wait3A_62 = tpu.memref_slice %arg2[%add3A_26, %dma_wait3A_61] : memref<24x4096xf32, #tpu.memory_space<hbm>> -> memref<1x4096xf32, #tpu.memory_space<hbm>>
      %dma_wait3A_63 = tpu.memref_squeeze %dma_wait3A_62 : memref<1x4096xf32, #tpu.memory_space<hbm>> -> memref<4096xf32, #tpu.memory_space<hbm>>
      tpu.wait_dma2 semaphore(%run_scoped3A : memref<!tpu.dma_semaphore, #tpu.memory_space<semaphore_mem>>) src(%dma_wait3A_63 : memref<4096xf32, #tpu.memory_space<hbm>>) dst(%arg10 : memref<4096xf32, #tpu.memory_space<vmem>>)
      tpu.yield
    }) : () -> ()
    %mul3A_27 = arith.constant 3 : i32
    %mul3A_28 = arith.muli %mul3A_27, %select_n3A : i32
    %add3A_29 = arith.constant 2 : i32
    %add3A_30 = arith.addi %mul3A_28, %add3A_29 : i32
    "tpu.region"() ({
      %run_scoped3A = tpu.sem_alloc : memref<!tpu.dma_semaphore, #tpu.memory_space<semaphore_mem>>
      %dma_start3A = arith.constant 0 : i32
      %dma_start3A_54 = tpu.memref_slice %arg2[%add3A_30, %dma_start3A] : memref<24x4096xf32, #tpu.memory_space<hbm>> -> memref<1x4096xf32, #tpu.memory_space<hbm>>
      %dma_start3A_55 = tpu.memref_squeeze %dma_start3A_54 : memref<1x4096xf32, #tpu.memory_space<hbm>> -> memref<4096xf32, #tpu.memory_space<hbm>>
      %dma_start3A_56 = arith.constant 0 : i32
      %dma_start3A_57 = tpu.memref_slice %arg2[%add3A_30, %dma_start3A_56] : memref<24x4096xf32, #tpu.memory_space<hbm>> -> memref<1x4096xf32, #tpu.memory_space<hbm>>
      %dma_start3A_58 = tpu.memref_squeeze %dma_start3A_57 : memref<1x4096xf32, #tpu.memory_space<hbm>> -> memref<4096xf32, #tpu.memory_space<hbm>>
      tpu.enqueue_dma source(%dma_start3A_58 : memref<4096xf32, #tpu.memory_space<hbm>>) target(%arg11 : memref<4096xf32, #tpu.memory_space<vmem>>) target_semaphore(%run_scoped3A : memref<!tpu.dma_semaphore, #tpu.memory_space<semaphore_mem>>)
      %dma_wait3A = arith.constant 0 : i32
      %dma_wait3A_59 = tpu.memref_slice %arg2[%add3A_30, %dma_wait3A] : memref<24x4096xf32, #tpu.memory_space<hbm>> -> memref<1x4096xf32, #tpu.memory_space<hbm>>
      %dma_wait3A_60 = tpu.memref_squeeze %dma_wait3A_59 : memref<1x4096xf32, #tpu.memory_space<hbm>> -> memref<4096xf32, #tpu.memory_space<hbm>>
      %dma_wait3A_61 = arith.constant 0 : i32
      %dma_wait3A_62 = tpu.memref_slice %arg2[%add3A_30, %dma_wait3A_61] : memref<24x4096xf32, #tpu.memory_space<hbm>> -> memref<1x4096xf32, #tpu.memory_space<hbm>>
      %dma_wait3A_63 = tpu.memref_squeeze %dma_wait3A_62 : memref<1x4096xf32, #tpu.memory_space<hbm>> -> memref<4096xf32, #tpu.memory_space<hbm>>
      tpu.wait_dma2 semaphore(%run_scoped3A : memref<!tpu.dma_semaphore, #tpu.memory_space<semaphore_mem>>) src(%dma_wait3A_63 : memref<4096xf32, #tpu.memory_space<hbm>>) dst(%arg11 : memref<4096xf32, #tpu.memory_space<vmem>>)
      tpu.yield
    }) : () -> ()
    %mul3A_31 = arith.constant 3 : i32
    %mul3A_32 = arith.muli %mul3A_31, %select_n3A : i32
    %add3A_33 = arith.constant 0 : i32
    %add3A_34 = arith.addi %mul3A_32, %add3A_33 : i32
    %mul3A_35 = arith.constant 128 : i32
    %mul3A_36 = arith.muli %rem3A_18, %mul3A_35 : i32
    "tpu.region"() ({
      %run_scoped3A = tpu.sem_alloc : memref<!tpu.dma_semaphore, #tpu.memory_space<semaphore_mem>>
      %dma_start3A = arith.constant 0 : i32
      %dma_start3A_54 = tpu.memref_slice %arg12[%dma_start3A] : memref<144xf32, #tpu.memory_space<vmem>> -> memref<128xf32, #tpu.memory_space<vmem>>
      %dma_start3A_55 = tpu.memref_slice %arg3[%add3A_34, %mul3A_36] : memref<24x512xf32, #tpu.memory_space<hbm>> -> memref<1x128xf32, #tpu.memory_space<hbm>>
      %dma_start3A_56 = tpu.memref_squeeze %dma_start3A_55 : memref<1x128xf32, #tpu.memory_space<hbm>> -> memref<128xf32, #tpu.memory_space<hbm>>
      %dma_start3A_57 = arith.constant 0 : i32
      %dma_start3A_58 = tpu.memref_slice %arg12[%dma_start3A_57] : memref<144xf32, #tpu.memory_space<vmem>> -> memref<128xf32, #tpu.memory_space<vmem>>
      %dma_start3A_59 = tpu.memref_slice %arg3[%add3A_34, %mul3A_36] : memref<24x512xf32, #tpu.memory_space<hbm>> -> memref<1x128xf32, #tpu.memory_space<hbm>>
      %dma_start3A_60 = tpu.memref_squeeze %dma_start3A_59 : memref<1x128xf32, #tpu.memory_space<hbm>> -> memref<128xf32, #tpu.memory_space<hbm>>
      tpu.enqueue_dma source(%dma_start3A_60 : memref<128xf32, #tpu.memory_space<hbm>>) target(%dma_start3A_58 : memref<128xf32, #tpu.memory_space<vmem>>) target_semaphore(%run_scoped3A : memref<!tpu.dma_semaphore, #tpu.memory_space<semaphore_mem>>)
      %dma_wait3A = arith.constant 0 : i32
      %dma_wait3A_61 = tpu.memref_slice %arg12[%dma_wait3A] : memref<144xf32, #tpu.memory_space<vmem>> -> memref<128xf32, #tpu.memory_space<vmem>>
      %dma_wait3A_62 = tpu.memref_slice %arg3[%add3A_34, %mul3A_36] : memref<24x512xf32, #tpu.memory_space<hbm>> -> memref<1x128xf32, #tpu.memory_space<hbm>>
      %dma_wait3A_63 = tpu.memref_squeeze %dma_wait3A_62 : memref<1x128xf32, #tpu.memory_space<hbm>> -> memref<128xf32, #tpu.memory_space<hbm>>
      %dma_wait3A_64 = arith.constant 0 : i32
      %dma_wait3A_65 = tpu.memref_slice %arg12[%dma_wait3A_64] : memref<144xf32, #tpu.memory_space<vmem>> -> memref<128xf32, #tpu.memory_space<vmem>>
      %dma_wait3A_66 = tpu.memref_slice %arg3[%add3A_34, %mul3A_36] : memref<24x512xf32, #tpu.memory_space<hbm>> -> memref<1x128xf32, #tpu.memory_space<hbm>>
      %dma_wait3A_67 = tpu.memref_squeeze %dma_wait3A_66 : memref<1x128xf32, #tpu.memory_space<hbm>> -> memref<128xf32, #tpu.memory_space<hbm>>
      tpu.wait_dma2 semaphore(%run_scoped3A : memref<!tpu.dma_semaphore, #tpu.memory_space<semaphore_mem>>) src(%dma_wait3A_67 : memref<128xf32, #tpu.memory_space<hbm>>) dst(%dma_wait3A_65 : memref<128xf32, #tpu.memory_space<vmem>>)
      tpu.yield
    }) : () -> ()
    %mul3A_37 = arith.constant 3 : i32
    %mul3A_38 = arith.muli %mul3A_37, %select_n3A : i32
    %add3A_39 = arith.constant 1 : i32
    %add3A_40 = arith.addi %mul3A_38, %add3A_39 : i32
    %mul3A_41 = arith.constant 128 : i32
    %mul3A_42 = arith.muli %rem3A_18, %mul3A_41 : i32
    "tpu.region"() ({
      %run_scoped3A = tpu.sem_alloc : memref<!tpu.dma_semaphore, #tpu.memory_space<semaphore_mem>>
      %dma_start3A = arith.constant 0 : i32
      %dma_start3A_54 = tpu.memref_slice %arg13[%dma_start3A] : memref<144xf32, #tpu.memory_space<vmem>> -> memref<128xf32, #tpu.memory_space<vmem>>
      %dma_start3A_55 = tpu.memref_slice %arg3[%add3A_40, %mul3A_42] : memref<24x512xf32, #tpu.memory_space<hbm>> -> memref<1x128xf32, #tpu.memory_space<hbm>>
      %dma_start3A_56 = tpu.memref_squeeze %dma_start3A_55 : memref<1x128xf32, #tpu.memory_space<hbm>> -> memref<128xf32, #tpu.memory_space<hbm>>
      %dma_start3A_57 = arith.constant 0 : i32
      %dma_start3A_58 = tpu.memref_slice %arg13[%dma_start3A_57] : memref<144xf32, #tpu.memory_space<vmem>> -> memref<128xf32, #tpu.memory_space<vmem>>
      %dma_start3A_59 = tpu.memref_slice %arg3[%add3A_40, %mul3A_42] : memref<24x512xf32, #tpu.memory_space<hbm>> -> memref<1x128xf32, #tpu.memory_space<hbm>>
      %dma_start3A_60 = tpu.memref_squeeze %dma_start3A_59 : memref<1x128xf32, #tpu.memory_space<hbm>> -> memref<128xf32, #tpu.memory_space<hbm>>
      tpu.enqueue_dma source(%dma_start3A_60 : memref<128xf32, #tpu.memory_space<hbm>>) target(%dma_start3A_58 : memref<128xf32, #tpu.memory_space<vmem>>) target_semaphore(%run_scoped3A : memref<!tpu.dma_semaphore, #tpu.memory_space<semaphore_mem>>)
      %dma_wait3A = arith.constant 0 : i32
      %dma_wait3A_61 = tpu.memref_slice %arg13[%dma_wait3A] : memref<144xf32, #tpu.memory_space<vmem>> -> memref<128xf32, #tpu.memory_space<vmem>>
      %dma_wait3A_62 = tpu.memref_slice %arg3[%add3A_40, %mul3A_42] : memref<24x512xf32, #tpu.memory_space<hbm>> -> memref<1x128xf32, #tpu.memory_space<hbm>>
      %dma_wait3A_63 = tpu.memref_squeeze %dma_wait3A_62 : memref<1x128xf32, #tpu.memory_space<hbm>> -> memref<128xf32, #tpu.memory_space<hbm>>
      %dma_wait3A_64 = arith.constant 0 : i32
      %dma_wait3A_65 = tpu.memref_slice %arg13[%dma_wait3A_64] : memref<144xf32, #tpu.memory_space<vmem>> -> memref<128xf32, #tpu.memory_space<vmem>>
      %dma_wait3A_66 = tpu.memref_slice %arg3[%add3A_40, %mul3A_42] : memref<24x512xf32, #tpu.memory_space<hbm>> -> memref<1x128xf32, #tpu.memory_space<hbm>>
      %dma_wait3A_67 = tpu.memref_squeeze %dma_wait3A_66 : memref<1x128xf32, #tpu.memory_space<hbm>> -> memref<128xf32, #tpu.memory_space<hbm>>
      tpu.wait_dma2 semaphore(%run_scoped3A : memref<!tpu.dma_semaphore, #tpu.memory_space<semaphore_mem>>) src(%dma_wait3A_67 : memref<128xf32, #tpu.memory_space<hbm>>) dst(%dma_wait3A_65 : memref<128xf32, #tpu.memory_space<vmem>>)
      tpu.yield
    }) : () -> ()
    %mul3A_43 = arith.constant 3 : i32
    %mul3A_44 = arith.muli %mul3A_43, %select_n3A : i32
    %add3A_45 = arith.constant 2 : i32
    %add3A_46 = arith.addi %mul3A_44, %add3A_45 : i32
    %mul3A_47 = arith.constant 128 : i32
    %mul3A_48 = arith.muli %rem3A_18, %mul3A_47 : i32
    "tpu.region"() ({
      %run_scoped3A = tpu.sem_alloc : memref<!tpu.dma_semaphore, #tpu.memory_space<semaphore_mem>>
      %dma_start3A = arith.constant 0 : i32
      %dma_start3A_54 = tpu.memref_slice %arg14[%dma_start3A] : memref<144xf32, #tpu.memory_space<vmem>> -> memref<128xf32, #tpu.memory_space<vmem>>
      %dma_start3A_55 = tpu.memref_slice %arg3[%add3A_46, %mul3A_48] : memref<24x512xf32, #tpu.memory_space<hbm>> -> memref<1x128xf32, #tpu.memory_space<hbm>>
      %dma_start3A_56 = tpu.memref_squeeze %dma_start3A_55 : memref<1x128xf32, #tpu.memory_space<hbm>> -> memref<128xf32, #tpu.memory_space<hbm>>
      %dma_start3A_57 = arith.constant 0 : i32
      %dma_start3A_58 = tpu.memref_slice %arg14[%dma_start3A_57] : memref<144xf32, #tpu.memory_space<vmem>> -> memref<128xf32, #tpu.memory_space<vmem>>
      %dma_start3A_59 = tpu.memref_slice %arg3[%add3A_46, %mul3A_48] : memref<24x512xf32, #tpu.memory_space<hbm>> -> memref<1x128xf32, #tpu.memory_space<hbm>>
      %dma_start3A_60 = tpu.memref_squeeze %dma_start3A_59 : memref<1x128xf32, #tpu.memory_space<hbm>> -> memref<128xf32, #tpu.memory_space<hbm>>
      tpu.enqueue_dma source(%dma_start3A_60 : memref<128xf32, #tpu.memory_space<hbm>>) target(%dma_start3A_58 : memref<128xf32, #tpu.memory_space<vmem>>) target_semaphore(%run_scoped3A : memref<!tpu.dma_semaphore, #tpu.memory_space<semaphore_mem>>)
      %dma_wait3A = arith.constant 0 : i32
      %dma_wait3A_61 = tpu.memref_slice %arg14[%dma_wait3A] : memref<144xf32, #tpu.memory_space<vmem>> -> memref<128xf32, #tpu.memory_space<vmem>>
      %dma_wait3A_62 = tpu.memref_slice %arg3[%add3A_46, %mul3A_48] : memref<24x512xf32, #tpu.memory_space<hbm>> -> memref<1x128xf32, #tpu.memory_space<hbm>>
      %dma_wait3A_63 = tpu.memref_squeeze %dma_wait3A_62 : memref<1x128xf32, #tpu.memory_space<hbm>> -> memref<128xf32, #tpu.memory_space<hbm>>
      %dma_wait3A_64 = arith.constant 0 : i32
      %dma_wait3A_65 = tpu.memref_slice %arg14[%dma_wait3A_64] : memref<144xf32, #tpu.memory_space<vmem>> -> memref<128xf32, #tpu.memory_space<vmem>>
      %dma_wait3A_66 = tpu.memref_slice %arg3[%add3A_46, %mul3A_48] : memref<24x512xf32, #tpu.memory_space<hbm>> -> memref<1x128xf32, #tpu.memory_space<hbm>>
      %dma_wait3A_67 = tpu.memref_squeeze %dma_wait3A_66 : memref<1x128xf32, #tpu.memory_space<hbm>> -> memref<128xf32, #tpu.memory_space<hbm>>
      tpu.wait_dma2 semaphore(%run_scoped3A : memref<!tpu.dma_semaphore, #tpu.memory_space<semaphore_mem>>) src(%dma_wait3A_67 : memref<128xf32, #tpu.memory_space<hbm>>) dst(%dma_wait3A_65 : memref<128xf32, #tpu.memory_space<vmem>>)
      tpu.yield
    }) : () -> ()
    %iota3A = tpu.iota {dimensions = array<i32: 0>} : vector<16xi32>
    %scan3A = arith.constant 0 : i32
    %scan3A_49 = arith.constant 0 : i32
    %scan3A_50 = arith.constant 128 : i32
    %scan3A_51 = arith.addi %scan3A_49, %scan3A_50 : i32
    %scan3A_52 = arith.constant 1 : i32
    scf.for %scan3A_54 = %scan3A_49 to %scan3A_51 step %scan3A_52  : i32 {
      %get3A = arith.index_cast %scan3A_54 : i32 to index
      %get3A_55 = tpu.vector_load %arg12[%get3A] {strides = array<i32>} : memref<144xf32, #tpu.memory_space<vmem>>, vector<16xf32>,
      %slice3A = vector.extract_strided_slice %get3A_55 {offsets = [0], sizes = [1], strides = [1]} : vector<16xf32> to vector<1xf32>
      %squeeze3A = vector.extract %slice3A[0] : f32 from vector<1xf32>
      %get3A_56 = arith.index_cast %scan3A_54 : i32 to index
      %get3A_57 = tpu.vector_load %arg13[%get3A_56] {strides = array<i32>} : memref<144xf32, #tpu.memory_space<vmem>>, vector<16xf32>,
      %slice3A_58 = vector.extract_strided_slice %get3A_57 {offsets = [0], sizes = [1], strides = [1]} : vector<16xf32> to vector<1xf32>
      %squeeze3A_59 = vector.extract %slice3A_58[0] : f32 from vector<1xf32>
      %get3A_60 = arith.index_cast %scan3A_54 : i32 to index
      %get3A_61 = tpu.vector_load %arg14[%get3A_60] {strides = array<i32>} : memref<144xf32, #tpu.memory_space<vmem>>, vector<16xf32>,
      %slice3A_62 = vector.extract_strided_slice %get3A_61 {offsets = [0], sizes = [1], strides = [1]} : vector<16xf32> to vector<1xf32>
      %squeeze3A_63 = vector.extract %slice3A_62[0] : f32 from vector<1xf32>
      %mul3A_64 = arith.constant 80 : i32
      %mul3A_65 = arith.muli %scan3A_54, %mul3A_64 : i32
      %mul3A_66 = arith.constant 128 : i32
      %mul3A_67 = arith.muli %rem3A_18, %mul3A_66 : i32
      %add3A_68 = arith.addi %mul3A_67, %scan3A_54 : i32
      "tpu.region"() ({
        %run_scoped3A = tpu.sem_alloc : memref<!tpu.dma_semaphore, #tpu.memory_space<semaphore_mem>>
        %dma_start3A = arith.constant 0 : i32
        %dma_start3A_214 = tpu.memref_slice %arg4[%select_n3A, %add3A_68, %dma_start3A] : memref<8x512x4096xf32, #tpu.memory_space<hbm>> -> memref<1x1x4096xf32, #tpu.memory_space<hbm>>
        %dma_start3A_215 = tpu.memref_squeeze %dma_start3A_214 : memref<1x1x4096xf32, #tpu.memory_space<hbm>> -> memref<4096xf32, #tpu.memory_space<hbm>>
        %dma_start3A_216 = arith.constant 0 : i32
        %dma_start3A_217 = tpu.memref_slice %arg4[%select_n3A, %add3A_68, %dma_start3A_216] : memref<8x512x4096xf32, #tpu.memory_space<hbm>> -> memref<1x1x4096xf32, #tpu.memory_space<hbm>>
        %dma_start3A_218 = tpu.memref_squeeze %dma_start3A_217 : memref<1x1x4096xf32, #tpu.memory_space<hbm>> -> memref<4096xf32, #tpu.memory_space<hbm>>
        tpu.enqueue_dma source(%dma_start3A_218 : memref<4096xf32, #tpu.memory_space<hbm>>) target(%arg19 : memref<4096xf32, #tpu.memory_space<vmem>>) target_semaphore(%run_scoped3A : memref<!tpu.dma_semaphore, #tpu.memory_space<semaphore_mem>>)
        %dma_wait3A = arith.constant 0 : i32
        %dma_wait3A_219 = tpu.memref_slice %arg4[%select_n3A, %add3A_68, %dma_wait3A] : memref<8x512x4096xf32, #tpu.memory_space<hbm>> -> memref<1x1x4096xf32, #tpu.memory_space<hbm>>
        %dma_wait3A_220 = tpu.memref_squeeze %dma_wait3A_219 : memref<1x1x4096xf32, #tpu.memory_space<hbm>> -> memref<4096xf32, #tpu.memory_space<hbm>>
        %dma_wait3A_221 = arith.constant 0 : i32
        %dma_wait3A_222 = tpu.memref_slice %arg4[%select_n3A, %add3A_68, %dma_wait3A_221] : memref<8x512x4096xf32, #tpu.memory_space<hbm>> -> memref<1x1x4096xf32, #tpu.memory_space<hbm>>
        %dma_wait3A_223 = tpu.memref_squeeze %dma_wait3A_222 : memref<1x1x4096xf32, #tpu.memory_space<hbm>> -> memref<4096xf32, #tpu.memory_space<hbm>>
        tpu.wait_dma2 semaphore(%run_scoped3A : memref<!tpu.dma_semaphore, #tpu.memory_space<semaphore_mem>>) src(%dma_wait3A_223 : memref<4096xf32, #tpu.memory_space<hbm>>) dst(%arg19 : memref<4096xf32, #tpu.memory_space<vmem>>)
        tpu.yield
      }) : () -> ()
      %scan3A_69 = arith.constant 0 : i32
      %scan3A_70 = arith.constant 0 : i32
      %scan3A_71 = arith.constant 256 : i32
      %scan3A_72 = arith.addi %scan3A_70, %scan3A_71 : i32
      %scan3A_73 = arith.constant 1 : i32
      %scan3A_74 = scf.for %scan3A_214 = %scan3A_70 to %scan3A_72 step %scan3A_73 iter_args(%scan3A_215 = %scan3A_69) -> (i32)  : i32 {
        %mul3A_216 = arith.constant 16 : i32
        %mul3A_217 = arith.muli %scan3A_214, %mul3A_216 : i32
        %get3A_218 = arith.index_cast %mul3A_217 : i32 to index
        %get3A_219 = tpu.vector_load %arg9[%get3A_218] {strides = array<i32>} : memref<4096xf32, #tpu.memory_space<vmem>>, vector<16xf32>,
        %get3A_220 = arith.index_cast %mul3A_217 : i32 to index
        %get3A_221 = tpu.vector_load %arg10[%get3A_220] {strides = array<i32>} : memref<4096xf32, #tpu.memory_space<vmem>>, vector<16xf32>,
        %get3A_222 = arith.index_cast %mul3A_217 : i32 to index
        %get3A_223 = tpu.vector_load %arg11[%get3A_222] {strides = array<i32>} : memref<4096xf32, #tpu.memory_space<vmem>>, vector<16xf32>,
        %sub3A_224 = vector.broadcast %squeeze3A : f32 to vector<16xf32>
        %sub3A_225 = arith.subf %get3A_219, %sub3A_224 : vector<16xf32>
        %sub3A_226 = vector.broadcast %squeeze3A_59 : f32 to vector<16xf32>
        %sub3A_227 = arith.subf %get3A_221, %sub3A_226 : vector<16xf32>
        %sub3A_228 = vector.broadcast %squeeze3A_63 : f32 to vector<16xf32>
        %sub3A_229 = arith.subf %get3A_223, %sub3A_228 : vector<16xf32>
        %get3A_230 = arith.index_cast %mul3A_217 : i32 to index
        %get3A_231 = tpu.vector_load %arg19[%get3A_230] {strides = array<i32>} : memref<4096xf32, #tpu.memory_space<vmem>>, vector<16xf32>,
        %le3A = arith.constant 4.000000e-02 : f32
        %le3A_232 = vector.broadcast %le3A : f32 to vector<16xf32>
        %le3A_233 = arith.cmpf ole, %get3A_231, %le3A_232 : vector<16xf32>
        %add3A_234 = vector.broadcast %mul3A_217 : i32 to vector<16xi32>
        %add3A_235 = arith.addi %iota3A, %add3A_234 : vector<16xi32>
        %convert_element_type3A = arith.sitofp %add3A_235 : vector<16xi32> to vector<16xf32>
        %min3A_236 = arith.constant 64 : i32
        %min3A_237 = arith.minsi %scan3A_215, %min3A_236 : i32
        %add3A_238 = arith.addi %mul3A_65, %min3A_237 : i32
        %swap3A_239 = arith.index_cast %add3A_238 : i32 to index
        %swap3A_240 = tpu.vector_load %arg15[%swap3A_239] masked %le3A_233 {strides = array<i32>} : memref<10240xf32, #tpu.memory_space<vmem>>, vector<16xf32>, vector<16xi1>
        tpu.vector_store %arg15[%swap3A_239], %convert_element_type3A masked %le3A_233 {strides = array<i32>} : memref<10240xf32, #tpu.memory_space<vmem>>, vector<16xf32>, vector<16xi1>
        %swap3A_241 = arith.index_cast %add3A_238 : i32 to index
        %swap3A_242 = tpu.vector_load %arg16[%swap3A_241] masked %le3A_233 {strides = array<i32>} : memref<10240xf32, #tpu.memory_space<vmem>>, vector<16xf32>, vector<16xi1>
        tpu.vector_store %arg16[%swap3A_241], %sub3A_225 masked %le3A_233 {strides = array<i32>} : memref<10240xf32, #tpu.memory_space<vmem>>, vector<16xf32>, vector<16xi1>
        %swap3A_243 = arith.index_cast %add3A_238 : i32 to index
        %swap3A_244 = tpu.vector_load %arg17[%swap3A_243] masked %le3A_233 {strides = array<i32>} : memref<10240xf32, #tpu.memory_space<vmem>>, vector<16xf32>, vector<16xi1>
        tpu.vector_store %arg17[%swap3A_243], %sub3A_227 masked %le3A_233 {strides = array<i32>} : memref<10240xf32, #tpu.memory_space<vmem>>, vector<16xf32>, vector<16xi1>
        %swap3A_245 = arith.index_cast %add3A_238 : i32 to index
        %swap3A_246 = tpu.vector_load %arg18[%swap3A_245] masked %le3A_233 {strides = array<i32>} : memref<10240xf32, #tpu.memory_space<vmem>>, vector<16xf32>, vector<16xi1>
        tpu.vector_store %arg18[%swap3A_245], %sub3A_229 masked %le3A_233 {strides = array<i32>} : memref<10240xf32, #tpu.memory_space<vmem>>, vector<16xf32>, vector<16xi1>
        %all_reduce_population_count3A = tpu.all_reduce %le3A_233 {dim = 0 : i64, kind = #tpu.reduction_kind<sum>} : vector<16xi1> -> vector<16xi32>
        %slice3A_247 = vector.extract_strided_slice %all_reduce_population_count3A {offsets = [0], sizes = [1], strides = [1]} : vector<16xi32> to vector<1xi32>
        %squeeze3A_248 = vector.extract %slice3A_247[0] : i32 from vector<1xi32>
        %add3A_249 = arith.addi %scan3A_215, %squeeze3A_248 : i32
        scf.yield %add3A_249 : i32
      }
      %scan3A_75 = arith.constant 256 : i32
      %min3A = arith.constant 64 : i32
      %min3A_76 = arith.minsi %scan3A_74, %min3A : i32
      %get3A_77 = arith.index_cast %mul3A_65 : i32 to index
      %get3A_78 = tpu.vector_load %arg15[%get3A_77] {strides = array<i32>} : memref<10240xf32, #tpu.memory_space<vmem>>, vector<16xf32>,
      %slice3A_79 = vector.extract_strided_slice %get3A_78 {offsets = [0], sizes = [1], strides = [1]} : vector<16xf32> to vector<1xf32>
      %squeeze3A_80 = vector.extract %slice3A_79[0] : f32 from vector<1xf32>
      %get3A_81 = arith.index_cast %mul3A_65 : i32 to index
      %get3A_82 = tpu.vector_load %arg16[%get3A_81] {strides = array<i32>} : memref<10240xf32, #tpu.memory_space<vmem>>, vector<16xf32>,
      %slice3A_83 = vector.extract_strided_slice %get3A_82 {offsets = [0], sizes = [1], strides = [1]} : vector<16xf32> to vector<1xf32>
      %squeeze3A_84 = vector.extract %slice3A_83[0] : f32 from vector<1xf32>
      %get3A_85 = arith.index_cast %mul3A_65 : i32 to index
      %get3A_86 = tpu.vector_load %arg17[%get3A_85] {strides = array<i32>} : memref<10240xf32, #tpu.memory_space<vmem>>, vector<16xf32>,
      %slice3A_87 = vector.extract_strided_slice %get3A_86 {offsets = [0], sizes = [1], strides = [1]} : vector<16xf32> to vector<1xf32>
      %squeeze3A_88 = vector.extract %slice3A_87[0] : f32 from vector<1xf32>
      %get3A_89 = arith.index_cast %mul3A_65 : i32 to index
      %get3A_90 = tpu.vector_load %arg18[%get3A_89] {strides = array<i32>} : memref<10240xf32, #tpu.memory_space<vmem>>, vector<16xf32>,
      %slice3A_91 = vector.extract_strided_slice %get3A_90 {offsets = [0], sizes = [1], strides = [1]} : vector<16xf32> to vector<1xf32>
      %squeeze3A_92 = vector.extract %slice3A_91[0] : f32 from vector<1xf32>
      %add3A_93 = arith.constant 0 : i32
      %add3A_94 = vector.broadcast %add3A_93 : i32 to vector<16xi32>
      %add3A_95 = arith.addi %iota3A, %add3A_94 : vector<16xi32>
      %ge3A = vector.broadcast %min3A_76 : i32 to vector<16xi32>
      %ge3A_96 = arith.cmpi sge, %add3A_95, %ge3A : vector<16xi32>
      %add3A_97 = arith.constant 0 : i32
      %add3A_98 = arith.addi %mul3A_65, %add3A_97 : i32
      %get3A_99 = arith.index_cast %add3A_98 : i32 to index
      %get3A_100 = tpu.vector_load %arg15[%get3A_99] {strides = array<i32>} : memref<10240xf32, #tpu.memory_space<vmem>>, vector<16xf32>,
      %broadcast_in_dim3A = vector.broadcast %squeeze3A_80 : f32 to vector<16xf32>
      %select_n3A_101 = arith.select %ge3A_96, %broadcast_in_dim3A, %get3A_100 : vector<16xi1>, vector<16xf32>
      %swap3A = arith.index_cast %add3A_98 : i32 to index
      %swap3A_102 = tpu.vector_load %arg15[%swap3A] {strides = array<i32>} : memref<10240xf32, #tpu.memory_space<vmem>>, vector<16xf32>,
      tpu.vector_store %arg15[%swap3A], %select_n3A_101 {strides = array<i32>} : memref<10240xf32, #tpu.memory_space<vmem>>, vector<16xf32>,
      %get3A_103 = arith.index_cast %add3A_98 : i32 to index
      %get3A_104 = tpu.vector_load %arg16[%get3A_103] {strides = array<i32>} : memref<10240xf32, #tpu.memory_space<vmem>>, vector<16xf32>,
      %broadcast_in_dim3A_105 = vector.broadcast %squeeze3A_84 : f32 to vector<16xf32>
      %select_n3A_106 = arith.select %ge3A_96, %broadcast_in_dim3A_105, %get3A_104 : vector<16xi1>, vector<16xf32>
      %swap3A_107 = arith.index_cast %add3A_98 : i32 to index
      %swap3A_108 = tpu.vector_load %arg16[%swap3A_107] {strides = array<i32>} : memref<10240xf32, #tpu.memory_space<vmem>>, vector<16xf32>,
      tpu.vector_store %arg16[%swap3A_107], %select_n3A_106 {strides = array<i32>} : memref<10240xf32, #tpu.memory_space<vmem>>, vector<16xf32>,
      %get3A_109 = arith.index_cast %add3A_98 : i32 to index
      %get3A_110 = tpu.vector_load %arg17[%get3A_109] {strides = array<i32>} : memref<10240xf32, #tpu.memory_space<vmem>>, vector<16xf32>,
      %broadcast_in_dim3A_111 = vector.broadcast %squeeze3A_88 : f32 to vector<16xf32>
      %select_n3A_112 = arith.select %ge3A_96, %broadcast_in_dim3A_111, %get3A_110 : vector<16xi1>, vector<16xf32>
      %swap3A_113 = arith.index_cast %add3A_98 : i32 to index
      %swap3A_114 = tpu.vector_load %arg17[%swap3A_113] {strides = array<i32>} : memref<10240xf32, #tpu.memory_space<vmem>>, vector<16xf32>,
      tpu.vector_store %arg17[%swap3A_113], %select_n3A_112 {strides = array<i32>} : memref<10240xf32, #tpu.memory_space<vmem>>, vector<16xf32>,
      %get3A_115 = arith.index_cast %add3A_98 : i32 to index
      %get3A_116 = tpu.vector_load %arg18[%get3A_115] {strides = array<i32>} : memref<10240xf32, #tpu.memory_space<vmem>>, vector<16xf32>,
      %broadcast_in_dim3A_117 = vector.broadcast %squeeze3A_92 : f32 to vector<16xf32>
      %select_n3A_118 = arith.select %ge3A_96, %broadcast_in_dim3A_117, %get3A_116 : vector<16xi1>, vector<16xf32>
      %swap3A_119 = arith.index_cast %add3A_98 : i32 to index
      %swap3A_120 = tpu.vector_load %arg18[%swap3A_119] {strides = array<i32>} : memref<10240xf32, #tpu.memory_space<vmem>>, vector<16xf32>,
      tpu.vector_store %arg18[%swap3A_119], %select_n3A_118 {strides = array<i32>} : memref<10240xf32, #tpu.memory_space<vmem>>, vector<16xf32>,
      %add3A_121 = arith.constant 16 : i32
      %add3A_122 = vector.broadcast %add3A_121 : i32 to vector<16xi32>
      %add3A_123 = arith.addi %iota3A, %add3A_122 : vector<16xi32>
      %ge3A_124 = vector.broadcast %min3A_76 : i32 to vector<16xi32>
      %ge3A_125 = arith.cmpi sge, %add3A_123, %ge3A_124 : vector<16xi32>
      %add3A_126 = arith.constant 16 : i32
      %add3A_127 = arith.addi %mul3A_65, %add3A_126 : i32
      %get3A_128 = arith.index_cast %add3A_127 : i32 to index
      %get3A_129 = tpu.vector_load %arg15[%get3A_128] {strides = array<i32>} : memref<10240xf32, #tpu.memory_space<vmem>>, vector<16xf32>,
      %broadcast_in_dim3A_130 = vector.broadcast %squeeze3A_80 : f32 to vector<16xf32>
      %select_n3A_131 = arith.select %ge3A_125, %broadcast_in_dim3A_130, %get3A_129 : vector<16xi1>, vector<16xf32>
      %swap3A_132 = arith.index_cast %add3A_127 : i32 to index
      %swap3A_133 = tpu.vector_load %arg15[%swap3A_132] {strides = array<i32>} : memref<10240xf32, #tpu.memory_space<vmem>>, vector<16xf32>,
      tpu.vector_store %arg15[%swap3A_132], %select_n3A_131 {strides = array<i32>} : memref<10240xf32, #tpu.memory_space<vmem>>, vector<16xf32>,
      %get3A_134 = arith.index_cast %add3A_127 : i32 to index
      %get3A_135 = tpu.vector_load %arg16[%get3A_134] {strides = array<i32>} : memref<10240xf32, #tpu.memory_space<vmem>>, vector<16xf32>,
      %broadcast_in_dim3A_136 = vector.broadcast %squeeze3A_84 : f32 to vector<16xf32>
      %select_n3A_137 = arith.select %ge3A_125, %broadcast_in_dim3A_136, %get3A_135 : vector<16xi1>, vector<16xf32>
      %swap3A_138 = arith.index_cast %add3A_127 : i32 to index
      %swap3A_139 = tpu.vector_load %arg16[%swap3A_138] {strides = array<i32>} : memref<10240xf32, #tpu.memory_space<vmem>>, vector<16xf32>,
      tpu.vector_store %arg16[%swap3A_138], %select_n3A_137 {strides = array<i32>} : memref<10240xf32, #tpu.memory_space<vmem>>, vector<16xf32>,
      %get3A_140 = arith.index_cast %add3A_127 : i32 to index
      %get3A_141 = tpu.vector_load %arg17[%get3A_140] {strides = array<i32>} : memref<10240xf32, #tpu.memory_space<vmem>>, vector<16xf32>,
      %broadcast_in_dim3A_142 = vector.broadcast %squeeze3A_88 : f32 to vector<16xf32>
      %select_n3A_143 = arith.select %ge3A_125, %broadcast_in_dim3A_142, %get3A_141 : vector<16xi1>, vector<16xf32>
      %swap3A_144 = arith.index_cast %add3A_127 : i32 to index
      %swap3A_145 = tpu.vector_load %arg17[%swap3A_144] {strides = array<i32>} : memref<10240xf32, #tpu.memory_space<vmem>>, vector<16xf32>,
      tpu.vector_store %arg17[%swap3A_144], %select_n3A_143 {strides = array<i32>} : memref<10240xf32, #tpu.memory_space<vmem>>, vector<16xf32>,
      %get3A_146 = arith.index_cast %add3A_127 : i32 to index
      %get3A_147 = tpu.vector_load %arg18[%get3A_146] {strides = array<i32>} : memref<10240xf32, #tpu.memory_space<vmem>>, vector<16xf32>,
      %broadcast_in_dim3A_148 = vector.broadcast %squeeze3A_92 : f32 to vector<16xf32>
      %select_n3A_149 = arith.select %ge3A_125, %broadcast_in_dim3A_148, %get3A_147 : vector<16xi1>, vector<16xf32>
      %swap3A_150 = arith.index_cast %add3A_127 : i32 to index
      %swap3A_151 = tpu.vector_load %arg18[%swap3A_150] {strides = array<i32>} : memref<10240xf32, #tpu.memory_space<vmem>>, vector<16xf32>,
      tpu.vector_store %arg18[%swap3A_150], %select_n3A_149 {strides = array<i32>} : memref<10240xf32, #tpu.memory_space<vmem>>, vector<16xf32>,
      %add3A_152 = arith.constant 32 : i32
      %add3A_153 = vector.broadcast %add3A_152 : i32 to vector<16xi32>
      %add3A_154 = arith.addi %iota3A, %add3A_153 : vector<16xi32>
      %ge3A_155 = vector.broadcast %min3A_76 : i32 to vector<16xi32>
      %ge3A_156 = arith.cmpi sge, %add3A_154, %ge3A_155 : vector<16xi32>
      %add3A_157 = arith.constant 32 : i32
      %add3A_158 = arith.addi %mul3A_65, %add3A_157 : i32
      %get3A_159 = arith.index_cast %add3A_158 : i32 to index
      %get3A_160 = tpu.vector_load %arg15[%get3A_159] {strides = array<i32>} : memref<10240xf32, #tpu.memory_space<vmem>>, vector<16xf32>,
      %broadcast_in_dim3A_161 = vector.broadcast %squeeze3A_80 : f32 to vector<16xf32>
      %select_n3A_162 = arith.select %ge3A_156, %broadcast_in_dim3A_161, %get3A_160 : vector<16xi1>, vector<16xf32>
      %swap3A_163 = arith.index_cast %add3A_158 : i32 to index
      %swap3A_164 = tpu.vector_load %arg15[%swap3A_163] {strides = array<i32>} : memref<10240xf32, #tpu.memory_space<vmem>>, vector<16xf32>,
      tpu.vector_store %arg15[%swap3A_163], %select_n3A_162 {strides = array<i32>} : memref<10240xf32, #tpu.memory_space<vmem>>, vector<16xf32>,
      %get3A_165 = arith.index_cast %add3A_158 : i32 to index
      %get3A_166 = tpu.vector_load %arg16[%get3A_165] {strides = array<i32>} : memref<10240xf32, #tpu.memory_space<vmem>>, vector<16xf32>,
      %broadcast_in_dim3A_167 = vector.broadcast %squeeze3A_84 : f32 to vector<16xf32>
      %select_n3A_168 = arith.select %ge3A_156, %broadcast_in_dim3A_167, %get3A_166 : vector<16xi1>, vector<16xf32>
      %swap3A_169 = arith.index_cast %add3A_158 : i32 to index
      %swap3A_170 = tpu.vector_load %arg16[%swap3A_169] {strides = array<i32>} : memref<10240xf32, #tpu.memory_space<vmem>>, vector<16xf32>,
      tpu.vector_store %arg16[%swap3A_169], %select_n3A_168 {strides = array<i32>} : memref<10240xf32, #tpu.memory_space<vmem>>, vector<16xf32>,
      %get3A_171 = arith.index_cast %add3A_158 : i32 to index
      %get3A_172 = tpu.vector_load %arg17[%get3A_171] {strides = array<i32>} : memref<10240xf32, #tpu.memory_space<vmem>>, vector<16xf32>,
      %broadcast_in_dim3A_173 = vector.broadcast %squeeze3A_88 : f32 to vector<16xf32>
      %select_n3A_174 = arith.select %ge3A_156, %broadcast_in_dim3A_173, %get3A_172 : vector<16xi1>, vector<16xf32>
      %swap3A_175 = arith.index_cast %add3A_158 : i32 to index
      %swap3A_176 = tpu.vector_load %arg17[%swap3A_175] {strides = array<i32>} : memref<10240xf32, #tpu.memory_space<vmem>>, vector<16xf32>,
      tpu.vector_store %arg17[%swap3A_175], %select_n3A_174 {strides = array<i32>} : memref<10240xf32, #tpu.memory_space<vmem>>, vector<16xf32>,
      %get3A_177 = arith.index_cast %add3A_158 : i32 to index
      %get3A_178 = tpu.vector_load %arg18[%get3A_177] {strides = array<i32>} : memref<10240xf32, #tpu.memory_space<vmem>>, vector<16xf32>,
      %broadcast_in_dim3A_179 = vector.broadcast %squeeze3A_92 : f32 to vector<16xf32>
      %select_n3A_180 = arith.select %ge3A_156, %broadcast_in_dim3A_179, %get3A_178 : vector<16xi1>, vector<16xf32>
      %swap3A_181 = arith.index_cast %add3A_158 : i32 to index
      %swap3A_182 = tpu.vector_load %arg18[%swap3A_181] {strides = array<i32>} : memref<10240xf32, #tpu.memory_space<vmem>>, vector<16xf32>,
      tpu.vector_store %arg18[%swap3A_181], %select_n3A_180 {strides = array<i32>} : memref<10240xf32, #tpu.memory_space<vmem>>, vector<16xf32>,
      %add3A_183 = arith.constant 48 : i32
      %add3A_184 = vector.broadcast %add3A_183 : i32 to vector<16xi32>
      %add3A_185 = arith.addi %iota3A, %add3A_184 : vector<16xi32>
      %ge3A_186 = vector.broadcast %min3A_76 : i32 to vector<16xi32>
      %ge3A_187 = arith.cmpi sge, %add3A_185, %ge3A_186 : vector<16xi32>
      %add3A_188 = arith.constant 48 : i32
      %add3A_189 = arith.addi %mul3A_65, %add3A_188 : i32
      %get3A_190 = arith.index_cast %add3A_189 : i32 to index
      %get3A_191 = tpu.vector_load %arg15[%get3A_190] {strides = array<i32>} : memref<10240xf32, #tpu.memory_space<vmem>>, vector<16xf32>,
      %broadcast_in_dim3A_192 = vector.broadcast %squeeze3A_80 : f32 to vector<16xf32>
      %select_n3A_193 = arith.select %ge3A_187, %broadcast_in_dim3A_192, %get3A_191 : vector<16xi1>, vector<16xf32>
      %swap3A_194 = arith.index_cast %add3A_189 : i32 to index
      %swap3A_195 = tpu.vector_load %arg15[%swap3A_194] {strides = array<i32>} : memref<10240xf32, #tpu.memory_space<vmem>>, vector<16xf32>,
      tpu.vector_store %arg15[%swap3A_194], %select_n3A_193 {strides = array<i32>} : memref<10240xf32, #tpu.memory_space<vmem>>, vector<16xf32>,
      %get3A_196 = arith.index_cast %add3A_189 : i32 to index
      %get3A_197 = tpu.vector_load %arg16[%get3A_196] {strides = array<i32>} : memref<10240xf32, #tpu.memory_space<vmem>>, vector<16xf32>,
      %broadcast_in_dim3A_198 = vector.broadcast %squeeze3A_84 : f32 to vector<16xf32>
      %select_n3A_199 = arith.select %ge3A_187, %broadcast_in_dim3A_198, %get3A_197 : vector<16xi1>, vector<16xf32>
      %swap3A_200 = arith.index_cast %add3A_189 : i32 to index
      %swap3A_201 = tpu.vector_load %arg16[%swap3A_200] {strides = array<i32>} : memref<10240xf32, #tpu.memory_space<vmem>>, vector<16xf32>,
      tpu.vector_store %arg16[%swap3A_200], %select_n3A_199 {strides = array<i32>} : memref<10240xf32, #tpu.memory_space<vmem>>, vector<16xf32>,
      %get3A_202 = arith.index_cast %add3A_189 : i32 to index
      %get3A_203 = tpu.vector_load %arg17[%get3A_202] {strides = array<i32>} : memref<10240xf32, #tpu.memory_space<vmem>>, vector<16xf32>,
      %broadcast_in_dim3A_204 = vector.broadcast %squeeze3A_88 : f32 to vector<16xf32>
      %select_n3A_205 = arith.select %ge3A_187, %broadcast_in_dim3A_204, %get3A_203 : vector<16xi1>, vector<16xf32>
      %swap3A_206 = arith.index_cast %add3A_189 : i32 to index
      %swap3A_207 = tpu.vector_load %arg17[%swap3A_206] {strides = array<i32>} : memref<10240xf32, #tpu.memory_space<vmem>>, vector<16xf32>,
      tpu.vector_store %arg17[%swap3A_206], %select_n3A_205 {strides = array<i32>} : memref<10240xf32, #tpu.memory_space<vmem>>, vector<16xf32>,
      %get3A_208 = arith.index_cast %add3A_189 : i32 to index
      %get3A_209 = tpu.vector_load %arg18[%get3A_208] {strides = array<i32>} : memref<10240xf32, #tpu.memory_space<vmem>>, vector<16xf32>,
      %broadcast_in_dim3A_210 = vector.broadcast %squeeze3A_92 : f32 to vector<16xf32>
      %select_n3A_211 = arith.select %ge3A_187, %broadcast_in_dim3A_210, %get3A_209 : vector<16xi1>, vector<16xf32>
      %swap3A_212 = arith.index_cast %add3A_189 : i32 to index
      %swap3A_213 = tpu.vector_load %arg18[%swap3A_212] {strides = array<i32>} : memref<10240xf32, #tpu.memory_space<vmem>>, vector<16xf32>,
      tpu.vector_store %arg18[%swap3A_212], %select_n3A_211 {strides = array<i32>} : memref<10240xf32, #tpu.memory_space<vmem>>, vector<16xf32>,
    }
    %scan3A_53 = arith.constant 128 : i32
    "tpu.region"() ({
      %run_scoped3A = tpu.sem_alloc : memref<!tpu.dma_semaphore, #tpu.memory_space<semaphore_mem>>
      %dma_start3A = arith.constant 0 : i32
      %dma_start3A_54 = tpu.memref_slice %arg5[%select_n3A, %rem3A_18, %dma_start3A] : memref<8x4x10240xf32, #tpu.memory_space<hbm>> -> memref<1x1x10240xf32, #tpu.memory_space<hbm>>
      %dma_start3A_55 = tpu.memref_squeeze %dma_start3A_54 : memref<1x1x10240xf32, #tpu.memory_space<hbm>> -> memref<10240xf32, #tpu.memory_space<hbm>>
      %dma_start3A_56 = arith.constant 0 : i32
      %dma_start3A_57 = tpu.memref_slice %arg5[%select_n3A, %rem3A_18, %dma_start3A_56] : memref<8x4x10240xf32, #tpu.memory_space<hbm>> -> memref<1x1x10240xf32, #tpu.memory_space<hbm>>
      %dma_start3A_58 = tpu.memref_squeeze %dma_start3A_57 : memref<1x1x10240xf32, #tpu.memory_space<hbm>> -> memref<10240xf32, #tpu.memory_space<hbm>>
      tpu.enqueue_dma source(%arg15 : memref<10240xf32, #tpu.memory_space<vmem>>) target(%dma_start3A_58 : memref<10240xf32, #tpu.memory_space<hbm>>) target_semaphore(%run_scoped3A : memref<!tpu.dma_semaphore, #tpu.memory_space<semaphore_mem>>)
      %dma_wait3A = arith.constant 0 : i32
      %dma_wait3A_59 = tpu.memref_slice %arg5[%select_n3A, %rem3A_18, %dma_wait3A] : memref<8x4x10240xf32, #tpu.memory_space<hbm>> -> memref<1x1x10240xf32, #tpu.memory_space<hbm>>
      %dma_wait3A_60 = tpu.memref_squeeze %dma_wait3A_59 : memref<1x1x10240xf32, #tpu.memory_space<hbm>> -> memref<10240xf32, #tpu.memory_space<hbm>>
      %dma_wait3A_61 = arith.constant 0 : i32
      %dma_wait3A_62 = tpu.memref_slice %arg5[%select_n3A, %rem3A_18, %dma_wait3A_61] : memref<8x4x10240xf32, #tpu.memory_space<hbm>> -> memref<1x1x10240xf32, #tpu.memory_space<hbm>>
      %dma_wait3A_63 = tpu.memref_squeeze %dma_wait3A_62 : memref<1x1x10240xf32, #tpu.memory_space<hbm>> -> memref<10240xf32, #tpu.memory_space<hbm>>
      tpu.wait_dma2 semaphore(%run_scoped3A : memref<!tpu.dma_semaphore, #tpu.memory_space<semaphore_mem>>) src(%arg15 : memref<10240xf32, #tpu.memory_space<vmem>>) dst(%dma_wait3A_63 : memref<10240xf32, #tpu.memory_space<hbm>>)
      tpu.yield
    }) : () -> ()
    "tpu.region"() ({
      %run_scoped3A = tpu.sem_alloc : memref<!tpu.dma_semaphore, #tpu.memory_space<semaphore_mem>>
      %dma_start3A = arith.constant 0 : i32
      %dma_start3A_54 = tpu.memref_slice %arg6[%select_n3A, %rem3A_18, %dma_start3A] : memref<8x4x10240xf32, #tpu.memory_space<hbm>> -> memref<1x1x10240xf32, #tpu.memory_space<hbm>>
      %dma_start3A_55 = tpu.memref_squeeze %dma_start3A_54 : memref<1x1x10240xf32, #tpu.memory_space<hbm>> -> memref<10240xf32, #tpu.memory_space<hbm>>
      %dma_start3A_56 = arith.constant 0 : i32
      %dma_start3A_57 = tpu.memref_slice %arg6[%select_n3A, %rem3A_18, %dma_start3A_56] : memref<8x4x10240xf32, #tpu.memory_space<hbm>> -> memref<1x1x10240xf32, #tpu.memory_space<hbm>>
      %dma_start3A_58 = tpu.memref_squeeze %dma_start3A_57 : memref<1x1x10240xf32, #tpu.memory_space<hbm>> -> memref<10240xf32, #tpu.memory_space<hbm>>
      tpu.enqueue_dma source(%arg16 : memref<10240xf32, #tpu.memory_space<vmem>>) target(%dma_start3A_58 : memref<10240xf32, #tpu.memory_space<hbm>>) target_semaphore(%run_scoped3A : memref<!tpu.dma_semaphore, #tpu.memory_space<semaphore_mem>>)
      %dma_wait3A = arith.constant 0 : i32
      %dma_wait3A_59 = tpu.memref_slice %arg6[%select_n3A, %rem3A_18, %dma_wait3A] : memref<8x4x10240xf32, #tpu.memory_space<hbm>> -> memref<1x1x10240xf32, #tpu.memory_space<hbm>>
      %dma_wait3A_60 = tpu.memref_squeeze %dma_wait3A_59 : memref<1x1x10240xf32, #tpu.memory_space<hbm>> -> memref<10240xf32, #tpu.memory_space<hbm>>
      %dma_wait3A_61 = arith.constant 0 : i32
      %dma_wait3A_62 = tpu.memref_slice %arg6[%select_n3A, %rem3A_18, %dma_wait3A_61] : memref<8x4x10240xf32, #tpu.memory_space<hbm>> -> memref<1x1x10240xf32, #tpu.memory_space<hbm>>
      %dma_wait3A_63 = tpu.memref_squeeze %dma_wait3A_62 : memref<1x1x10240xf32, #tpu.memory_space<hbm>> -> memref<10240xf32, #tpu.memory_space<hbm>>
      tpu.wait_dma2 semaphore(%run_scoped3A : memref<!tpu.dma_semaphore, #tpu.memory_space<semaphore_mem>>) src(%arg16 : memref<10240xf32, #tpu.memory_space<vmem>>) dst(%dma_wait3A_63 : memref<10240xf32, #tpu.memory_space<hbm>>)
      tpu.yield
    }) : () -> ()
    "tpu.region"() ({
      %run_scoped3A = tpu.sem_alloc : memref<!tpu.dma_semaphore, #tpu.memory_space<semaphore_mem>>
      %dma_start3A = arith.constant 0 : i32
      %dma_start3A_54 = tpu.memref_slice %arg7[%select_n3A, %rem3A_18, %dma_start3A] : memref<8x4x10240xf32, #tpu.memory_space<hbm>> -> memref<1x1x10240xf32, #tpu.memory_space<hbm>>
      %dma_start3A_55 = tpu.memref_squeeze %dma_start3A_54 : memref<1x1x10240xf32, #tpu.memory_space<hbm>> -> memref<10240xf32, #tpu.memory_space<hbm>>
      %dma_start3A_56 = arith.constant 0 : i32
      %dma_start3A_57 = tpu.memref_slice %arg7[%select_n3A, %rem3A_18, %dma_start3A_56] : memref<8x4x10240xf32, #tpu.memory_space<hbm>> -> memref<1x1x10240xf32, #tpu.memory_space<hbm>>
      %dma_start3A_58 = tpu.memref_squeeze %dma_start3A_57 : memref<1x1x10240xf32, #tpu.memory_space<hbm>> -> memref<10240xf32, #tpu.memory_space<hbm>>
      tpu.enqueue_dma source(%arg17 : memref<10240xf32, #tpu.memory_space<vmem>>) target(%dma_start3A_58 : memref<10240xf32, #tpu.memory_space<hbm>>) target_semaphore(%run_scoped3A : memref<!tpu.dma_semaphore, #tpu.memory_space<semaphore_mem>>)
      %dma_wait3A = arith.constant 0 : i32
      %dma_wait3A_59 = tpu.memref_slice %arg7[%select_n3A, %rem3A_18, %dma_wait3A] : memref<8x4x10240xf32, #tpu.memory_space<hbm>> -> memref<1x1x10240xf32, #tpu.memory_space<hbm>>
      %dma_wait3A_60 = tpu.memref_squeeze %dma_wait3A_59 : memref<1x1x10240xf32, #tpu.memory_space<hbm>> -> memref<10240xf32, #tpu.memory_space<hbm>>
      %dma_wait3A_61 = arith.constant 0 : i32
      %dma_wait3A_62 = tpu.memref_slice %arg7[%select_n3A, %rem3A_18, %dma_wait3A_61] : memref<8x4x10240xf32, #tpu.memory_space<hbm>> -> memref<1x1x10240xf32, #tpu.memory_space<hbm>>
      %dma_wait3A_63 = tpu.memref_squeeze %dma_wait3A_62 : memref<1x1x10240xf32, #tpu.memory_space<hbm>> -> memref<10240xf32, #tpu.memory_space<hbm>>
      tpu.wait_dma2 semaphore(%run_scoped3A : memref<!tpu.dma_semaphore, #tpu.memory_space<semaphore_mem>>) src(%arg17 : memref<10240xf32, #tpu.memory_space<vmem>>) dst(%dma_wait3A_63 : memref<10240xf32, #tpu.memory_space<hbm>>)
      tpu.yield
    }) : () -> ()
    "tpu.region"() ({
      %run_scoped3A = tpu.sem_alloc : memref<!tpu.dma_semaphore, #tpu.memory_space<semaphore_mem>>
      %dma_start3A = arith.constant 0 : i32
      %dma_start3A_54 = tpu.memref_slice %arg8[%select_n3A, %rem3A_18, %dma_start3A] : memref<8x4x10240xf32, #tpu.memory_space<hbm>> -> memref<1x1x10240xf32, #tpu.memory_space<hbm>>
      %dma_start3A_55 = tpu.memref_squeeze %dma_start3A_54 : memref<1x1x10240xf32, #tpu.memory_space<hbm>> -> memref<10240xf32, #tpu.memory_space<hbm>>
      %dma_start3A_56 = arith.constant 0 : i32
      %dma_start3A_57 = tpu.memref_slice %arg8[%select_n3A, %rem3A_18, %dma_start3A_56] : memref<8x4x10240xf32, #tpu.memory_space<hbm>> -> memref<1x1x10240xf32, #tpu.memory_space<hbm>>
      %dma_start3A_58 = tpu.memref_squeeze %dma_start3A_57 : memref<1x1x10240xf32, #tpu.memory_space<hbm>> -> memref<10240xf32, #tpu.memory_space<hbm>>
      tpu.enqueue_dma source(%arg18 : memref<10240xf32, #tpu.memory_space<vmem>>) target(%dma_start3A_58 : memref<10240xf32, #tpu.memory_space<hbm>>) target_semaphore(%run_scoped3A : memref<!tpu.dma_semaphore, #tpu.memory_space<semaphore_mem>>)
      %dma_wait3A = arith.constant 0 : i32
      %dma_wait3A_59 = tpu.memref_slice %arg8[%select_n3A, %rem3A_18, %dma_wait3A] : memref<8x4x10240xf32, #tpu.memory_space<hbm>> -> memref<1x1x10240xf32, #tpu.memory_space<hbm>>
      %dma_wait3A_60 = tpu.memref_squeeze %dma_wait3A_59 : memref<1x1x10240xf32, #tpu.memory_space<hbm>> -> memref<10240xf32, #tpu.memory_space<hbm>>
      %dma_wait3A_61 = arith.constant 0 : i32
      %dma_wait3A_62 = tpu.memref_slice %arg8[%select_n3A, %rem3A_18, %dma_wait3A_61] : memref<8x4x10240xf32, #tpu.memory_space<hbm>> -> memref<1x1x10240xf32, #tpu.memory_space<hbm>>
      %dma_wait3A_63 = tpu.memref_squeeze %dma_wait3A_62 : memref<1x1x10240xf32, #tpu.memory_space<hbm>> -> memref<10240xf32, #tpu.memory_space<hbm>>
      tpu.wait_dma2 semaphore(%run_scoped3A : memref<!tpu.dma_semaphore, #tpu.memory_space<semaphore_mem>>) src(%arg18 : memref<10240xf32, #tpu.memory_space<vmem>>) dst(%dma_wait3A_63 : memref<10240xf32, #tpu.memory_space<hbm>>)
      tpu.yield
    }) : () -> ()
    return
  }
}

module attributes {stable_mosaic.version = 14 : i64} {
  func.func @body(%arg0: memref<8x4096xf32, #tpu.memory_space<vmem>>, %arg1: memref<8x4096xf32, #tpu.memory_space<vmem>>, %arg2: memref<8x4096xf32, #tpu.memory_space<vmem>>, %arg3: memref<8x512xf32, #tpu.memory_space<vmem>>, %arg4: memref<8x512xf32, #tpu.memory_space<vmem>>, %arg5: memref<8x512xf32, #tpu.memory_space<vmem>>, %arg6: memref<8x512xf32, #tpu.memory_space<vmem>>) attributes {dimension_semantics = [], scalar_prefetch = 0 : i64, scratch_operands = 0 : i64, tpu.core_type = #tpu.core_type<tc>} {
    %get3A = arith.constant 0 : index
    %get3A_0 = arith.constant 0 : index
    %get3A_1 = vector.load %arg0[%get3A, %get3A_0] : memref<8x4096xf32, #tpu.memory_space<vmem>>, vector<8x4096xf32>
    %get3A_2 = arith.constant 0 : index
    %get3A_3 = arith.constant 0 : index
    %get3A_4 = vector.load %arg1[%get3A_2, %get3A_3] : memref<8x4096xf32, #tpu.memory_space<vmem>>, vector<8x4096xf32>
    %get3A_5 = arith.constant 0 : index
    %get3A_6 = arith.constant 0 : index
    %get3A_7 = vector.load %arg2[%get3A_5, %get3A_6] : memref<8x4096xf32, #tpu.memory_space<vmem>>, vector<8x4096xf32>
    %iota3A = tpu.iota {dimensions = array<i32: 1>} : vector<8x4096xi32>
    %iota3A_8 = tpu.iota {dimensions = array<i32: 1>} : vector<8x512xi32>
    %broadcast_in_dim3A = arith.constant 1.000000e+10 : f32
    %broadcast_in_dim3A_9 = vector.broadcast %broadcast_in_dim3A : f32 to vector<8x4096xf32>
    %broadcast_in_dim3A_10 = arith.constant 0 : i32
    %broadcast_in_dim3A_11 = vector.broadcast %broadcast_in_dim3A_10 : i32 to vector<8x1xi32>
    %slice3A = vector.extract_strided_slice %get3A_1 {offsets = [0, 0], sizes = [8, 512], strides = [1, 1]} : vector<8x4096xf32> to vector<8x512xf32>
    %mul3A = arith.constant 0.000000e+00 : f32
    %mul3A_12 = vector.broadcast %mul3A : f32 to vector<8x512xf32>
    %mul3A_13 = arith.mulf %slice3A, %mul3A_12 : vector<8x512xf32>
    %slice3A_14 = vector.extract_strided_slice %get3A_1 {offsets = [0, 0], sizes = [8, 512], strides = [1, 1]} : vector<8x4096xf32> to vector<8x512xf32>
    %slice3A_15 = vector.extract_strided_slice %get3A_4 {offsets = [0, 0], sizes = [8, 512], strides = [1, 1]} : vector<8x4096xf32> to vector<8x512xf32>
    %slice3A_16 = vector.extract_strided_slice %get3A_7 {offsets = [0, 0], sizes = [8, 512], strides = [1, 1]} : vector<8x4096xf32> to vector<8x512xf32>
    %scan3A = arith.constant 0 : i32
    %scan3A_17 = arith.constant 512 : i32
    %scan3A_18 = arith.addi %scan3A, %scan3A_17 : i32
    %scan3A_19 = arith.constant 1 : i32
    %scan3A_20:6 = scf.for %scan3A_33 = %scan3A to %scan3A_18 step %scan3A_19 iter_args(%scan3A_34 = %broadcast_in_dim3A_9, %scan3A_35 = %broadcast_in_dim3A_11, %scan3A_36 = %mul3A_13, %scan3A_37 = %slice3A_14, %scan3A_38 = %slice3A_15, %scan3A_39 = %slice3A_16) -> (vector<8x4096xf32>, vector<8x1xi32>, vector<8x512xf32>, vector<8x512xf32>, vector<8x512xf32>, vector<8x512xf32>)  : i32 {
      %eq3A = vector.broadcast %scan3A_33 : i32 to vector<8x512xi32>
      %eq3A_40 = arith.cmpi eq, %iota3A_8, %eq3A : vector<8x512xi32>
      %convert_element_type3A = arith.sitofp %scan3A_35 : vector<8x1xi32> to vector<8x1xf32>
      %broadcast_in_dim3A_41 = vector.shape_cast %convert_element_type3A : vector<8x1xf32> to vector<8x1xf32>
      %broadcast_in_dim3A_42 = vector.broadcast %broadcast_in_dim3A_41 : vector<8x1xf32> to vector<8x512xf32>
      %select_n3A = arith.select %eq3A_40, %broadcast_in_dim3A_42, %scan3A_36 : vector<8x512xi1>, vector<8x512xf32>
      %eq3A_43 = vector.broadcast %scan3A_35 : vector<8x1xi32> to vector<8x4096xi32>
      %eq3A_44 = arith.cmpi eq, %iota3A, %eq3A_43 : vector<8x4096xi32>
      %convert_element_type3A_45 = arith.extui %eq3A_44 : vector<8x4096xi1> to vector<8x4096xi32>
      %convert_element_type3A_46 = arith.sitofp %convert_element_type3A_45 : vector<8x4096xi32> to vector<8x4096xf32>
      %mul3A_47 = arith.mulf %get3A_1, %convert_element_type3A_46 : vector<8x4096xf32>
      %reduce_sum3A = arith.constant dense<0.000000e+00> : vector<8xf32>
      %reduce_sum3A_48 = vector.multi_reduction <add>, %mul3A_47, %reduce_sum3A [1] : vector<8x4096xf32> to vector<8xf32>
      %broadcast_in_dim3A_49 = vector.shape_cast %reduce_sum3A_48 : vector<8xf32> to vector<8x1xf32>
      %mul3A_50 = arith.mulf %get3A_4, %convert_element_type3A_46 : vector<8x4096xf32>
      %reduce_sum3A_51 = arith.constant dense<0.000000e+00> : vector<8xf32>
      %reduce_sum3A_52 = vector.multi_reduction <add>, %mul3A_50, %reduce_sum3A_51 [1] : vector<8x4096xf32> to vector<8xf32>
      %broadcast_in_dim3A_53 = vector.shape_cast %reduce_sum3A_52 : vector<8xf32> to vector<8x1xf32>
      %mul3A_54 = arith.mulf %get3A_7, %convert_element_type3A_46 : vector<8x4096xf32>
      %reduce_sum3A_55 = arith.constant dense<0.000000e+00> : vector<8xf32>
      %reduce_sum3A_56 = vector.multi_reduction <add>, %mul3A_54, %reduce_sum3A_55 [1] : vector<8x4096xf32> to vector<8xf32>
      %broadcast_in_dim3A_57 = vector.shape_cast %reduce_sum3A_56 : vector<8xf32> to vector<8x1xf32>
      %broadcast_in_dim3A_58 = vector.shape_cast %broadcast_in_dim3A_49 : vector<8x1xf32> to vector<8x1xf32>
      %broadcast_in_dim3A_59 = vector.broadcast %broadcast_in_dim3A_58 : vector<8x1xf32> to vector<8x512xf32>
      %select_n3A_60 = arith.select %eq3A_40, %broadcast_in_dim3A_59, %scan3A_37 : vector<8x512xi1>, vector<8x512xf32>
      %broadcast_in_dim3A_61 = vector.shape_cast %broadcast_in_dim3A_53 : vector<8x1xf32> to vector<8x1xf32>
      %broadcast_in_dim3A_62 = vector.broadcast %broadcast_in_dim3A_61 : vector<8x1xf32> to vector<8x512xf32>
      %select_n3A_63 = arith.select %eq3A_40, %broadcast_in_dim3A_62, %scan3A_38 : vector<8x512xi1>, vector<8x512xf32>
      %broadcast_in_dim3A_64 = vector.shape_cast %broadcast_in_dim3A_57 : vector<8x1xf32> to vector<8x1xf32>
      %broadcast_in_dim3A_65 = vector.broadcast %broadcast_in_dim3A_64 : vector<8x1xf32> to vector<8x512xf32>
      %select_n3A_66 = arith.select %eq3A_40, %broadcast_in_dim3A_65, %scan3A_39 : vector<8x512xi1>, vector<8x512xf32>
      %sub3A = vector.broadcast %broadcast_in_dim3A_49 : vector<8x1xf32> to vector<8x4096xf32>
      %sub3A_67 = arith.subf %get3A_1, %sub3A : vector<8x4096xf32>
      %integer_pow3A = arith.mulf %sub3A_67, %sub3A_67 : vector<8x4096xf32>
      %sub3A_68 = vector.broadcast %broadcast_in_dim3A_53 : vector<8x1xf32> to vector<8x4096xf32>
      %sub3A_69 = arith.subf %get3A_4, %sub3A_68 : vector<8x4096xf32>
      %integer_pow3A_70 = arith.mulf %sub3A_69, %sub3A_69 : vector<8x4096xf32>
      %add3A = arith.addf %integer_pow3A, %integer_pow3A_70 : vector<8x4096xf32>
      %sub3A_71 = vector.broadcast %broadcast_in_dim3A_57 : vector<8x1xf32> to vector<8x4096xf32>
      %sub3A_72 = arith.subf %get3A_7, %sub3A_71 : vector<8x4096xf32>
      %integer_pow3A_73 = arith.mulf %sub3A_72, %sub3A_72 : vector<8x4096xf32>
      %add3A_74 = arith.addf %add3A, %integer_pow3A_73 : vector<8x4096xf32>
      %min3A = arith.minimumf %scan3A_34, %add3A_74 : vector<8x4096xf32>
      %reduce_max3A = arith.constant dense<0xFF800000> : vector<8xf32>
      %reduce_max3A_75 = vector.multi_reduction <maximumf>, %min3A, %reduce_max3A [1] : vector<8x4096xf32> to vector<8xf32>
      %broadcast_in_dim3A_76 = vector.shape_cast %reduce_max3A_75 : vector<8xf32> to vector<8x1xf32>
      %eq3A_77 = vector.broadcast %broadcast_in_dim3A_76 : vector<8x1xf32> to vector<8x4096xf32>
      %eq3A_78 = arith.cmpf oeq, %min3A, %eq3A_77 : vector<8x4096xf32>
      %jit3A = arith.constant 4096 : i32
      %broadcast_in_dim3A_79 = vector.broadcast %jit3A : i32 to vector<8x4096xi32>
      %select_n3A_80 = arith.select %eq3A_78, %iota3A, %broadcast_in_dim3A_79 : vector<8x4096xi1>, vector<8x4096xi32>
      %reduce_min3A = arith.constant dense<2147483647> : vector<8xi32>
      %reduce_min3A_81 = vector.multi_reduction <minsi>, %select_n3A_80, %reduce_min3A [1] : vector<8x4096xi32> to vector<8xi32>
      %broadcast_in_dim3A_82 = vector.shape_cast %reduce_min3A_81 : vector<8xi32> to vector<8x1xi32>
      scf.yield %min3A, %broadcast_in_dim3A_82, %select_n3A, %select_n3A_60, %select_n3A_63, %select_n3A_66 : vector<8x4096xf32>, vector<8x1xi32>, vector<8x512xf32>, vector<8x512xf32>, vector<8x512xf32>, vector<8x512xf32>
    }
    %scan3A_21 = arith.constant 512 : i32
    %swap3A = arith.constant 0 : index
    %swap3A_22 = arith.constant 0 : index
    %swap3A_23 = vector.load %arg3[%swap3A, %swap3A_22] : memref<8x512xf32, #tpu.memory_space<vmem>>, vector<8x512xf32>
    tpu.vector_store %arg3[%swap3A, %swap3A_22], %scan3A_20#2 {strides = array<i32>} : memref<8x512xf32, #tpu.memory_space<vmem>>, vector<8x512xf32>,
    %swap3A_24 = arith.constant 0 : index
    %swap3A_25 = arith.constant 0 : index
    %swap3A_26 = vector.load %arg4[%swap3A_24, %swap3A_25] : memref<8x512xf32, #tpu.memory_space<vmem>>, vector<8x512xf32>
    tpu.vector_store %arg4[%swap3A_24, %swap3A_25], %scan3A_20#3 {strides = array<i32>} : memref<8x512xf32, #tpu.memory_space<vmem>>, vector<8x512xf32>,
    %swap3A_27 = arith.constant 0 : index
    %swap3A_28 = arith.constant 0 : index
    %swap3A_29 = vector.load %arg5[%swap3A_27, %swap3A_28] : memref<8x512xf32, #tpu.memory_space<vmem>>, vector<8x512xf32>
    tpu.vector_store %arg5[%swap3A_27, %swap3A_28], %scan3A_20#4 {strides = array<i32>} : memref<8x512xf32, #tpu.memory_space<vmem>>, vector<8x512xf32>,
    %swap3A_30 = arith.constant 0 : index
    %swap3A_31 = arith.constant 0 : index
    %swap3A_32 = vector.load %arg6[%swap3A_30, %swap3A_31] : memref<8x512xf32, #tpu.memory_space<vmem>>, vector<8x512xf32>
    tpu.vector_store %arg6[%swap3A_30, %swap3A_31], %scan3A_20#5 {strides = array<i32>} : memref<8x512xf32, #tpu.memory_space<vmem>>, vector<8x512xf32>,
    return
  }
}

module attributes {stable_mosaic.version = 14 : i64} {
  func.func @body(%arg0: memref<8x512xf32, #tpu.memory_space<vmem>>, %arg1: memref<8x512xf32, #tpu.memory_space<vmem>>, %arg2: memref<8x512xf32, #tpu.memory_space<vmem>>, %arg3: memref<8x128xf32, #tpu.memory_space<vmem>>, %arg4: memref<8x128xf32, #tpu.memory_space<vmem>>, %arg5: memref<8x128xf32, #tpu.memory_space<vmem>>, %arg6: memref<8x128xf32, #tpu.memory_space<vmem>>) attributes {dimension_semantics = [], scalar_prefetch = 0 : i64, scratch_operands = 0 : i64, tpu.core_type = #tpu.core_type<tc>} {
    %get3A = arith.constant 0 : index
    %get3A_0 = arith.constant 0 : index
    %get3A_1 = vector.load %arg0[%get3A, %get3A_0] : memref<8x512xf32, #tpu.memory_space<vmem>>, vector<8x512xf32>
    %get3A_2 = arith.constant 0 : index
    %get3A_3 = arith.constant 0 : index
    %get3A_4 = vector.load %arg1[%get3A_2, %get3A_3] : memref<8x512xf32, #tpu.memory_space<vmem>>, vector<8x512xf32>
    %get3A_5 = arith.constant 0 : index
    %get3A_6 = arith.constant 0 : index
    %get3A_7 = vector.load %arg2[%get3A_5, %get3A_6] : memref<8x512xf32, #tpu.memory_space<vmem>>, vector<8x512xf32>
    %iota3A = tpu.iota {dimensions = array<i32: 1>} : vector<8x512xi32>
    %iota3A_8 = tpu.iota {dimensions = array<i32: 1>} : vector<8x128xi32>
    %broadcast_in_dim3A = arith.constant 1.000000e+10 : f32
    %broadcast_in_dim3A_9 = vector.broadcast %broadcast_in_dim3A : f32 to vector<8x512xf32>
    %broadcast_in_dim3A_10 = arith.constant 0 : i32
    %broadcast_in_dim3A_11 = vector.broadcast %broadcast_in_dim3A_10 : i32 to vector<8x1xi32>
    %slice3A = vector.extract_strided_slice %get3A_1 {offsets = [0, 0], sizes = [8, 128], strides = [1, 1]} : vector<8x512xf32> to vector<8x128xf32>
    %mul3A = arith.constant 0.000000e+00 : f32
    %mul3A_12 = vector.broadcast %mul3A : f32 to vector<8x128xf32>
    %mul3A_13 = arith.mulf %slice3A, %mul3A_12 : vector<8x128xf32>
    %slice3A_14 = vector.extract_strided_slice %get3A_1 {offsets = [0, 0], sizes = [8, 128], strides = [1, 1]} : vector<8x512xf32> to vector<8x128xf32>
    %slice3A_15 = vector.extract_strided_slice %get3A_4 {offsets = [0, 0], sizes = [8, 128], strides = [1, 1]} : vector<8x512xf32> to vector<8x128xf32>
    %slice3A_16 = vector.extract_strided_slice %get3A_7 {offsets = [0, 0], sizes = [8, 128], strides = [1, 1]} : vector<8x512xf32> to vector<8x128xf32>
    %scan3A = arith.constant 0 : i32
    %scan3A_17 = arith.constant 128 : i32
    %scan3A_18 = arith.addi %scan3A, %scan3A_17 : i32
    %scan3A_19 = arith.constant 1 : i32
    %scan3A_20:6 = scf.for %scan3A_33 = %scan3A to %scan3A_18 step %scan3A_19 iter_args(%scan3A_34 = %broadcast_in_dim3A_9, %scan3A_35 = %broadcast_in_dim3A_11, %scan3A_36 = %mul3A_13, %scan3A_37 = %slice3A_14, %scan3A_38 = %slice3A_15, %scan3A_39 = %slice3A_16) -> (vector<8x512xf32>, vector<8x1xi32>, vector<8x128xf32>, vector<8x128xf32>, vector<8x128xf32>, vector<8x128xf32>)  : i32 {
      %eq3A = vector.broadcast %scan3A_33 : i32 to vector<8x128xi32>
      %eq3A_40 = arith.cmpi eq, %iota3A_8, %eq3A : vector<8x128xi32>
      %convert_element_type3A = arith.sitofp %scan3A_35 : vector<8x1xi32> to vector<8x1xf32>
      %broadcast_in_dim3A_41 = vector.shape_cast %convert_element_type3A : vector<8x1xf32> to vector<8x1xf32>
      %broadcast_in_dim3A_42 = vector.broadcast %broadcast_in_dim3A_41 : vector<8x1xf32> to vector<8x128xf32>
      %select_n3A = arith.select %eq3A_40, %broadcast_in_dim3A_42, %scan3A_36 : vector<8x128xi1>, vector<8x128xf32>
      %eq3A_43 = vector.broadcast %scan3A_35 : vector<8x1xi32> to vector<8x512xi32>
      %eq3A_44 = arith.cmpi eq, %iota3A, %eq3A_43 : vector<8x512xi32>
      %convert_element_type3A_45 = arith.extui %eq3A_44 : vector<8x512xi1> to vector<8x512xi32>
      %convert_element_type3A_46 = arith.sitofp %convert_element_type3A_45 : vector<8x512xi32> to vector<8x512xf32>
      %mul3A_47 = arith.mulf %get3A_1, %convert_element_type3A_46 : vector<8x512xf32>
      %reduce_sum3A = arith.constant dense<0.000000e+00> : vector<8xf32>
      %reduce_sum3A_48 = vector.multi_reduction <add>, %mul3A_47, %reduce_sum3A [1] : vector<8x512xf32> to vector<8xf32>
      %broadcast_in_dim3A_49 = vector.shape_cast %reduce_sum3A_48 : vector<8xf32> to vector<8x1xf32>
      %mul3A_50 = arith.mulf %get3A_4, %convert_element_type3A_46 : vector<8x512xf32>
      %reduce_sum3A_51 = arith.constant dense<0.000000e+00> : vector<8xf32>
      %reduce_sum3A_52 = vector.multi_reduction <add>, %mul3A_50, %reduce_sum3A_51 [1] : vector<8x512xf32> to vector<8xf32>
      %broadcast_in_dim3A_53 = vector.shape_cast %reduce_sum3A_52 : vector<8xf32> to vector<8x1xf32>
      %mul3A_54 = arith.mulf %get3A_7, %convert_element_type3A_46 : vector<8x512xf32>
      %reduce_sum3A_55 = arith.constant dense<0.000000e+00> : vector<8xf32>
      %reduce_sum3A_56 = vector.multi_reduction <add>, %mul3A_54, %reduce_sum3A_55 [1] : vector<8x512xf32> to vector<8xf32>
      %broadcast_in_dim3A_57 = vector.shape_cast %reduce_sum3A_56 : vector<8xf32> to vector<8x1xf32>
      %broadcast_in_dim3A_58 = vector.shape_cast %broadcast_in_dim3A_49 : vector<8x1xf32> to vector<8x1xf32>
      %broadcast_in_dim3A_59 = vector.broadcast %broadcast_in_dim3A_58 : vector<8x1xf32> to vector<8x128xf32>
      %select_n3A_60 = arith.select %eq3A_40, %broadcast_in_dim3A_59, %scan3A_37 : vector<8x128xi1>, vector<8x128xf32>
      %broadcast_in_dim3A_61 = vector.shape_cast %broadcast_in_dim3A_53 : vector<8x1xf32> to vector<8x1xf32>
      %broadcast_in_dim3A_62 = vector.broadcast %broadcast_in_dim3A_61 : vector<8x1xf32> to vector<8x128xf32>
      %select_n3A_63 = arith.select %eq3A_40, %broadcast_in_dim3A_62, %scan3A_38 : vector<8x128xi1>, vector<8x128xf32>
      %broadcast_in_dim3A_64 = vector.shape_cast %broadcast_in_dim3A_57 : vector<8x1xf32> to vector<8x1xf32>
      %broadcast_in_dim3A_65 = vector.broadcast %broadcast_in_dim3A_64 : vector<8x1xf32> to vector<8x128xf32>
      %select_n3A_66 = arith.select %eq3A_40, %broadcast_in_dim3A_65, %scan3A_39 : vector<8x128xi1>, vector<8x128xf32>
      %sub3A = vector.broadcast %broadcast_in_dim3A_49 : vector<8x1xf32> to vector<8x512xf32>
      %sub3A_67 = arith.subf %get3A_1, %sub3A : vector<8x512xf32>
      %integer_pow3A = arith.mulf %sub3A_67, %sub3A_67 : vector<8x512xf32>
      %sub3A_68 = vector.broadcast %broadcast_in_dim3A_53 : vector<8x1xf32> to vector<8x512xf32>
      %sub3A_69 = arith.subf %get3A_4, %sub3A_68 : vector<8x512xf32>
      %integer_pow3A_70 = arith.mulf %sub3A_69, %sub3A_69 : vector<8x512xf32>
      %add3A = arith.addf %integer_pow3A, %integer_pow3A_70 : vector<8x512xf32>
      %sub3A_71 = vector.broadcast %broadcast_in_dim3A_57 : vector<8x1xf32> to vector<8x512xf32>
      %sub3A_72 = arith.subf %get3A_7, %sub3A_71 : vector<8x512xf32>
      %integer_pow3A_73 = arith.mulf %sub3A_72, %sub3A_72 : vector<8x512xf32>
      %add3A_74 = arith.addf %add3A, %integer_pow3A_73 : vector<8x512xf32>
      %min3A = arith.minimumf %scan3A_34, %add3A_74 : vector<8x512xf32>
      %reduce_max3A = arith.constant dense<0xFF800000> : vector<8xf32>
      %reduce_max3A_75 = vector.multi_reduction <maximumf>, %min3A, %reduce_max3A [1] : vector<8x512xf32> to vector<8xf32>
      %broadcast_in_dim3A_76 = vector.shape_cast %reduce_max3A_75 : vector<8xf32> to vector<8x1xf32>
      %eq3A_77 = vector.broadcast %broadcast_in_dim3A_76 : vector<8x1xf32> to vector<8x512xf32>
      %eq3A_78 = arith.cmpf oeq, %min3A, %eq3A_77 : vector<8x512xf32>
      %jit3A = arith.constant 512 : i32
      %broadcast_in_dim3A_79 = vector.broadcast %jit3A : i32 to vector<8x512xi32>
      %select_n3A_80 = arith.select %eq3A_78, %iota3A, %broadcast_in_dim3A_79 : vector<8x512xi1>, vector<8x512xi32>
      %reduce_min3A = arith.constant dense<2147483647> : vector<8xi32>
      %reduce_min3A_81 = vector.multi_reduction <minsi>, %select_n3A_80, %reduce_min3A [1] : vector<8x512xi32> to vector<8xi32>
      %broadcast_in_dim3A_82 = vector.shape_cast %reduce_min3A_81 : vector<8xi32> to vector<8x1xi32>
      scf.yield %min3A, %broadcast_in_dim3A_82, %select_n3A, %select_n3A_60, %select_n3A_63, %select_n3A_66 : vector<8x512xf32>, vector<8x1xi32>, vector<8x128xf32>, vector<8x128xf32>, vector<8x128xf32>, vector<8x128xf32>
    }
    %scan3A_21 = arith.constant 128 : i32
    %swap3A = arith.constant 0 : index
    %swap3A_22 = arith.constant 0 : index
    %swap3A_23 = vector.load %arg3[%swap3A, %swap3A_22] : memref<8x128xf32, #tpu.memory_space<vmem>>, vector<8x128xf32>
    tpu.vector_store %arg3[%swap3A, %swap3A_22], %scan3A_20#2 {strides = array<i32>} : memref<8x128xf32, #tpu.memory_space<vmem>>, vector<8x128xf32>,
    %swap3A_24 = arith.constant 0 : index
    %swap3A_25 = arith.constant 0 : index
    %swap3A_26 = vector.load %arg4[%swap3A_24, %swap3A_25] : memref<8x128xf32, #tpu.memory_space<vmem>>, vector<8x128xf32>
    tpu.vector_store %arg4[%swap3A_24, %swap3A_25], %scan3A_20#3 {strides = array<i32>} : memref<8x128xf32, #tpu.memory_space<vmem>>, vector<8x128xf32>,
    %swap3A_27 = arith.constant 0 : index
    %swap3A_28 = arith.constant 0 : index
    %swap3A_29 = vector.load %arg5[%swap3A_27, %swap3A_28] : memref<8x128xf32, #tpu.memory_space<vmem>>, vector<8x128xf32>
    tpu.vector_store %arg5[%swap3A_27, %swap3A_28], %scan3A_20#4 {strides = array<i32>} : memref<8x128xf32, #tpu.memory_space<vmem>>, vector<8x128xf32>,
    %swap3A_30 = arith.constant 0 : index
    %swap3A_31 = arith.constant 0 : index
    %swap3A_32 = vector.load %arg6[%swap3A_30, %swap3A_31] : memref<8x128xf32, #tpu.memory_space<vmem>>, vector<8x128xf32>
    tpu.vector_store %arg6[%swap3A_30, %swap3A_31], %scan3A_20#5 {strides = array<i32>} : memref<8x128xf32, #tpu.memory_space<vmem>>, vector<8x128xf32>,
    return
  }
}

module attributes {stable_mosaic.version = 14 : i64} {
  func.func @body(%arg0: i32, %arg1: memref<2048x3xf32, #tpu.memory_space<vmem>>, %arg2: memref<3x64xf32, #tpu.memory_space<vmem>>, %arg3: memref<1x64xf32, #tpu.memory_space<vmem>>, %arg4: memref<2048x64xf32, #tpu.memory_space<vmem>>) attributes {dimension_semantics = [#tpu.dimension_semantics<arbitrary>], iteration_bounds = array<i64: 128>, scalar_prefetch = 0 : i64, scratch_operands = 0 : i64, tpu.core_type = #tpu.core_type<tc>, window_params = [{transform_indices = @transform_0, window_bounds = array<i64: 2048, 3>}, {pipeline_mode = #tpu.pipeline_mode<synchronous>, transform_indices = @transform_1, window_bounds = array<i64: 3, 64>}, {pipeline_mode = #tpu.pipeline_mode<synchronous>, transform_indices = @transform_2, window_bounds = array<i64: 1, 64>}, {transform_indices = @transform_3, window_bounds = array<i64: 2048, 64>}]} {
    %get3A = arith.constant 0 : index
    %get3A_0 = arith.constant 0 : index
    %get3A_1 = vector.load %arg1[%get3A, %get3A_0] : memref<2048x3xf32, #tpu.memory_space<vmem>>, vector<2048x3xf32>
    %get3A_2 = arith.constant 0 : index
    %get3A_3 = arith.constant 0 : index
    %get3A_4 = vector.load %arg2[%get3A_2, %get3A_3] : memref<3x64xf32, #tpu.memory_space<vmem>>, vector<3x64xf32>
    %dot_general3A = arith.constant dense<0.000000e+00> : vector<2048x64xf32>
    %dot_general3A_5 = tpu.matmul %get3A_1, %get3A_4, %dot_general3A {dimension_numbers = #tpu.dot_dimension_numbers<[1], [0], [0], [1], [0, 0, 1, 1], [], []>, transpose_lhs_hint = false} : vector<2048x3xf32>, vector<3x64xf32>, vector<2048x64xf32> -> vector<2048x64xf32>
    %get3A_6 = arith.constant 0 : index
    %get3A_7 = arith.constant 0 : index
    %get3A_8 = vector.load %arg3[%get3A_6, %get3A_7] : memref<1x64xf32, #tpu.memory_space<vmem>>, vector<1x64xf32>
    %add3A = vector.broadcast %get3A_8 : vector<1x64xf32> to vector<2048x64xf32>
    %add3A_9 = arith.addf %dot_general3A_5, %add3A : vector<2048x64xf32>
    %swap3A = arith.constant 0 : index
    %swap3A_10 = arith.constant 0 : index
    %swap3A_11 = vector.load %arg4[%swap3A, %swap3A_10] : memref<2048x64xf32, #tpu.memory_space<vmem>>, vector<2048x64xf32>
    tpu.vector_store %arg4[%swap3A, %swap3A_10], %add3A_9 {strides = array<i32>} : memref<2048x64xf32, #tpu.memory_space<vmem>>, vector<2048x64xf32>,
    return
  }
  func.func @transform_0(%arg0: i32) -> (i32, i32) {
    %c0_i32 = arith.constant 0 : i32
    %c0_i32_0 = arith.constant 0 : i32
    return %arg0, %c0_i32 : i32, i32
  }
  func.func @transform_1(%arg0: i32) -> (i32, i32) {
    %c0_i32 = arith.constant 0 : i32
    %c0_i32_0 = arith.constant 0 : i32
    %c0_i32_1 = arith.constant 0 : i32
    return %c0_i32, %c0_i32_0 : i32, i32
  }
  func.func @transform_2(%arg0: i32) -> (i32, i32) {
    %c0_i32 = arith.constant 0 : i32
    %c0_i32_0 = arith.constant 0 : i32
    %c0_i32_1 = arith.constant 0 : i32
    return %c0_i32, %c0_i32_0 : i32, i32
  }
  func.func @transform_3(%arg0: i32) -> (i32, i32) {
    %c0_i32 = arith.constant 0 : i32
    %c0_i32_0 = arith.constant 0 : i32
    return %arg0, %c0_i32 : i32, i32
  }
}

module attributes {stable_mosaic.version = 14 : i64} {
  func.func @body(%arg0: i32, %arg1: memref<2048x64xf32, #tpu.memory_space<vmem>>, %arg2: memref<1x64xf32, #tpu.memory_space<vmem>>, %arg3: memref<1x64xf32, #tpu.memory_space<vmem>>, %arg4: memref<1x64xf32, #tpu.memory_space<vmem>>, %arg5: memref<1x64xf32, #tpu.memory_space<vmem>>, %arg6: memref<2048x64xf32, #tpu.memory_space<vmem>>) attributes {dimension_semantics = [#tpu.dimension_semantics<arbitrary>], iteration_bounds = array<i64: 128>, scalar_prefetch = 0 : i64, scratch_operands = 0 : i64, tpu.core_type = #tpu.core_type<tc>, window_params = [{transform_indices = @transform_0, window_bounds = array<i64: 2048, 64>}, {pipeline_mode = #tpu.pipeline_mode<synchronous>, transform_indices = @transform_1, window_bounds = array<i64: 1, 64>}, {pipeline_mode = #tpu.pipeline_mode<synchronous>, transform_indices = @transform_2, window_bounds = array<i64: 1, 64>}, {pipeline_mode = #tpu.pipeline_mode<synchronous>, transform_indices = @transform_3, window_bounds = array<i64: 1, 64>}, {pipeline_mode = #tpu.pipeline_mode<synchronous>, transform_indices = @transform_4, window_bounds = array<i64: 1, 64>}, {transform_indices = @transform_5, window_bounds = array<i64: 2048, 64>}]} {
    %get3A = arith.constant 0 : index
    %get3A_0 = arith.constant 0 : index
    %get3A_1 = vector.load %arg1[%get3A, %get3A_0] : memref<2048x64xf32, #tpu.memory_space<vmem>>, vector<2048x64xf32>
    %get3A_2 = arith.constant 0 : index
    %get3A_3 = arith.constant 0 : index
    %get3A_4 = vector.load %arg2[%get3A_2, %get3A_3] : memref<1x64xf32, #tpu.memory_space<vmem>>, vector<1x64xf32>
    %sub3A = vector.broadcast %get3A_4 : vector<1x64xf32> to vector<2048x64xf32>
    %sub3A_5 = arith.subf %get3A_1, %sub3A : vector<2048x64xf32>
    %get3A_6 = arith.constant 0 : index
    %get3A_7 = arith.constant 0 : index
    %get3A_8 = vector.load %arg3[%get3A_6, %get3A_7] : memref<1x64xf32, #tpu.memory_space<vmem>>, vector<1x64xf32>
    %add3A = arith.constant 9.99999974E-6 : f32
    %add3A_9 = vector.broadcast %add3A : f32 to vector<1x64xf32>
    %add3A_10 = arith.addf %get3A_8, %add3A_9 : vector<1x64xf32>
    %sqrt3A = math.sqrt %add3A_10 : vector<1x64xf32>
    %div3A = vector.broadcast %sqrt3A : vector<1x64xf32> to vector<2048x64xf32>
    %div3A_11 = arith.divf %sub3A_5, %div3A : vector<2048x64xf32>
    %get3A_12 = arith.constant 0 : index
    %get3A_13 = arith.constant 0 : index
    %get3A_14 = vector.load %arg4[%get3A_12, %get3A_13] : memref<1x64xf32, #tpu.memory_space<vmem>>, vector<1x64xf32>
    %mul3A = vector.broadcast %get3A_14 : vector<1x64xf32> to vector<2048x64xf32>
    %mul3A_15 = arith.mulf %div3A_11, %mul3A : vector<2048x64xf32>
    %get3A_16 = arith.constant 0 : index
    %get3A_17 = arith.constant 0 : index
    %get3A_18 = vector.load %arg5[%get3A_16, %get3A_17] : memref<1x64xf32, #tpu.memory_space<vmem>>, vector<1x64xf32>
    %add3A_19 = vector.broadcast %get3A_18 : vector<1x64xf32> to vector<2048x64xf32>
    %add3A_20 = arith.addf %mul3A_15, %add3A_19 : vector<2048x64xf32>
    %max3A = arith.constant 0.000000e+00 : f32
    %max3A_21 = vector.broadcast %max3A : f32 to vector<2048x64xf32>
    %max3A_22 = arith.maximumf %add3A_20, %max3A_21 : vector<2048x64xf32>
    %swap3A = arith.constant 0 : index
    %swap3A_23 = arith.constant 0 : index
    %swap3A_24 = vector.load %arg6[%swap3A, %swap3A_23] : memref<2048x64xf32, #tpu.memory_space<vmem>>, vector<2048x64xf32>
    tpu.vector_store %arg6[%swap3A, %swap3A_23], %max3A_22 {strides = array<i32>} : memref<2048x64xf32, #tpu.memory_space<vmem>>, vector<2048x64xf32>,
    return
  }
  func.func @transform_0(%arg0: i32) -> (i32, i32) {
    %c0_i32 = arith.constant 0 : i32
    %c0_i32_0 = arith.constant 0 : i32
    return %arg0, %c0_i32 : i32, i32
  }
  func.func @transform_1(%arg0: i32) -> (i32, i32) {
    %c0_i32 = arith.constant 0 : i32
    %c0_i32_0 = arith.constant 0 : i32
    %c0_i32_1 = arith.constant 0 : i32
    return %c0_i32, %c0_i32_0 : i32, i32
  }
  func.func @transform_2(%arg0: i32) -> (i32, i32) {
    %c0_i32 = arith.constant 0 : i32
    %c0_i32_0 = arith.constant 0 : i32
    %c0_i32_1 = arith.constant 0 : i32
    return %c0_i32, %c0_i32_0 : i32, i32
  }
  func.func @transform_3(%arg0: i32) -> (i32, i32) {
    %c0_i32 = arith.constant 0 : i32
    %c0_i32_0 = arith.constant 0 : i32
    %c0_i32_1 = arith.constant 0 : i32
    return %c0_i32, %c0_i32_0 : i32, i32
  }
  func.func @transform_4(%arg0: i32) -> (i32, i32) {
    %c0_i32 = arith.constant 0 : i32
    %c0_i32_0 = arith.constant 0 : i32
    %c0_i32_1 = arith.constant 0 : i32
    return %c0_i32, %c0_i32_0 : i32, i32
  }
  func.func @transform_5(%arg0: i32) -> (i32, i32) {
    %c0_i32 = arith.constant 0 : i32
    %c0_i32_0 = arith.constant 0 : i32
    return %arg0, %c0_i32 : i32, i32
  }
}

module attributes {stable_mosaic.version = 14 : i64} {
  func.func @body(%arg0: i32, %arg1: memref<2048x64xf32, #tpu.memory_space<vmem>>, %arg2: memref<64x64xf32, #tpu.memory_space<vmem>>, %arg3: memref<1x64xf32, #tpu.memory_space<vmem>>, %arg4: memref<2048x64xf32, #tpu.memory_space<vmem>>) attributes {dimension_semantics = [#tpu.dimension_semantics<arbitrary>], iteration_bounds = array<i64: 128>, scalar_prefetch = 0 : i64, scratch_operands = 0 : i64, tpu.core_type = #tpu.core_type<tc>, window_params = [{transform_indices = @transform_0, window_bounds = array<i64: 2048, 64>}, {pipeline_mode = #tpu.pipeline_mode<synchronous>, transform_indices = @transform_1, window_bounds = array<i64: 64, 64>}, {pipeline_mode = #tpu.pipeline_mode<synchronous>, transform_indices = @transform_2, window_bounds = array<i64: 1, 64>}, {transform_indices = @transform_3, window_bounds = array<i64: 2048, 64>}]} {
    %get3A = arith.constant 0 : index
    %get3A_0 = arith.constant 0 : index
    %get3A_1 = vector.load %arg1[%get3A, %get3A_0] : memref<2048x64xf32, #tpu.memory_space<vmem>>, vector<2048x64xf32>
    %get3A_2 = arith.constant 0 : index
    %get3A_3 = arith.constant 0 : index
    %get3A_4 = vector.load %arg2[%get3A_2, %get3A_3] : memref<64x64xf32, #tpu.memory_space<vmem>>, vector<64x64xf32>
    %dot_general3A = arith.constant dense<0.000000e+00> : vector<2048x64xf32>
    %dot_general3A_5 = tpu.matmul %get3A_1, %get3A_4, %dot_general3A {dimension_numbers = #tpu.dot_dimension_numbers<[1], [0], [0], [1], [0, 0, 1, 1], [], []>, transpose_lhs_hint = false} : vector<2048x64xf32>, vector<64x64xf32>, vector<2048x64xf32> -> vector<2048x64xf32>
    %get3A_6 = arith.constant 0 : index
    %get3A_7 = arith.constant 0 : index
    %get3A_8 = vector.load %arg3[%get3A_6, %get3A_7] : memref<1x64xf32, #tpu.memory_space<vmem>>, vector<1x64xf32>
    %add3A = vector.broadcast %get3A_8 : vector<1x64xf32> to vector<2048x64xf32>
    %add3A_9 = arith.addf %dot_general3A_5, %add3A : vector<2048x64xf32>
    %swap3A = arith.constant 0 : index
    %swap3A_10 = arith.constant 0 : index
    %swap3A_11 = vector.load %arg4[%swap3A, %swap3A_10] : memref<2048x64xf32, #tpu.memory_space<vmem>>, vector<2048x64xf32>
    tpu.vector_store %arg4[%swap3A, %swap3A_10], %add3A_9 {strides = array<i32>} : memref<2048x64xf32, #tpu.memory_space<vmem>>, vector<2048x64xf32>,
    return
  }
  func.func @transform_0(%arg0: i32) -> (i32, i32) {
    %c0_i32 = arith.constant 0 : i32
    %c0_i32_0 = arith.constant 0 : i32
    return %arg0, %c0_i32 : i32, i32
  }
  func.func @transform_1(%arg0: i32) -> (i32, i32) {
    %c0_i32 = arith.constant 0 : i32
    %c0_i32_0 = arith.constant 0 : i32
    %c0_i32_1 = arith.constant 0 : i32
    return %c0_i32, %c0_i32_0 : i32, i32
  }
  func.func @transform_2(%arg0: i32) -> (i32, i32) {
    %c0_i32 = arith.constant 0 : i32
    %c0_i32_0 = arith.constant 0 : i32
    %c0_i32_1 = arith.constant 0 : i32
    return %c0_i32, %c0_i32_0 : i32, i32
  }
  func.func @transform_3(%arg0: i32) -> (i32, i32) {
    %c0_i32 = arith.constant 0 : i32
    %c0_i32_0 = arith.constant 0 : i32
    return %arg0, %c0_i32 : i32, i32
  }
}

module attributes {stable_mosaic.version = 14 : i64} {
  func.func @body(%arg0: i32, %arg1: memref<2048x64xf32, #tpu.memory_space<vmem>>, %arg2: memref<64x128xf32, #tpu.memory_space<vmem>>, %arg3: memref<1x128xf32, #tpu.memory_space<vmem>>, %arg4: memref<2048x128xf32, #tpu.memory_space<vmem>>) attributes {dimension_semantics = [#tpu.dimension_semantics<arbitrary>], iteration_bounds = array<i64: 128>, scalar_prefetch = 0 : i64, scratch_operands = 0 : i64, tpu.core_type = #tpu.core_type<tc>, window_params = [{transform_indices = @transform_0, window_bounds = array<i64: 2048, 64>}, {pipeline_mode = #tpu.pipeline_mode<synchronous>, transform_indices = @transform_1, window_bounds = array<i64: 64, 128>}, {pipeline_mode = #tpu.pipeline_mode<synchronous>, transform_indices = @transform_2, window_bounds = array<i64: 1, 128>}, {transform_indices = @transform_3, window_bounds = array<i64: 2048, 128>}]} {
    %get3A = arith.constant 0 : index
    %get3A_0 = arith.constant 0 : index
    %get3A_1 = vector.load %arg1[%get3A, %get3A_0] : memref<2048x64xf32, #tpu.memory_space<vmem>>, vector<2048x64xf32>
    %get3A_2 = arith.constant 0 : index
    %get3A_3 = arith.constant 0 : index
    %get3A_4 = vector.load %arg2[%get3A_2, %get3A_3] : memref<64x128xf32, #tpu.memory_space<vmem>>, vector<64x128xf32>
    %dot_general3A = arith.constant dense<0.000000e+00> : vector<2048x128xf32>
    %dot_general3A_5 = tpu.matmul %get3A_1, %get3A_4, %dot_general3A {dimension_numbers = #tpu.dot_dimension_numbers<[1], [0], [0], [1], [0, 0, 1, 1], [], []>, transpose_lhs_hint = false} : vector<2048x64xf32>, vector<64x128xf32>, vector<2048x128xf32> -> vector<2048x128xf32>
    %get3A_6 = arith.constant 0 : index
    %get3A_7 = arith.constant 0 : index
    %get3A_8 = vector.load %arg3[%get3A_6, %get3A_7] : memref<1x128xf32, #tpu.memory_space<vmem>>, vector<1x128xf32>
    %add3A = vector.broadcast %get3A_8 : vector<1x128xf32> to vector<2048x128xf32>
    %add3A_9 = arith.addf %dot_general3A_5, %add3A : vector<2048x128xf32>
    %swap3A = arith.constant 0 : index
    %swap3A_10 = arith.constant 0 : index
    %swap3A_11 = vector.load %arg4[%swap3A, %swap3A_10] : memref<2048x128xf32, #tpu.memory_space<vmem>>, vector<2048x128xf32>
    tpu.vector_store %arg4[%swap3A, %swap3A_10], %add3A_9 {strides = array<i32>} : memref<2048x128xf32, #tpu.memory_space<vmem>>, vector<2048x128xf32>,
    return
  }
  func.func @transform_0(%arg0: i32) -> (i32, i32) {
    %c0_i32 = arith.constant 0 : i32
    %c0_i32_0 = arith.constant 0 : i32
    return %arg0, %c0_i32 : i32, i32
  }
  func.func @transform_1(%arg0: i32) -> (i32, i32) {
    %c0_i32 = arith.constant 0 : i32
    %c0_i32_0 = arith.constant 0 : i32
    %c0_i32_1 = arith.constant 0 : i32
    return %c0_i32, %c0_i32_0 : i32, i32
  }
  func.func @transform_2(%arg0: i32) -> (i32, i32) {
    %c0_i32 = arith.constant 0 : i32
    %c0_i32_0 = arith.constant 0 : i32
    %c0_i32_1 = arith.constant 0 : i32
    return %c0_i32, %c0_i32_0 : i32, i32
  }
  func.func @transform_3(%arg0: i32) -> (i32, i32) {
    %c0_i32 = arith.constant 0 : i32
    %c0_i32_0 = arith.constant 0 : i32
    return %arg0, %c0_i32 : i32, i32
  }
}

module attributes {stable_mosaic.version = 14 : i64} {
  func.func @body(%arg0: i32, %arg1: memref<64x64x128xf32, #tpu.memory_space<vmem>>, %arg2: memref<1x128xf32, #tpu.memory_space<vmem>>, %arg3: memref<1x128xf32, #tpu.memory_space<vmem>>, %arg4: memref<1x1x128xf32, #tpu.memory_space<vmem>>, %arg5: memref<1x1x128xf32, #tpu.memory_space<vmem>>, %arg6: memref<64x128xf32, #tpu.memory_space<vmem>>) attributes {dimension_semantics = [#tpu.dimension_semantics<arbitrary>], iteration_bounds = array<i64: 64>, scalar_prefetch = 0 : i64, scratch_operands = 0 : i64, tpu.core_type = #tpu.core_type<tc>, window_params = [{transform_indices = @transform_0, window_bounds = array<i64: 64, 64, 128>}, {pipeline_mode = #tpu.pipeline_mode<synchronous>, transform_indices = @transform_1, window_bounds = array<i64: 1, 128>}, {pipeline_mode = #tpu.pipeline_mode<synchronous>, transform_indices = @transform_2, window_bounds = array<i64: 1, 128>}, {pipeline_mode = #tpu.pipeline_mode<synchronous>, transform_indices = @transform_3, window_bounds = array<i64: 1, 1, 128>}, {pipeline_mode = #tpu.pipeline_mode<synchronous>, transform_indices = @transform_4, window_bounds = array<i64: 1, 1, 128>}, {transform_indices = @transform_5, window_bounds = array<i64: 64, 128>}]} {
    %get3A = arith.constant 0 : index
    %get3A_0 = arith.constant 0 : index
    %get3A_1 = arith.constant 0 : index
    %get3A_2 = vector.load %arg1[%get3A, %get3A_0, %get3A_1] : memref<64x64x128xf32, #tpu.memory_space<vmem>>, vector<64x64x128xf32>
    %get3A_3 = arith.constant 0 : index
    %get3A_4 = arith.constant 0 : index
    %get3A_5 = vector.load %arg2[%get3A_3, %get3A_4] : memref<1x128xf32, #tpu.memory_space<vmem>>, vector<1x128xf32>
    %reshape3A = vector.shape_cast %get3A_5 : vector<1x128xf32> to vector<1x1x128xf32>
    %get3A_6 = arith.constant 0 : index
    %get3A_7 = arith.constant 0 : index
    %get3A_8 = vector.load %arg3[%get3A_6, %get3A_7] : memref<1x128xf32, #tpu.memory_space<vmem>>, vector<1x128xf32>
    %reshape3A_9 = vector.shape_cast %get3A_8 : vector<1x128xf32> to vector<1x1x128xf32>
    %sub3A = vector.broadcast %reshape3A : vector<1x1x128xf32> to vector<64x64x128xf32>
    %sub3A_10 = arith.subf %get3A_2, %sub3A : vector<64x64x128xf32>
    %add3A = arith.constant 9.99999974E-6 : f32
    %add3A_11 = vector.broadcast %add3A : f32 to vector<1x1x128xf32>
    %add3A_12 = arith.addf %reshape3A_9, %add3A_11 : vector<1x1x128xf32>
    %sqrt3A = math.sqrt %add3A_12 : vector<1x1x128xf32>
    %div3A = vector.broadcast %sqrt3A : vector<1x1x128xf32> to vector<64x64x128xf32>
    %div3A_13 = arith.divf %sub3A_10, %div3A : vector<64x64x128xf32>
    %get3A_14 = arith.constant 0 : index
    %get3A_15 = arith.constant 0 : index
    %get3A_16 = arith.constant 0 : index
    %get3A_17 = vector.load %arg4[%get3A_14, %get3A_15, %get3A_16] : memref<1x1x128xf32, #tpu.memory_space<vmem>>, vector<1x1x128xf32>
    %mul3A = vector.broadcast %get3A_17 : vector<1x1x128xf32> to vector<64x64x128xf32>
    %mul3A_18 = arith.mulf %div3A_13, %mul3A : vector<64x64x128xf32>
    %get3A_19 = arith.constant 0 : index
    %get3A_20 = arith.constant 0 : index
    %get3A_21 = arith.constant 0 : index
    %get3A_22 = vector.load %arg5[%get3A_19, %get3A_20, %get3A_21] : memref<1x1x128xf32, #tpu.memory_space<vmem>>, vector<1x1x128xf32>
    %add3A_23 = vector.broadcast %get3A_22 : vector<1x1x128xf32> to vector<64x64x128xf32>
    %add3A_24 = arith.addf %mul3A_18, %add3A_23 : vector<64x64x128xf32>
    %max3A = arith.constant 0.000000e+00 : f32
    %max3A_25 = vector.broadcast %max3A : f32 to vector<64x64x128xf32>
    %max3A_26 = arith.maximumf %add3A_24, %max3A_25 : vector<64x64x128xf32>
    %reduce_max3A = arith.constant dense<0xFF800000> : vector<64x128xf32>
    %reduce_max3A_27 = vector.multi_reduction <maximumf>, %max3A_26, %reduce_max3A [1] : vector<64x64x128xf32> to vector<64x128xf32>
    %swap3A = arith.constant 0 : index
    %swap3A_28 = arith.constant 0 : index
    %swap3A_29 = vector.load %arg6[%swap3A, %swap3A_28] : memref<64x128xf32, #tpu.memory_space<vmem>>, vector<64x128xf32>
    tpu.vector_store %arg6[%swap3A, %swap3A_28], %reduce_max3A_27 {strides = array<i32>} : memref<64x128xf32, #tpu.memory_space<vmem>>, vector<64x128xf32>,
    return
  }
  func.func @transform_0(%arg0: i32) -> (i32, i32, i32) {
    %c0_i32 = arith.constant 0 : i32
    %c0_i32_0 = arith.constant 0 : i32
    %c0_i32_1 = arith.constant 0 : i32
    return %arg0, %c0_i32, %c0_i32_0 : i32, i32, i32
  }
  func.func @transform_1(%arg0: i32) -> (i32, i32) {
    %c0_i32 = arith.constant 0 : i32
    %c0_i32_0 = arith.constant 0 : i32
    %c0_i32_1 = arith.constant 0 : i32
    return %c0_i32, %c0_i32_0 : i32, i32
  }
  func.func @transform_2(%arg0: i32) -> (i32, i32) {
    %c0_i32 = arith.constant 0 : i32
    %c0_i32_0 = arith.constant 0 : i32
    %c0_i32_1 = arith.constant 0 : i32
    return %c0_i32, %c0_i32_0 : i32, i32
  }
  func.func @transform_3(%arg0: i32) -> (i32, i32, i32) {
    %c0_i32 = arith.constant 0 : i32
    %c0_i32_0 = arith.constant 0 : i32
    %c0_i32_1 = arith.constant 0 : i32
    %c0_i32_2 = arith.constant 0 : i32
    return %c0_i32, %c0_i32_0, %c0_i32_1 : i32, i32, i32
  }
  func.func @transform_4(%arg0: i32) -> (i32, i32, i32) {
    %c0_i32 = arith.constant 0 : i32
    %c0_i32_0 = arith.constant 0 : i32
    %c0_i32_1 = arith.constant 0 : i32
    %c0_i32_2 = arith.constant 0 : i32
    return %c0_i32, %c0_i32_0, %c0_i32_1 : i32, i32, i32
  }
  func.func @transform_5(%arg0: i32) -> (i32, i32) {
    %c0_i32 = arith.constant 0 : i32
    %c0_i32_0 = arith.constant 0 : i32
    return %arg0, %c0_i32 : i32, i32
  }
}

module attributes {stable_mosaic.version = 14 : i64} {
  func.func @body(%arg0: i32, %arg1: i32, %arg2: memref<1x1x1024x1xi32, #tpu.memory_space<vmem>>, %arg3: memref<1x512x128xf32, #tpu.memory_space<vmem>>, %arg4: memref<1x1x1024x128xf32, #tpu.memory_space<vmem>>) attributes {dimension_semantics = [#tpu.dimension_semantics<arbitrary>, #tpu.dimension_semantics<arbitrary>], iteration_bounds = array<i64: 8, 8>, scalar_prefetch = 0 : i64, scratch_operands = 0 : i64, tpu.core_type = #tpu.core_type<tc>, window_params = [{transform_indices = @transform_0, window_bounds = array<i64: 1, 1, 1024, 1>}, {transform_indices = @transform_1, window_bounds = array<i64: 1, 512, 128>}, {transform_indices = @transform_2, window_bounds = array<i64: 1, 1, 1024, 128>}]} {
    %get3A = arith.constant 0 : index
    %get3A_0 = arith.constant 0 : index
    %get3A_1 = arith.constant 0 : index
    %get3A_2 = arith.constant 0 : index
    %get3A_3 = vector.load %arg2[%get3A, %get3A_0, %get3A_1, %get3A_2] : memref<1x1x1024x1xi32, #tpu.memory_space<vmem>>, vector<1x1x1024x1xi32>
    %reshape3A = vector.shape_cast %get3A_3 : vector<1x1x1024x1xi32> to vector<1024x1xi32>
    %iota3A = tpu.iota {dimensions = array<i32: 1>} : vector<1024x512xi32>
    %eq3A = vector.broadcast %reshape3A : vector<1024x1xi32> to vector<1024x512xi32>
    %eq3A_4 = arith.cmpi eq, %eq3A, %iota3A : vector<1024x512xi32>
    %convert_element_type3A = arith.extui %eq3A_4 : vector<1024x512xi1> to vector<1024x512xi32>
    %convert_element_type3A_5 = arith.sitofp %convert_element_type3A : vector<1024x512xi32> to vector<1024x512xf32>
    %get3A_6 = arith.constant 0 : index
    %get3A_7 = arith.constant 0 : index
    %get3A_8 = arith.constant 0 : index
    %get3A_9 = vector.load %arg3[%get3A_6, %get3A_7, %get3A_8] : memref<1x512x128xf32, #tpu.memory_space<vmem>>, vector<1x512x128xf32>
    %reshape3A_10 = vector.shape_cast %get3A_9 : vector<1x512x128xf32> to vector<512x128xf32>
    %dot_general3A = arith.constant dense<0.000000e+00> : vector<1024x128xf32>
    %dot_general3A_11 = tpu.matmul %convert_element_type3A_5, %reshape3A_10, %dot_general3A {dimension_numbers = #tpu.dot_dimension_numbers<[1], [0], [0], [1], [0, 0, 1, 1], [], []>, transpose_lhs_hint = false} : vector<1024x512xf32>, vector<512x128xf32>, vector<1024x128xf32> -> vector<1024x128xf32>
    %reshape3A_12 = vector.shape_cast %dot_general3A_11 : vector<1024x128xf32> to vector<1x1x1024x128xf32>
    %swap3A = arith.constant 0 : index
    %swap3A_13 = arith.constant 0 : index
    %swap3A_14 = arith.constant 0 : index
    %swap3A_15 = arith.constant 0 : index
    %swap3A_16 = vector.load %arg4[%swap3A, %swap3A_13, %swap3A_14, %swap3A_15] : memref<1x1x1024x128xf32, #tpu.memory_space<vmem>>, vector<1x1x1024x128xf32>
    tpu.vector_store %arg4[%swap3A, %swap3A_13, %swap3A_14, %swap3A_15], %reshape3A_12 {strides = array<i32>} : memref<1x1x1024x128xf32, #tpu.memory_space<vmem>>, vector<1x1x1024x128xf32>,
    return
  }
  func.func @transform_0(%arg0: i32, %arg1: i32) -> (i32, i32, i32, i32) {
    %c0_i32 = arith.constant 0 : i32
    %c0_i32_0 = arith.constant 0 : i32
    %c0_i32_1 = arith.constant 0 : i32
    return %arg0, %arg1, %c0_i32, %c0_i32_0 : i32, i32, i32, i32
  }
  func.func @transform_1(%arg0: i32, %arg1: i32) -> (i32, i32, i32) {
    %c0_i32 = arith.constant 0 : i32
    %c0_i32_0 = arith.constant 0 : i32
    %c0_i32_1 = arith.constant 0 : i32
    return %arg0, %c0_i32, %c0_i32_0 : i32, i32, i32
  }
  func.func @transform_2(%arg0: i32, %arg1: i32) -> (i32, i32, i32, i32) {
    %c0_i32 = arith.constant 0 : i32
    %c0_i32_0 = arith.constant 0 : i32
    %c0_i32_1 = arith.constant 0 : i32
    return %arg0, %arg1, %c0_i32, %c0_i32_0 : i32, i32, i32, i32
  }
}

module attributes {stable_mosaic.version = 14 : i64} {
  func.func @body(%arg0: i32, %arg1: memref<2048x131xf32, #tpu.memory_space<vmem>>, %arg2: memref<131x128xf32, #tpu.memory_space<vmem>>, %arg3: memref<1x128xf32, #tpu.memory_space<vmem>>, %arg4: memref<2048x128xf32, #tpu.memory_space<vmem>>) attributes {dimension_semantics = [#tpu.dimension_semantics<arbitrary>], iteration_bounds = array<i64: 32>, scalar_prefetch = 0 : i64, scratch_operands = 0 : i64, tpu.core_type = #tpu.core_type<tc>, window_params = [{transform_indices = @transform_0, window_bounds = array<i64: 2048, 131>}, {pipeline_mode = #tpu.pipeline_mode<synchronous>, transform_indices = @transform_1, window_bounds = array<i64: 131, 128>}, {pipeline_mode = #tpu.pipeline_mode<synchronous>, transform_indices = @transform_2, window_bounds = array<i64: 1, 128>}, {transform_indices = @transform_3, window_bounds = array<i64: 2048, 128>}]} {
    %get3A = arith.constant 0 : index
    %get3A_0 = arith.constant 0 : index
    %get3A_1 = vector.load %arg1[%get3A, %get3A_0] : memref<2048x131xf32, #tpu.memory_space<vmem>>, vector<2048x131xf32>
    %get3A_2 = arith.constant 0 : index
    %get3A_3 = arith.constant 0 : index
    %get3A_4 = vector.load %arg2[%get3A_2, %get3A_3] : memref<131x128xf32, #tpu.memory_space<vmem>>, vector<131x128xf32>
    %dot_general3A = arith.constant dense<0.000000e+00> : vector<2048x128xf32>
    %dot_general3A_5 = tpu.matmul %get3A_1, %get3A_4, %dot_general3A {dimension_numbers = #tpu.dot_dimension_numbers<[1], [0], [0], [1], [0, 0, 1, 1], [], []>, transpose_lhs_hint = false} : vector<2048x131xf32>, vector<131x128xf32>, vector<2048x128xf32> -> vector<2048x128xf32>
    %get3A_6 = arith.constant 0 : index
    %get3A_7 = arith.constant 0 : index
    %get3A_8 = vector.load %arg3[%get3A_6, %get3A_7] : memref<1x128xf32, #tpu.memory_space<vmem>>, vector<1x128xf32>
    %add3A = vector.broadcast %get3A_8 : vector<1x128xf32> to vector<2048x128xf32>
    %add3A_9 = arith.addf %dot_general3A_5, %add3A : vector<2048x128xf32>
    %swap3A = arith.constant 0 : index
    %swap3A_10 = arith.constant 0 : index
    %swap3A_11 = vector.load %arg4[%swap3A, %swap3A_10] : memref<2048x128xf32, #tpu.memory_space<vmem>>, vector<2048x128xf32>
    tpu.vector_store %arg4[%swap3A, %swap3A_10], %add3A_9 {strides = array<i32>} : memref<2048x128xf32, #tpu.memory_space<vmem>>, vector<2048x128xf32>,
    return
  }
  func.func @transform_0(%arg0: i32) -> (i32, i32) {
    %c0_i32 = arith.constant 0 : i32
    %c0_i32_0 = arith.constant 0 : i32
    return %arg0, %c0_i32 : i32, i32
  }
  func.func @transform_1(%arg0: i32) -> (i32, i32) {
    %c0_i32 = arith.constant 0 : i32
    %c0_i32_0 = arith.constant 0 : i32
    %c0_i32_1 = arith.constant 0 : i32
    return %c0_i32, %c0_i32_0 : i32, i32
  }
  func.func @transform_2(%arg0: i32) -> (i32, i32) {
    %c0_i32 = arith.constant 0 : i32
    %c0_i32_0 = arith.constant 0 : i32
    %c0_i32_1 = arith.constant 0 : i32
    return %c0_i32, %c0_i32_0 : i32, i32
  }
  func.func @transform_3(%arg0: i32) -> (i32, i32) {
    %c0_i32 = arith.constant 0 : i32
    %c0_i32_0 = arith.constant 0 : i32
    return %arg0, %c0_i32 : i32, i32
  }
}

module attributes {stable_mosaic.version = 14 : i64} {
  func.func @body(%arg0: i32, %arg1: memref<2048x128xf32, #tpu.memory_space<vmem>>, %arg2: memref<1x128xf32, #tpu.memory_space<vmem>>, %arg3: memref<1x128xf32, #tpu.memory_space<vmem>>, %arg4: memref<1x128xf32, #tpu.memory_space<vmem>>, %arg5: memref<1x128xf32, #tpu.memory_space<vmem>>, %arg6: memref<2048x128xf32, #tpu.memory_space<vmem>>) attributes {dimension_semantics = [#tpu.dimension_semantics<arbitrary>], iteration_bounds = array<i64: 32>, scalar_prefetch = 0 : i64, scratch_operands = 0 : i64, tpu.core_type = #tpu.core_type<tc>, window_params = [{transform_indices = @transform_0, window_bounds = array<i64: 2048, 128>}, {pipeline_mode = #tpu.pipeline_mode<synchronous>, transform_indices = @transform_1, window_bounds = array<i64: 1, 128>}, {pipeline_mode = #tpu.pipeline_mode<synchronous>, transform_indices = @transform_2, window_bounds = array<i64: 1, 128>}, {pipeline_mode = #tpu.pipeline_mode<synchronous>, transform_indices = @transform_3, window_bounds = array<i64: 1, 128>}, {pipeline_mode = #tpu.pipeline_mode<synchronous>, transform_indices = @transform_4, window_bounds = array<i64: 1, 128>}, {transform_indices = @transform_5, window_bounds = array<i64: 2048, 128>}]} {
    %get3A = arith.constant 0 : index
    %get3A_0 = arith.constant 0 : index
    %get3A_1 = vector.load %arg1[%get3A, %get3A_0] : memref<2048x128xf32, #tpu.memory_space<vmem>>, vector<2048x128xf32>
    %get3A_2 = arith.constant 0 : index
    %get3A_3 = arith.constant 0 : index
    %get3A_4 = vector.load %arg2[%get3A_2, %get3A_3] : memref<1x128xf32, #tpu.memory_space<vmem>>, vector<1x128xf32>
    %sub3A = vector.broadcast %get3A_4 : vector<1x128xf32> to vector<2048x128xf32>
    %sub3A_5 = arith.subf %get3A_1, %sub3A : vector<2048x128xf32>
    %get3A_6 = arith.constant 0 : index
    %get3A_7 = arith.constant 0 : index
    %get3A_8 = vector.load %arg3[%get3A_6, %get3A_7] : memref<1x128xf32, #tpu.memory_space<vmem>>, vector<1x128xf32>
    %add3A = arith.constant 9.99999974E-6 : f32
    %add3A_9 = vector.broadcast %add3A : f32 to vector<1x128xf32>
    %add3A_10 = arith.addf %get3A_8, %add3A_9 : vector<1x128xf32>
    %sqrt3A = math.sqrt %add3A_10 : vector<1x128xf32>
    %div3A = vector.broadcast %sqrt3A : vector<1x128xf32> to vector<2048x128xf32>
    %div3A_11 = arith.divf %sub3A_5, %div3A : vector<2048x128xf32>
    %get3A_12 = arith.constant 0 : index
    %get3A_13 = arith.constant 0 : index
    %get3A_14 = vector.load %arg4[%get3A_12, %get3A_13] : memref<1x128xf32, #tpu.memory_space<vmem>>, vector<1x128xf32>
    %mul3A = vector.broadcast %get3A_14 : vector<1x128xf32> to vector<2048x128xf32>
    %mul3A_15 = arith.mulf %div3A_11, %mul3A : vector<2048x128xf32>
    %get3A_16 = arith.constant 0 : index
    %get3A_17 = arith.constant 0 : index
    %get3A_18 = vector.load %arg5[%get3A_16, %get3A_17] : memref<1x128xf32, #tpu.memory_space<vmem>>, vector<1x128xf32>
    %add3A_19 = vector.broadcast %get3A_18 : vector<1x128xf32> to vector<2048x128xf32>
    %add3A_20 = arith.addf %mul3A_15, %add3A_19 : vector<2048x128xf32>
    %max3A = arith.constant 0.000000e+00 : f32
    %max3A_21 = vector.broadcast %max3A : f32 to vector<2048x128xf32>
    %max3A_22 = arith.maximumf %add3A_20, %max3A_21 : vector<2048x128xf32>
    %swap3A = arith.constant 0 : index
    %swap3A_23 = arith.constant 0 : index
    %swap3A_24 = vector.load %arg6[%swap3A, %swap3A_23] : memref<2048x128xf32, #tpu.memory_space<vmem>>, vector<2048x128xf32>
    tpu.vector_store %arg6[%swap3A, %swap3A_23], %max3A_22 {strides = array<i32>} : memref<2048x128xf32, #tpu.memory_space<vmem>>, vector<2048x128xf32>,
    return
  }
  func.func @transform_0(%arg0: i32) -> (i32, i32) {
    %c0_i32 = arith.constant 0 : i32
    %c0_i32_0 = arith.constant 0 : i32
    return %arg0, %c0_i32 : i32, i32
  }
  func.func @transform_1(%arg0: i32) -> (i32, i32) {
    %c0_i32 = arith.constant 0 : i32
    %c0_i32_0 = arith.constant 0 : i32
    %c0_i32_1 = arith.constant 0 : i32
    return %c0_i32, %c0_i32_0 : i32, i32
  }
  func.func @transform_2(%arg0: i32) -> (i32, i32) {
    %c0_i32 = arith.constant 0 : i32
    %c0_i32_0 = arith.constant 0 : i32
    %c0_i32_1 = arith.constant 0 : i32
    return %c0_i32, %c0_i32_0 : i32, i32
  }
  func.func @transform_3(%arg0: i32) -> (i32, i32) {
    %c0_i32 = arith.constant 0 : i32
    %c0_i32_0 = arith.constant 0 : i32
    %c0_i32_1 = arith.constant 0 : i32
    return %c0_i32, %c0_i32_0 : i32, i32
  }
  func.func @transform_4(%arg0: i32) -> (i32, i32) {
    %c0_i32 = arith.constant 0 : i32
    %c0_i32_0 = arith.constant 0 : i32
    %c0_i32_1 = arith.constant 0 : i32
    return %c0_i32, %c0_i32_0 : i32, i32
  }
  func.func @transform_5(%arg0: i32) -> (i32, i32) {
    %c0_i32 = arith.constant 0 : i32
    %c0_i32_0 = arith.constant 0 : i32
    return %arg0, %c0_i32 : i32, i32
  }
}

module attributes {stable_mosaic.version = 14 : i64} {
  func.func @body(%arg0: i32, %arg1: memref<2048x128xf32, #tpu.memory_space<vmem>>, %arg2: memref<128x128xf32, #tpu.memory_space<vmem>>, %arg3: memref<1x128xf32, #tpu.memory_space<vmem>>, %arg4: memref<2048x128xf32, #tpu.memory_space<vmem>>) attributes {dimension_semantics = [#tpu.dimension_semantics<arbitrary>], iteration_bounds = array<i64: 32>, scalar_prefetch = 0 : i64, scratch_operands = 0 : i64, tpu.core_type = #tpu.core_type<tc>, window_params = [{transform_indices = @transform_0, window_bounds = array<i64: 2048, 128>}, {pipeline_mode = #tpu.pipeline_mode<synchronous>, transform_indices = @transform_1, window_bounds = array<i64: 128, 128>}, {pipeline_mode = #tpu.pipeline_mode<synchronous>, transform_indices = @transform_2, window_bounds = array<i64: 1, 128>}, {transform_indices = @transform_3, window_bounds = array<i64: 2048, 128>}]} {
    %get3A = arith.constant 0 : index
    %get3A_0 = arith.constant 0 : index
    %get3A_1 = vector.load %arg1[%get3A, %get3A_0] : memref<2048x128xf32, #tpu.memory_space<vmem>>, vector<2048x128xf32>
    %get3A_2 = arith.constant 0 : index
    %get3A_3 = arith.constant 0 : index
    %get3A_4 = vector.load %arg2[%get3A_2, %get3A_3] : memref<128x128xf32, #tpu.memory_space<vmem>>, vector<128x128xf32>
    %dot_general3A = arith.constant dense<0.000000e+00> : vector<2048x128xf32>
    %dot_general3A_5 = tpu.matmul %get3A_1, %get3A_4, %dot_general3A {dimension_numbers = #tpu.dot_dimension_numbers<[1], [0], [0], [1], [0, 0, 1, 1], [], []>, transpose_lhs_hint = false} : vector<2048x128xf32>, vector<128x128xf32>, vector<2048x128xf32> -> vector<2048x128xf32>
    %get3A_6 = arith.constant 0 : index
    %get3A_7 = arith.constant 0 : index
    %get3A_8 = vector.load %arg3[%get3A_6, %get3A_7] : memref<1x128xf32, #tpu.memory_space<vmem>>, vector<1x128xf32>
    %add3A = vector.broadcast %get3A_8 : vector<1x128xf32> to vector<2048x128xf32>
    %add3A_9 = arith.addf %dot_general3A_5, %add3A : vector<2048x128xf32>
    %swap3A = arith.constant 0 : index
    %swap3A_10 = arith.constant 0 : index
    %swap3A_11 = vector.load %arg4[%swap3A, %swap3A_10] : memref<2048x128xf32, #tpu.memory_space<vmem>>, vector<2048x128xf32>
    tpu.vector_store %arg4[%swap3A, %swap3A_10], %add3A_9 {strides = array<i32>} : memref<2048x128xf32, #tpu.memory_space<vmem>>, vector<2048x128xf32>,
    return
  }
  func.func @transform_0(%arg0: i32) -> (i32, i32) {
    %c0_i32 = arith.constant 0 : i32
    %c0_i32_0 = arith.constant 0 : i32
    return %arg0, %c0_i32 : i32, i32
  }
  func.func @transform_1(%arg0: i32) -> (i32, i32) {
    %c0_i32 = arith.constant 0 : i32
    %c0_i32_0 = arith.constant 0 : i32
    %c0_i32_1 = arith.constant 0 : i32
    return %c0_i32, %c0_i32_0 : i32, i32
  }
  func.func @transform_2(%arg0: i32) -> (i32, i32) {
    %c0_i32 = arith.constant 0 : i32
    %c0_i32_0 = arith.constant 0 : i32
    %c0_i32_1 = arith.constant 0 : i32
    return %c0_i32, %c0_i32_0 : i32, i32
  }
  func.func @transform_3(%arg0: i32) -> (i32, i32) {
    %c0_i32 = arith.constant 0 : i32
    %c0_i32_0 = arith.constant 0 : i32
    return %arg0, %c0_i32 : i32, i32
  }
}

module attributes {stable_mosaic.version = 14 : i64} {
  func.func @body(%arg0: i32, %arg1: memref<2048x128xf32, #tpu.memory_space<vmem>>, %arg2: memref<128x256xf32, #tpu.memory_space<vmem>>, %arg3: memref<1x256xf32, #tpu.memory_space<vmem>>, %arg4: memref<2048x256xf32, #tpu.memory_space<vmem>>) attributes {dimension_semantics = [#tpu.dimension_semantics<arbitrary>], iteration_bounds = array<i64: 32>, scalar_prefetch = 0 : i64, scratch_operands = 0 : i64, tpu.core_type = #tpu.core_type<tc>, window_params = [{transform_indices = @transform_0, window_bounds = array<i64: 2048, 128>}, {pipeline_mode = #tpu.pipeline_mode<synchronous>, transform_indices = @transform_1, window_bounds = array<i64: 128, 256>}, {pipeline_mode = #tpu.pipeline_mode<synchronous>, transform_indices = @transform_2, window_bounds = array<i64: 1, 256>}, {transform_indices = @transform_3, window_bounds = array<i64: 2048, 256>}]} {
    %get3A = arith.constant 0 : index
    %get3A_0 = arith.constant 0 : index
    %get3A_1 = vector.load %arg1[%get3A, %get3A_0] : memref<2048x128xf32, #tpu.memory_space<vmem>>, vector<2048x128xf32>
    %get3A_2 = arith.constant 0 : index
    %get3A_3 = arith.constant 0 : index
    %get3A_4 = vector.load %arg2[%get3A_2, %get3A_3] : memref<128x256xf32, #tpu.memory_space<vmem>>, vector<128x256xf32>
    %dot_general3A = arith.constant dense<0.000000e+00> : vector<2048x256xf32>
    %dot_general3A_5 = tpu.matmul %get3A_1, %get3A_4, %dot_general3A {dimension_numbers = #tpu.dot_dimension_numbers<[1], [0], [0], [1], [0, 0, 1, 1], [], []>, transpose_lhs_hint = false} : vector<2048x128xf32>, vector<128x256xf32>, vector<2048x256xf32> -> vector<2048x256xf32>
    %get3A_6 = arith.constant 0 : index
    %get3A_7 = arith.constant 0 : index
    %get3A_8 = vector.load %arg3[%get3A_6, %get3A_7] : memref<1x256xf32, #tpu.memory_space<vmem>>, vector<1x256xf32>
    %add3A = vector.broadcast %get3A_8 : vector<1x256xf32> to vector<2048x256xf32>
    %add3A_9 = arith.addf %dot_general3A_5, %add3A : vector<2048x256xf32>
    %swap3A = arith.constant 0 : index
    %swap3A_10 = arith.constant 0 : index
    %swap3A_11 = vector.load %arg4[%swap3A, %swap3A_10] : memref<2048x256xf32, #tpu.memory_space<vmem>>, vector<2048x256xf32>
    tpu.vector_store %arg4[%swap3A, %swap3A_10], %add3A_9 {strides = array<i32>} : memref<2048x256xf32, #tpu.memory_space<vmem>>, vector<2048x256xf32>,
    return
  }
  func.func @transform_0(%arg0: i32) -> (i32, i32) {
    %c0_i32 = arith.constant 0 : i32
    %c0_i32_0 = arith.constant 0 : i32
    return %arg0, %c0_i32 : i32, i32
  }
  func.func @transform_1(%arg0: i32) -> (i32, i32) {
    %c0_i32 = arith.constant 0 : i32
    %c0_i32_0 = arith.constant 0 : i32
    %c0_i32_1 = arith.constant 0 : i32
    return %c0_i32, %c0_i32_0 : i32, i32
  }
  func.func @transform_2(%arg0: i32) -> (i32, i32) {
    %c0_i32 = arith.constant 0 : i32
    %c0_i32_0 = arith.constant 0 : i32
    %c0_i32_1 = arith.constant 0 : i32
    return %c0_i32, %c0_i32_0 : i32, i32
  }
  func.func @transform_3(%arg0: i32) -> (i32, i32) {
    %c0_i32 = arith.constant 0 : i32
    %c0_i32_0 = arith.constant 0 : i32
    return %arg0, %c0_i32 : i32, i32
  }
}

module attributes {stable_mosaic.version = 14 : i64} {
  func.func @body(%arg0: i32, %arg1: memref<32x64x256xf32, #tpu.memory_space<vmem>>, %arg2: memref<1x256xf32, #tpu.memory_space<vmem>>, %arg3: memref<1x256xf32, #tpu.memory_space<vmem>>, %arg4: memref<1x1x256xf32, #tpu.memory_space<vmem>>, %arg5: memref<1x1x256xf32, #tpu.memory_space<vmem>>, %arg6: memref<32x256xf32, #tpu.memory_space<vmem>>) attributes {dimension_semantics = [#tpu.dimension_semantics<arbitrary>], iteration_bounds = array<i64: 32>, scalar_prefetch = 0 : i64, scratch_operands = 0 : i64, tpu.core_type = #tpu.core_type<tc>, window_params = [{transform_indices = @transform_0, window_bounds = array<i64: 32, 64, 256>}, {pipeline_mode = #tpu.pipeline_mode<synchronous>, transform_indices = @transform_1, window_bounds = array<i64: 1, 256>}, {pipeline_mode = #tpu.pipeline_mode<synchronous>, transform_indices = @transform_2, window_bounds = array<i64: 1, 256>}, {pipeline_mode = #tpu.pipeline_mode<synchronous>, transform_indices = @transform_3, window_bounds = array<i64: 1, 1, 256>}, {pipeline_mode = #tpu.pipeline_mode<synchronous>, transform_indices = @transform_4, window_bounds = array<i64: 1, 1, 256>}, {transform_indices = @transform_5, window_bounds = array<i64: 32, 256>}]} {
    %get3A = arith.constant 0 : index
    %get3A_0 = arith.constant 0 : index
    %get3A_1 = arith.constant 0 : index
    %get3A_2 = vector.load %arg1[%get3A, %get3A_0, %get3A_1] : memref<32x64x256xf32, #tpu.memory_space<vmem>>, vector<32x64x256xf32>
    %get3A_3 = arith.constant 0 : index
    %get3A_4 = arith.constant 0 : index
    %get3A_5 = vector.load %arg2[%get3A_3, %get3A_4] : memref<1x256xf32, #tpu.memory_space<vmem>>, vector<1x256xf32>
    %reshape3A = vector.shape_cast %get3A_5 : vector<1x256xf32> to vector<1x1x256xf32>
    %get3A_6 = arith.constant 0 : index
    %get3A_7 = arith.constant 0 : index
    %get3A_8 = vector.load %arg3[%get3A_6, %get3A_7] : memref<1x256xf32, #tpu.memory_space<vmem>>, vector<1x256xf32>
    %reshape3A_9 = vector.shape_cast %get3A_8 : vector<1x256xf32> to vector<1x1x256xf32>
    %sub3A = vector.broadcast %reshape3A : vector<1x1x256xf32> to vector<32x64x256xf32>
    %sub3A_10 = arith.subf %get3A_2, %sub3A : vector<32x64x256xf32>
    %add3A = arith.constant 9.99999974E-6 : f32
    %add3A_11 = vector.broadcast %add3A : f32 to vector<1x1x256xf32>
    %add3A_12 = arith.addf %reshape3A_9, %add3A_11 : vector<1x1x256xf32>
    %sqrt3A = math.sqrt %add3A_12 : vector<1x1x256xf32>
    %div3A = vector.broadcast %sqrt3A : vector<1x1x256xf32> to vector<32x64x256xf32>
    %div3A_13 = arith.divf %sub3A_10, %div3A : vector<32x64x256xf32>
    %get3A_14 = arith.constant 0 : index
    %get3A_15 = arith.constant 0 : index
    %get3A_16 = arith.constant 0 : index
    %get3A_17 = vector.load %arg4[%get3A_14, %get3A_15, %get3A_16] : memref<1x1x256xf32, #tpu.memory_space<vmem>>, vector<1x1x256xf32>
    %mul3A = vector.broadcast %get3A_17 : vector<1x1x256xf32> to vector<32x64x256xf32>
    %mul3A_18 = arith.mulf %div3A_13, %mul3A : vector<32x64x256xf32>
    %get3A_19 = arith.constant 0 : index
    %get3A_20 = arith.constant 0 : index
    %get3A_21 = arith.constant 0 : index
    %get3A_22 = vector.load %arg5[%get3A_19, %get3A_20, %get3A_21] : memref<1x1x256xf32, #tpu.memory_space<vmem>>, vector<1x1x256xf32>
    %add3A_23 = vector.broadcast %get3A_22 : vector<1x1x256xf32> to vector<32x64x256xf32>
    %add3A_24 = arith.addf %mul3A_18, %add3A_23 : vector<32x64x256xf32>
    %max3A = arith.constant 0.000000e+00 : f32
    %max3A_25 = vector.broadcast %max3A : f32 to vector<32x64x256xf32>
    %max3A_26 = arith.maximumf %add3A_24, %max3A_25 : vector<32x64x256xf32>
    %reduce_max3A = arith.constant dense<0xFF800000> : vector<32x256xf32>
    %reduce_max3A_27 = vector.multi_reduction <maximumf>, %max3A_26, %reduce_max3A [1] : vector<32x64x256xf32> to vector<32x256xf32>
    %swap3A = arith.constant 0 : index
    %swap3A_28 = arith.constant 0 : index
    %swap3A_29 = vector.load %arg6[%swap3A, %swap3A_28] : memref<32x256xf32, #tpu.memory_space<vmem>>, vector<32x256xf32>
    tpu.vector_store %arg6[%swap3A, %swap3A_28], %reduce_max3A_27 {strides = array<i32>} : memref<32x256xf32, #tpu.memory_space<vmem>>, vector<32x256xf32>,
    return
  }
  func.func @transform_0(%arg0: i32) -> (i32, i32, i32) {
    %c0_i32 = arith.constant 0 : i32
    %c0_i32_0 = arith.constant 0 : i32
    %c0_i32_1 = arith.constant 0 : i32
    return %arg0, %c0_i32, %c0_i32_0 : i32, i32, i32
  }
  func.func @transform_1(%arg0: i32) -> (i32, i32) {
    %c0_i32 = arith.constant 0 : i32
    %c0_i32_0 = arith.constant 0 : i32
    %c0_i32_1 = arith.constant 0 : i32
    return %c0_i32, %c0_i32_0 : i32, i32
  }
  func.func @transform_2(%arg0: i32) -> (i32, i32) {
    %c0_i32 = arith.constant 0 : i32
    %c0_i32_0 = arith.constant 0 : i32
    %c0_i32_1 = arith.constant 0 : i32
    return %c0_i32, %c0_i32_0 : i32, i32
  }
  func.func @transform_3(%arg0: i32) -> (i32, i32, i32) {
    %c0_i32 = arith.constant 0 : i32
    %c0_i32_0 = arith.constant 0 : i32
    %c0_i32_1 = arith.constant 0 : i32
    %c0_i32_2 = arith.constant 0 : i32
    return %c0_i32, %c0_i32_0, %c0_i32_1 : i32, i32, i32
  }
  func.func @transform_4(%arg0: i32) -> (i32, i32, i32) {
    %c0_i32 = arith.constant 0 : i32
    %c0_i32_0 = arith.constant 0 : i32
    %c0_i32_1 = arith.constant 0 : i32
    %c0_i32_2 = arith.constant 0 : i32
    return %c0_i32, %c0_i32_0, %c0_i32_1 : i32, i32, i32
  }
  func.func @transform_5(%arg0: i32) -> (i32, i32) {
    %c0_i32 = arith.constant 0 : i32
    %c0_i32_0 = arith.constant 0 : i32
    return %arg0, %c0_i32 : i32, i32
  }
}

module attributes {stable_mosaic.version = 14 : i64} {
  func.func @body(%arg0: i32, %arg1: memref<1024x259xf32, #tpu.memory_space<vmem>>, %arg2: memref<259x256xf32, #tpu.memory_space<vmem>>, %arg3: memref<1x256xf32, #tpu.memory_space<vmem>>, %arg4: memref<1024x256xf32, #tpu.memory_space<vmem>>) attributes {dimension_semantics = [#tpu.dimension_semantics<arbitrary>], iteration_bounds = array<i64: 1>, scalar_prefetch = 0 : i64, scratch_operands = 0 : i64, tpu.core_type = #tpu.core_type<tc>, window_params = [{transform_indices = @transform_0, window_bounds = array<i64: 1024, 259>}, {pipeline_mode = #tpu.pipeline_mode<synchronous>, transform_indices = @transform_1, window_bounds = array<i64: 259, 256>}, {pipeline_mode = #tpu.pipeline_mode<synchronous>, transform_indices = @transform_2, window_bounds = array<i64: 1, 256>}, {transform_indices = @transform_3, window_bounds = array<i64: 1024, 256>}]} {
    %get3A = arith.constant 0 : index
    %get3A_0 = arith.constant 0 : index
    %get3A_1 = vector.load %arg1[%get3A, %get3A_0] : memref<1024x259xf32, #tpu.memory_space<vmem>>, vector<1024x259xf32>
    %get3A_2 = arith.constant 0 : index
    %get3A_3 = arith.constant 0 : index
    %get3A_4 = vector.load %arg2[%get3A_2, %get3A_3] : memref<259x256xf32, #tpu.memory_space<vmem>>, vector<259x256xf32>
    %dot_general3A = arith.constant dense<0.000000e+00> : vector<1024x256xf32>
    %dot_general3A_5 = tpu.matmul %get3A_1, %get3A_4, %dot_general3A {dimension_numbers = #tpu.dot_dimension_numbers<[1], [0], [0], [1], [0, 0, 1, 1], [], []>, transpose_lhs_hint = false} : vector<1024x259xf32>, vector<259x256xf32>, vector<1024x256xf32> -> vector<1024x256xf32>
    %get3A_6 = arith.constant 0 : index
    %get3A_7 = arith.constant 0 : index
    %get3A_8 = vector.load %arg3[%get3A_6, %get3A_7] : memref<1x256xf32, #tpu.memory_space<vmem>>, vector<1x256xf32>
    %add3A = vector.broadcast %get3A_8 : vector<1x256xf32> to vector<1024x256xf32>
    %add3A_9 = arith.addf %dot_general3A_5, %add3A : vector<1024x256xf32>
    %swap3A = arith.constant 0 : index
    %swap3A_10 = arith.constant 0 : index
    %swap3A_11 = vector.load %arg4[%swap3A, %swap3A_10] : memref<1024x256xf32, #tpu.memory_space<vmem>>, vector<1024x256xf32>
    tpu.vector_store %arg4[%swap3A, %swap3A_10], %add3A_9 {strides = array<i32>} : memref<1024x256xf32, #tpu.memory_space<vmem>>, vector<1024x256xf32>,
    return
  }
  func.func @transform_0(%arg0: i32) -> (i32, i32) {
    %c0_i32 = arith.constant 0 : i32
    %c0_i32_0 = arith.constant 0 : i32
    return %arg0, %c0_i32 : i32, i32
  }
  func.func @transform_1(%arg0: i32) -> (i32, i32) {
    %c0_i32 = arith.constant 0 : i32
    %c0_i32_0 = arith.constant 0 : i32
    %c0_i32_1 = arith.constant 0 : i32
    return %c0_i32, %c0_i32_0 : i32, i32
  }
  func.func @transform_2(%arg0: i32) -> (i32, i32) {
    %c0_i32 = arith.constant 0 : i32
    %c0_i32_0 = arith.constant 0 : i32
    %c0_i32_1 = arith.constant 0 : i32
    return %c0_i32, %c0_i32_0 : i32, i32
  }
  func.func @transform_3(%arg0: i32) -> (i32, i32) {
    %c0_i32 = arith.constant 0 : i32
    %c0_i32_0 = arith.constant 0 : i32
    return %arg0, %c0_i32 : i32, i32
  }
}

module attributes {stable_mosaic.version = 14 : i64} {
  func.func @body(%arg0: i32, %arg1: memref<1024x256xf32, #tpu.memory_space<vmem>>, %arg2: memref<1x256xf32, #tpu.memory_space<vmem>>, %arg3: memref<1x256xf32, #tpu.memory_space<vmem>>, %arg4: memref<1x256xf32, #tpu.memory_space<vmem>>, %arg5: memref<1x256xf32, #tpu.memory_space<vmem>>, %arg6: memref<1024x256xf32, #tpu.memory_space<vmem>>) attributes {dimension_semantics = [#tpu.dimension_semantics<arbitrary>], iteration_bounds = array<i64: 1>, scalar_prefetch = 0 : i64, scratch_operands = 0 : i64, tpu.core_type = #tpu.core_type<tc>, window_params = [{transform_indices = @transform_0, window_bounds = array<i64: 1024, 256>}, {pipeline_mode = #tpu.pipeline_mode<synchronous>, transform_indices = @transform_1, window_bounds = array<i64: 1, 256>}, {pipeline_mode = #tpu.pipeline_mode<synchronous>, transform_indices = @transform_2, window_bounds = array<i64: 1, 256>}, {pipeline_mode = #tpu.pipeline_mode<synchronous>, transform_indices = @transform_3, window_bounds = array<i64: 1, 256>}, {pipeline_mode = #tpu.pipeline_mode<synchronous>, transform_indices = @transform_4, window_bounds = array<i64: 1, 256>}, {transform_indices = @transform_5, window_bounds = array<i64: 1024, 256>}]} {
    %get3A = arith.constant 0 : index
    %get3A_0 = arith.constant 0 : index
    %get3A_1 = vector.load %arg1[%get3A, %get3A_0] : memref<1024x256xf32, #tpu.memory_space<vmem>>, vector<1024x256xf32>
    %get3A_2 = arith.constant 0 : index
    %get3A_3 = arith.constant 0 : index
    %get3A_4 = vector.load %arg2[%get3A_2, %get3A_3] : memref<1x256xf32, #tpu.memory_space<vmem>>, vector<1x256xf32>
    %sub3A = vector.broadcast %get3A_4 : vector<1x256xf32> to vector<1024x256xf32>
    %sub3A_5 = arith.subf %get3A_1, %sub3A : vector<1024x256xf32>
    %get3A_6 = arith.constant 0 : index
    %get3A_7 = arith.constant 0 : index
    %get3A_8 = vector.load %arg3[%get3A_6, %get3A_7] : memref<1x256xf32, #tpu.memory_space<vmem>>, vector<1x256xf32>
    %add3A = arith.constant 9.99999974E-6 : f32
    %add3A_9 = vector.broadcast %add3A : f32 to vector<1x256xf32>
    %add3A_10 = arith.addf %get3A_8, %add3A_9 : vector<1x256xf32>
    %sqrt3A = math.sqrt %add3A_10 : vector<1x256xf32>
    %div3A = vector.broadcast %sqrt3A : vector<1x256xf32> to vector<1024x256xf32>
    %div3A_11 = arith.divf %sub3A_5, %div3A : vector<1024x256xf32>
    %get3A_12 = arith.constant 0 : index
    %get3A_13 = arith.constant 0 : index
    %get3A_14 = vector.load %arg4[%get3A_12, %get3A_13] : memref<1x256xf32, #tpu.memory_space<vmem>>, vector<1x256xf32>
    %mul3A = vector.broadcast %get3A_14 : vector<1x256xf32> to vector<1024x256xf32>
    %mul3A_15 = arith.mulf %div3A_11, %mul3A : vector<1024x256xf32>
    %get3A_16 = arith.constant 0 : index
    %get3A_17 = arith.constant 0 : index
    %get3A_18 = vector.load %arg5[%get3A_16, %get3A_17] : memref<1x256xf32, #tpu.memory_space<vmem>>, vector<1x256xf32>
    %add3A_19 = vector.broadcast %get3A_18 : vector<1x256xf32> to vector<1024x256xf32>
    %add3A_20 = arith.addf %mul3A_15, %add3A_19 : vector<1024x256xf32>
    %max3A = arith.constant 0.000000e+00 : f32
    %max3A_21 = vector.broadcast %max3A : f32 to vector<1024x256xf32>
    %max3A_22 = arith.maximumf %add3A_20, %max3A_21 : vector<1024x256xf32>
    %swap3A = arith.constant 0 : index
    %swap3A_23 = arith.constant 0 : index
    %swap3A_24 = vector.load %arg6[%swap3A, %swap3A_23] : memref<1024x256xf32, #tpu.memory_space<vmem>>, vector<1024x256xf32>
    tpu.vector_store %arg6[%swap3A, %swap3A_23], %max3A_22 {strides = array<i32>} : memref<1024x256xf32, #tpu.memory_space<vmem>>, vector<1024x256xf32>,
    return
  }
  func.func @transform_0(%arg0: i32) -> (i32, i32) {
    %c0_i32 = arith.constant 0 : i32
    %c0_i32_0 = arith.constant 0 : i32
    return %arg0, %c0_i32 : i32, i32
  }
  func.func @transform_1(%arg0: i32) -> (i32, i32) {
    %c0_i32 = arith.constant 0 : i32
    %c0_i32_0 = arith.constant 0 : i32
    %c0_i32_1 = arith.constant 0 : i32
    return %c0_i32, %c0_i32_0 : i32, i32
  }
  func.func @transform_2(%arg0: i32) -> (i32, i32) {
    %c0_i32 = arith.constant 0 : i32
    %c0_i32_0 = arith.constant 0 : i32
    %c0_i32_1 = arith.constant 0 : i32
    return %c0_i32, %c0_i32_0 : i32, i32
  }
  func.func @transform_3(%arg0: i32) -> (i32, i32) {
    %c0_i32 = arith.constant 0 : i32
    %c0_i32_0 = arith.constant 0 : i32
    %c0_i32_1 = arith.constant 0 : i32
    return %c0_i32, %c0_i32_0 : i32, i32
  }
  func.func @transform_4(%arg0: i32) -> (i32, i32) {
    %c0_i32 = arith.constant 0 : i32
    %c0_i32_0 = arith.constant 0 : i32
    %c0_i32_1 = arith.constant 0 : i32
    return %c0_i32, %c0_i32_0 : i32, i32
  }
  func.func @transform_5(%arg0: i32) -> (i32, i32) {
    %c0_i32 = arith.constant 0 : i32
    %c0_i32_0 = arith.constant 0 : i32
    return %arg0, %c0_i32 : i32, i32
  }
}

module attributes {stable_mosaic.version = 14 : i64} {
  func.func @body(%arg0: i32, %arg1: memref<1024x256xf32, #tpu.memory_space<vmem>>, %arg2: memref<256x512xf32, #tpu.memory_space<vmem>>, %arg3: memref<1x512xf32, #tpu.memory_space<vmem>>, %arg4: memref<1024x512xf32, #tpu.memory_space<vmem>>) attributes {dimension_semantics = [#tpu.dimension_semantics<arbitrary>], iteration_bounds = array<i64: 1>, scalar_prefetch = 0 : i64, scratch_operands = 0 : i64, tpu.core_type = #tpu.core_type<tc>, window_params = [{transform_indices = @transform_0, window_bounds = array<i64: 1024, 256>}, {pipeline_mode = #tpu.pipeline_mode<synchronous>, transform_indices = @transform_1, window_bounds = array<i64: 256, 512>}, {pipeline_mode = #tpu.pipeline_mode<synchronous>, transform_indices = @transform_2, window_bounds = array<i64: 1, 512>}, {transform_indices = @transform_3, window_bounds = array<i64: 1024, 512>}]} {
    %get3A = arith.constant 0 : index
    %get3A_0 = arith.constant 0 : index
    %get3A_1 = vector.load %arg1[%get3A, %get3A_0] : memref<1024x256xf32, #tpu.memory_space<vmem>>, vector<1024x256xf32>
    %get3A_2 = arith.constant 0 : index
    %get3A_3 = arith.constant 0 : index
    %get3A_4 = vector.load %arg2[%get3A_2, %get3A_3] : memref<256x512xf32, #tpu.memory_space<vmem>>, vector<256x512xf32>
    %dot_general3A = arith.constant dense<0.000000e+00> : vector<1024x512xf32>
    %dot_general3A_5 = tpu.matmul %get3A_1, %get3A_4, %dot_general3A {dimension_numbers = #tpu.dot_dimension_numbers<[1], [0], [0], [1], [0, 0, 1, 1], [], []>, transpose_lhs_hint = false} : vector<1024x256xf32>, vector<256x512xf32>, vector<1024x512xf32> -> vector<1024x512xf32>
    %get3A_6 = arith.constant 0 : index
    %get3A_7 = arith.constant 0 : index
    %get3A_8 = vector.load %arg3[%get3A_6, %get3A_7] : memref<1x512xf32, #tpu.memory_space<vmem>>, vector<1x512xf32>
    %add3A = vector.broadcast %get3A_8 : vector<1x512xf32> to vector<1024x512xf32>
    %add3A_9 = arith.addf %dot_general3A_5, %add3A : vector<1024x512xf32>
    %swap3A = arith.constant 0 : index
    %swap3A_10 = arith.constant 0 : index
    %swap3A_11 = vector.load %arg4[%swap3A, %swap3A_10] : memref<1024x512xf32, #tpu.memory_space<vmem>>, vector<1024x512xf32>
    tpu.vector_store %arg4[%swap3A, %swap3A_10], %add3A_9 {strides = array<i32>} : memref<1024x512xf32, #tpu.memory_space<vmem>>, vector<1024x512xf32>,
    return
  }
  func.func @transform_0(%arg0: i32) -> (i32, i32) {
    %c0_i32 = arith.constant 0 : i32
    %c0_i32_0 = arith.constant 0 : i32
    return %arg0, %c0_i32 : i32, i32
  }
  func.func @transform_1(%arg0: i32) -> (i32, i32) {
    %c0_i32 = arith.constant 0 : i32
    %c0_i32_0 = arith.constant 0 : i32
    %c0_i32_1 = arith.constant 0 : i32
    return %c0_i32, %c0_i32_0 : i32, i32
  }
  func.func @transform_2(%arg0: i32) -> (i32, i32) {
    %c0_i32 = arith.constant 0 : i32
    %c0_i32_0 = arith.constant 0 : i32
    %c0_i32_1 = arith.constant 0 : i32
    return %c0_i32, %c0_i32_0 : i32, i32
  }
  func.func @transform_3(%arg0: i32) -> (i32, i32) {
    %c0_i32 = arith.constant 0 : i32
    %c0_i32_0 = arith.constant 0 : i32
    return %arg0, %c0_i32 : i32, i32
  }
}

module attributes {stable_mosaic.version = 14 : i64} {
  func.func @body(%arg0: i32, %arg1: memref<1024x512xf32, #tpu.memory_space<vmem>>, %arg2: memref<1x512xf32, #tpu.memory_space<vmem>>, %arg3: memref<1x512xf32, #tpu.memory_space<vmem>>, %arg4: memref<1x512xf32, #tpu.memory_space<vmem>>, %arg5: memref<1x512xf32, #tpu.memory_space<vmem>>, %arg6: memref<1024x512xf32, #tpu.memory_space<vmem>>) attributes {dimension_semantics = [#tpu.dimension_semantics<arbitrary>], iteration_bounds = array<i64: 1>, scalar_prefetch = 0 : i64, scratch_operands = 0 : i64, tpu.core_type = #tpu.core_type<tc>, window_params = [{transform_indices = @transform_0, window_bounds = array<i64: 1024, 512>}, {pipeline_mode = #tpu.pipeline_mode<synchronous>, transform_indices = @transform_1, window_bounds = array<i64: 1, 512>}, {pipeline_mode = #tpu.pipeline_mode<synchronous>, transform_indices = @transform_2, window_bounds = array<i64: 1, 512>}, {pipeline_mode = #tpu.pipeline_mode<synchronous>, transform_indices = @transform_3, window_bounds = array<i64: 1, 512>}, {pipeline_mode = #tpu.pipeline_mode<synchronous>, transform_indices = @transform_4, window_bounds = array<i64: 1, 512>}, {transform_indices = @transform_5, window_bounds = array<i64: 1024, 512>}]} {
    %get3A = arith.constant 0 : index
    %get3A_0 = arith.constant 0 : index
    %get3A_1 = vector.load %arg1[%get3A, %get3A_0] : memref<1024x512xf32, #tpu.memory_space<vmem>>, vector<1024x512xf32>
    %get3A_2 = arith.constant 0 : index
    %get3A_3 = arith.constant 0 : index
    %get3A_4 = vector.load %arg2[%get3A_2, %get3A_3] : memref<1x512xf32, #tpu.memory_space<vmem>>, vector<1x512xf32>
    %sub3A = vector.broadcast %get3A_4 : vector<1x512xf32> to vector<1024x512xf32>
    %sub3A_5 = arith.subf %get3A_1, %sub3A : vector<1024x512xf32>
    %get3A_6 = arith.constant 0 : index
    %get3A_7 = arith.constant 0 : index
    %get3A_8 = vector.load %arg3[%get3A_6, %get3A_7] : memref<1x512xf32, #tpu.memory_space<vmem>>, vector<1x512xf32>
    %add3A = arith.constant 9.99999974E-6 : f32
    %add3A_9 = vector.broadcast %add3A : f32 to vector<1x512xf32>
    %add3A_10 = arith.addf %get3A_8, %add3A_9 : vector<1x512xf32>
    %sqrt3A = math.sqrt %add3A_10 : vector<1x512xf32>
    %div3A = vector.broadcast %sqrt3A : vector<1x512xf32> to vector<1024x512xf32>
    %div3A_11 = arith.divf %sub3A_5, %div3A : vector<1024x512xf32>
    %get3A_12 = arith.constant 0 : index
    %get3A_13 = arith.constant 0 : index
    %get3A_14 = vector.load %arg4[%get3A_12, %get3A_13] : memref<1x512xf32, #tpu.memory_space<vmem>>, vector<1x512xf32>
    %mul3A = vector.broadcast %get3A_14 : vector<1x512xf32> to vector<1024x512xf32>
    %mul3A_15 = arith.mulf %div3A_11, %mul3A : vector<1024x512xf32>
    %get3A_16 = arith.constant 0 : index
    %get3A_17 = arith.constant 0 : index
    %get3A_18 = vector.load %arg5[%get3A_16, %get3A_17] : memref<1x512xf32, #tpu.memory_space<vmem>>, vector<1x512xf32>
    %add3A_19 = vector.broadcast %get3A_18 : vector<1x512xf32> to vector<1024x512xf32>
    %add3A_20 = arith.addf %mul3A_15, %add3A_19 : vector<1024x512xf32>
    %max3A = arith.constant 0.000000e+00 : f32
    %max3A_21 = vector.broadcast %max3A : f32 to vector<1024x512xf32>
    %max3A_22 = arith.maximumf %add3A_20, %max3A_21 : vector<1024x512xf32>
    %swap3A = arith.constant 0 : index
    %swap3A_23 = arith.constant 0 : index
    %swap3A_24 = vector.load %arg6[%swap3A, %swap3A_23] : memref<1024x512xf32, #tpu.memory_space<vmem>>, vector<1024x512xf32>
    tpu.vector_store %arg6[%swap3A, %swap3A_23], %max3A_22 {strides = array<i32>} : memref<1024x512xf32, #tpu.memory_space<vmem>>, vector<1024x512xf32>,
    return
  }
  func.func @transform_0(%arg0: i32) -> (i32, i32) {
    %c0_i32 = arith.constant 0 : i32
    %c0_i32_0 = arith.constant 0 : i32
    return %arg0, %c0_i32 : i32, i32
  }
  func.func @transform_1(%arg0: i32) -> (i32, i32) {
    %c0_i32 = arith.constant 0 : i32
    %c0_i32_0 = arith.constant 0 : i32
    %c0_i32_1 = arith.constant 0 : i32
    return %c0_i32, %c0_i32_0 : i32, i32
  }
  func.func @transform_2(%arg0: i32) -> (i32, i32) {
    %c0_i32 = arith.constant 0 : i32
    %c0_i32_0 = arith.constant 0 : i32
    %c0_i32_1 = arith.constant 0 : i32
    return %c0_i32, %c0_i32_0 : i32, i32
  }
  func.func @transform_3(%arg0: i32) -> (i32, i32) {
    %c0_i32 = arith.constant 0 : i32
    %c0_i32_0 = arith.constant 0 : i32
    %c0_i32_1 = arith.constant 0 : i32
    return %c0_i32, %c0_i32_0 : i32, i32
  }
  func.func @transform_4(%arg0: i32) -> (i32, i32) {
    %c0_i32 = arith.constant 0 : i32
    %c0_i32_0 = arith.constant 0 : i32
    %c0_i32_1 = arith.constant 0 : i32
    return %c0_i32, %c0_i32_0 : i32, i32
  }
  func.func @transform_5(%arg0: i32) -> (i32, i32) {
    %c0_i32 = arith.constant 0 : i32
    %c0_i32_0 = arith.constant 0 : i32
    return %arg0, %c0_i32 : i32, i32
  }
}

module attributes {stable_mosaic.version = 14 : i64} {
  func.func @body(%arg0: i32, %arg1: memref<1024x512xf32, #tpu.memory_space<vmem>>, %arg2: memref<512x1024xf32, #tpu.memory_space<vmem>>, %arg3: memref<1x1024xf32, #tpu.memory_space<vmem>>, %arg4: memref<1024x1024xf32, #tpu.memory_space<vmem>>) attributes {dimension_semantics = [#tpu.dimension_semantics<arbitrary>], iteration_bounds = array<i64: 1>, scalar_prefetch = 0 : i64, scratch_operands = 0 : i64, tpu.core_type = #tpu.core_type<tc>, window_params = [{transform_indices = @transform_0, window_bounds = array<i64: 1024, 512>}, {pipeline_mode = #tpu.pipeline_mode<synchronous>, transform_indices = @transform_1, window_bounds = array<i64: 512, 1024>}, {pipeline_mode = #tpu.pipeline_mode<synchronous>, transform_indices = @transform_2, window_bounds = array<i64: 1, 1024>}, {transform_indices = @transform_3, window_bounds = array<i64: 1024, 1024>}]} {
    %get3A = arith.constant 0 : index
    %get3A_0 = arith.constant 0 : index
    %get3A_1 = vector.load %arg1[%get3A, %get3A_0] : memref<1024x512xf32, #tpu.memory_space<vmem>>, vector<1024x512xf32>
    %get3A_2 = arith.constant 0 : index
    %get3A_3 = arith.constant 0 : index
    %get3A_4 = vector.load %arg2[%get3A_2, %get3A_3] : memref<512x1024xf32, #tpu.memory_space<vmem>>, vector<512x1024xf32>
    %dot_general3A = arith.constant dense<0.000000e+00> : vector<1024x1024xf32>
    %dot_general3A_5 = tpu.matmul %get3A_1, %get3A_4, %dot_general3A {dimension_numbers = #tpu.dot_dimension_numbers<[1], [0], [0], [1], [0, 0, 1, 1], [], []>, transpose_lhs_hint = false} : vector<1024x512xf32>, vector<512x1024xf32>, vector<1024x1024xf32> -> vector<1024x1024xf32>
    %get3A_6 = arith.constant 0 : index
    %get3A_7 = arith.constant 0 : index
    %get3A_8 = vector.load %arg3[%get3A_6, %get3A_7] : memref<1x1024xf32, #tpu.memory_space<vmem>>, vector<1x1024xf32>
    %add3A = vector.broadcast %get3A_8 : vector<1x1024xf32> to vector<1024x1024xf32>
    %add3A_9 = arith.addf %dot_general3A_5, %add3A : vector<1024x1024xf32>
    %swap3A = arith.constant 0 : index
    %swap3A_10 = arith.constant 0 : index
    %swap3A_11 = vector.load %arg4[%swap3A, %swap3A_10] : memref<1024x1024xf32, #tpu.memory_space<vmem>>, vector<1024x1024xf32>
    tpu.vector_store %arg4[%swap3A, %swap3A_10], %add3A_9 {strides = array<i32>} : memref<1024x1024xf32, #tpu.memory_space<vmem>>, vector<1024x1024xf32>,
    return
  }
  func.func @transform_0(%arg0: i32) -> (i32, i32) {
    %c0_i32 = arith.constant 0 : i32
    %c0_i32_0 = arith.constant 0 : i32
    return %arg0, %c0_i32 : i32, i32
  }
  func.func @transform_1(%arg0: i32) -> (i32, i32) {
    %c0_i32 = arith.constant 0 : i32
    %c0_i32_0 = arith.constant 0 : i32
    %c0_i32_1 = arith.constant 0 : i32
    return %c0_i32, %c0_i32_0 : i32, i32
  }
  func.func @transform_2(%arg0: i32) -> (i32, i32) {
    %c0_i32 = arith.constant 0 : i32
    %c0_i32_0 = arith.constant 0 : i32
    %c0_i32_1 = arith.constant 0 : i32
    return %c0_i32, %c0_i32_0 : i32, i32
  }
  func.func @transform_3(%arg0: i32) -> (i32, i32) {
    %c0_i32 = arith.constant 0 : i32
    %c0_i32_0 = arith.constant 0 : i32
    return %arg0, %c0_i32 : i32, i32
  }
}

module attributes {stable_mosaic.version = 14 : i64} {
  func.func @body(%arg0: i32, %arg1: memref<8x128x1024xf32, #tpu.memory_space<vmem>>, %arg2: memref<1x1024xf32, #tpu.memory_space<vmem>>, %arg3: memref<1x1024xf32, #tpu.memory_space<vmem>>, %arg4: memref<1x1x1024xf32, #tpu.memory_space<vmem>>, %arg5: memref<1x1x1024xf32, #tpu.memory_space<vmem>>, %arg6: memref<8x1024xf32, #tpu.memory_space<vmem>>) attributes {dimension_semantics = [#tpu.dimension_semantics<arbitrary>], iteration_bounds = array<i64: 1>, scalar_prefetch = 0 : i64, scratch_operands = 0 : i64, tpu.core_type = #tpu.core_type<tc>, window_params = [{transform_indices = @transform_0, window_bounds = array<i64: 8, 128, 1024>}, {pipeline_mode = #tpu.pipeline_mode<synchronous>, transform_indices = @transform_1, window_bounds = array<i64: 1, 1024>}, {pipeline_mode = #tpu.pipeline_mode<synchronous>, transform_indices = @transform_2, window_bounds = array<i64: 1, 1024>}, {pipeline_mode = #tpu.pipeline_mode<synchronous>, transform_indices = @transform_3, window_bounds = array<i64: 1, 1, 1024>}, {pipeline_mode = #tpu.pipeline_mode<synchronous>, transform_indices = @transform_4, window_bounds = array<i64: 1, 1, 1024>}, {transform_indices = @transform_5, window_bounds = array<i64: 8, 1024>}]} {
    %get3A = arith.constant 0 : index
    %get3A_0 = arith.constant 0 : index
    %get3A_1 = arith.constant 0 : index
    %get3A_2 = vector.load %arg1[%get3A, %get3A_0, %get3A_1] : memref<8x128x1024xf32, #tpu.memory_space<vmem>>, vector<8x128x1024xf32>
    %get3A_3 = arith.constant 0 : index
    %get3A_4 = arith.constant 0 : index
    %get3A_5 = vector.load %arg2[%get3A_3, %get3A_4] : memref<1x1024xf32, #tpu.memory_space<vmem>>, vector<1x1024xf32>
    %reshape3A = vector.shape_cast %get3A_5 : vector<1x1024xf32> to vector<1x1x1024xf32>
    %get3A_6 = arith.constant 0 : index
    %get3A_7 = arith.constant 0 : index
    %get3A_8 = vector.load %arg3[%get3A_6, %get3A_7] : memref<1x1024xf32, #tpu.memory_space<vmem>>, vector<1x1024xf32>
    %reshape3A_9 = vector.shape_cast %get3A_8 : vector<1x1024xf32> to vector<1x1x1024xf32>
    %sub3A = vector.broadcast %reshape3A : vector<1x1x1024xf32> to vector<8x128x1024xf32>
    %sub3A_10 = arith.subf %get3A_2, %sub3A : vector<8x128x1024xf32>
    %add3A = arith.constant 9.99999974E-6 : f32
    %add3A_11 = vector.broadcast %add3A : f32 to vector<1x1x1024xf32>
    %add3A_12 = arith.addf %reshape3A_9, %add3A_11 : vector<1x1x1024xf32>
    %sqrt3A = math.sqrt %add3A_12 : vector<1x1x1024xf32>
    %div3A = vector.broadcast %sqrt3A : vector<1x1x1024xf32> to vector<8x128x1024xf32>
    %div3A_13 = arith.divf %sub3A_10, %div3A : vector<8x128x1024xf32>
    %get3A_14 = arith.constant 0 : index
    %get3A_15 = arith.constant 0 : index
    %get3A_16 = arith.constant 0 : index
    %get3A_17 = vector.load %arg4[%get3A_14, %get3A_15, %get3A_16] : memref<1x1x1024xf32, #tpu.memory_space<vmem>>, vector<1x1x1024xf32>
    %mul3A = vector.broadcast %get3A_17 : vector<1x1x1024xf32> to vector<8x128x1024xf32>
    %mul3A_18 = arith.mulf %div3A_13, %mul3A : vector<8x128x1024xf32>
    %get3A_19 = arith.constant 0 : index
    %get3A_20 = arith.constant 0 : index
    %get3A_21 = arith.constant 0 : index
    %get3A_22 = vector.load %arg5[%get3A_19, %get3A_20, %get3A_21] : memref<1x1x1024xf32, #tpu.memory_space<vmem>>, vector<1x1x1024xf32>
    %add3A_23 = vector.broadcast %get3A_22 : vector<1x1x1024xf32> to vector<8x128x1024xf32>
    %add3A_24 = arith.addf %mul3A_18, %add3A_23 : vector<8x128x1024xf32>
    %max3A = arith.constant 0.000000e+00 : f32
    %max3A_25 = vector.broadcast %max3A : f32 to vector<8x128x1024xf32>
    %max3A_26 = arith.maximumf %add3A_24, %max3A_25 : vector<8x128x1024xf32>
    %reduce_max3A = arith.constant dense<0xFF800000> : vector<8x1024xf32>
    %reduce_max3A_27 = vector.multi_reduction <maximumf>, %max3A_26, %reduce_max3A [1] : vector<8x128x1024xf32> to vector<8x1024xf32>
    %swap3A = arith.constant 0 : index
    %swap3A_28 = arith.constant 0 : index
    %swap3A_29 = vector.load %arg6[%swap3A, %swap3A_28] : memref<8x1024xf32, #tpu.memory_space<vmem>>, vector<8x1024xf32>
    tpu.vector_store %arg6[%swap3A, %swap3A_28], %reduce_max3A_27 {strides = array<i32>} : memref<8x1024xf32, #tpu.memory_space<vmem>>, vector<8x1024xf32>,
    return
  }
  func.func @transform_0(%arg0: i32) -> (i32, i32, i32) {
    %c0_i32 = arith.constant 0 : i32
    %c0_i32_0 = arith.constant 0 : i32
    %c0_i32_1 = arith.constant 0 : i32
    return %arg0, %c0_i32, %c0_i32_0 : i32, i32, i32
  }
  func.func @transform_1(%arg0: i32) -> (i32, i32) {
    %c0_i32 = arith.constant 0 : i32
    %c0_i32_0 = arith.constant 0 : i32
    %c0_i32_1 = arith.constant 0 : i32
    return %c0_i32, %c0_i32_0 : i32, i32
  }
  func.func @transform_2(%arg0: i32) -> (i32, i32) {
    %c0_i32 = arith.constant 0 : i32
    %c0_i32_0 = arith.constant 0 : i32
    %c0_i32_1 = arith.constant 0 : i32
    return %c0_i32, %c0_i32_0 : i32, i32
  }
  func.func @transform_3(%arg0: i32) -> (i32, i32, i32) {
    %c0_i32 = arith.constant 0 : i32
    %c0_i32_0 = arith.constant 0 : i32
    %c0_i32_1 = arith.constant 0 : i32
    %c0_i32_2 = arith.constant 0 : i32
    return %c0_i32, %c0_i32_0, %c0_i32_1 : i32, i32, i32
  }
  func.func @transform_4(%arg0: i32) -> (i32, i32, i32) {
    %c0_i32 = arith.constant 0 : i32
    %c0_i32_0 = arith.constant 0 : i32
    %c0_i32_1 = arith.constant 0 : i32
    %c0_i32_2 = arith.constant 0 : i32
    return %c0_i32, %c0_i32_0, %c0_i32_1 : i32, i32, i32
  }
  func.func @transform_5(%arg0: i32) -> (i32, i32) {
    %c0_i32 = arith.constant 0 : i32
    %c0_i32_0 = arith.constant 0 : i32
    return %arg0, %c0_i32 : i32, i32
  }
}

module attributes {stable_mosaic.version = 14 : i64} {
  func.func @body(%arg0: i32, %arg1: memref<1024x1280xf32, #tpu.memory_space<vmem>>, %arg2: memref<1280x256xf32, #tpu.memory_space<vmem>>, %arg3: memref<1x256xf32, #tpu.memory_space<vmem>>, %arg4: memref<1024x256xf32, #tpu.memory_space<vmem>>) attributes {dimension_semantics = [#tpu.dimension_semantics<arbitrary>], iteration_bounds = array<i64: 1>, scalar_prefetch = 0 : i64, scratch_operands = 0 : i64, tpu.core_type = #tpu.core_type<tc>, window_params = [{transform_indices = @transform_0, window_bounds = array<i64: 1024, 1280>}, {pipeline_mode = #tpu.pipeline_mode<synchronous>, transform_indices = @transform_1, window_bounds = array<i64: 1280, 256>}, {pipeline_mode = #tpu.pipeline_mode<synchronous>, transform_indices = @transform_2, window_bounds = array<i64: 1, 256>}, {transform_indices = @transform_3, window_bounds = array<i64: 1024, 256>}]} {
    %get3A = arith.constant 0 : index
    %get3A_0 = arith.constant 0 : index
    %get3A_1 = vector.load %arg1[%get3A, %get3A_0] : memref<1024x1280xf32, #tpu.memory_space<vmem>>, vector<1024x1280xf32>
    %get3A_2 = arith.constant 0 : index
    %get3A_3 = arith.constant 0 : index
    %get3A_4 = vector.load %arg2[%get3A_2, %get3A_3] : memref<1280x256xf32, #tpu.memory_space<vmem>>, vector<1280x256xf32>
    %dot_general3A = arith.constant dense<0.000000e+00> : vector<1024x256xf32>
    %dot_general3A_5 = tpu.matmul %get3A_1, %get3A_4, %dot_general3A {dimension_numbers = #tpu.dot_dimension_numbers<[1], [0], [0], [1], [0, 0, 1, 1], [], []>, transpose_lhs_hint = false} : vector<1024x1280xf32>, vector<1280x256xf32>, vector<1024x256xf32> -> vector<1024x256xf32>
    %get3A_6 = arith.constant 0 : index
    %get3A_7 = arith.constant 0 : index
    %get3A_8 = vector.load %arg3[%get3A_6, %get3A_7] : memref<1x256xf32, #tpu.memory_space<vmem>>, vector<1x256xf32>
    %add3A = vector.broadcast %get3A_8 : vector<1x256xf32> to vector<1024x256xf32>
    %add3A_9 = arith.addf %dot_general3A_5, %add3A : vector<1024x256xf32>
    %swap3A = arith.constant 0 : index
    %swap3A_10 = arith.constant 0 : index
    %swap3A_11 = vector.load %arg4[%swap3A, %swap3A_10] : memref<1024x256xf32, #tpu.memory_space<vmem>>, vector<1024x256xf32>
    tpu.vector_store %arg4[%swap3A, %swap3A_10], %add3A_9 {strides = array<i32>} : memref<1024x256xf32, #tpu.memory_space<vmem>>, vector<1024x256xf32>,
    return
  }
  func.func @transform_0(%arg0: i32) -> (i32, i32) {
    %c0_i32 = arith.constant 0 : i32
    %c0_i32_0 = arith.constant 0 : i32
    return %arg0, %c0_i32 : i32, i32
  }
  func.func @transform_1(%arg0: i32) -> (i32, i32) {
    %c0_i32 = arith.constant 0 : i32
    %c0_i32_0 = arith.constant 0 : i32
    %c0_i32_1 = arith.constant 0 : i32
    return %c0_i32, %c0_i32_0 : i32, i32
  }
  func.func @transform_2(%arg0: i32) -> (i32, i32) {
    %c0_i32 = arith.constant 0 : i32
    %c0_i32_0 = arith.constant 0 : i32
    %c0_i32_1 = arith.constant 0 : i32
    return %c0_i32, %c0_i32_0 : i32, i32
  }
  func.func @transform_3(%arg0: i32) -> (i32, i32) {
    %c0_i32 = arith.constant 0 : i32
    %c0_i32_0 = arith.constant 0 : i32
    return %arg0, %c0_i32 : i32, i32
  }
}

module attributes {stable_mosaic.version = 14 : i64} {
  func.func @body(%arg0: i32, %arg1: memref<1024x256xf32, #tpu.memory_space<vmem>>, %arg2: memref<256x256xf32, #tpu.memory_space<vmem>>, %arg3: memref<1x256xf32, #tpu.memory_space<vmem>>, %arg4: memref<1024x256xf32, #tpu.memory_space<vmem>>) attributes {dimension_semantics = [#tpu.dimension_semantics<arbitrary>], iteration_bounds = array<i64: 1>, scalar_prefetch = 0 : i64, scratch_operands = 0 : i64, tpu.core_type = #tpu.core_type<tc>, window_params = [{transform_indices = @transform_0, window_bounds = array<i64: 1024, 256>}, {pipeline_mode = #tpu.pipeline_mode<synchronous>, transform_indices = @transform_1, window_bounds = array<i64: 256, 256>}, {pipeline_mode = #tpu.pipeline_mode<synchronous>, transform_indices = @transform_2, window_bounds = array<i64: 1, 256>}, {transform_indices = @transform_3, window_bounds = array<i64: 1024, 256>}]} {
    %get3A = arith.constant 0 : index
    %get3A_0 = arith.constant 0 : index
    %get3A_1 = vector.load %arg1[%get3A, %get3A_0] : memref<1024x256xf32, #tpu.memory_space<vmem>>, vector<1024x256xf32>
    %get3A_2 = arith.constant 0 : index
    %get3A_3 = arith.constant 0 : index
    %get3A_4 = vector.load %arg2[%get3A_2, %get3A_3] : memref<256x256xf32, #tpu.memory_space<vmem>>, vector<256x256xf32>
    %dot_general3A = arith.constant dense<0.000000e+00> : vector<1024x256xf32>
    %dot_general3A_5 = tpu.matmul %get3A_1, %get3A_4, %dot_general3A {dimension_numbers = #tpu.dot_dimension_numbers<[1], [0], [0], [1], [0, 0, 1, 1], [], []>, transpose_lhs_hint = false} : vector<1024x256xf32>, vector<256x256xf32>, vector<1024x256xf32> -> vector<1024x256xf32>
    %get3A_6 = arith.constant 0 : index
    %get3A_7 = arith.constant 0 : index
    %get3A_8 = vector.load %arg3[%get3A_6, %get3A_7] : memref<1x256xf32, #tpu.memory_space<vmem>>, vector<1x256xf32>
    %add3A = vector.broadcast %get3A_8 : vector<1x256xf32> to vector<1024x256xf32>
    %add3A_9 = arith.addf %dot_general3A_5, %add3A : vector<1024x256xf32>
    %swap3A = arith.constant 0 : index
    %swap3A_10 = arith.constant 0 : index
    %swap3A_11 = vector.load %arg4[%swap3A, %swap3A_10] : memref<1024x256xf32, #tpu.memory_space<vmem>>, vector<1024x256xf32>
    tpu.vector_store %arg4[%swap3A, %swap3A_10], %add3A_9 {strides = array<i32>} : memref<1024x256xf32, #tpu.memory_space<vmem>>, vector<1024x256xf32>,
    return
  }
  func.func @transform_0(%arg0: i32) -> (i32, i32) {
    %c0_i32 = arith.constant 0 : i32
    %c0_i32_0 = arith.constant 0 : i32
    return %arg0, %c0_i32 : i32, i32
  }
  func.func @transform_1(%arg0: i32) -> (i32, i32) {
    %c0_i32 = arith.constant 0 : i32
    %c0_i32_0 = arith.constant 0 : i32
    %c0_i32_1 = arith.constant 0 : i32
    return %c0_i32, %c0_i32_0 : i32, i32
  }
  func.func @transform_2(%arg0: i32) -> (i32, i32) {
    %c0_i32 = arith.constant 0 : i32
    %c0_i32_0 = arith.constant 0 : i32
    %c0_i32_1 = arith.constant 0 : i32
    return %c0_i32, %c0_i32_0 : i32, i32
  }
  func.func @transform_3(%arg0: i32) -> (i32, i32) {
    %c0_i32 = arith.constant 0 : i32
    %c0_i32_0 = arith.constant 0 : i32
    return %arg0, %c0_i32 : i32, i32
  }
}

module attributes {stable_mosaic.version = 14 : i64} {
  func.func @body(%arg0: i32, %arg1: i32, %arg2: memref<1x512x128xf32, #tpu.memory_space<vmem>>, %arg3: memref<1x128x256xf32, #tpu.memory_space<vmem>>, %arg4: memref<1x512x256xf32, #tpu.memory_space<vmem>>) attributes {dimension_semantics = [#tpu.dimension_semantics<arbitrary>, #tpu.dimension_semantics<arbitrary>], iteration_bounds = array<i64: 8, 1>, scalar_prefetch = 0 : i64, scratch_operands = 0 : i64, tpu.core_type = #tpu.core_type<tc>, window_params = [{transform_indices = @transform_0, window_bounds = array<i64: 1, 512, 128>}, {transform_indices = @transform_1, window_bounds = array<i64: 1, 128, 256>}, {transform_indices = @transform_2, window_bounds = array<i64: 1, 512, 256>}]} {
    %get3A = arith.constant 0 : index
    %get3A_0 = arith.constant 0 : index
    %get3A_1 = arith.constant 0 : index
    %get3A_2 = vector.load %arg2[%get3A, %get3A_0, %get3A_1] : memref<1x512x128xf32, #tpu.memory_space<vmem>>, vector<1x512x128xf32>
    %reshape3A = vector.shape_cast %get3A_2 : vector<1x512x128xf32> to vector<512x128xf32>
    %iota3A = tpu.iota {dimensions = array<i32: 1>} : vector<512x128xi32>
    %broadcast_in_dim3A = arith.constant 0.000000e+00 : f32
    %broadcast_in_dim3A_3 = vector.broadcast %broadcast_in_dim3A : f32 to vector<512x128xf32>
    %reduce_min3A = arith.constant dense<0x7F800000> : vector<512xf32>
    %reduce_min3A_4 = vector.multi_reduction <minimumf>, %reshape3A, %reduce_min3A [1] : vector<512x128xf32> to vector<512xf32>
    %broadcast_in_dim3A_5 = vector.shape_cast %reduce_min3A_4 : vector<512xf32> to vector<512x1xf32>
    %eq3A = vector.broadcast %broadcast_in_dim3A_5 : vector<512x1xf32> to vector<512x128xf32>
    %eq3A_6 = arith.cmpf oeq, %reshape3A, %eq3A : vector<512x128xf32>
    %jit3A = arith.constant 128 : i32
    %broadcast_in_dim3A_7 = vector.broadcast %jit3A : i32 to vector<512x128xi32>
    %select_n3A = arith.select %eq3A_6, %iota3A, %broadcast_in_dim3A_7 : vector<512x128xi1>, vector<512x128xi32>
    %reduce_min3A_8 = arith.constant dense<2147483647> : vector<512xi32>
    %reduce_min3A_9 = vector.multi_reduction <minsi>, %select_n3A, %reduce_min3A_8 [1] : vector<512x128xi32> to vector<512xi32>
    %broadcast_in_dim3A_10 = vector.shape_cast %reduce_min3A_9 : vector<512xi32> to vector<512x1xi32>
    %max3A = arith.constant 0.000000e+00 : f32
    %max3A_11 = vector.broadcast %max3A : f32 to vector<512x1xf32>
    %max3A_12 = arith.maximumf %broadcast_in_dim3A_5, %max3A_11 : vector<512x1xf32>
    %add3A = arith.constant 9.99999993E-9 : f32
    %add3A_13 = vector.broadcast %add3A : f32 to vector<512x1xf32>
    %add3A_14 = arith.addf %max3A_12, %add3A_13 : vector<512x1xf32>
    %div3A = arith.constant 1.000000e+00 : f32
    %div3A_15 = vector.broadcast %div3A : f32 to vector<512x1xf32>
    %div3A_16 = arith.divf %div3A_15, %add3A_14 : vector<512x1xf32>
    %eq3A_17 = vector.broadcast %broadcast_in_dim3A_10 : vector<512x1xi32> to vector<512x128xi32>
    %eq3A_18 = arith.cmpi eq, %iota3A, %eq3A_17 : vector<512x128xi32>
    %jit3A_19 = arith.constant 1.000000e+30 : f32
    %broadcast_in_dim3A_20 = vector.broadcast %jit3A_19 : f32 to vector<512x128xf32>
    %select_n3A_21 = arith.select %eq3A_18, %broadcast_in_dim3A_20, %reshape3A : vector<512x128xi1>, vector<512x128xf32>
    %reduce_min3A_22 = arith.constant dense<0x7F800000> : vector<512xf32>
    %reduce_min3A_23 = vector.multi_reduction <minimumf>, %select_n3A_21, %reduce_min3A_22 [1] : vector<512x128xf32> to vector<512xf32>
    %broadcast_in_dim3A_24 = vector.shape_cast %reduce_min3A_23 : vector<512xf32> to vector<512x1xf32>
    %eq3A_25 = vector.broadcast %broadcast_in_dim3A_24 : vector<512x1xf32> to vector<512x128xf32>
    %eq3A_26 = arith.cmpf oeq, %select_n3A_21, %eq3A_25 : vector<512x128xf32>
    %jit3A_27 = arith.constant 128 : i32
    %broadcast_in_dim3A_28 = vector.broadcast %jit3A_27 : i32 to vector<512x128xi32>
    %select_n3A_29 = arith.select %eq3A_26, %iota3A, %broadcast_in_dim3A_28 : vector<512x128xi1>, vector<512x128xi32>
    %reduce_min3A_30 = arith.constant dense<2147483647> : vector<512xi32>
    %reduce_min3A_31 = vector.multi_reduction <minsi>, %select_n3A_29, %reduce_min3A_30 [1] : vector<512x128xi32> to vector<512xi32>
    %broadcast_in_dim3A_32 = vector.shape_cast %reduce_min3A_31 : vector<512xi32> to vector<512x1xi32>
    %max3A_33 = arith.constant 0.000000e+00 : f32
    %max3A_34 = vector.broadcast %max3A_33 : f32 to vector<512x1xf32>
    %max3A_35 = arith.maximumf %broadcast_in_dim3A_24, %max3A_34 : vector<512x1xf32>
    %add3A_36 = arith.constant 9.99999993E-9 : f32
    %add3A_37 = vector.broadcast %add3A_36 : f32 to vector<512x1xf32>
    %add3A_38 = arith.addf %max3A_35, %add3A_37 : vector<512x1xf32>
    %div3A_39 = arith.constant 1.000000e+00 : f32
    %div3A_40 = vector.broadcast %div3A_39 : f32 to vector<512x1xf32>
    %div3A_41 = arith.divf %div3A_40, %add3A_38 : vector<512x1xf32>
    %eq3A_42 = vector.broadcast %broadcast_in_dim3A_32 : vector<512x1xi32> to vector<512x128xi32>
    %eq3A_43 = arith.cmpi eq, %iota3A, %eq3A_42 : vector<512x128xi32>
    %jit3A_44 = arith.constant 1.000000e+30 : f32
    %broadcast_in_dim3A_45 = vector.broadcast %jit3A_44 : f32 to vector<512x128xf32>
    %select_n3A_46 = arith.select %eq3A_43, %broadcast_in_dim3A_45, %select_n3A_21 : vector<512x128xi1>, vector<512x128xf32>
    %reduce_min3A_47 = arith.constant dense<0x7F800000> : vector<512xf32>
    %reduce_min3A_48 = vector.multi_reduction <minimumf>, %select_n3A_46, %reduce_min3A_47 [1] : vector<512x128xf32> to vector<512xf32>
    %broadcast_in_dim3A_49 = vector.shape_cast %reduce_min3A_48 : vector<512xf32> to vector<512x1xf32>
    %eq3A_50 = vector.broadcast %broadcast_in_dim3A_49 : vector<512x1xf32> to vector<512x128xf32>
    %eq3A_51 = arith.cmpf oeq, %select_n3A_46, %eq3A_50 : vector<512x128xf32>
    %jit3A_52 = arith.constant 128 : i32
    %broadcast_in_dim3A_53 = vector.broadcast %jit3A_52 : i32 to vector<512x128xi32>
    %select_n3A_54 = arith.select %eq3A_51, %iota3A, %broadcast_in_dim3A_53 : vector<512x128xi1>, vector<512x128xi32>
    %reduce_min3A_55 = arith.constant dense<2147483647> : vector<512xi32>
    %reduce_min3A_56 = vector.multi_reduction <minsi>, %select_n3A_54, %reduce_min3A_55 [1] : vector<512x128xi32> to vector<512xi32>
    %broadcast_in_dim3A_57 = vector.shape_cast %reduce_min3A_56 : vector<512xi32> to vector<512x1xi32>
    %max3A_58 = arith.constant 0.000000e+00 : f32
    %max3A_59 = vector.broadcast %max3A_58 : f32 to vector<512x1xf32>
    %max3A_60 = arith.maximumf %broadcast_in_dim3A_49, %max3A_59 : vector<512x1xf32>
    %add3A_61 = arith.constant 9.99999993E-9 : f32
    %add3A_62 = vector.broadcast %add3A_61 : f32 to vector<512x1xf32>
    %add3A_63 = arith.addf %max3A_60, %add3A_62 : vector<512x1xf32>
    %div3A_64 = arith.constant 1.000000e+00 : f32
    %div3A_65 = vector.broadcast %div3A_64 : f32 to vector<512x1xf32>
    %div3A_66 = arith.divf %div3A_65, %add3A_63 : vector<512x1xf32>
    %eq3A_67 = vector.broadcast %broadcast_in_dim3A_57 : vector<512x1xi32> to vector<512x128xi32>
    %eq3A_68 = arith.cmpi eq, %iota3A, %eq3A_67 : vector<512x128xi32>
    %add3A_69 = arith.addf %div3A_16, %div3A_41 : vector<512x1xf32>
    %add3A_70 = arith.addf %add3A_69, %div3A_66 : vector<512x1xf32>
    %div3A_71 = arith.divf %div3A_16, %add3A_70 : vector<512x1xf32>
    %jit3A_72 = arith.constant 0.000000e+00 : f32
    %broadcast_in_dim3A_73 = vector.shape_cast %div3A_71 : vector<512x1xf32> to vector<512x1xf32>
    %broadcast_in_dim3A_74 = vector.broadcast %broadcast_in_dim3A_73 : vector<512x1xf32> to vector<512x128xf32>
    %broadcast_in_dim3A_75 = vector.broadcast %jit3A_72 : f32 to vector<512x128xf32>
    %select_n3A_76 = arith.select %eq3A_18, %broadcast_in_dim3A_74, %broadcast_in_dim3A_75 : vector<512x128xi1>, vector<512x128xf32>
    %add3A_77 = arith.addf %broadcast_in_dim3A_3, %select_n3A_76 : vector<512x128xf32>
    %div3A_78 = arith.divf %div3A_41, %add3A_70 : vector<512x1xf32>
    %jit3A_79 = arith.constant 0.000000e+00 : f32
    %broadcast_in_dim3A_80 = vector.shape_cast %div3A_78 : vector<512x1xf32> to vector<512x1xf32>
    %broadcast_in_dim3A_81 = vector.broadcast %broadcast_in_dim3A_80 : vector<512x1xf32> to vector<512x128xf32>
    %broadcast_in_dim3A_82 = vector.broadcast %jit3A_79 : f32 to vector<512x128xf32>
    %select_n3A_83 = arith.select %eq3A_43, %broadcast_in_dim3A_81, %broadcast_in_dim3A_82 : vector<512x128xi1>, vector<512x128xf32>
    %add3A_84 = arith.addf %add3A_77, %select_n3A_83 : vector<512x128xf32>
    %div3A_85 = arith.divf %div3A_66, %add3A_70 : vector<512x1xf32>
    %jit3A_86 = arith.constant 0.000000e+00 : f32
    %broadcast_in_dim3A_87 = vector.shape_cast %div3A_85 : vector<512x1xf32> to vector<512x1xf32>
    %broadcast_in_dim3A_88 = vector.broadcast %broadcast_in_dim3A_87 : vector<512x1xf32> to vector<512x128xf32>
    %broadcast_in_dim3A_89 = vector.broadcast %jit3A_86 : f32 to vector<512x128xf32>
    %select_n3A_90 = arith.select %eq3A_68, %broadcast_in_dim3A_88, %broadcast_in_dim3A_89 : vector<512x128xi1>, vector<512x128xf32>
    %add3A_91 = arith.addf %add3A_84, %select_n3A_90 : vector<512x128xf32>
    %get3A_92 = arith.constant 0 : index
    %get3A_93 = arith.constant 0 : index
    %get3A_94 = arith.constant 0 : index
    %get3A_95 = vector.load %arg3[%get3A_92, %get3A_93, %get3A_94] : memref<1x128x256xf32, #tpu.memory_space<vmem>>, vector<1x128x256xf32>
    %reshape3A_96 = vector.shape_cast %get3A_95 : vector<1x128x256xf32> to vector<128x256xf32>
    %dot_general3A = arith.constant dense<0.000000e+00> : vector<512x256xf32>
    %dot_general3A_97 = tpu.matmul %add3A_91, %reshape3A_96, %dot_general3A {dimension_numbers = #tpu.dot_dimension_numbers<[1], [0], [0], [1], [0, 0, 1, 1], [], []>, transpose_lhs_hint = false} : vector<512x128xf32>, vector<128x256xf32>, vector<512x256xf32> -> vector<512x256xf32>
    %reshape3A_98 = vector.shape_cast %dot_general3A_97 : vector<512x256xf32> to vector<1x512x256xf32>
    %swap3A = arith.constant 0 : index
    %swap3A_99 = arith.constant 0 : index
    %swap3A_100 = arith.constant 0 : index
    %swap3A_101 = vector.load %arg4[%swap3A, %swap3A_99, %swap3A_100] : memref<1x512x256xf32, #tpu.memory_space<vmem>>, vector<1x512x256xf32>
    tpu.vector_store %arg4[%swap3A, %swap3A_99, %swap3A_100], %reshape3A_98 {strides = array<i32>} : memref<1x512x256xf32, #tpu.memory_space<vmem>>, vector<1x512x256xf32>,
    return
  }
  func.func @transform_0(%arg0: i32, %arg1: i32) -> (i32, i32, i32) {
    %c0_i32 = arith.constant 0 : i32
    %c0_i32_0 = arith.constant 0 : i32
    return %arg0, %arg1, %c0_i32 : i32, i32, i32
  }
  func.func @transform_1(%arg0: i32, %arg1: i32) -> (i32, i32, i32) {
    %c0_i32 = arith.constant 0 : i32
    %c0_i32_0 = arith.constant 0 : i32
    %c0_i32_1 = arith.constant 0 : i32
    return %arg0, %c0_i32, %c0_i32_0 : i32, i32, i32
  }
  func.func @transform_2(%arg0: i32, %arg1: i32) -> (i32, i32, i32) {
    %c0_i32 = arith.constant 0 : i32
    %c0_i32_0 = arith.constant 0 : i32
    return %arg0, %arg1, %c0_i32 : i32, i32, i32
  }
}

module attributes {stable_mosaic.version = 14 : i64} {
  func.func @body(%arg0: i32, %arg1: memref<2048x384xf32, #tpu.memory_space<vmem>>, %arg2: memref<384x256xf32, #tpu.memory_space<vmem>>, %arg3: memref<1x256xf32, #tpu.memory_space<vmem>>, %arg4: memref<2048x256xf32, #tpu.memory_space<vmem>>) attributes {dimension_semantics = [#tpu.dimension_semantics<arbitrary>], iteration_bounds = array<i64: 2>, scalar_prefetch = 0 : i64, scratch_operands = 0 : i64, tpu.core_type = #tpu.core_type<tc>, window_params = [{transform_indices = @transform_0, window_bounds = array<i64: 2048, 384>}, {pipeline_mode = #tpu.pipeline_mode<synchronous>, transform_indices = @transform_1, window_bounds = array<i64: 384, 256>}, {pipeline_mode = #tpu.pipeline_mode<synchronous>, transform_indices = @transform_2, window_bounds = array<i64: 1, 256>}, {transform_indices = @transform_3, window_bounds = array<i64: 2048, 256>}]} {
    %get3A = arith.constant 0 : index
    %get3A_0 = arith.constant 0 : index
    %get3A_1 = vector.load %arg1[%get3A, %get3A_0] : memref<2048x384xf32, #tpu.memory_space<vmem>>, vector<2048x384xf32>
    %get3A_2 = arith.constant 0 : index
    %get3A_3 = arith.constant 0 : index
    %get3A_4 = vector.load %arg2[%get3A_2, %get3A_3] : memref<384x256xf32, #tpu.memory_space<vmem>>, vector<384x256xf32>
    %dot_general3A = arith.constant dense<0.000000e+00> : vector<2048x256xf32>
    %dot_general3A_5 = tpu.matmul %get3A_1, %get3A_4, %dot_general3A {dimension_numbers = #tpu.dot_dimension_numbers<[1], [0], [0], [1], [0, 0, 1, 1], [], []>, transpose_lhs_hint = false} : vector<2048x384xf32>, vector<384x256xf32>, vector<2048x256xf32> -> vector<2048x256xf32>
    %get3A_6 = arith.constant 0 : index
    %get3A_7 = arith.constant 0 : index
    %get3A_8 = vector.load %arg3[%get3A_6, %get3A_7] : memref<1x256xf32, #tpu.memory_space<vmem>>, vector<1x256xf32>
    %add3A = vector.broadcast %get3A_8 : vector<1x256xf32> to vector<2048x256xf32>
    %add3A_9 = arith.addf %dot_general3A_5, %add3A : vector<2048x256xf32>
    %swap3A = arith.constant 0 : index
    %swap3A_10 = arith.constant 0 : index
    %swap3A_11 = vector.load %arg4[%swap3A, %swap3A_10] : memref<2048x256xf32, #tpu.memory_space<vmem>>, vector<2048x256xf32>
    tpu.vector_store %arg4[%swap3A, %swap3A_10], %add3A_9 {strides = array<i32>} : memref<2048x256xf32, #tpu.memory_space<vmem>>, vector<2048x256xf32>,
    return
  }
  func.func @transform_0(%arg0: i32) -> (i32, i32) {
    %c0_i32 = arith.constant 0 : i32
    %c0_i32_0 = arith.constant 0 : i32
    return %arg0, %c0_i32 : i32, i32
  }
  func.func @transform_1(%arg0: i32) -> (i32, i32) {
    %c0_i32 = arith.constant 0 : i32
    %c0_i32_0 = arith.constant 0 : i32
    %c0_i32_1 = arith.constant 0 : i32
    return %c0_i32, %c0_i32_0 : i32, i32
  }
  func.func @transform_2(%arg0: i32) -> (i32, i32) {
    %c0_i32 = arith.constant 0 : i32
    %c0_i32_0 = arith.constant 0 : i32
    %c0_i32_1 = arith.constant 0 : i32
    return %c0_i32, %c0_i32_0 : i32, i32
  }
  func.func @transform_3(%arg0: i32) -> (i32, i32) {
    %c0_i32 = arith.constant 0 : i32
    %c0_i32_0 = arith.constant 0 : i32
    return %arg0, %c0_i32 : i32, i32
  }
}

module attributes {stable_mosaic.version = 14 : i64} {
  func.func @body(%arg0: i32, %arg1: memref<2048x256xf32, #tpu.memory_space<vmem>>, %arg2: memref<1x256xf32, #tpu.memory_space<vmem>>, %arg3: memref<1x256xf32, #tpu.memory_space<vmem>>, %arg4: memref<1x256xf32, #tpu.memory_space<vmem>>, %arg5: memref<1x256xf32, #tpu.memory_space<vmem>>, %arg6: memref<2048x256xf32, #tpu.memory_space<vmem>>) attributes {dimension_semantics = [#tpu.dimension_semantics<arbitrary>], iteration_bounds = array<i64: 2>, scalar_prefetch = 0 : i64, scratch_operands = 0 : i64, tpu.core_type = #tpu.core_type<tc>, window_params = [{transform_indices = @transform_0, window_bounds = array<i64: 2048, 256>}, {pipeline_mode = #tpu.pipeline_mode<synchronous>, transform_indices = @transform_1, window_bounds = array<i64: 1, 256>}, {pipeline_mode = #tpu.pipeline_mode<synchronous>, transform_indices = @transform_2, window_bounds = array<i64: 1, 256>}, {pipeline_mode = #tpu.pipeline_mode<synchronous>, transform_indices = @transform_3, window_bounds = array<i64: 1, 256>}, {pipeline_mode = #tpu.pipeline_mode<synchronous>, transform_indices = @transform_4, window_bounds = array<i64: 1, 256>}, {transform_indices = @transform_5, window_bounds = array<i64: 2048, 256>}]} {
    %get3A = arith.constant 0 : index
    %get3A_0 = arith.constant 0 : index
    %get3A_1 = vector.load %arg1[%get3A, %get3A_0] : memref<2048x256xf32, #tpu.memory_space<vmem>>, vector<2048x256xf32>
    %get3A_2 = arith.constant 0 : index
    %get3A_3 = arith.constant 0 : index
    %get3A_4 = vector.load %arg2[%get3A_2, %get3A_3] : memref<1x256xf32, #tpu.memory_space<vmem>>, vector<1x256xf32>
    %sub3A = vector.broadcast %get3A_4 : vector<1x256xf32> to vector<2048x256xf32>
    %sub3A_5 = arith.subf %get3A_1, %sub3A : vector<2048x256xf32>
    %get3A_6 = arith.constant 0 : index
    %get3A_7 = arith.constant 0 : index
    %get3A_8 = vector.load %arg3[%get3A_6, %get3A_7] : memref<1x256xf32, #tpu.memory_space<vmem>>, vector<1x256xf32>
    %add3A = arith.constant 9.99999974E-6 : f32
    %add3A_9 = vector.broadcast %add3A : f32 to vector<1x256xf32>
    %add3A_10 = arith.addf %get3A_8, %add3A_9 : vector<1x256xf32>
    %sqrt3A = math.sqrt %add3A_10 : vector<1x256xf32>
    %div3A = vector.broadcast %sqrt3A : vector<1x256xf32> to vector<2048x256xf32>
    %div3A_11 = arith.divf %sub3A_5, %div3A : vector<2048x256xf32>
    %get3A_12 = arith.constant 0 : index
    %get3A_13 = arith.constant 0 : index
    %get3A_14 = vector.load %arg4[%get3A_12, %get3A_13] : memref<1x256xf32, #tpu.memory_space<vmem>>, vector<1x256xf32>
    %mul3A = vector.broadcast %get3A_14 : vector<1x256xf32> to vector<2048x256xf32>
    %mul3A_15 = arith.mulf %div3A_11, %mul3A : vector<2048x256xf32>
    %get3A_16 = arith.constant 0 : index
    %get3A_17 = arith.constant 0 : index
    %get3A_18 = vector.load %arg5[%get3A_16, %get3A_17] : memref<1x256xf32, #tpu.memory_space<vmem>>, vector<1x256xf32>
    %add3A_19 = vector.broadcast %get3A_18 : vector<1x256xf32> to vector<2048x256xf32>
    %add3A_20 = arith.addf %mul3A_15, %add3A_19 : vector<2048x256xf32>
    %max3A = arith.constant 0.000000e+00 : f32
    %max3A_21 = vector.broadcast %max3A : f32 to vector<2048x256xf32>
    %max3A_22 = arith.maximumf %add3A_20, %max3A_21 : vector<2048x256xf32>
    %swap3A = arith.constant 0 : index
    %swap3A_23 = arith.constant 0 : index
    %swap3A_24 = vector.load %arg6[%swap3A, %swap3A_23] : memref<2048x256xf32, #tpu.memory_space<vmem>>, vector<2048x256xf32>
    tpu.vector_store %arg6[%swap3A, %swap3A_23], %max3A_22 {strides = array<i32>} : memref<2048x256xf32, #tpu.memory_space<vmem>>, vector<2048x256xf32>,
    return
  }
  func.func @transform_0(%arg0: i32) -> (i32, i32) {
    %c0_i32 = arith.constant 0 : i32
    %c0_i32_0 = arith.constant 0 : i32
    return %arg0, %c0_i32 : i32, i32
  }
  func.func @transform_1(%arg0: i32) -> (i32, i32) {
    %c0_i32 = arith.constant 0 : i32
    %c0_i32_0 = arith.constant 0 : i32
    %c0_i32_1 = arith.constant 0 : i32
    return %c0_i32, %c0_i32_0 : i32, i32
  }
  func.func @transform_2(%arg0: i32) -> (i32, i32) {
    %c0_i32 = arith.constant 0 : i32
    %c0_i32_0 = arith.constant 0 : i32
    %c0_i32_1 = arith.constant 0 : i32
    return %c0_i32, %c0_i32_0 : i32, i32
  }
  func.func @transform_3(%arg0: i32) -> (i32, i32) {
    %c0_i32 = arith.constant 0 : i32
    %c0_i32_0 = arith.constant 0 : i32
    %c0_i32_1 = arith.constant 0 : i32
    return %c0_i32, %c0_i32_0 : i32, i32
  }
  func.func @transform_4(%arg0: i32) -> (i32, i32) {
    %c0_i32 = arith.constant 0 : i32
    %c0_i32_0 = arith.constant 0 : i32
    %c0_i32_1 = arith.constant 0 : i32
    return %c0_i32, %c0_i32_0 : i32, i32
  }
  func.func @transform_5(%arg0: i32) -> (i32, i32) {
    %c0_i32 = arith.constant 0 : i32
    %c0_i32_0 = arith.constant 0 : i32
    return %arg0, %c0_i32 : i32, i32
  }
}

module attributes {stable_mosaic.version = 14 : i64} {
  func.func @body(%arg0: i32, %arg1: memref<2048x256xf32, #tpu.memory_space<vmem>>, %arg2: memref<256x128xf32, #tpu.memory_space<vmem>>, %arg3: memref<1x128xf32, #tpu.memory_space<vmem>>, %arg4: memref<2048x128xf32, #tpu.memory_space<vmem>>) attributes {dimension_semantics = [#tpu.dimension_semantics<arbitrary>], iteration_bounds = array<i64: 2>, scalar_prefetch = 0 : i64, scratch_operands = 0 : i64, tpu.core_type = #tpu.core_type<tc>, window_params = [{transform_indices = @transform_0, window_bounds = array<i64: 2048, 256>}, {pipeline_mode = #tpu.pipeline_mode<synchronous>, transform_indices = @transform_1, window_bounds = array<i64: 256, 128>}, {pipeline_mode = #tpu.pipeline_mode<synchronous>, transform_indices = @transform_2, window_bounds = array<i64: 1, 128>}, {transform_indices = @transform_3, window_bounds = array<i64: 2048, 128>}]} {
    %get3A = arith.constant 0 : index
    %get3A_0 = arith.constant 0 : index
    %get3A_1 = vector.load %arg1[%get3A, %get3A_0] : memref<2048x256xf32, #tpu.memory_space<vmem>>, vector<2048x256xf32>
    %get3A_2 = arith.constant 0 : index
    %get3A_3 = arith.constant 0 : index
    %get3A_4 = vector.load %arg2[%get3A_2, %get3A_3] : memref<256x128xf32, #tpu.memory_space<vmem>>, vector<256x128xf32>
    %dot_general3A = arith.constant dense<0.000000e+00> : vector<2048x128xf32>
    %dot_general3A_5 = tpu.matmul %get3A_1, %get3A_4, %dot_general3A {dimension_numbers = #tpu.dot_dimension_numbers<[1], [0], [0], [1], [0, 0, 1, 1], [], []>, transpose_lhs_hint = false} : vector<2048x256xf32>, vector<256x128xf32>, vector<2048x128xf32> -> vector<2048x128xf32>
    %get3A_6 = arith.constant 0 : index
    %get3A_7 = arith.constant 0 : index
    %get3A_8 = vector.load %arg3[%get3A_6, %get3A_7] : memref<1x128xf32, #tpu.memory_space<vmem>>, vector<1x128xf32>
    %add3A = vector.broadcast %get3A_8 : vector<1x128xf32> to vector<2048x128xf32>
    %add3A_9 = arith.addf %dot_general3A_5, %add3A : vector<2048x128xf32>
    %swap3A = arith.constant 0 : index
    %swap3A_10 = arith.constant 0 : index
    %swap3A_11 = vector.load %arg4[%swap3A, %swap3A_10] : memref<2048x128xf32, #tpu.memory_space<vmem>>, vector<2048x128xf32>
    tpu.vector_store %arg4[%swap3A, %swap3A_10], %add3A_9 {strides = array<i32>} : memref<2048x128xf32, #tpu.memory_space<vmem>>, vector<2048x128xf32>,
    return
  }
  func.func @transform_0(%arg0: i32) -> (i32, i32) {
    %c0_i32 = arith.constant 0 : i32
    %c0_i32_0 = arith.constant 0 : i32
    return %arg0, %c0_i32 : i32, i32
  }
  func.func @transform_1(%arg0: i32) -> (i32, i32) {
    %c0_i32 = arith.constant 0 : i32
    %c0_i32_0 = arith.constant 0 : i32
    %c0_i32_1 = arith.constant 0 : i32
    return %c0_i32, %c0_i32_0 : i32, i32
  }
  func.func @transform_2(%arg0: i32) -> (i32, i32) {
    %c0_i32 = arith.constant 0 : i32
    %c0_i32_0 = arith.constant 0 : i32
    %c0_i32_1 = arith.constant 0 : i32
    return %c0_i32, %c0_i32_0 : i32, i32
  }
  func.func @transform_3(%arg0: i32) -> (i32, i32) {
    %c0_i32 = arith.constant 0 : i32
    %c0_i32_0 = arith.constant 0 : i32
    return %arg0, %c0_i32 : i32, i32
  }
}

module attributes {stable_mosaic.version = 14 : i64} {
  func.func @body(%arg0: i32, %arg1: memref<2048x128xf32, #tpu.memory_space<vmem>>, %arg2: memref<1x128xf32, #tpu.memory_space<vmem>>, %arg3: memref<1x128xf32, #tpu.memory_space<vmem>>, %arg4: memref<1x128xf32, #tpu.memory_space<vmem>>, %arg5: memref<1x128xf32, #tpu.memory_space<vmem>>, %arg6: memref<2048x128xf32, #tpu.memory_space<vmem>>) attributes {dimension_semantics = [#tpu.dimension_semantics<arbitrary>], iteration_bounds = array<i64: 2>, scalar_prefetch = 0 : i64, scratch_operands = 0 : i64, tpu.core_type = #tpu.core_type<tc>, window_params = [{transform_indices = @transform_0, window_bounds = array<i64: 2048, 128>}, {pipeline_mode = #tpu.pipeline_mode<synchronous>, transform_indices = @transform_1, window_bounds = array<i64: 1, 128>}, {pipeline_mode = #tpu.pipeline_mode<synchronous>, transform_indices = @transform_2, window_bounds = array<i64: 1, 128>}, {pipeline_mode = #tpu.pipeline_mode<synchronous>, transform_indices = @transform_3, window_bounds = array<i64: 1, 128>}, {pipeline_mode = #tpu.pipeline_mode<synchronous>, transform_indices = @transform_4, window_bounds = array<i64: 1, 128>}, {transform_indices = @transform_5, window_bounds = array<i64: 2048, 128>}]} {
    %get3A = arith.constant 0 : index
    %get3A_0 = arith.constant 0 : index
    %get3A_1 = vector.load %arg1[%get3A, %get3A_0] : memref<2048x128xf32, #tpu.memory_space<vmem>>, vector<2048x128xf32>
    %get3A_2 = arith.constant 0 : index
    %get3A_3 = arith.constant 0 : index
    %get3A_4 = vector.load %arg2[%get3A_2, %get3A_3] : memref<1x128xf32, #tpu.memory_space<vmem>>, vector<1x128xf32>
    %sub3A = vector.broadcast %get3A_4 : vector<1x128xf32> to vector<2048x128xf32>
    %sub3A_5 = arith.subf %get3A_1, %sub3A : vector<2048x128xf32>
    %get3A_6 = arith.constant 0 : index
    %get3A_7 = arith.constant 0 : index
    %get3A_8 = vector.load %arg3[%get3A_6, %get3A_7] : memref<1x128xf32, #tpu.memory_space<vmem>>, vector<1x128xf32>
    %add3A = arith.constant 9.99999974E-6 : f32
    %add3A_9 = vector.broadcast %add3A : f32 to vector<1x128xf32>
    %add3A_10 = arith.addf %get3A_8, %add3A_9 : vector<1x128xf32>
    %sqrt3A = math.sqrt %add3A_10 : vector<1x128xf32>
    %div3A = vector.broadcast %sqrt3A : vector<1x128xf32> to vector<2048x128xf32>
    %div3A_11 = arith.divf %sub3A_5, %div3A : vector<2048x128xf32>
    %get3A_12 = arith.constant 0 : index
    %get3A_13 = arith.constant 0 : index
    %get3A_14 = vector.load %arg4[%get3A_12, %get3A_13] : memref<1x128xf32, #tpu.memory_space<vmem>>, vector<1x128xf32>
    %mul3A = vector.broadcast %get3A_14 : vector<1x128xf32> to vector<2048x128xf32>
    %mul3A_15 = arith.mulf %div3A_11, %mul3A : vector<2048x128xf32>
    %get3A_16 = arith.constant 0 : index
    %get3A_17 = arith.constant 0 : index
    %get3A_18 = vector.load %arg5[%get3A_16, %get3A_17] : memref<1x128xf32, #tpu.memory_space<vmem>>, vector<1x128xf32>
    %add3A_19 = vector.broadcast %get3A_18 : vector<1x128xf32> to vector<2048x128xf32>
    %add3A_20 = arith.addf %mul3A_15, %add3A_19 : vector<2048x128xf32>
    %max3A = arith.constant 0.000000e+00 : f32
    %max3A_21 = vector.broadcast %max3A : f32 to vector<2048x128xf32>
    %max3A_22 = arith.maximumf %add3A_20, %max3A_21 : vector<2048x128xf32>
    %swap3A = arith.constant 0 : index
    %swap3A_23 = arith.constant 0 : index
    %swap3A_24 = vector.load %arg6[%swap3A, %swap3A_23] : memref<2048x128xf32, #tpu.memory_space<vmem>>, vector<2048x128xf32>
    tpu.vector_store %arg6[%swap3A, %swap3A_23], %max3A_22 {strides = array<i32>} : memref<2048x128xf32, #tpu.memory_space<vmem>>, vector<2048x128xf32>,
    return
  }
  func.func @transform_0(%arg0: i32) -> (i32, i32) {
    %c0_i32 = arith.constant 0 : i32
    %c0_i32_0 = arith.constant 0 : i32
    return %arg0, %c0_i32 : i32, i32
  }
  func.func @transform_1(%arg0: i32) -> (i32, i32) {
    %c0_i32 = arith.constant 0 : i32
    %c0_i32_0 = arith.constant 0 : i32
    %c0_i32_1 = arith.constant 0 : i32
    return %c0_i32, %c0_i32_0 : i32, i32
  }
  func.func @transform_2(%arg0: i32) -> (i32, i32) {
    %c0_i32 = arith.constant 0 : i32
    %c0_i32_0 = arith.constant 0 : i32
    %c0_i32_1 = arith.constant 0 : i32
    return %c0_i32, %c0_i32_0 : i32, i32
  }
  func.func @transform_3(%arg0: i32) -> (i32, i32) {
    %c0_i32 = arith.constant 0 : i32
    %c0_i32_0 = arith.constant 0 : i32
    %c0_i32_1 = arith.constant 0 : i32
    return %c0_i32, %c0_i32_0 : i32, i32
  }
  func.func @transform_4(%arg0: i32) -> (i32, i32) {
    %c0_i32 = arith.constant 0 : i32
    %c0_i32_0 = arith.constant 0 : i32
    %c0_i32_1 = arith.constant 0 : i32
    return %c0_i32, %c0_i32_0 : i32, i32
  }
  func.func @transform_5(%arg0: i32) -> (i32, i32) {
    %c0_i32 = arith.constant 0 : i32
    %c0_i32_0 = arith.constant 0 : i32
    return %arg0, %c0_i32 : i32, i32
  }
}

module attributes {stable_mosaic.version = 14 : i64} {
  func.func @body(%arg0: i32, %arg1: i32, %arg2: memref<1x512x512xf32, #tpu.memory_space<vmem>>, %arg3: memref<1x512x128xf32, #tpu.memory_space<vmem>>, %arg4: memref<1x512x128xf32, #tpu.memory_space<vmem>>) attributes {dimension_semantics = [#tpu.dimension_semantics<arbitrary>, #tpu.dimension_semantics<arbitrary>], iteration_bounds = array<i64: 8, 8>, scalar_prefetch = 0 : i64, scratch_operands = 0 : i64, tpu.core_type = #tpu.core_type<tc>, window_params = [{transform_indices = @transform_0, window_bounds = array<i64: 1, 512, 512>}, {transform_indices = @transform_1, window_bounds = array<i64: 1, 512, 128>}, {transform_indices = @transform_2, window_bounds = array<i64: 1, 512, 128>}]} {
    %get3A = arith.constant 0 : index
    %get3A_0 = arith.constant 0 : index
    %get3A_1 = arith.constant 0 : index
    %get3A_2 = vector.load %arg2[%get3A, %get3A_0, %get3A_1] : memref<1x512x512xf32, #tpu.memory_space<vmem>>, vector<1x512x512xf32>
    %reshape3A = vector.shape_cast %get3A_2 : vector<1x512x512xf32> to vector<512x512xf32>
    %iota3A = tpu.iota {dimensions = array<i32: 1>} : vector<512x512xi32>
    %broadcast_in_dim3A = arith.constant 0.000000e+00 : f32
    %broadcast_in_dim3A_3 = vector.broadcast %broadcast_in_dim3A : f32 to vector<512x512xf32>
    %reduce_min3A = arith.constant dense<0x7F800000> : vector<512xf32>
    %reduce_min3A_4 = vector.multi_reduction <minimumf>, %reshape3A, %reduce_min3A [1] : vector<512x512xf32> to vector<512xf32>
    %broadcast_in_dim3A_5 = vector.shape_cast %reduce_min3A_4 : vector<512xf32> to vector<512x1xf32>
    %eq3A = vector.broadcast %broadcast_in_dim3A_5 : vector<512x1xf32> to vector<512x512xf32>
    %eq3A_6 = arith.cmpf oeq, %reshape3A, %eq3A : vector<512x512xf32>
    %jit3A = arith.constant 512 : i32
    %broadcast_in_dim3A_7 = vector.broadcast %jit3A : i32 to vector<512x512xi32>
    %select_n3A = arith.select %eq3A_6, %iota3A, %broadcast_in_dim3A_7 : vector<512x512xi1>, vector<512x512xi32>
    %reduce_min3A_8 = arith.constant dense<2147483647> : vector<512xi32>
    %reduce_min3A_9 = vector.multi_reduction <minsi>, %select_n3A, %reduce_min3A_8 [1] : vector<512x512xi32> to vector<512xi32>
    %broadcast_in_dim3A_10 = vector.shape_cast %reduce_min3A_9 : vector<512xi32> to vector<512x1xi32>
    %max3A = arith.constant 0.000000e+00 : f32
    %max3A_11 = vector.broadcast %max3A : f32 to vector<512x1xf32>
    %max3A_12 = arith.maximumf %broadcast_in_dim3A_5, %max3A_11 : vector<512x1xf32>
    %add3A = arith.constant 9.99999993E-9 : f32
    %add3A_13 = vector.broadcast %add3A : f32 to vector<512x1xf32>
    %add3A_14 = arith.addf %max3A_12, %add3A_13 : vector<512x1xf32>
    %div3A = arith.constant 1.000000e+00 : f32
    %div3A_15 = vector.broadcast %div3A : f32 to vector<512x1xf32>
    %div3A_16 = arith.divf %div3A_15, %add3A_14 : vector<512x1xf32>
    %eq3A_17 = vector.broadcast %broadcast_in_dim3A_10 : vector<512x1xi32> to vector<512x512xi32>
    %eq3A_18 = arith.cmpi eq, %iota3A, %eq3A_17 : vector<512x512xi32>
    %jit3A_19 = arith.constant 1.000000e+30 : f32
    %broadcast_in_dim3A_20 = vector.broadcast %jit3A_19 : f32 to vector<512x512xf32>
    %select_n3A_21 = arith.select %eq3A_18, %broadcast_in_dim3A_20, %reshape3A : vector<512x512xi1>, vector<512x512xf32>
    %reduce_min3A_22 = arith.constant dense<0x7F800000> : vector<512xf32>
    %reduce_min3A_23 = vector.multi_reduction <minimumf>, %select_n3A_21, %reduce_min3A_22 [1] : vector<512x512xf32> to vector<512xf32>
    %broadcast_in_dim3A_24 = vector.shape_cast %reduce_min3A_23 : vector<512xf32> to vector<512x1xf32>
    %eq3A_25 = vector.broadcast %broadcast_in_dim3A_24 : vector<512x1xf32> to vector<512x512xf32>
    %eq3A_26 = arith.cmpf oeq, %select_n3A_21, %eq3A_25 : vector<512x512xf32>
    %jit3A_27 = arith.constant 512 : i32
    %broadcast_in_dim3A_28 = vector.broadcast %jit3A_27 : i32 to vector<512x512xi32>
    %select_n3A_29 = arith.select %eq3A_26, %iota3A, %broadcast_in_dim3A_28 : vector<512x512xi1>, vector<512x512xi32>
    %reduce_min3A_30 = arith.constant dense<2147483647> : vector<512xi32>
    %reduce_min3A_31 = vector.multi_reduction <minsi>, %select_n3A_29, %reduce_min3A_30 [1] : vector<512x512xi32> to vector<512xi32>
    %broadcast_in_dim3A_32 = vector.shape_cast %reduce_min3A_31 : vector<512xi32> to vector<512x1xi32>
    %max3A_33 = arith.constant 0.000000e+00 : f32
    %max3A_34 = vector.broadcast %max3A_33 : f32 to vector<512x1xf32>
    %max3A_35 = arith.maximumf %broadcast_in_dim3A_24, %max3A_34 : vector<512x1xf32>
    %add3A_36 = arith.constant 9.99999993E-9 : f32
    %add3A_37 = vector.broadcast %add3A_36 : f32 to vector<512x1xf32>
    %add3A_38 = arith.addf %max3A_35, %add3A_37 : vector<512x1xf32>
    %div3A_39 = arith.constant 1.000000e+00 : f32
    %div3A_40 = vector.broadcast %div3A_39 : f32 to vector<512x1xf32>
    %div3A_41 = arith.divf %div3A_40, %add3A_38 : vector<512x1xf32>
    %eq3A_42 = vector.broadcast %broadcast_in_dim3A_32 : vector<512x1xi32> to vector<512x512xi32>
    %eq3A_43 = arith.cmpi eq, %iota3A, %eq3A_42 : vector<512x512xi32>
    %jit3A_44 = arith.constant 1.000000e+30 : f32
    %broadcast_in_dim3A_45 = vector.broadcast %jit3A_44 : f32 to vector<512x512xf32>
    %select_n3A_46 = arith.select %eq3A_43, %broadcast_in_dim3A_45, %select_n3A_21 : vector<512x512xi1>, vector<512x512xf32>
    %reduce_min3A_47 = arith.constant dense<0x7F800000> : vector<512xf32>
    %reduce_min3A_48 = vector.multi_reduction <minimumf>, %select_n3A_46, %reduce_min3A_47 [1] : vector<512x512xf32> to vector<512xf32>
    %broadcast_in_dim3A_49 = vector.shape_cast %reduce_min3A_48 : vector<512xf32> to vector<512x1xf32>
    %eq3A_50 = vector.broadcast %broadcast_in_dim3A_49 : vector<512x1xf32> to vector<512x512xf32>
    %eq3A_51 = arith.cmpf oeq, %select_n3A_46, %eq3A_50 : vector<512x512xf32>
    %jit3A_52 = arith.constant 512 : i32
    %broadcast_in_dim3A_53 = vector.broadcast %jit3A_52 : i32 to vector<512x512xi32>
    %select_n3A_54 = arith.select %eq3A_51, %iota3A, %broadcast_in_dim3A_53 : vector<512x512xi1>, vector<512x512xi32>
    %reduce_min3A_55 = arith.constant dense<2147483647> : vector<512xi32>
    %reduce_min3A_56 = vector.multi_reduction <minsi>, %select_n3A_54, %reduce_min3A_55 [1] : vector<512x512xi32> to vector<512xi32>
    %broadcast_in_dim3A_57 = vector.shape_cast %reduce_min3A_56 : vector<512xi32> to vector<512x1xi32>
    %max3A_58 = arith.constant 0.000000e+00 : f32
    %max3A_59 = vector.broadcast %max3A_58 : f32 to vector<512x1xf32>
    %max3A_60 = arith.maximumf %broadcast_in_dim3A_49, %max3A_59 : vector<512x1xf32>
    %add3A_61 = arith.constant 9.99999993E-9 : f32
    %add3A_62 = vector.broadcast %add3A_61 : f32 to vector<512x1xf32>
    %add3A_63 = arith.addf %max3A_60, %add3A_62 : vector<512x1xf32>
    %div3A_64 = arith.constant 1.000000e+00 : f32
    %div3A_65 = vector.broadcast %div3A_64 : f32 to vector<512x1xf32>
    %div3A_66 = arith.divf %div3A_65, %add3A_63 : vector<512x1xf32>
    %eq3A_67 = vector.broadcast %broadcast_in_dim3A_57 : vector<512x1xi32> to vector<512x512xi32>
    %eq3A_68 = arith.cmpi eq, %iota3A, %eq3A_67 : vector<512x512xi32>
    %add3A_69 = arith.addf %div3A_16, %div3A_41 : vector<512x1xf32>
    %add3A_70 = arith.addf %add3A_69, %div3A_66 : vector<512x1xf32>
    %div3A_71 = arith.divf %div3A_16, %add3A_70 : vector<512x1xf32>
    %jit3A_72 = arith.constant 0.000000e+00 : f32
    %broadcast_in_dim3A_73 = vector.shape_cast %div3A_71 : vector<512x1xf32> to vector<512x1xf32>
    %broadcast_in_dim3A_74 = vector.broadcast %broadcast_in_dim3A_73 : vector<512x1xf32> to vector<512x512xf32>
    %broadcast_in_dim3A_75 = vector.broadcast %jit3A_72 : f32 to vector<512x512xf32>
    %select_n3A_76 = arith.select %eq3A_18, %broadcast_in_dim3A_74, %broadcast_in_dim3A_75 : vector<512x512xi1>, vector<512x512xf32>
    %add3A_77 = arith.addf %broadcast_in_dim3A_3, %select_n3A_76 : vector<512x512xf32>
    %div3A_78 = arith.divf %div3A_41, %add3A_70 : vector<512x1xf32>
    %jit3A_79 = arith.constant 0.000000e+00 : f32
    %broadcast_in_dim3A_80 = vector.shape_cast %div3A_78 : vector<512x1xf32> to vector<512x1xf32>
    %broadcast_in_dim3A_81 = vector.broadcast %broadcast_in_dim3A_80 : vector<512x1xf32> to vector<512x512xf32>
    %broadcast_in_dim3A_82 = vector.broadcast %jit3A_79 : f32 to vector<512x512xf32>
    %select_n3A_83 = arith.select %eq3A_43, %broadcast_in_dim3A_81, %broadcast_in_dim3A_82 : vector<512x512xi1>, vector<512x512xf32>
    %add3A_84 = arith.addf %add3A_77, %select_n3A_83 : vector<512x512xf32>
    %div3A_85 = arith.divf %div3A_66, %add3A_70 : vector<512x1xf32>
    %jit3A_86 = arith.constant 0.000000e+00 : f32
    %broadcast_in_dim3A_87 = vector.shape_cast %div3A_85 : vector<512x1xf32> to vector<512x1xf32>
    %broadcast_in_dim3A_88 = vector.broadcast %broadcast_in_dim3A_87 : vector<512x1xf32> to vector<512x512xf32>
    %broadcast_in_dim3A_89 = vector.broadcast %jit3A_86 : f32 to vector<512x512xf32>
    %select_n3A_90 = arith.select %eq3A_68, %broadcast_in_dim3A_88, %broadcast_in_dim3A_89 : vector<512x512xi1>, vector<512x512xf32>
    %add3A_91 = arith.addf %add3A_84, %select_n3A_90 : vector<512x512xf32>
    %get3A_92 = arith.constant 0 : index
    %get3A_93 = arith.constant 0 : index
    %get3A_94 = arith.constant 0 : index
    %get3A_95 = vector.load %arg3[%get3A_92, %get3A_93, %get3A_94] : memref<1x512x128xf32, #tpu.memory_space<vmem>>, vector<1x512x128xf32>
    %reshape3A_96 = vector.shape_cast %get3A_95 : vector<1x512x128xf32> to vector<512x128xf32>
    %dot_general3A = arith.constant dense<0.000000e+00> : vector<512x128xf32>
    %dot_general3A_97 = tpu.matmul %add3A_91, %reshape3A_96, %dot_general3A {dimension_numbers = #tpu.dot_dimension_numbers<[1], [0], [0], [1], [0, 0, 1, 1], [], []>, transpose_lhs_hint = false} : vector<512x512xf32>, vector<512x128xf32>, vector<512x128xf32> -> vector<512x128xf32>
    %reshape3A_98 = vector.shape_cast %dot_general3A_97 : vector<512x128xf32> to vector<1x512x128xf32>
    %swap3A = arith.constant 0 : index
    %swap3A_99 = arith.constant 0 : index
    %swap3A_100 = arith.constant 0 : index
    %swap3A_101 = vector.load %arg4[%swap3A, %swap3A_99, %swap3A_100] : memref<1x512x128xf32, #tpu.memory_space<vmem>>, vector<1x512x128xf32>
    tpu.vector_store %arg4[%swap3A, %swap3A_99, %swap3A_100], %reshape3A_98 {strides = array<i32>} : memref<1x512x128xf32, #tpu.memory_space<vmem>>, vector<1x512x128xf32>,
    return
  }
  func.func @transform_0(%arg0: i32, %arg1: i32) -> (i32, i32, i32) {
    %c0_i32 = arith.constant 0 : i32
    %c0_i32_0 = arith.constant 0 : i32
    return %arg0, %arg1, %c0_i32 : i32, i32, i32
  }
  func.func @transform_1(%arg0: i32, %arg1: i32) -> (i32, i32, i32) {
    %c0_i32 = arith.constant 0 : i32
    %c0_i32_0 = arith.constant 0 : i32
    %c0_i32_1 = arith.constant 0 : i32
    return %arg0, %c0_i32, %c0_i32_0 : i32, i32, i32
  }
  func.func @transform_2(%arg0: i32, %arg1: i32) -> (i32, i32, i32) {
    %c0_i32 = arith.constant 0 : i32
    %c0_i32_0 = arith.constant 0 : i32
    return %arg0, %arg1, %c0_i32 : i32, i32, i32
  }
}

module attributes {stable_mosaic.version = 14 : i64} {
  func.func @body(%arg0: i32, %arg1: memref<2048x128xf32, #tpu.memory_space<vmem>>, %arg2: memref<128x128xf32, #tpu.memory_space<vmem>>, %arg3: memref<1x128xf32, #tpu.memory_space<vmem>>, %arg4: memref<2048x128xf32, #tpu.memory_space<vmem>>) attributes {dimension_semantics = [#tpu.dimension_semantics<arbitrary>], iteration_bounds = array<i64: 16>, scalar_prefetch = 0 : i64, scratch_operands = 0 : i64, tpu.core_type = #tpu.core_type<tc>, window_params = [{transform_indices = @transform_0, window_bounds = array<i64: 2048, 128>}, {pipeline_mode = #tpu.pipeline_mode<synchronous>, transform_indices = @transform_1, window_bounds = array<i64: 128, 128>}, {pipeline_mode = #tpu.pipeline_mode<synchronous>, transform_indices = @transform_2, window_bounds = array<i64: 1, 128>}, {transform_indices = @transform_3, window_bounds = array<i64: 2048, 128>}]} {
    %get3A = arith.constant 0 : index
    %get3A_0 = arith.constant 0 : index
    %get3A_1 = vector.load %arg1[%get3A, %get3A_0] : memref<2048x128xf32, #tpu.memory_space<vmem>>, vector<2048x128xf32>
    %get3A_2 = arith.constant 0 : index
    %get3A_3 = arith.constant 0 : index
    %get3A_4 = vector.load %arg2[%get3A_2, %get3A_3] : memref<128x128xf32, #tpu.memory_space<vmem>>, vector<128x128xf32>
    %dot_general3A = arith.constant dense<0.000000e+00> : vector<2048x128xf32>
    %dot_general3A_5 = tpu.matmul %get3A_1, %get3A_4, %dot_general3A {dimension_numbers = #tpu.dot_dimension_numbers<[1], [0], [0], [1], [0, 0, 1, 1], [], []>, transpose_lhs_hint = false} : vector<2048x128xf32>, vector<128x128xf32>, vector<2048x128xf32> -> vector<2048x128xf32>
    %get3A_6 = arith.constant 0 : index
    %get3A_7 = arith.constant 0 : index
    %get3A_8 = vector.load %arg3[%get3A_6, %get3A_7] : memref<1x128xf32, #tpu.memory_space<vmem>>, vector<1x128xf32>
    %add3A = vector.broadcast %get3A_8 : vector<1x128xf32> to vector<2048x128xf32>
    %add3A_9 = arith.addf %dot_general3A_5, %add3A : vector<2048x128xf32>
    %swap3A = arith.constant 0 : index
    %swap3A_10 = arith.constant 0 : index
    %swap3A_11 = vector.load %arg4[%swap3A, %swap3A_10] : memref<2048x128xf32, #tpu.memory_space<vmem>>, vector<2048x128xf32>
    tpu.vector_store %arg4[%swap3A, %swap3A_10], %add3A_9 {strides = array<i32>} : memref<2048x128xf32, #tpu.memory_space<vmem>>, vector<2048x128xf32>,
    return
  }
  func.func @transform_0(%arg0: i32) -> (i32, i32) {
    %c0_i32 = arith.constant 0 : i32
    %c0_i32_0 = arith.constant 0 : i32
    return %arg0, %c0_i32 : i32, i32
  }
  func.func @transform_1(%arg0: i32) -> (i32, i32) {
    %c0_i32 = arith.constant 0 : i32
    %c0_i32_0 = arith.constant 0 : i32
    %c0_i32_1 = arith.constant 0 : i32
    return %c0_i32, %c0_i32_0 : i32, i32
  }
  func.func @transform_2(%arg0: i32) -> (i32, i32) {
    %c0_i32 = arith.constant 0 : i32
    %c0_i32_0 = arith.constant 0 : i32
    %c0_i32_1 = arith.constant 0 : i32
    return %c0_i32, %c0_i32_0 : i32, i32
  }
  func.func @transform_3(%arg0: i32) -> (i32, i32) {
    %c0_i32 = arith.constant 0 : i32
    %c0_i32_0 = arith.constant 0 : i32
    return %arg0, %c0_i32 : i32, i32
  }
}

module attributes {stable_mosaic.version = 14 : i64} {
  func.func @body(%arg0: i32, %arg1: memref<2048x128xf32, #tpu.memory_space<vmem>>, %arg2: memref<1x128xf32, #tpu.memory_space<vmem>>, %arg3: memref<1x128xf32, #tpu.memory_space<vmem>>, %arg4: memref<1x128xf32, #tpu.memory_space<vmem>>, %arg5: memref<1x128xf32, #tpu.memory_space<vmem>>, %arg6: memref<2048x128xf32, #tpu.memory_space<vmem>>) attributes {dimension_semantics = [#tpu.dimension_semantics<arbitrary>], iteration_bounds = array<i64: 16>, scalar_prefetch = 0 : i64, scratch_operands = 0 : i64, tpu.core_type = #tpu.core_type<tc>, window_params = [{transform_indices = @transform_0, window_bounds = array<i64: 2048, 128>}, {pipeline_mode = #tpu.pipeline_mode<synchronous>, transform_indices = @transform_1, window_bounds = array<i64: 1, 128>}, {pipeline_mode = #tpu.pipeline_mode<synchronous>, transform_indices = @transform_2, window_bounds = array<i64: 1, 128>}, {pipeline_mode = #tpu.pipeline_mode<synchronous>, transform_indices = @transform_3, window_bounds = array<i64: 1, 128>}, {pipeline_mode = #tpu.pipeline_mode<synchronous>, transform_indices = @transform_4, window_bounds = array<i64: 1, 128>}, {transform_indices = @transform_5, window_bounds = array<i64: 2048, 128>}]} {
    %get3A = arith.constant 0 : index
    %get3A_0 = arith.constant 0 : index
    %get3A_1 = vector.load %arg1[%get3A, %get3A_0] : memref<2048x128xf32, #tpu.memory_space<vmem>>, vector<2048x128xf32>
    %get3A_2 = arith.constant 0 : index
    %get3A_3 = arith.constant 0 : index
    %get3A_4 = vector.load %arg2[%get3A_2, %get3A_3] : memref<1x128xf32, #tpu.memory_space<vmem>>, vector<1x128xf32>
    %sub3A = vector.broadcast %get3A_4 : vector<1x128xf32> to vector<2048x128xf32>
    %sub3A_5 = arith.subf %get3A_1, %sub3A : vector<2048x128xf32>
    %get3A_6 = arith.constant 0 : index
    %get3A_7 = arith.constant 0 : index
    %get3A_8 = vector.load %arg3[%get3A_6, %get3A_7] : memref<1x128xf32, #tpu.memory_space<vmem>>, vector<1x128xf32>
    %add3A = arith.constant 9.99999974E-6 : f32
    %add3A_9 = vector.broadcast %add3A : f32 to vector<1x128xf32>
    %add3A_10 = arith.addf %get3A_8, %add3A_9 : vector<1x128xf32>
    %sqrt3A = math.sqrt %add3A_10 : vector<1x128xf32>
    %div3A = vector.broadcast %sqrt3A : vector<1x128xf32> to vector<2048x128xf32>
    %div3A_11 = arith.divf %sub3A_5, %div3A : vector<2048x128xf32>
    %get3A_12 = arith.constant 0 : index
    %get3A_13 = arith.constant 0 : index
    %get3A_14 = vector.load %arg4[%get3A_12, %get3A_13] : memref<1x128xf32, #tpu.memory_space<vmem>>, vector<1x128xf32>
    %mul3A = vector.broadcast %get3A_14 : vector<1x128xf32> to vector<2048x128xf32>
    %mul3A_15 = arith.mulf %div3A_11, %mul3A : vector<2048x128xf32>
    %get3A_16 = arith.constant 0 : index
    %get3A_17 = arith.constant 0 : index
    %get3A_18 = vector.load %arg5[%get3A_16, %get3A_17] : memref<1x128xf32, #tpu.memory_space<vmem>>, vector<1x128xf32>
    %add3A_19 = vector.broadcast %get3A_18 : vector<1x128xf32> to vector<2048x128xf32>
    %add3A_20 = arith.addf %mul3A_15, %add3A_19 : vector<2048x128xf32>
    %max3A = arith.constant 0.000000e+00 : f32
    %max3A_21 = vector.broadcast %max3A : f32 to vector<2048x128xf32>
    %max3A_22 = arith.maximumf %add3A_20, %max3A_21 : vector<2048x128xf32>
    %swap3A = arith.constant 0 : index
    %swap3A_23 = arith.constant 0 : index
    %swap3A_24 = vector.load %arg6[%swap3A, %swap3A_23] : memref<2048x128xf32, #tpu.memory_space<vmem>>, vector<2048x128xf32>
    tpu.vector_store %arg6[%swap3A, %swap3A_23], %max3A_22 {strides = array<i32>} : memref<2048x128xf32, #tpu.memory_space<vmem>>, vector<2048x128xf32>,
    return
  }
  func.func @transform_0(%arg0: i32) -> (i32, i32) {
    %c0_i32 = arith.constant 0 : i32
    %c0_i32_0 = arith.constant 0 : i32
    return %arg0, %c0_i32 : i32, i32
  }
  func.func @transform_1(%arg0: i32) -> (i32, i32) {
    %c0_i32 = arith.constant 0 : i32
    %c0_i32_0 = arith.constant 0 : i32
    %c0_i32_1 = arith.constant 0 : i32
    return %c0_i32, %c0_i32_0 : i32, i32
  }
  func.func @transform_2(%arg0: i32) -> (i32, i32) {
    %c0_i32 = arith.constant 0 : i32
    %c0_i32_0 = arith.constant 0 : i32
    %c0_i32_1 = arith.constant 0 : i32
    return %c0_i32, %c0_i32_0 : i32, i32
  }
  func.func @transform_3(%arg0: i32) -> (i32, i32) {
    %c0_i32 = arith.constant 0 : i32
    %c0_i32_0 = arith.constant 0 : i32
    %c0_i32_1 = arith.constant 0 : i32
    return %c0_i32, %c0_i32_0 : i32, i32
  }
  func.func @transform_4(%arg0: i32) -> (i32, i32) {
    %c0_i32 = arith.constant 0 : i32
    %c0_i32_0 = arith.constant 0 : i32
    %c0_i32_1 = arith.constant 0 : i32
    return %c0_i32, %c0_i32_0 : i32, i32
  }
  func.func @transform_5(%arg0: i32) -> (i32, i32) {
    %c0_i32 = arith.constant 0 : i32
    %c0_i32_0 = arith.constant 0 : i32
    return %arg0, %c0_i32 : i32, i32
  }
}

module attributes {stable_mosaic.version = 14 : i64} {
  func.func @body(%arg0: i32, %arg1: memref<2048x128xf32, #tpu.memory_space<vmem>>, %arg2: memref<1x128xf32, #tpu.memory_space<vmem>>, %arg3: memref<1x128xf32, #tpu.memory_space<vmem>>, %arg4: memref<1x128xf32, #tpu.memory_space<vmem>>, %arg5: memref<1x128xf32, #tpu.memory_space<vmem>>, %arg6: memref<128x128xf32, #tpu.memory_space<vmem>>, %arg7: memref<1x128xf32, #tpu.memory_space<vmem>>, %arg8: memref<2048x128xf32, #tpu.memory_space<vmem>>) attributes {dimension_semantics = [#tpu.dimension_semantics<arbitrary>], iteration_bounds = array<i64: 16>, scalar_prefetch = 0 : i64, scratch_operands = 0 : i64, tpu.core_type = #tpu.core_type<tc>, window_params = [{transform_indices = @transform_0, window_bounds = array<i64: 2048, 128>}, {pipeline_mode = #tpu.pipeline_mode<synchronous>, transform_indices = @transform_1, window_bounds = array<i64: 1, 128>}, {pipeline_mode = #tpu.pipeline_mode<synchronous>, transform_indices = @transform_2, window_bounds = array<i64: 1, 128>}, {pipeline_mode = #tpu.pipeline_mode<synchronous>, transform_indices = @transform_3, window_bounds = array<i64: 1, 128>}, {pipeline_mode = #tpu.pipeline_mode<synchronous>, transform_indices = @transform_4, window_bounds = array<i64: 1, 128>}, {pipeline_mode = #tpu.pipeline_mode<synchronous>, transform_indices = @transform_5, window_bounds = array<i64: 128, 128>}, {pipeline_mode = #tpu.pipeline_mode<synchronous>, transform_indices = @transform_6, window_bounds = array<i64: 1, 128>}, {transform_indices = @transform_7, window_bounds = array<i64: 2048, 128>}]} {
    %get3A = arith.constant 0 : index
    %get3A_0 = arith.constant 0 : index
    %get3A_1 = vector.load %arg1[%get3A, %get3A_0] : memref<2048x128xf32, #tpu.memory_space<vmem>>, vector<2048x128xf32>
    %get3A_2 = arith.constant 0 : index
    %get3A_3 = arith.constant 0 : index
    %get3A_4 = vector.load %arg2[%get3A_2, %get3A_3] : memref<1x128xf32, #tpu.memory_space<vmem>>, vector<1x128xf32>
    %sub3A = vector.broadcast %get3A_4 : vector<1x128xf32> to vector<2048x128xf32>
    %sub3A_5 = arith.subf %get3A_1, %sub3A : vector<2048x128xf32>
    %get3A_6 = arith.constant 0 : index
    %get3A_7 = arith.constant 0 : index
    %get3A_8 = vector.load %arg3[%get3A_6, %get3A_7] : memref<1x128xf32, #tpu.memory_space<vmem>>, vector<1x128xf32>
    %add3A = arith.constant 9.99999974E-6 : f32
    %add3A_9 = vector.broadcast %add3A : f32 to vector<1x128xf32>
    %add3A_10 = arith.addf %get3A_8, %add3A_9 : vector<1x128xf32>
    %sqrt3A = math.sqrt %add3A_10 : vector<1x128xf32>
    %div3A = vector.broadcast %sqrt3A : vector<1x128xf32> to vector<2048x128xf32>
    %div3A_11 = arith.divf %sub3A_5, %div3A : vector<2048x128xf32>
    %get3A_12 = arith.constant 0 : index
    %get3A_13 = arith.constant 0 : index
    %get3A_14 = vector.load %arg4[%get3A_12, %get3A_13] : memref<1x128xf32, #tpu.memory_space<vmem>>, vector<1x128xf32>
    %mul3A = vector.broadcast %get3A_14 : vector<1x128xf32> to vector<2048x128xf32>
    %mul3A_15 = arith.mulf %div3A_11, %mul3A : vector<2048x128xf32>
    %get3A_16 = arith.constant 0 : index
    %get3A_17 = arith.constant 0 : index
    %get3A_18 = vector.load %arg5[%get3A_16, %get3A_17] : memref<1x128xf32, #tpu.memory_space<vmem>>, vector<1x128xf32>
    %add3A_19 = vector.broadcast %get3A_18 : vector<1x128xf32> to vector<2048x128xf32>
    %add3A_20 = arith.addf %mul3A_15, %add3A_19 : vector<2048x128xf32>
    %max3A = arith.constant 0.000000e+00 : f32
    %max3A_21 = vector.broadcast %max3A : f32 to vector<2048x128xf32>
    %max3A_22 = arith.maximumf %add3A_20, %max3A_21 : vector<2048x128xf32>
    %get3A_23 = arith.constant 0 : index
    %get3A_24 = arith.constant 0 : index
    %get3A_25 = vector.load %arg6[%get3A_23, %get3A_24] : memref<128x128xf32, #tpu.memory_space<vmem>>, vector<128x128xf32>
    %dot_general3A = arith.constant dense<0.000000e+00> : vector<2048x128xf32>
    %dot_general3A_26 = tpu.matmul %max3A_22, %get3A_25, %dot_general3A {dimension_numbers = #tpu.dot_dimension_numbers<[1], [0], [0], [1], [0, 0, 1, 1], [], []>, transpose_lhs_hint = false} : vector<2048x128xf32>, vector<128x128xf32>, vector<2048x128xf32> -> vector<2048x128xf32>
    %get3A_27 = arith.constant 0 : index
    %get3A_28 = arith.constant 0 : index
    %get3A_29 = vector.load %arg7[%get3A_27, %get3A_28] : memref<1x128xf32, #tpu.memory_space<vmem>>, vector<1x128xf32>
    %add3A_30 = vector.broadcast %get3A_29 : vector<1x128xf32> to vector<2048x128xf32>
    %add3A_31 = arith.addf %dot_general3A_26, %add3A_30 : vector<2048x128xf32>
    %swap3A = arith.constant 0 : index
    %swap3A_32 = arith.constant 0 : index
    %swap3A_33 = vector.load %arg8[%swap3A, %swap3A_32] : memref<2048x128xf32, #tpu.memory_space<vmem>>, vector<2048x128xf32>
    tpu.vector_store %arg8[%swap3A, %swap3A_32], %add3A_31 {strides = array<i32>} : memref<2048x128xf32, #tpu.memory_space<vmem>>, vector<2048x128xf32>,
    return
  }
  func.func @transform_0(%arg0: i32) -> (i32, i32) {
    %c0_i32 = arith.constant 0 : i32
    %c0_i32_0 = arith.constant 0 : i32
    return %arg0, %c0_i32 : i32, i32
  }
  func.func @transform_1(%arg0: i32) -> (i32, i32) {
    %c0_i32 = arith.constant 0 : i32
    %c0_i32_0 = arith.constant 0 : i32
    %c0_i32_1 = arith.constant 0 : i32
    return %c0_i32, %c0_i32_0 : i32, i32
  }
  func.func @transform_2(%arg0: i32) -> (i32, i32) {
    %c0_i32 = arith.constant 0 : i32
    %c0_i32_0 = arith.constant 0 : i32
    %c0_i32_1 = arith.constant 0 : i32
    return %c0_i32, %c0_i32_0 : i32, i32
  }
  func.func @transform_3(%arg0: i32) -> (i32, i32) {
    %c0_i32 = arith.constant 0 : i32
    %c0_i32_0 = arith.constant 0 : i32
    %c0_i32_1 = arith.constant 0 : i32
    return %c0_i32, %c0_i32_0 : i32, i32
  }
  func.func @transform_4(%arg0: i32) -> (i32, i32) {
    %c0_i32 = arith.constant 0 : i32
    %c0_i32_0 = arith.constant 0 : i32
    %c0_i32_1 = arith.constant 0 : i32
    return %c0_i32, %c0_i32_0 : i32, i32
  }
  func.func @transform_5(%arg0: i32) -> (i32, i32) {
    %c0_i32 = arith.constant 0 : i32
    %c0_i32_0 = arith.constant 0 : i32
    %c0_i32_1 = arith.constant 0 : i32
    return %c0_i32, %c0_i32_0 : i32, i32
  }
  func.func @transform_6(%arg0: i32) -> (i32, i32) {
    %c0_i32 = arith.constant 0 : i32
    %c0_i32_0 = arith.constant 0 : i32
    %c0_i32_1 = arith.constant 0 : i32
    return %c0_i32, %c0_i32_0 : i32, i32
  }
  func.func @transform_7(%arg0: i32) -> (i32, i32) {
    %c0_i32 = arith.constant 0 : i32
    %c0_i32_0 = arith.constant 0 : i32
    return %arg0, %c0_i32 : i32, i32
  }
}

</mosaic_0001>

<sc_bundles>
// kernel: gather_offload_async_start
scs
__scs_entry_jumppad:
0x0: {  	(pc) =	sbr.rel $0x88, $3  }
0x1: {  	(tag) =	ssettag $0x0;
	lr =	simm.s32 $0x1  }
0x2: {  	[smem:$0x3F5E] =	sst lr;
	_ =	strace $0xD0000000  }
0x3: {  	_ = 	snop  }
0x4: {  	_ = 	snop  }
0x5: {  	_ = 	snop  }
0x6: {  	_ = 	snop  }
0x7: {  	_ = 	snop  }
__scs_overlays_trampoline_lowered:
0x8: {  	[smem:$0x3F6D] =	sst s0  }
0x9: {  	[smem:$0x3F6E] =	sst s1  }
0xa: {  	[smem:$0x3F6F] =	sst s2  }
0xb: {  	[smem:$0x3F70] =	sst s3  }
0xc: {  	[smem:$0x3F71] =	sst s4  }
0xd: {  	[smem:$0x3F72] =	sst s5  }
0xe: {  	[smem:$0x3F73] =	sst s6  }
0xf: {  	[smem:$0x3F74] =	sst s7  }
0x10: {  	[smem:$0x3F75] =	sst s8  }
0x11: {  	[smem:$0x3F76] =	sst s9;
	s0 =	simm.s32 @!p0 $0x0  }
0x12: {  	s1 =	sld [smem:$0x3F5C];
	s0 =	simm.s32 @p0 $0x1  }
0x13: {  	[smem:$0x3F77] =	sst s0;
	s0 =	simm.s32 @!p1 $0x0  }
0x14: {  	s2 =	sld [smem:$0x3F5B];
	s0 =	simm.s32 @p1 $0x1  }
0x15: {  	[smem:$0x3F78] =	sst s0;
	s0 =	simm.s32 @!p2 $0x0  }
0x16: {  	s3 =	sld [smem:$0x3FDB];
	s0 =	simm.s32 @p2 $0x1  }
0x17: {  	s4 =	simm.s32 $0x1BF5;
	[smem:$0x3F7A] =	sst s0  }
0x18: {  	s0 =	sld [smem:$0x3F5D];
	_ =	swait.ge [sflag:s4], $0x0  }
0x19: {  	s7 =	sld [smem:$0x3F5E]  }
0x1a: {  	s8 =	sadd.s32 $0xFFFFE003, lr  }
0x1b: {  	s9 =	sadd.s32 $0xFFFFFEF7, lr;
	s5 =	simm.s32 $0xFFFFFFFF;
	p2 =	slt.u32 s8, $0xFFFFF086  }
0x1c: {  	p1 =	slt.u32 s9, $0xF7A;
	s5 =	simm.s32 @!p2 $0x0  }
0x1d: {  	s5 =	simm.s32 @p1 $0x1;
	p0 =	seq.s32 s7, s2  }
0x1e: {  	s7 =	smul.u32 @!p0 $0xF7A, s2;
	p2 =	seq.s32 @!p0 s5, $0x0  }
0x1f: {  	s9 =	smul.u32 $0xF7A, s1;
	s8 =	simm.s32 @!p0 $0x1BF5;
	p2 =	por !p2, p0  }
0x20: {  	[sflag:s8] =	ssyncset.s32 @!p0 $0xFFFFF086;
	s6 =	sadd.s32 @!p0 s3, s7;
	s7 =	simm.s32 @!p0 $0x108  }
0x21: {  	s3 =	sadd.s32 s3, s9;
	s6 =	sadd.s32 @!p0 $0x88, s6;
	s7 =	simm.s32 @p2 $0x1082  }
0x22: {  	[simem:s7], [sflag:s8] =	dma.local @!p0 [hbm:s6], $0xF7A  }
0x23: {  	s9 =	sor.u32 $0xD0000000, s2;
	s6 =	simm.s32 $0x108;
	_ =	swait.ge @!p0 [sflag:s8], $0x0  }
0x24: {  	s3 =	sadd.s32 $0x88, s3;
	s6 =	simm.s32 @!p1 $0x1082;
	[sflag:s4] =	ssyncset.s32 $0xFFFFF086  }
0x25: {  	[simem:s6], [sflag:s4] =	dma.local [hbm:s3], $0xF7A  }
0x26: {  	[smem:$0x3F5E] =	sst s1;
	(tag) =	ssettag s2;
	_ =	strace s9  }
0x27: {  	s1 =	sld [smem:$0x3F6E]  }
0x28: {  	s2 =	sld [smem:$0x3F6F]  }
0x29: {  	s4 =	sld [smem:$0x3F71]  }
0x2a: {  	p0 =	seq.s32 s5, $0x0;
	s5 =	sld [smem:$0x3F72]  }
0x2b: {  	s6 =	sld [smem:$0x3F73]  }
0x2c: {  	s7 =	sld [smem:$0x3F74]  }
0x2d: {  	s3 =	simm.s32 $0x108;
	s8 =	sld [smem:$0x3F75]  }
0x2e: {  	s3 =	simm.s32 @!p0 $0x1082;
	s9 =	sld [smem:$0x3F76]  }
0x2f: {  	lr =	sadd.s32 s0, s3;
	s0 =	sld [smem:$0x3F6D]  }
0x30: {  	s3 =	sld [smem:$0x3F70]  }
0x31: {  	[smem:$0x3F79] =	sst s10  }
0x32: {  	s10 =	sld [smem:$0x3F77];
	_ =	sdelay $0x3  }
0x33: {  	p0 =	seq.s32 s10, $0x1;
	s10 =	sld [smem:$0x3F79];
	_ =	sdelay $0x3  }
0x34: {  	[smem:$0x3F79] =	sst s10  }
0x35: {  	s10 =	sld [smem:$0x3F78];
	_ =	sdelay $0x3  }
0x36: {  	p1 =	seq.s32 s10, $0x1;
	s10 =	sld [smem:$0x3F79];
	_ =	sdelay $0x3  }
0x37: {  	[smem:$0x3F79] =	sst s10  }
0x38: {  	s10 =	sld [smem:$0x3F7A]  }
0x39: {  	_ = 	snop;
	(pc) =	sbr.ind lr, $3  }
0x3a: {  	_ = 	snop  }
0x3b: {  	_ = 	snop  }
0x3c: {  	p2 =	seq.s32 s10, $0x1;
	s10 =	sld [smem:$0x3F79]  }
0x3d: {  	_ =	shalt  }
0x3e: {  	_ =	shalt  }
0x3f: {  	_ =	shalt  }
0x40: {  	_ =	shalt  }
0x41: {  	_ =	shalt  }
0x42: {  	_ =	shalt  }
0x43: {  	_ =	shalt  }
0x44: {  	_ =	shalt  }
0x45: {  	_ =	shalt  }
0x46: {  	_ =	shalt  }
0x47: {  	_ =	shalt  }
0x48: {  	_ =	shalt  }
0x49: {  	_ =	shalt  }
0x4a: {  	_ =	shalt  }
0x4b: {  	_ =	shalt  }
0x4c: {  	_ =	shalt  }
0x4d: {  	_ =	shalt  }
0x4e: {  	_ =	shalt  }
0x4f: {  	_ =	shalt  }
0x50: {  	_ =	shalt  }
0x51: {  	_ =	shalt  }
0x52: {  	_ =	shalt  }
0x53: {  	_ =	shalt  }
0x54: {  	_ =	shalt  }
0x55: {  	_ =	shalt  }
0x56: {  	_ =	shalt  }
0x57: {  	_ =	shalt  }
0x58: {  	_ =	shalt  }
0x59: {  	_ =	shalt  }
0x5a: {  	_ =	shalt  }
0x5b: {  	_ =	shalt  }
0x5c: {  	_ =	shalt  }
0x5d: {  	_ =	shalt  }
0x5e: {  	_ =	shalt  }
0x5f: {  	_ =	shalt  }
0x60: {  	_ =	shalt  }
0x61: {  	_ =	shalt  }
0x62: {  	_ =	shalt  }
0x63: {  	_ =	shalt  }
0x64: {  	_ =	shalt  }
0x65: {  	_ =	shalt  }
0x66: {  	_ =	shalt  }
0x67: {  	_ =	shalt  }
0x68: {  	_ =	shalt  }
0x69: {  	_ =	shalt  }
0x6a: {  	_ =	shalt  }
0x6b: {  	_ =	shalt  }
0x6c: {  	_ =	shalt  }
0x6d: {  	_ =	shalt  }
0x6e: {  	_ =	shalt  }
0x6f: {  	_ =	shalt  }
0x70: {  	_ =	shalt  }
0x71: {  	_ =	shalt  }
0x72: {  	_ =	shalt  }
0x73: {  	_ =	shalt  }
0x74: {  	_ =	shalt  }
0x75: {  	_ =	shalt  }
0x76: {  	_ =	shalt  }
0x77: {  	_ =	shalt  }
0x78: {  	_ =	shalt  }
0x79: {  	_ =	shalt  }
0x7a: {  	_ =	shalt  }
0x7b: {  	_ =	shalt  }
0x7c: {  	_ =	shalt  }
0x7d: {  	_ =	shalt  }
0x7e: {  	_ =	shalt  }
0x7f: {  	_ =	shalt  }
0x80: {  	_ =	shalt  }
0x81: {  	_ =	shalt  }
0x82: {  	_ =	shalt  }
0x83: {  	_ =	shalt  }
0x84: {  	_ =	shalt  }
0x85: {  	_ =	shalt  }
0x86: {  	_ =	shalt  }
0x87: {  	_ =	shalt  }
.Lfunc_end0:
.L_simem_size_0:
called_computation_lowered:
.L_overlay_start_0:
0x88: {  	s2 =	sld [smem:$0x3FD9]  }
0x89: {  	s3 =	sld [smem:$0x3FFE];
	_ =	sdelay $0x1  }
0x8a: {  	s1 =	srdreg.scid  }
0x8b: {  	s0 =	sand.u32 $0x1, s1  }
0x8c: {  	s14 =	sshll.u32 s0, $0xA;
	s2 =	sadd.s32 s3, s2  }
0x8d: {  	s2 =	sadd.s32 s2, s14  }
0x8e: {  	[smem:$0x3F85] =	sst s2  }
0x8f: {  	_ = 	snop  }
0x90: {  	s2 =	sld [smem:$0x3FD0];
	_ =	sdelay $0x2  }
0x91: {  	s15 =	simm.s32 $0xB;
	s4 =	simm.s32 $0x10  }
0x92: {  	[smem:s4], [sflag:s15] =	dma.local [hbm:s2], $0x1  }
0x93: {  	_ =	swait.eq [sflag:s15], $0x1  }
0x94: {  	[sflag:s15] =	ssyncset.done $0x0  }
0x95: {  	[sflag:s15] =	ssyncadd.s32 $0xFFFFFFFF  }
0x96: {  	s16 =	sld [smem:$0x11];
	(tm) =	ssettm $0x1  }
0x97: {  	s17 =	sld [smem:$0x3FFB];
	_ =	sdelay $0x3  }
0x98: {  	_ =	strace s17  }
0x99: {  	s3 =	sld [smem:$0x3FFC];
	_ =	sdelay $0x3  }
0x9a: {  	_ =	strace s3  }
0x9b: {  	s3 =	sld [smem:$0x3FFD];
	_ =	sdelay $0x3  }
0x9c: {  	_ =	strace s3  }
0x9d: {  	_ =	strace $0x8FFFFFFF  }
0x9e: {  	s18 =	sld [smem:$0x3FDB];
	_ =	sdelay $0x1  }
0x9f: {  	s19 =	simm.s32 $_scs_section_size  }
0xa0: {  	s5 =	simm.s32 $_size__tile_overlayer_lowered;
	s6 =	simm.s32 $_tile_overlayer_lowered  }
0xa1: {  	s22 =	simm.s32 $0x1BFF;
	s21 =	sshll.u32 s6, $0x1;
	s3 =	sadd.s32 s19, s18  }
0xa2: {  	s7 =	simm.s32 $0x0;
	s20 =	sshll.u32 s5, $0x1;
	s5 =	sadd.s32 s21, s3  }
0xa3: {  	[timem:s7], [sflag:s22] =	dma.local [hbm:s5], s20  }
0xa4: {  	_ =	swait.ge [sflag:s22], s20  }
0xa5: {  	s4 =	ssub.s32 $0x0, s20;
	[sflag:s22] =	ssyncset.done $0x0  }
0xa6: {  	[sflag:s22] =	ssyncadd.s32 s4;
	_ =	sdelay $0x1  }
0xa7: {  	s23 =	simm.s32 $0x1B8B  }
0xa8: {  	_ =	swait.ge [sflag:s23], $0x1  }
0xa9: {  	[sflag:s23] =	ssyncset.done $0x0  }
0xaa: {  	s25 =	simm.s32 $0x1B8E;
	s24 =	sld [smem:$0x3FFE];
	[sflag:s23] =	ssyncadd.s32 $0xFFFFFFFF  }
0xab: {  	s26 =	simm.s32 $execute0_lowered;
	[smem:$0x3FD2] =	sst s25  }
0xac: {  	s5 =	sshll.u32 s26, $0x1;
	_ =	strace $0x80000046;
	[dreg:$0x1] =	wrdreg $0xFFFFFFFF  }
0xad: {  	s28 =	simm.s32 $_size_execute0_lowered;
	s3 =	sadd.s32 s3, s5;
	[dreg:$0x0] =	wrdreg $0x0  }
0xae: {  	s5 =	sshll.u32 s28, $0x1;
	[dreg:$0x2] =	wrdreg s3  }
0xaf: {  	[dreg:$0x3] =	wrdreg s5  }
0xb0: {  	[dreg:$0x4] =	wrdreg $0xC0  }
0xb1: {  	_ =	task [dreg:s7], $0x5FFFF  }
0xb2: {  	[dreg:$0x1] =	wrdreg $0xFFFFFFFF  }
0xb3: {  	[dreg:$0x0] =	wrdreg $0x60  }
0xb4: {  	[dreg:$0x2] =	wrdreg s16  }
0xb5: {  	[dreg:$0x3] =	wrdreg s24  }
0xb6: {  	[dreg:$0x4] =	wrdreg $0x9  }
0xb7: {  	_ =	task.clear_ibuf [dreg:s7], $0x5FFFF;
	_ =	strace $0x90000046  }
0xb8: {  	s29 =	simm.s32 $0x9;
	_ =	strace $0x80000048  }
0xb9: {  	_ =	swait.ge [sflag:s29], $0x1  }
0xba: {  	[sflag:s29] =	ssyncadd.s32 $0xFFFFFFFF  }
0xbb: {  	_ =	strace $0x90000048  }
0xbc: {  	_ =	sfence  }
0xbd: {  	s30 =	sld [smem:$0x0];
	_ =	sdelay $0x2  }
0xbe: {  	s31 =	sshll.u32 s1, $0xD;
	s1 =	sshrl.u32 s1, $0x2  }
0xbf: {  	s3 =	sand.u32 $0x4000, s31;
	s1 =	sadd.s32 s1, s30  }
0xc0: {  	s0 =	sor.u32 s3, s0;
	s1 =	sshll.u32 s1, $0x11  }
0xc1: {  	s0 =	sor.u32 s1, s0  }
0xc2: {  	s0 =	sadd.s32 $0x8F2B, s0  }
0xc3: {  	[sflag:s0] =	ssyncadd.remote.s32 $0x1  }
0xc4: {  	_ =	sfence.sel $0xFFFF  }
0xc5: {  	[dreg:$0x0] =	wrdreg $0xFFFFFFFF;
	(pc) =	sbr.abs _section_cstart, $3  }
0xc6: {  	[dreg:$0x1] =	wrdreg $0xFFFFFFFF  }
0xc7: {  	_ =	task.clear_ibuf [dreg:s7], $0x2FFFF;
	_ =	strace $0x9FFFFFFF  }
0xc8: {  	(tm) =	ssettm $0x7FFFFFFF  }
0xc9: {  	_ =	shalt  }
tec
execute0_lowered:
.L_overlay_start_1:
0x0: {  	(tag) =	ssettag $0x1  }
0x1: {  	s2 =	rddreg [dreg:$0x0]  }
0x2: {  	s7 =	rddreg [dreg:$0x1]  }
0x3: {  	s0 =	rddreg [dreg:$0x2]  }
0x4: {  	s1 =	srdreg.scid;
	_ =	strace $0x80000047;
	s4 =	simm.s32 $0x1  }
0x5: {  	s9 =	simm.s32 $0x3;
	s12 =	simm.s32 $0x0;
	s5 =	sshll.u32 s1, $0x4  }
.Ltmp0:
0x6: {  	s1 =	stileid.u32;
	s5 =	sand.u32 $0x10, s5;
	(pc) =	sbr.rel .LBB2_1-.Ltmp0, $4  }
0x7: {  	s10 =	simm.s32 $0x0;
	s3 =	sadd.s32 $0x8C00, s7;
	s6 =	sor.u32 s1, s5  }
0x8: {  	[sflag:s4] =	ssyncpa.u1 $0x0;
	s5 =	simm.s32 $0x2;
	s6 =	sshll.u32 s6, $0x7  }
0x9: {  	s7 =	sadd.s32 $0x8E00, s7;
	[sflag:s5] =	ssyncpa.u1 $0x0;
	s8 =	sadd.s32 $0x80, s6  }
0xa: {  	vm0 =	vmmov $0xff;
	vm1 =	vcmask $0x3F20;
	[sflag:s9] =	ssyncpa.u1 $0x0;
	s9 =	simm.s32 $0x80;
	s11 =	smov.u32 s6  }
.LBB2_9:
0xb: {  	p0 =	seq.s32 s10, $0x2  }
.Ltmp1:
0xc: {  	_ = 	snop;
	(pc) =	sbr.rel @p0 .LBB2_11-.Ltmp1, $1  }
0xd: {  	_ =	sdelay $0x3  }
.LBB2_10:
0xe: {  	s12 =	sadd.s32 $0x80, s11  }
0xf: {  	s13 =	smov.u32 s6;
	p0 =	slt.s32 s12, s8  }
0x10: {  	s13 =	smov.u32 @p0 s12  }
0x11: {  	s10 =	sadd.s32 $0x1, s10;
	s12 =	smov.u32 s11;
	s11 =	smov.u32 s13  }
.LBB2_1:
0x12: {  	p0 =	sne.s32 s10, $0x0  }
.Ltmp2:
0x13: {  	_ = 	snop;
	(pc) =	sbr.rel @!p0 .LBB2_2-.Ltmp2, $1  }
0x14: {  	_ =	sdelay $0x3  }
0x15: {  	s13 =	sand.u32 $0x1, s10  }
0x16: {  	p0 =	seq.s32 s13, $0x0  }
.Ltmp3:
0x17: {  	_ = 	snop;
	(pc) =	sbr.rel @p0 .LBB2_9-.Ltmp3, $1  }
0x18: {  	_ =	sdelay $0x3  }
0x19: {  	_ =	swait.ge [sflag:s5], $0x80  }
0x1a: {  	[sflag:s5] =	ssyncset.done $0x0  }
0x1b: {  	s13 =	simm.s32 $0x0;
	[sflag:s5] =	ssyncadd.s32 $0xFFFFFF80  }
0x1c: {  	v0 =	vld.msk [tilespmem:s13+$0x80 ss:$0x1], $0xffff;
	_ =	sdelay $0x4  }
0x1d: {  	v1 =	vshll.u32 v0, $0x4  }
0x1e: {  	vm2 =	veq.s32 v0, $0x80000000;
	v0 =	vshll.u32 v0, $0x13;
	v1 =	vand.u32 $0x7FF80, v1  }
0x1f: {  	v0 =	vand.u32 $0x380000, v0;
	v1 =	vsel vm2, $0xFFFFFF80, v1  }
0x20: {  	v0 =	vsel vm2, $0xFFF80000, v0;
	v2 =	vand.u32 $0xFFFFFC00, v1  }
0x21: {  	v1 =	vand.u32 $0x380, v1;
	v0 =	vadd.s32 v0, v2  }
0x22: {  	v0 =	vor.u32 v1, v0  }
0x23: {  	v0 =	vshrl.u32 v0, $0x3;
	_ =	sdelay $0x3  }
0x24: {  	s13 =	simm.s32 $0x4100  }
0x25: {  	[tilespmem:s13], [sflag:$0x1] =	stream.indirect_vreg.gather [hbm:s2], $0x80, v0, vm0, $0x38;
	[tilespmem:$0x8100] =	vst v63  }
0x26: {  	s14 =	simm.s32 $0x4500;
	s31 =	simm.s32 $0x10  }
0x27: {  	[tilespmem:s14], [sflag:$0x1] =	stream.indirect_vreg.gather [hbm:s2], $0x80, v0, vm1, $0x38;
	[tilespmem:$0x8100] =	vst v63  }
0x28: {  	s14 =	simm.s32 $0x80;
	v0 =	vld.msk [tilespmem:s31+$0x80 ss:$0x1], $0xffff  }
.LBB2_5:
0x29: {  	p0 =	sne.s32 s14, $0x1C0;
	_ =	sdelay $0x4  }
0x2a: {  	v1 =	vshll.u32 v0, $0x4  }
0x2b: {  	vm2 =	veq.s32 v0, $0x80000000;
	v0 =	vshll.u32 v0, $0x13;
	v1 =	vand.u32 $0x7FF80, v1  }
0x2c: {  	v0 =	vand.u32 $0x380000, v0;
	v1 =	vsel vm2, $0xFFFFFF80, v1  }
0x2d: {  	v0 =	vsel vm2, $0xFFF80000, v0;
	v2 =	vand.u32 $0xFFFFFC00, v1  }
0x2e: {  	v1 =	vand.u32 $0x380, v1;
	v0 =	vadd.s32 v0, v2  }
0x2f: {  	v0 =	vor.u32 v1, v0  }
0x30: {  	v0 =	vshrl.u32 v0, $0x3;
	_ =	sdelay $0x3  }
.Ltmp4:
0x31: {  	s13 =	sadd.s32 $0x800, s13;
	(pc) =	sbr.rel @p0 .LBB2_5-.Ltmp4, $4  }
0x32: {  	[tilespmem:s13], [sflag:$0x1] =	stream.indirect_vreg.gather [hbm:s2], $0x80, v0, vm0, $0x38;
	[tilespmem:$0x8100] =	vst v63  }
0x33: {  	s15 =	sshra.s32 s14, $0x2;
	s16 =	sadd.s32 $0x400, s13  }
0x34: {  	[tilespmem:s16], [sflag:$0x1] =	stream.indirect_vreg.gather [hbm:s2], $0x80, v0, vm1, $0x38;
	[tilespmem:$0x8100] =	vst v63  }
0x35: {  	s14 =	sadd.s32 $0x40, s14;
	v0 =	vld.msk [tilespmem:s15+$0x80 ss:$0x1], $0xffff  }
0x36: {  	_ =	sdelay $0x3  }
0x37: {  	v1 =	vshll.u32 v0, $0x4  }
0x38: {  	vm2 =	veq.s32 v0, $0x80000000;
	v63 =	vshll.u32 v0, $0x13;
	v1 =	vand.u32 $0x7FF80, v1  }
0x39: {  	v0 =	vand.u32 $0x380000, v63;
	v1 =	vsel vm2, $0xFFFFFF80, v1  }
0x3a: {  	v0 =	vsel vm2, $0xFFF80000, v0;
	v2 =	vand.u32 $0xFFFFFC00, v1  }
0x3b: {  	v1 =	vand.u32 $0x380, v1;
	v0 =	vadd.s32 v0, v2  }
0x3c: {  	v0 =	vor.u32 v1, v0  }
0x3d: {  	v0 =	vshrl.u32 v0, $0x3;
	_ =	sdelay $0x3  }
0x3e: {  	s13 =	sadd.s32 $0x800, s13  }
0x3f: {  	[tilespmem:s13], [sflag:$0x1] =	stream.indirect_vreg.gather [hbm:s2], $0x80, v0, vm0, $0x38;
	[tilespmem:$0x8100] =	vst v63  }
0x40: {  	s13 =	sadd.s32 $0x400, s13  }
0x41: {  	[tilespmem:s13], [sflag:$0x1] =	stream.indirect_vreg.gather [hbm:s2], $0x80, v0, vm1, $0x38;
	[tilespmem:$0x8100] =	vst v63  }
0x42: {  	s12 =	sshll.u32 s12, $0x4;
	s14 =	simm.s32 $0x80;
	_ =	swait.ge [sflag:s4], $0x4000  }
0x43: {  	s15 =	simm.s32 $0x4500;
	s12 =	sadd.s32 s12, s7;
	[sflag:s4] =	ssyncset.done $0x0  }
0x44: {  	s16 =	sadd.s32 $0x0, s12;
	s13 =	simm.s32 $0x4100;
	[sflag:s4] =	ssyncadd.s32 $0xFFFFC000  }
.LBB2_7:
0x45: {  	[hbm:s16] =	stream.linear.scatter [tilespmem:s13], [sflag:$0x3], $0x400, $0x38;
	[tilespmem:$0x8100] =	vst v63  }
0x46: {  	s16 =	smov.u32 s14;
	s13 =	smov.u32 s15;
	p0 =	sne.s32 s14, $0x780  }
.Ltmp5:
0x47: {  	s14 =	sadd.s32 $0x80, s14;
	(pc) =	sbr.rel @p0 .LBB2_7-.Ltmp5, $2  }
0x48: {  	_ =	sdelay $0x2  }
0x49: {  	s15 =	sadd.s32 $0x400, s15;
	s16 =	sadd.s32 s16, s12  }
.Ltmp6:
0x4a: {  	(pc) =	sbr.rel .LBB2_9-.Ltmp6, $2  }
0x4b: {  	_ =	sdelay $0x2  }
0x4c: {  	[hbm:s16] =	stream.linear.scatter [tilespmem:s13], [sflag:$0x3], $0x400, $0x38;
	[tilespmem:$0x8100] =	vst v63  }
.LBB2_2:
.Ltmp7:
0x4d: {  	(pc) =	sbr.rel .LBB2_10-.Ltmp7, $4  }
0x4e: {  	_ = 	snop  }
0x4f: {  	s12 =	sshrl.u32 s11, $0x3  }
0x50: {  	s13 =	sand.u32 $0x7, s11;
	s12 =	sadd.s32 s3, s12  }
0x51: {  	[tilespmem:s9], [sflag:$0x2] =	stream.linear.gather [hbm4b:s12+s13], $0x80, $0x38;
	[tilespmem:$0x8100] =	vst v63  }
.LBB2_11:
0x52: {  	s2 =	simm.s32 $0x3  }
0x53: {  	_ =	swait.ge [sflag:s2], $0x4000  }
0x54: {  	[sflag:s2] =	ssyncset.done $0x0  }
0x55: {  	[sflag:s2] =	ssyncadd.s32 $0xFFFFC000  }
0x56: {  	_ =	sfence.sel $0x180000  }
0x57: {  	s3 =	simm.s32 $0x2;
	[bflag:$0x0] =	sbarrier.arrive $0xFFFF  }
0x58: {  	[sflag:s3] =	ssyncpa.u1 $0x1  }
0x59: {  	s31 =	simm.s32 $0x1;
	[sflag:s2] =	ssyncpa.u1 $0x1  }
0x5a: {  	[sflag:s31] =	ssyncpa.u1 $0x1  }
0x5b: {  	p0 =	sne.s32 s1, $0x0;
	_ =	strace $0x90000047  }
0x5c: {  	s0 =	sadd.s32 @!p0 $0x100000, s0;
	[bflag:$0x2] =	sbarrier.arrive $0xFFFF  }
0x5d: {  	[sflag:s0] =	ssyncadd.tile.s32 @!p0 $0x1;
	_ =	shalt  }
.Lfunc_end2:
_tile_overlayer_lowered:
.L_overlay_start_2:
0x5e: {  	(tag) =	ssettag $0x2  }
0x5f: {  	s0 =	rddreg [dreg:$0x0];
	s2 =	stileid.u32  }
0x60: {  	s1 =	rddreg [dreg:$0x1];
	p0 =	sne.s32 s2, $0x0  }
0x61: {  	s3 =	rddreg [dreg:$0x2];
	[bflag:$0x3] =	sbarrier.arrive $0xFFFF;
	s2 =	simm.s32 @!p0 $0x1C01  }
0x62: {  	[timem:s3], [sflag:s2] =	dma.local @!p0 [hbm:s0], s1  }
0x63: {  	s0 =	simm.s32 @!p0 $0x1  }
0x64: {  	_ =	swait.ge @!p0 [sflag:s0], s1  }
0x65: {  	s1 =	ssub.s32 @!p0 $0x0, s1;
	[sflag:s0] =	ssyncset.done @!p0 $0x0  }
0x66: {  	[sflag:s0] =	ssyncadd.s32 @!p0 s1  }
0x67: {  	[bflag:$0x3] =	sbarrier.arrive $0xFFFF  }
0x68: {  	_ =	shalt  }

// kernel: kernel.41.cloned.1.call-start
scs
__scs_entry_jumppad:
0x0: {  	(pc) =	sbr.rel $0x88, $3  }
0x1: {  	(tag) =	ssettag $0x0;
	lr =	simm.s32 $0x1  }
0x2: {  	[smem:$0x3F5E] =	sst lr;
	_ =	strace $0xD0000000  }
0x3: {  	_ = 	snop  }
0x4: {  	_ = 	snop  }
0x5: {  	_ = 	snop  }
0x6: {  	_ = 	snop  }
0x7: {  	_ = 	snop  }
__scs_overlays_trampoline_lowered:
0x8: {  	[smem:$0x3F6D] =	sst s0  }
0x9: {  	[smem:$0x3F6E] =	sst s1  }
0xa: {  	[smem:$0x3F6F] =	sst s2  }
0xb: {  	[smem:$0x3F70] =	sst s3  }
0xc: {  	[smem:$0x3F71] =	sst s4  }
0xd: {  	[smem:$0x3F72] =	sst s5  }
0xe: {  	[smem:$0x3F73] =	sst s6  }
0xf: {  	[smem:$0x3F74] =	sst s7  }
0x10: {  	[smem:$0x3F75] =	sst s8  }
0x11: {  	[smem:$0x3F76] =	sst s9;
	s0 =	simm.s32 @!p0 $0x0  }
0x12: {  	s1 =	sld [smem:$0x3F5C];
	s0 =	simm.s32 @p0 $0x1  }
0x13: {  	[smem:$0x3F77] =	sst s0;
	s0 =	simm.s32 @!p1 $0x0  }
0x14: {  	s2 =	sld [smem:$0x3F5B];
	s0 =	simm.s32 @p1 $0x1  }
0x15: {  	[smem:$0x3F78] =	sst s0;
	s0 =	simm.s32 @!p2 $0x0  }
0x16: {  	s3 =	sld [smem:$0x3FDB];
	s0 =	simm.s32 @p2 $0x1  }
0x17: {  	s4 =	simm.s32 $0x1BF5;
	[smem:$0x3F7A] =	sst s0  }
0x18: {  	s0 =	sld [smem:$0x3F5D];
	_ =	swait.ge [sflag:s4], $0x0  }
0x19: {  	s7 =	sld [smem:$0x3F5E]  }
0x1a: {  	s8 =	sadd.s32 $0xFFFFE003, lr  }
0x1b: {  	s9 =	sadd.s32 $0xFFFFFEF7, lr;
	s5 =	simm.s32 $0xFFFFFFFF;
	p2 =	slt.u32 s8, $0xFFFFF086  }
0x1c: {  	p1 =	slt.u32 s9, $0xF7A;
	s5 =	simm.s32 @!p2 $0x0  }
0x1d: {  	s5 =	simm.s32 @p1 $0x1;
	p0 =	seq.s32 s7, s2  }
0x1e: {  	s7 =	smul.u32 @!p0 $0xF7A, s2;
	p2 =	seq.s32 @!p0 s5, $0x0  }
0x1f: {  	s9 =	smul.u32 $0xF7A, s1;
	s8 =	simm.s32 @!p0 $0x1BF5;
	p2 =	por !p2, p0  }
0x20: {  	[sflag:s8] =	ssyncset.s32 @!p0 $0xFFFFF086;
	s6 =	sadd.s32 @!p0 s3, s7;
	s7 =	simm.s32 @!p0 $0x108  }
0x21: {  	s3 =	sadd.s32 s3, s9;
	s6 =	sadd.s32 @!p0 $0x88, s6;
	s7 =	simm.s32 @p2 $0x1082  }
0x22: {  	[simem:s7], [sflag:s8] =	dma.local @!p0 [hbm:s6], $0xF7A  }
0x23: {  	s9 =	sor.u32 $0xD0000000, s2;
	s6 =	simm.s32 $0x108;
	_ =	swait.ge @!p0 [sflag:s8], $0x0  }
0x24: {  	s3 =	sadd.s32 $0x88, s3;
	s6 =	simm.s32 @!p1 $0x1082;
	[sflag:s4] =	ssyncset.s32 $0xFFFFF086  }
0x25: {  	[simem:s6], [sflag:s4] =	dma.local [hbm:s3], $0xF7A  }
0x26: {  	[smem:$0x3F5E] =	sst s1;
	(tag) =	ssettag s2;
	_ =	strace s9  }
0x27: {  	s1 =	sld [smem:$0x3F6E]  }
0x28: {  	s2 =	sld [smem:$0x3F6F]  }
0x29: {  	s4 =	sld [smem:$0x3F71]  }
0x2a: {  	p0 =	seq.s32 s5, $0x0;
	s5 =	sld [smem:$0x3F72]  }
0x2b: {  	s6 =	sld [smem:$0x3F73]  }
0x2c: {  	s7 =	sld [smem:$0x3F74]  }
0x2d: {  	s3 =	simm.s32 $0x108;
	s8 =	sld [smem:$0x3F75]  }
0x2e: {  	s3 =	simm.s32 @!p0 $0x1082;
	s9 =	sld [smem:$0x3F76]  }
0x2f: {  	lr =	sadd.s32 s0, s3;
	s0 =	sld [smem:$0x3F6D]  }
0x30: {  	s3 =	sld [smem:$0x3F70]  }
0x31: {  	[smem:$0x3F79] =	sst s10  }
0x32: {  	s10 =	sld [smem:$0x3F77];
	_ =	sdelay $0x3  }
0x33: {  	p0 =	seq.s32 s10, $0x1;
	s10 =	sld [smem:$0x3F79];
	_ =	sdelay $0x3  }
0x34: {  	[smem:$0x3F79] =	sst s10  }
0x35: {  	s10 =	sld [smem:$0x3F78];
	_ =	sdelay $0x3  }
0x36: {  	p1 =	seq.s32 s10, $0x1;
	s10 =	sld [smem:$0x3F79];
	_ =	sdelay $0x3  }
0x37: {  	[smem:$0x3F79] =	sst s10  }
0x38: {  	s10 =	sld [smem:$0x3F7A]  }
0x39: {  	_ = 	snop;
	(pc) =	sbr.ind lr, $3  }
0x3a: {  	_ = 	snop  }
0x3b: {  	_ = 	snop  }
0x3c: {  	p2 =	seq.s32 s10, $0x1;
	s10 =	sld [smem:$0x3F79]  }
0x3d: {  	_ =	shalt  }
0x3e: {  	_ =	shalt  }
0x3f: {  	_ =	shalt  }
0x40: {  	_ =	shalt  }
0x41: {  	_ =	shalt  }
0x42: {  	_ =	shalt  }
0x43: {  	_ =	shalt  }
0x44: {  	_ =	shalt  }
0x45: {  	_ =	shalt  }
0x46: {  	_ =	shalt  }
0x47: {  	_ =	shalt  }
0x48: {  	_ =	shalt  }
0x49: {  	_ =	shalt  }
0x4a: {  	_ =	shalt  }
0x4b: {  	_ =	shalt  }
0x4c: {  	_ =	shalt  }
0x4d: {  	_ =	shalt  }
0x4e: {  	_ =	shalt  }
0x4f: {  	_ =	shalt  }
0x50: {  	_ =	shalt  }
0x51: {  	_ =	shalt  }
0x52: {  	_ =	shalt  }
0x53: {  	_ =	shalt  }
0x54: {  	_ =	shalt  }
0x55: {  	_ =	shalt  }
0x56: {  	_ =	shalt  }
0x57: {  	_ =	shalt  }
0x58: {  	_ =	shalt  }
0x59: {  	_ =	shalt  }
0x5a: {  	_ =	shalt  }
0x5b: {  	_ =	shalt  }
0x5c: {  	_ =	shalt  }
0x5d: {  	_ =	shalt  }
0x5e: {  	_ =	shalt  }
0x5f: {  	_ =	shalt  }
0x60: {  	_ =	shalt  }
0x61: {  	_ =	shalt  }
0x62: {  	_ =	shalt  }
0x63: {  	_ =	shalt  }
0x64: {  	_ =	shalt  }
0x65: {  	_ =	shalt  }
0x66: {  	_ =	shalt  }
0x67: {  	_ =	shalt  }
0x68: {  	_ =	shalt  }
0x69: {  	_ =	shalt  }
0x6a: {  	_ =	shalt  }
0x6b: {  	_ =	shalt  }
0x6c: {  	_ =	shalt  }
0x6d: {  	_ =	shalt  }
0x6e: {  	_ =	shalt  }
0x6f: {  	_ =	shalt  }
0x70: {  	_ =	shalt  }
0x71: {  	_ =	shalt  }
0x72: {  	_ =	shalt  }
0x73: {  	_ =	shalt  }
0x74: {  	_ =	shalt  }
0x75: {  	_ =	shalt  }
0x76: {  	_ =	shalt  }
0x77: {  	_ =	shalt  }
0x78: {  	_ =	shalt  }
0x79: {  	_ =	shalt  }
0x7a: {  	_ =	shalt  }
0x7b: {  	_ =	shalt  }
0x7c: {  	_ =	shalt  }
0x7d: {  	_ =	shalt  }
0x7e: {  	_ =	shalt  }
0x7f: {  	_ =	shalt  }
0x80: {  	_ =	shalt  }
0x81: {  	_ =	shalt  }
0x82: {  	_ =	shalt  }
0x83: {  	_ =	shalt  }
0x84: {  	_ =	shalt  }
0x85: {  	_ =	shalt  }
0x86: {  	_ =	shalt  }
0x87: {  	_ =	shalt  }
.Lfunc_end0:
.L_simem_size_0:
called_computation.1_lowered:
.L_overlay_start_0:
0x88: {  	s2 =	sld [smem:$0x3FD9]  }
0x89: {  	s3 =	sld [smem:$0x3FFE];
	_ =	sdelay $0x1  }
0x8a: {  	s1 =	srdreg.scid  }
0x8b: {  	s0 =	sand.u32 $0x1, s1  }
0x8c: {  	s16 =	sshll.u32 s0, $0xA;
	s2 =	sadd.s32 s3, s2  }
0x8d: {  	s2 =	sadd.s32 s2, s16  }
0x8e: {  	[smem:$0x3F85] =	sst s2  }
0x8f: {  	_ = 	snop  }
0x90: {  	(tm) =	ssettm $0x1  }
0x91: {  	s17 =	sld [smem:$0x3FFB];
	_ =	sdelay $0x3  }
0x92: {  	_ =	strace s17  }
0x93: {  	s2 =	sld [smem:$0x3FFC];
	_ =	sdelay $0x3  }
0x94: {  	_ =	strace s2  }
0x95: {  	s2 =	sld [smem:$0x3FFD];
	_ =	sdelay $0x3  }
0x96: {  	_ =	strace s2  }
0x97: {  	_ =	strace $0x8FFFFFFF  }
0x98: {  	s18 =	sld [smem:$0x3FDB];
	_ =	sdelay $0x1  }
0x99: {  	s19 =	simm.s32 $_scs_section_size  }
0x9a: {  	s4 =	simm.s32 $_size__tile_overlayer_lowered;
	s5 =	simm.s32 $_tile_overlayer_lowered  }
0x9b: {  	s22 =	simm.s32 $0x1BFF;
	s21 =	sshll.u32 s5, $0x1;
	s2 =	sadd.s32 s19, s18  }
0x9c: {  	s6 =	simm.s32 $0x0;
	s20 =	sshll.u32 s4, $0x1;
	s4 =	sadd.s32 s21, s2  }
0x9d: {  	[timem:s6], [sflag:s22] =	dma.local [hbm:s4], s20  }
0x9e: {  	_ =	swait.ge [sflag:s22], s20  }
0x9f: {  	s3 =	ssub.s32 $0x0, s20;
	[sflag:s22] =	ssyncset.done $0x0  }
0xa0: {  	[sflag:s22] =	ssyncadd.s32 s3;
	_ =	sdelay $0x1  }
0xa1: {  	s23 =	simm.s32 $0x1B8B  }
0xa2: {  	_ =	swait.ge [sflag:s23], $0x1  }
0xa3: {  	[sflag:s23] =	ssyncset.done $0x0  }
0xa4: {  	s25 =	simm.s32 $0x1B8E;
	s24 =	sld [smem:$0x3FFE];
	[sflag:s23] =	ssyncadd.s32 $0xFFFFFFFF  }
0xa5: {  	s26 =	simm.s32 $execute0_lowered;
	[smem:$0x3FD2] =	sst s25  }
0xa6: {  	s4 =	sshll.u32 s26, $0x1;
	_ =	strace $0x80000049;
	[dreg:$0x1] =	wrdreg $0xFFFFFFFF  }
0xa7: {  	s28 =	simm.s32 $_size_execute0_lowered;
	s2 =	sadd.s32 s2, s4;
	[dreg:$0x0] =	wrdreg $0x0  }
0xa8: {  	s4 =	sshll.u32 s28, $0x1;
	[dreg:$0x2] =	wrdreg s2  }
0xa9: {  	[dreg:$0x3] =	wrdreg s4  }
0xaa: {  	[dreg:$0x4] =	wrdreg $0xC0  }
0xab: {  	_ =	task [dreg:s6], $0x5FFFF  }
0xac: {  	[dreg:$0x1] =	wrdreg $0xFFFFFFFF  }
0xad: {  	[dreg:$0x0] =	wrdreg $0x60  }
0xae: {  	[dreg:$0x2] =	wrdreg s24  }
0xaf: {  	[dreg:$0x3] =	wrdreg $0x9  }
0xb0: {  	_ =	task.clear_ibuf [dreg:s6], $0x4FFFF;
	_ =	strace $0x90000049  }
0xb1: {  	s29 =	simm.s32 $0x9;
	_ =	strace $0x8000004B  }
0xb2: {  	_ =	swait.ge [sflag:s29], $0x1  }
0xb3: {  	[sflag:s29] =	ssyncadd.s32 $0xFFFFFFFF  }
0xb4: {  	_ =	strace $0x9000004B  }
0xb5: {  	_ =	sfence  }
0xb6: {  	s30 =	sld [smem:$0x0];
	_ =	sdelay $0x2  }
0xb7: {  	s31 =	sshll.u32 s1, $0xD;
	s1 =	sshrl.u32 s1, $0x2  }
0xb8: {  	s3 =	sand.u32 $0x4000, s31;
	s1 =	sadd.s32 s1, s30  }
0xb9: {  	s0 =	sor.u32 s3, s0;
	s1 =	sshll.u32 s1, $0x11  }
0xba: {  	s0 =	sor.u32 s1, s0  }
0xbb: {  	s0 =	sadd.s32 $0x8F2B, s0  }
0xbc: {  	[sflag:s0] =	ssyncadd.remote.s32 $0x1  }
0xbd: {  	_ =	sfence.sel $0xFFFF  }
0xbe: {  	[dreg:$0x0] =	wrdreg $0xFFFFFFFF;
	(pc) =	sbr.abs _section_cstart, $3  }
0xbf: {  	[dreg:$0x1] =	wrdreg $0xFFFFFFFF  }
0xc0: {  	_ =	task.clear_ibuf [dreg:s6], $0x2FFFF;
	_ =	strace $0x9FFFFFFF  }
0xc1: {  	(tm) =	ssettm $0x7FFFFFFF  }
tec
execute0_lowered:
.L_overlay_start_1:
0x0: {  	(tag) =	ssettag $0x1  }
0x1: {  	s0 =	rddreg [dreg:$0x0]  }
0x2: {  	s2 =	simm.s32 $0x0;
	s4 =	stileid.u32;
	s1 =	srdreg.scid  }
0x3: {  	s17 =	simm.s32 $0x1;
	s28 =	simm.s32 $0xAB00;
	s29 =	simm.s32 $0x0  }
0x4: {  	[smem:$0x7FF] =	sst s2;
	s3 =	sshll.u32 s4, $0x1;
	s4 =	sshrl.u32 s4, $0x1  }
0x5: {  	s1 =	sand.u32 $0x1, s1;
	s5 =	sadd.s32 $0x19400, s0;
	s19 =	smul.u32 $0xA000, s4  }
0x6: {  	s8 =	sadd.s32 $0x18E00, s0;
	_ =	strace $0x8000004A;
	s9 =	smul.u32 $0x3, s4  }
0x7: {  	s3 =	sand.u32 $0x2, s3;
	s10 =	sshll.u32 s4, $0x12;
	s4 =	smul.u32 $0x180, s4  }
0x8: {  	s7 =	sor.u32 s1, s3;
	s10 =	sadd.s32 s10, s0;
	s1 =	ssub.s32 $0x2, s1  }
0x9: {  	s6 =	sshll.u32 s7, $0x7;
	s20 =	sshrl.u32 s9, $0x3;
	s11 =	sand.u32 $0x380, s4  }
0xa: {  	s22 =	sshrl.u32 s1, $0x1;
	s24 =	sadd.s32 $0x1, s9;
	s9 =	sadd.s32 $0x2, s9  }
0xb: {  	s16 =	sshll.u32 s7, $0xA;
	s31 =	sshll.u32 s7, $0x10;
	s3 =	sor.u32 s19, s6  }
0xc: {  	s21 =	sshll.u32 s20, $0xF;
	s1 =	ssub.s32 s1, s22;
	s12 =	sshrl.u32 s24, $0x3  }
0xd: {  	s14 =	sshrl.u32 s9, $0x3;
	s9 =	sshll.u32 s9, $0x7;
	s6 =	sshll.u32 s20, $0xC  }
0xe: {  	s10 =	sadd.s32 s31, s10;
	s3 =	sshrl.u32 s3, $0x3;
	s4 =	sor.u32 s11, s21  }
0xf: {  	s25 =	sshll.u32 s12, $0xF;
	s9 =	sand.u32 $0x380, s9;
	s15 =	sshll.u32 s14, $0xF  }
0x10: {  	s6 =	sor.u32 s16, s6;
	s26 =	sshll.u32 s12, $0xC;
	s30 =	sshll.u32 s14, $0xC  }
0x11: {  	s14 =	smax.u32 s1, $0x1;
	s0 =	sadd.s32 s3, s0;
	s23 =	sshrl.u32 s4, $0x3  }
0x12: {  	s4 =	sshll.u32 s24, $0x7;
	s15 =	sor.u32 s9, s15;
	s6 =	sor.u32 s11, s6  }
0x13: {  	s11 =	sor.u32 s16, s26;
	s12 =	sor.u32 s16, s30;
	s16 =	simm.s32 $0x400  }
0x14: {  	s26 =	simm.s32 $0x8300;
	s3 =	sadd.s32 s5, s23;
	s13 =	sand.u32 $0x380, s4  }
0x15: {  	s15 =	sshrl.u32 s15, $0x3;
	s6 =	sshrl.u32 s6, $0x3;
	s9 =	sor.u32 s9, s12  }
0x16: {  	s12 =	sadd.s32 $0x30400, s0;
	s23 =	simm.s32 $0x200;
	s4 =	sor.u32 s13, s25  }
0x17: {  	s6 =	sadd.s32 s8, s6;
	s11 =	sor.u32 s13, s11;
	s9 =	sshrl.u32 s9, $0x3  }
0x18: {  	s13 =	sadd.s32 $0x3A400, s0;
	s25 =	simm.s32 $0x5B00;
	s4 =	sshrl.u32 s4, $0x3  }
0x19: {  	v0 =	vlaneseq.u32;
	s11 =	sshrl.u32 s11, $0x3;
	s4 =	sadd.s32 s5, s4;
	s5 =	sadd.s32 s5, s15  }
0x1a: {  	v1 =	vadd.s32 $0x1, v0;
	s7 =	sadd.s32 s8, s11;
	s8 =	sadd.s32 s8, s9;
	s9 =	sadd.s32 $0x41C400, s10  }
0x1b: {  	v2 =	vadd.s32 $0x11, v0;
	v3 =	vadd.s32 $0x21, v0;
	v4 =	vadd.s32 $0x31, v0;
	s10 =	sadd.s32 $0x1C400, s0;
	s11 =	sadd.s32 $0x26400, s0;
	s15 =	simm.s32 $0x80  }
.LBB2_1:
0x1c: {  	[tilespmem:s2], [sflag:$0x1] =	stream.strided.gather [hbm4b:s3+s15], $0x1000, s16, s15, $0x38;
	[tilespmem:$0xE300] =	vst v63  }
0x1d: {  	_ =	swait.ge [sflag:s17], $0x1000  }
0x1e: {  	[sflag:s17] =	ssyncset.done $0x0  }
0x1f: {  	s0 =	simm.s32 $0x1000;
	[sflag:s17] =	ssyncadd.s32 $0xFFFFF000  }
0x20: {  	[tilespmem:s0], [sflag:$0x1] =	stream.strided.gather [hbm4b:s4+s15], $0x1000, s16, s15, $0x38;
	[tilespmem:$0xE300] =	vst v63  }
0x21: {  	_ =	swait.ge [sflag:s17], $0x1000  }
0x22: {  	[sflag:s17] =	ssyncset.done $0x0  }
0x23: {  	s21 =	simm.s32 $0x2000;
	[sflag:s17] =	ssyncadd.s32 $0xFFFFF000  }
0x24: {  	[tilespmem:s21], [sflag:$0x1] =	stream.strided.gather [hbm4b:s5+s15], $0x1000, s16, s15, $0x38;
	[tilespmem:$0xE300] =	vst v63  }
0x25: {  	_ =	swait.ge [sflag:s17], $0x1000  }
0x26: {  	[sflag:s17] =	ssyncset.done $0x0  }
0x27: {  	s22 =	simm.s32 $0x3000;
	[sflag:s17] =	ssyncadd.s32 $0xFFFFF000  }
0x28: {  	[tilespmem:s22], [sflag:$0x1] =	stream.linear.gather [hbm4b:s6+s2], $0x80, $0x38;
	[tilespmem:$0xE300] =	vst v63  }
0x29: {  	_ =	swait.ge [sflag:s17], $0x80  }
0x2a: {  	[sflag:s17] =	ssyncset.done $0x0  }
0x2b: {  	s24 =	simm.s32 $0x3100;
	[sflag:s17] =	ssyncadd.s32 $0xFFFFFF80  }
0x2c: {  	[tilespmem:s24], [sflag:$0x1] =	stream.linear.gather [hbm4b:s7+s2], $0x80, $0x38;
	[tilespmem:$0xE300] =	vst v63  }
0x2d: {  	_ =	swait.ge [sflag:s17], $0x80  }
0x2e: {  	[sflag:s17] =	ssyncset.done $0x0  }
0x2f: {  	s31 =	simm.s32 $0x3200;
	[sflag:s17] =	ssyncadd.s32 $0xFFFFFF80  }
0x30: {  	[tilespmem:s31], [sflag:$0x1] =	stream.linear.gather [hbm4b:s8+s2], $0x80, $0x38;
	[tilespmem:$0xE300] =	vst v63  }
0x31: {  	_ =	swait.ge [sflag:s17], $0x80  }
0x32: {  	[sflag:s17] =	ssyncset.done $0x0  }
0x33: {  	s30 =	simm.s32 $0x0;
	[sflag:s17] =	ssyncadd.s32 $0xFFFFFF80  }
.LBB2_2:
0x34: {  	s0 =	sshll.u32 s30, $0x9  }
0x35: {  	s1 =	sshll.u32 s30, $0x4;
	s0 =	sand.u32 $0xF000, s0  }
0x36: {  	v5 =	vld.msk [tilespmem:s30+$0x3000 ss:$0x0], $0xffff;
	s1 =	sand.u32 $0x70, s1;
	s0 =	sadd.s32 s0, s9  }
0x37: {  	v6 =	vld.msk [tilespmem:s30+$0x3100 ss:$0x0], $0xffff;
	s22 =	simm.s32 $0xD300;
	s0 =	sadd.s32 s1, s0  }
0x38: {  	v7 =	vld.msk [tilespmem:s30+$0x3200 ss:$0x0], $0xffff;
	[tilespmem:s22], [sflag:$0x1] =	stream.strided.gather [hbm4b:s0+s15], $0x1000, s16, s15, $0x38  }
0x39: {  	_ =	swait.ge [sflag:s17], $0x1000  }
0x3a: {  	[sflag:s17] =	ssyncset.done $0x0  }
0x3b: {  	[sflag:s17] =	ssyncadd.s32 $0xFFFFF000  }
0x3c: {  	v8 =	vld [tilespmem:s22+$0x0];
	_ =	sdelay $0x3  }
0x3d: {  	s31 =	smul.u32 $0x50, s30;
	s0 =	simm.s32 $0x0  }
0x3e: {  	s24 =	simm.s32 $0x1000;
	v9 =	vld [tilespmem:s0+$0x0];
	vm0 =	vle.f32 v8, $3.999999910e-02  }
0x3f: {  	v10 =	vld [tilespmem:s24+$0x0];
	v8 =	vmov s31;
	_ =	sdelay $0x1  }
0x40: {  	v12 =	vor.u32 s0, v0  }
0x41: {  	p0 =	por $0x1, $0x1;
	s1 =	simm.s32 $0x0;
	v12 =	vcvt.s32.f32 v12  }
0x42: {  	s18 =	simm.s32 $0x2000;
	s1 =	simm.s32 @!p0 $0x40;
	v9 =	vsub.f32 v9, v5  }
0x43: {  	v11 =	vld [tilespmem:s18+$0x0];
	v10 =	vsub.f32 v10, v6;
	[tilespmem:v8+s1+$0x3300 ss:$0x1] =	vst.idx.msk vm0, v12  }
0x44: {  	[tilespmem:v8+s1+$0x5B00 ss:$0x1] =	vst.idx.msk vm0, v9  }
0x45: {  	[tilespmem:v8+s1+$0x8300 ss:$0x1] =	vst.idx.msk vm0, v10;
	v10 =	vmpcnt.ones.xlane vm0;
	_ =	sdelay $0x1  }
0x46: {  	(v2sf) =	vpush v10, $0x0;
	_ =	sdelay $0x3  }
0x47: {  	v11 =	vsub.f32 v11, v7;
	_ =	sdelay $0x1  }
0x48: {  	s19 =	simm.s32 $0x1010;
	[tilespmem:v8+s1+$0xAB00 ss:$0x1] =	vst.idx.msk vm0, v11  }
0x49: {  	s20 =	simm.s32 $0xD310;
	s21 =	simm.s32 $0x0;
	v9 =	vld [tilespmem:s19+$0x0]  }
0x4a: {  	s22 =	simm.s32 $0x20;
	s18 =	simm.s32 $0x2010;
	s1 =	simm.s32 $0x10;
	v10 =	vld [tilespmem:s20+$0x0]  }
.LBB2_3:
0x4b: {  	p0 =	sne.s32 s22, $0xFF0;
	v11 =	vld [tilespmem:s18+$0x0];
	s21 =	sadd.s32 $0x10, s21  }
0x4c: {  	v12 =	vld [tilespmem:s21+$0x0];
	_ =	sdelay $0x2  }
0x4d: {  	vm0 =	vle.f32 v10, $3.999999910e-02  }
0x4e: {  	v10 =	vmpcnt.ones.xlane vm0  }
0x4f: {  	s24 =	spop (v2sf)  }
0x50: {  	v13 =	vor.u32 s1, v0;
	s1 =	smov.u32 s22;
	(v2sf) =	vpush v10, $0x0;
	s0 =	sadd.s32 s0, s24  }
0x51: {  	v10 =	vcvt.s32.f32 v13;
	p1 =	slt.s32 s0, $0x40;
	s24 =	smov.u32 s0  }
0x52: {  	v12 =	vsub.f32 v12, v5;
	s24 =	simm.s32 @!p1 $0x40  }
0x53: {  	v9 =	vsub.f32 v9, v6;
	[tilespmem:v8+s24+$0x3300 ss:$0x1] =	vst.idx.msk vm0, v10  }
.Ltmp0:
0x54: {  	v10 =	vsub.f32 v11, v7;
	[tilespmem:v8+s24+$0x5B00 ss:$0x1] =	vst.idx.msk vm0, v12;
	(pc) =	sbr.rel @p0 .LBB2_3-.Ltmp0, $4  }
0x55: {  	[tilespmem:v8+s24+$0x8300 ss:$0x1] =	vst.idx.msk vm0, v9  }
0x56: {  	s19 =	sadd.s32 $0x10, s19;
	[tilespmem:v8+s24+$0xAB00 ss:$0x1] =	vst.idx.msk vm0, v10  }
0x57: {  	s20 =	sadd.s32 $0x10, s20;
	v9 =	vld [tilespmem:s19+$0x0]  }
0x58: {  	s22 =	sadd.s32 $0x10, s22;
	s18 =	sadd.s32 $0x10, s18;
	v10 =	vld [tilespmem:s20+$0x0]  }
0x59: {  	_ =	sdelay $0x3  }
0x5a: {  	vm0 =	vle.f32 v10, $3.999999910e-02  }
0x5b: {  	v10 =	vmpcnt.ones.xlane vm0;
	_ =	sdelay $0x1  }
0x5c: {  	(v2sf) =	vpush v10, $0x0;
	_ =	sdelay $0x2  }
0x5d: {  	s19 =	sadd.s32 $0x10, s21  }
0x5e: {  	v53 =	vld [tilespmem:s19+$0x0];
	_ =	sdelay $0x1  }
0x5f: {  	v11 =	vld [tilespmem:s18+$0x0];
	s22 =	spop (v2sf)  }
0x60: {  	v12 =	vor.u32 s1, v0;
	s0 =	sadd.s32 s0, s22  }
0x61: {  	v12 =	vcvt.s32.f32 v12;
	p0 =	slt.s32 s0, $0x40;
	s1 =	smov.u32 s0  }
0x62: {  	v5 =	vsub.f32 v53, v5;
	s1 =	simm.s32 @!p0 $0x40  }
0x63: {  	v6 =	vsub.f32 v9, v6;
	[tilespmem:v8+s1+$0x3300 ss:$0x1] =	vst.idx.msk vm0, v12  }
0x64: {  	v7 =	vsub.f32 v11, v7;
	[tilespmem:v8+s1+$0x5B00 ss:$0x1] =	vst.idx.msk vm0, v5  }
0x65: {  	[tilespmem:v8+s1+$0x8300 ss:$0x1] =	vst.idx.msk vm0, v6  }
0x66: {  	[tilespmem:v8+s1+$0xAB00 ss:$0x1] =	vst.idx.msk vm0, v7  }
0x67: {  	v5 =	vld [tilespmem:s31+$0x3300]  }
0x68: {  	v6 =	vld [tilespmem:s31+$0x5B00];
	s24 =	spop (v2sf)  }
0x69: {  	v7 =	vld [tilespmem:s31+$0x8300];
	s0 =	sadd.s32 s0, s24  }
0x6a: {  	v8 =	vld [tilespmem:s31+$0xAB00];
	p0 =	slt.s32 s0, $0x40  }
0x6b: {  	s0 =	simm.s32 @!p0 $0x40  }
0x6c: {  	v55 =	vbroadcast v5, $0x0;
	v54 =	vmov s0  }
0x6d: {  	v12 =	vld [tilespmem:s31+$0x3310];
	v56 =	vbroadcast v6, $0x0;
	vm12 =	vlt.s32 v54, v1  }
0x6e: {  	v14 =	vld [tilespmem:s31+$0x5B10];
	v13 =	vbroadcast v7, $0x0;
	v5 =	vsel vm12, v55, v5  }
0x6f: {  	v15 =	vld [tilespmem:s31+$0x8310];
	[tilespmem:s31+$0x3300] =	vst v5;
	v5 =	vsel vm12, v56, v6;
	v6 =	vbroadcast v8, $0x0  }
0x70: {  	[tilespmem:s31+$0x5B00] =	vst v5;
	v5 =	vsel vm12, v13, v7;
	v7 =	vld [tilespmem:s31+$0xAB10]  }
0x71: {  	v57 =	vld [tilespmem:s31+$0x3320];
	vm13 =	vlt.s32 v54, v2;
	[tilespmem:s31+$0x8300] =	vst v5;
	v5 =	vsel vm12, v6, v8  }
0x72: {  	v58 =	vld [tilespmem:s31+$0x5B20];
	[tilespmem:s31+$0xAB00] =	vst v5;
	v5 =	vsel vm13, v55, v12  }
0x73: {  	v59 =	vld [tilespmem:s31+$0x8320];
	[tilespmem:s31+$0x3310] =	vst v5;
	v5 =	vsel vm13, v56, v14  }
0x74: {  	v60 =	vld [tilespmem:s31+$0xAB20];
	[tilespmem:s31+$0x5B10] =	vst v5;
	v5 =	vsel vm13, v13, v15  }
0x75: {  	vm14 =	vlt.s32 v54, v3;
	[tilespmem:s31+$0x8310] =	vst v5;
	v5 =	vsel vm13, v6, v7;
	v7 =	vld [tilespmem:s31+$0x3330]  }
0x76: {  	v61 =	vld [tilespmem:s31+$0x5B30];
	[tilespmem:s31+$0xAB10] =	vst v5;
	v5 =	vsel vm14, v55, v57  }
0x77: {  	v62 =	vld [tilespmem:s31+$0x8330];
	[tilespmem:s31+$0x3320] =	vst v5;
	v5 =	vsel vm14, v56, v58  }
0x78: {  	s30 =	sadd.s32 $0x1, s30;
	v63 =	vld [tilespmem:s31+$0xAB30];
	[tilespmem:s31+$0x5B20] =	vst v5;
	v5 =	vsel vm14, v13, v59  }
0x79: {  	p0 =	sne.s32 s30, $0x80;
	vm15 =	vlt.s32 v54, v4;
	[tilespmem:s31+$0x8320] =	vst v5;
	v5 =	vsel vm14, v6, v60  }
.Ltmp1:
0x7a: {  	[tilespmem:s31+$0xAB20] =	vst v5;
	v5 =	vsel vm15, v55, v7;
	(pc) =	sbr.rel @p0 .LBB2_2-.Ltmp1, $4  }
0x7b: {  	[tilespmem:s31+$0x3330] =	vst v5;
	v5 =	vsel vm15, v56, v61  }
0x7c: {  	[tilespmem:s31+$0x5B30] =	vst v5;
	v5 =	vsel vm15, v13, v62  }
0x7d: {  	[tilespmem:s31+$0x8330] =	vst v5;
	v5 =	vsel vm15, v6, v63  }
0x7e: {  	[tilespmem:s31+$0xAB30] =	vst v5  }
0x7f: {  	s0 =	simm.s32 $0x3300  }
0x80: {  	[hbm4b:s10+s15] =	stream.strided.scatter [tilespmem:s0], [sflag:$0x1], $0x2800, s23, s15, $0x38;
	[tilespmem:$0xE300] =	vst v63  }
0x81: {  	_ =	swait.ge [sflag:s17], $0x2800  }
0x82: {  	[sflag:s17] =	ssyncset.done $0x0  }
0x83: {  	[sflag:s17] =	ssyncadd.s32 $0xFFFFD800  }
0x84: {  	[hbm4b:s11+s15] =	stream.strided.scatter [tilespmem:s25], [sflag:$0x1], $0x2800, s23, s15, $0x38;
	[tilespmem:$0xE300] =	vst v63  }
0x85: {  	_ =	swait.ge [sflag:s17], $0x2800  }
0x86: {  	[sflag:s17] =	ssyncset.done $0x0  }
0x87: {  	[sflag:s17] =	ssyncadd.s32 $0xFFFFD800  }
0x88: {  	[hbm4b:s12+s15] =	stream.strided.scatter [tilespmem:s26], [sflag:$0x1], $0x2800, s23, s15, $0x38;
	[tilespmem:$0xE300] =	vst v63  }
0x89: {  	s29 =	sadd.s32 $0x1, s29;
	_ =	swait.ge [sflag:s17], $0x2800  }
0x8a: {  	p0 =	sne.s32 s29, s14;
	[sflag:s17] =	ssyncset.done $0x0  }
.Ltmp2:
0x8b: {  	[sflag:s17] =	ssyncadd.s32 $0xFFFFD800;
	(pc) =	sbr.rel @p0 .LBB2_1-.Ltmp2, $4  }
0x8c: {  	[hbm4b:s13+s15] =	stream.strided.scatter [tilespmem:s28], [sflag:$0x1], $0x2800, s23, s15, $0x38;
	[tilespmem:$0xE300] =	vst v63  }
0x8d: {  	_ =	swait.ge [sflag:s17], $0x2800  }
0x8e: {  	[sflag:s17] =	ssyncset.done $0x0  }
0x8f: {  	[sflag:s17] =	ssyncadd.s32 $0xFFFFD800  }
0x90: {  	_ =	sfence.sel $0x180000  }
0x91: {  	[bflag:$0x0] =	sbarrier.arrive $0xFFFF  }
0x92: {  	_ =	strace $0x9000004A  }
0x93: {  	s0 =	stileid.u32;
	[bflag:$0x2] =	sbarrier.arrive $0xFFFF  }
0x94: {  	p0 =	sne.s32 s0, $0x0;
	s0 =	rddreg [dreg:$0x1]  }
0x95: {  	s0 =	sadd.s32 @!p0 $0x100000, s0  }
0x96: {  	[sflag:s0] =	ssyncadd.tile.s32 @!p0 $0x1;
	_ =	shalt  }
.Lfunc_end2:
_tile_overlayer_lowered:
.L_overlay_start_2:
0x97: {  	(tag) =	ssettag $0x2  }
0x98: {  	s0 =	rddreg [dreg:$0x0];
	s2 =	stileid.u32  }
0x99: {  	s1 =	rddreg [dreg:$0x1];
	p0 =	sne.s32 s2, $0x0  }
0x9a: {  	s3 =	rddreg [dreg:$0x2];
	[bflag:$0x3] =	sbarrier.arrive $0xFFFF;
	s2 =	simm.s32 @!p0 $0x1C01  }
0x9b: {  	[timem:s3], [sflag:s2] =	dma.local @!p0 [hbm:s0], s1  }
0x9c: {  	s0 =	simm.s32 @!p0 $0x1  }
0x9d: {  	_ =	swait.ge @!p0 [sflag:s0], s1  }
0x9e: {  	s1 =	ssub.s32 @!p0 $0x0, s1;
	[sflag:s0] =	ssyncset.done @!p0 $0x0  }
0x9f: {  	[sflag:s0] =	ssyncadd.s32 @!p0 s1  }
0xa0: {  	[bflag:$0x3] =	sbarrier.arrive $0xFFFF  }
0xa1: {  	_ =	shalt  }

// kernel: kernel.44.cloned.1.call-start
scs
__scs_entry_jumppad:
0x0: {  	(pc) =	sbr.rel $0x88, $3  }
0x1: {  	(tag) =	ssettag $0x0;
	lr =	simm.s32 $0x1  }
0x2: {  	[smem:$0x3F5E] =	sst lr;
	_ =	strace $0xD0000000  }
0x3: {  	_ = 	snop  }
0x4: {  	_ = 	snop  }
0x5: {  	_ = 	snop  }
0x6: {  	_ = 	snop  }
0x7: {  	_ = 	snop  }
__scs_overlays_trampoline_lowered:
0x8: {  	[smem:$0x3F6D] =	sst s0  }
0x9: {  	[smem:$0x3F6E] =	sst s1  }
0xa: {  	[smem:$0x3F6F] =	sst s2  }
0xb: {  	[smem:$0x3F70] =	sst s3  }
0xc: {  	[smem:$0x3F71] =	sst s4  }
0xd: {  	[smem:$0x3F72] =	sst s5  }
0xe: {  	[smem:$0x3F73] =	sst s6  }
0xf: {  	[smem:$0x3F74] =	sst s7  }
0x10: {  	[smem:$0x3F75] =	sst s8  }
0x11: {  	[smem:$0x3F76] =	sst s9;
	s0 =	simm.s32 @!p0 $0x0  }
0x12: {  	s1 =	sld [smem:$0x3F5C];
	s0 =	simm.s32 @p0 $0x1  }
0x13: {  	[smem:$0x3F77] =	sst s0;
	s0 =	simm.s32 @!p1 $0x0  }
0x14: {  	s2 =	sld [smem:$0x3F5B];
	s0 =	simm.s32 @p1 $0x1  }
0x15: {  	[smem:$0x3F78] =	sst s0;
	s0 =	simm.s32 @!p2 $0x0  }
0x16: {  	s3 =	sld [smem:$0x3FDB];
	s0 =	simm.s32 @p2 $0x1  }
0x17: {  	s4 =	simm.s32 $0x1BF5;
	[smem:$0x3F7A] =	sst s0  }
0x18: {  	s0 =	sld [smem:$0x3F5D];
	_ =	swait.ge [sflag:s4], $0x0  }
0x19: {  	s7 =	sld [smem:$0x3F5E]  }
0x1a: {  	s8 =	sadd.s32 $0xFFFFE003, lr  }
0x1b: {  	s9 =	sadd.s32 $0xFFFFFEF7, lr;
	s5 =	simm.s32 $0xFFFFFFFF;
	p2 =	slt.u32 s8, $0xFFFFF086  }
0x1c: {  	p1 =	slt.u32 s9, $0xF7A;
	s5 =	simm.s32 @!p2 $0x0  }
0x1d: {  	s5 =	simm.s32 @p1 $0x1;
	p0 =	seq.s32 s7, s2  }
0x1e: {  	s7 =	smul.u32 @!p0 $0xF7A, s2;
	p2 =	seq.s32 @!p0 s5, $0x0  }
0x1f: {  	s9 =	smul.u32 $0xF7A, s1;
	s8 =	simm.s32 @!p0 $0x1BF5;
	p2 =	por !p2, p0  }
0x20: {  	[sflag:s8] =	ssyncset.s32 @!p0 $0xFFFFF086;
	s6 =	sadd.s32 @!p0 s3, s7;
	s7 =	simm.s32 @!p0 $0x108  }
0x21: {  	s3 =	sadd.s32 s3, s9;
	s6 =	sadd.s32 @!p0 $0x88, s6;
	s7 =	simm.s32 @p2 $0x1082  }
0x22: {  	[simem:s7], [sflag:s8] =	dma.local @!p0 [hbm:s6], $0xF7A  }
0x23: {  	s9 =	sor.u32 $0xD0000000, s2;
	s6 =	simm.s32 $0x108;
	_ =	swait.ge @!p0 [sflag:s8], $0x0  }
0x24: {  	s3 =	sadd.s32 $0x88, s3;
	s6 =	simm.s32 @!p1 $0x1082;
	[sflag:s4] =	ssyncset.s32 $0xFFFFF086  }
0x25: {  	[simem:s6], [sflag:s4] =	dma.local [hbm:s3], $0xF7A  }
0x26: {  	[smem:$0x3F5E] =	sst s1;
	(tag) =	ssettag s2;
	_ =	strace s9  }
0x27: {  	s1 =	sld [smem:$0x3F6E]  }
0x28: {  	s2 =	sld [smem:$0x3F6F]  }
0x29: {  	s4 =	sld [smem:$0x3F71]  }
0x2a: {  	p0 =	seq.s32 s5, $0x0;
	s5 =	sld [smem:$0x3F72]  }
0x2b: {  	s6 =	sld [smem:$0x3F73]  }
0x2c: {  	s7 =	sld [smem:$0x3F74]  }
0x2d: {  	s3 =	simm.s32 $0x108;
	s8 =	sld [smem:$0x3F75]  }
0x2e: {  	s3 =	simm.s32 @!p0 $0x1082;
	s9 =	sld [smem:$0x3F76]  }
0x2f: {  	lr =	sadd.s32 s0, s3;
	s0 =	sld [smem:$0x3F6D]  }
0x30: {  	s3 =	sld [smem:$0x3F70]  }
0x31: {  	[smem:$0x3F79] =	sst s10  }
0x32: {  	s10 =	sld [smem:$0x3F77];
	_ =	sdelay $0x3  }
0x33: {  	p0 =	seq.s32 s10, $0x1;
	s10 =	sld [smem:$0x3F79];
	_ =	sdelay $0x3  }
0x34: {  	[smem:$0x3F79] =	sst s10  }
0x35: {  	s10 =	sld [smem:$0x3F78];
	_ =	sdelay $0x3  }
0x36: {  	p1 =	seq.s32 s10, $0x1;
	s10 =	sld [smem:$0x3F79];
	_ =	sdelay $0x3  }
0x37: {  	[smem:$0x3F79] =	sst s10  }
0x38: {  	s10 =	sld [smem:$0x3F7A]  }
0x39: {  	_ = 	snop;
	(pc) =	sbr.ind lr, $3  }
0x3a: {  	_ = 	snop  }
0x3b: {  	_ = 	snop  }
0x3c: {  	p2 =	seq.s32 s10, $0x1;
	s10 =	sld [smem:$0x3F79]  }
0x3d: {  	_ =	shalt  }
0x3e: {  	_ =	shalt  }
0x3f: {  	_ =	shalt  }
0x40: {  	_ =	shalt  }
0x41: {  	_ =	shalt  }
0x42: {  	_ =	shalt  }
0x43: {  	_ =	shalt  }
0x44: {  	_ =	shalt  }
0x45: {  	_ =	shalt  }
0x46: {  	_ =	shalt  }
0x47: {  	_ =	shalt  }
0x48: {  	_ =	shalt  }
0x49: {  	_ =	shalt  }
0x4a: {  	_ =	shalt  }
0x4b: {  	_ =	shalt  }
0x4c: {  	_ =	shalt  }
0x4d: {  	_ =	shalt  }
0x4e: {  	_ =	shalt  }
0x4f: {  	_ =	shalt  }
0x50: {  	_ =	shalt  }
0x51: {  	_ =	shalt  }
0x52: {  	_ =	shalt  }
0x53: {  	_ =	shalt  }
0x54: {  	_ =	shalt  }
0x55: {  	_ =	shalt  }
0x56: {  	_ =	shalt  }
0x57: {  	_ =	shalt  }
0x58: {  	_ =	shalt  }
0x59: {  	_ =	shalt  }
0x5a: {  	_ =	shalt  }
0x5b: {  	_ =	shalt  }
0x5c: {  	_ =	shalt  }
0x5d: {  	_ =	shalt  }
0x5e: {  	_ =	shalt  }
0x5f: {  	_ =	shalt  }
0x60: {  	_ =	shalt  }
0x61: {  	_ =	shalt  }
0x62: {  	_ =	shalt  }
0x63: {  	_ =	shalt  }
0x64: {  	_ =	shalt  }
0x65: {  	_ =	shalt  }
0x66: {  	_ =	shalt  }
0x67: {  	_ =	shalt  }
0x68: {  	_ =	shalt  }
0x69: {  	_ =	shalt  }
0x6a: {  	_ =	shalt  }
0x6b: {  	_ =	shalt  }
0x6c: {  	_ =	shalt  }
0x6d: {  	_ =	shalt  }
0x6e: {  	_ =	shalt  }
0x6f: {  	_ =	shalt  }
0x70: {  	_ =	shalt  }
0x71: {  	_ =	shalt  }
0x72: {  	_ =	shalt  }
0x73: {  	_ =	shalt  }
0x74: {  	_ =	shalt  }
0x75: {  	_ =	shalt  }
0x76: {  	_ =	shalt  }
0x77: {  	_ =	shalt  }
0x78: {  	_ =	shalt  }
0x79: {  	_ =	shalt  }
0x7a: {  	_ =	shalt  }
0x7b: {  	_ =	shalt  }
0x7c: {  	_ =	shalt  }
0x7d: {  	_ =	shalt  }
0x7e: {  	_ =	shalt  }
0x7f: {  	_ =	shalt  }
0x80: {  	_ =	shalt  }
0x81: {  	_ =	shalt  }
0x82: {  	_ =	shalt  }
0x83: {  	_ =	shalt  }
0x84: {  	_ =	shalt  }
0x85: {  	_ =	shalt  }
0x86: {  	_ =	shalt  }
0x87: {  	_ =	shalt  }
.Lfunc_end0:
.L_simem_size_0:
called_computation.2_lowered:
.L_overlay_start_0:
0x88: {  	s2 =	sld [smem:$0x3FD9]  }
0x89: {  	s3 =	sld [smem:$0x3FFE];
	_ =	sdelay $0x1  }
0x8a: {  	s1 =	srdreg.scid  }
0x8b: {  	s0 =	sand.u32 $0x1, s1  }
0x8c: {  	s15 =	sshll.u32 s0, $0xA;
	s2 =	sadd.s32 s3, s2  }
0x8d: {  	s2 =	sadd.s32 s2, s15  }
0x8e: {  	[smem:$0x3F85] =	sst s2  }
0x8f: {  	_ = 	snop  }
0x90: {  	s2 =	sld [smem:$0x3FD0];
	_ =	sdelay $0x2  }
0x91: {  	s4 =	simm.s32 $0xB;
	s16 =	simm.s32 $0x10  }
0x92: {  	[smem:s16], [sflag:s4] =	dma.local [hbm:s2], $0x1  }
0x93: {  	_ =	swait.eq [sflag:s4], $0x1  }
0x94: {  	[sflag:s4] =	ssyncset.done $0x0  }
0x95: {  	s17 =	sld [smem:$0x10];
	[sflag:s4] =	ssyncadd.s32 $0xFFFFFFFF  }
0x96: {  	s18 =	sld [smem:$0x11];
	(tm) =	ssettm $0x1  }
0x97: {  	s19 =	sld [smem:$0x3FFB];
	_ =	sdelay $0x3  }
0x98: {  	_ =	strace s19  }
0x99: {  	s2 =	sld [smem:$0x3FFC];
	_ =	sdelay $0x3  }
0x9a: {  	_ =	strace s2  }
0x9b: {  	s2 =	sld [smem:$0x3FFD];
	_ =	sdelay $0x3  }
0x9c: {  	_ =	strace s2  }
0x9d: {  	_ =	strace $0x8FFFFFFF  }
0x9e: {  	s20 =	sld [smem:$0x3FDB];
	_ =	sdelay $0x1  }
0x9f: {  	s5 =	simm.s32 $_scs_section_size  }
0xa0: {  	s6 =	simm.s32 $_size__tile_overlayer_lowered;
	s7 =	simm.s32 $_tile_overlayer_lowered  }
0xa1: {  	s8 =	simm.s32 $0x1BFF;
	s21 =	sshll.u32 s7, $0x1;
	s5 =	sadd.s32 s5, s20  }
0xa2: {  	s22 =	simm.s32 $0x0;
	s6 =	sshll.u32 s6, $0x1;
	s7 =	sadd.s32 s21, s5  }
0xa3: {  	[timem:s22], [sflag:s8] =	dma.local [hbm:s7], s6  }
0xa4: {  	_ =	swait.ge [sflag:s8], s6  }
0xa5: {  	s6 =	ssub.s32 $0x0, s6;
	[sflag:s8] =	ssyncset.done $0x0  }
0xa6: {  	[sflag:s8] =	ssyncadd.s32 s6;
	_ =	sdelay $0x1  }
0xa7: {  	s23 =	simm.s32 $0x1B8B  }
0xa8: {  	_ =	swait.ge [sflag:s23], $0x1  }
0xa9: {  	[sflag:s23] =	ssyncset.done $0x0  }
0xaa: {  	[sflag:s23] =	ssyncadd.s32 $0xFFFFFFFF  }
0xab: {  	s6 =	sld [smem:$0x0]  }
0xac: {  	s7 =	sand.u32 $0xFFFFFFFE, s1  }
0xad: {  	p0 =	sne.s32 s1, s7  }
0xae: {  	s7 =	sshll.u32 @p0 s7, $0xE  }
0xaf: {  	s7 =	sadd.s32 @p0 $0x11B8D, s7;
	s8 =	sshll.u32 @p0 s6, $0x11  }
0xb0: {  	s7 =	sor.u32 @p0 s8, s7  }
0xb1: {  	[sflag:s7] =	ssyncadd.remote.s32 @p0 $0x1;
	_ =	sdelay $0x1  }
0xb2: {  	s7 =	simm.s32 @p0 $0x1B8D  }
0xb3: {  	_ =	swait.eq @p0 [sflag:s7], $0x1  }
0xb4: {  	[sflag:s7] =	ssyncadd.s32 @p0 $0xFFFFFFFF  }
0xb5: {  	s8 =	sshll.u32 @!p0 s1, $0xE  }
0xb6: {  	s8 =	sor.u32 @!p0 $0x4000, s8;
	s7 =	simm.s32 @!p0 $0x1B8D  }
0xb7: {  	s6 =	sshll.u32 @!p0 s6, $0x11;
	s8 =	sadd.s32 @!p0 $0x11B8D, s8;
	_ =	swait.eq @!p0 [sflag:s7], $0x1  }
0xb8: {  	s6 =	sor.u32 @!p0 s6, s8;
	[sflag:s7] =	ssyncadd.s32 @!p0 $0xFFFFFFFF  }
0xb9: {  	s25 =	simm.s32 $0x1B8E;
	s24 =	sld [smem:$0x3FFE];
	[sflag:s6] =	ssyncadd.remote.s32 @!p0 $0x1  }
0xba: {  	s26 =	simm.s32 $execute0_lowered;
	[smem:$0x3FD2] =	sst s25  }
0xbb: {  	s7 =	sshll.u32 s26, $0x1;
	_ =	strace $0x8000004C;
	[dreg:$0x1] =	wrdreg $0xFFFFFFFF  }
0xbc: {  	s28 =	simm.s32 $_size_execute0_lowered;
	s5 =	sadd.s32 s5, s7;
	[dreg:$0x0] =	wrdreg $0x0  }
0xbd: {  	s7 =	sshll.u32 s28, $0x1;
	[dreg:$0x2] =	wrdreg s5  }
0xbe: {  	[dreg:$0x3] =	wrdreg s7  }
0xbf: {  	[dreg:$0x4] =	wrdreg $0xC0  }
0xc0: {  	_ =	task [dreg:s22], $0x5FFFF  }
0xc1: {  	[dreg:$0x1] =	wrdreg $0xFFFFFFFF  }
0xc2: {  	[dreg:$0x0] =	wrdreg $0x60  }
0xc3: {  	[dreg:$0x2] =	wrdreg s24  }
0xc4: {  	[dreg:$0x3] =	wrdreg s17  }
0xc5: {  	[dreg:$0x4] =	wrdreg s18  }
0xc6: {  	[dreg:$0x5] =	wrdreg $0xA  }
0xc7: {  	_ =	task.clear_ibuf [dreg:s22], $0x6FFFF;
	_ =	strace $0x9000004C  }
0xc8: {  	s29 =	simm.s32 $0xA;
	_ =	strace $0x8000004E  }
0xc9: {  	_ =	swait.ge [sflag:s29], $0x1  }
0xca: {  	[sflag:s29] =	ssyncadd.s32 $0xFFFFFFFF  }
0xcb: {  	_ =	strace $0x9000004E  }
0xcc: {  	_ =	sfence  }
0xcd: {  	s30 =	sld [smem:$0x0];
	_ =	sdelay $0x2  }
0xce: {  	s31 =	sshll.u32 s1, $0xD;
	s1 =	sshrl.u32 s1, $0x2  }
0xcf: {  	s4 =	sand.u32 $0x4000, s31;
	s1 =	sadd.s32 s1, s30  }
0xd0: {  	s0 =	sor.u32 s4, s0;
	s1 =	sshll.u32 s1, $0x11  }
0xd1: {  	s0 =	sor.u32 s1, s0  }
0xd2: {  	s0 =	sadd.s32 $0x8F2B, s0  }
0xd3: {  	[sflag:s0] =	ssyncadd.remote.s32 $0x1  }
0xd4: {  	_ =	sfence.sel $0xFFFF  }
0xd5: {  	[dreg:$0x0] =	wrdreg $0xFFFFFFFF;
	(pc) =	sbr.abs _section_cstart, $3  }
0xd6: {  	[dreg:$0x1] =	wrdreg $0xFFFFFFFF  }
0xd7: {  	_ =	task.clear_ibuf [dreg:s22], $0x2FFFF;
	_ =	strace $0x9FFFFFFF  }
0xd8: {  	(tm) =	ssettm $0x7FFFFFFF  }
0xd9: {  	_ =	shalt  }
tec
execute0_lowered:
.L_overlay_start_1:
0x0: {  	(tag) =	ssettag $0x1  }
0x1: {  	s0 =	rddreg [dreg:$0x0]  }
0x2: {  	s1 =	rddreg [dreg:$0x1]  }
0x3: {  	s10 =	rddreg [dreg:$0x2];
	s5 =	stileid.u32  }
0x4: {  	s2 =	simm.s32 $0x0;
	s3 =	srdreg.scid;
	s28 =	simm.s32 $0x0  }
0x5: {  	s4 =	sshll.u32 s5, $0x1;
	s3 =	sand.u32 $0x1, s3;
	s11 =	sshrl.u32 s5, $0x1  }
0x6: {  	[smem:$0x7FF] =	sst s2;
	s7 =	sadd.s32 $0x18E00, s0;
	s14 =	smul.u32 $0x2800, s11  }
0x7: {  	s4 =	sand.u32 $0x2, s4;
	_ =	strace $0x8000004D;
	s16 =	smul.u32 $0x3, s11  }
0x8: {  	s8 =	smul.u32 $0x180, s11;
	s31 =	sshll.u32 s11, $0xD;
	s6 =	sor.u32 s3, s4  }
0x9: {  	s3 =	ssub.s32 $0x2, s3;
	s10 =	sadd.s32 s10, s31;
	s15 =	sshll.u32 s6, $0x7  }
0xa: {  	s17 =	sshrl.u32 s3, $0x1;
	s9 =	sshrl.u32 s16, $0x3;
	s8 =	sand.u32 $0x380, s8  }
0xb: {  	s13 =	sadd.s32 $0x1, s16;
	s22 =	sadd.s32 $0x2, s16;
	s6 =	sshll.u32 s6, $0x5  }
0xc: {  	s4 =	sor.u32 s14, s15;
	s12 =	sshll.u32 s9, $0xC;
	s15 =	ssub.s32 s3, s17  }
0xd: {  	s19 =	sshll.u32 s13, $0x7;
	s20 =	sshrl.u32 s13, $0x3;
	s14 =	sshrl.u32 s22, $0x3  }
0xe: {  	s26 =	sshll.u32 s9, $0xA;
	s4 =	sshrl.u32 s4, $0x3;
	s18 =	sor.u32 s8, s12  }
0xf: {  	s21 =	sand.u32 $0x380, s19;
	s23 =	sshll.u32 s20, $0xC;
	s24 =	sshll.u32 s14, $0xC  }
0x10: {  	s29 =	sshll.u32 s20, $0xA;
	s30 =	sshll.u32 s14, $0xA;
	s15 =	smax.u32 s15, $0x1  }
0x11: {  	s19 =	simm.s32 $0x200;
	s0 =	sadd.s32 s4, s0;
	s4 =	sshll.u32 s22, $0x7  }
0x12: {  	s5 =	sor.u32 s21, s23;
	s3 =	sshrl.u32 s18, $0x3;
	s18 =	simm.s32 $0x1  }
0x13: {  	s16 =	sand.u32 $0x380, s4;
	s5 =	sshrl.u32 s5, $0x3;
	s3 =	sadd.s32 s7, s3  }
0x14: {  	s11 =	sadd.s32 $0xC800, s0;
	s12 =	sadd.s32 $0xF000, s0;
	s13 =	sadd.s32 $0x11800, s0  }
0x15: {  	s14 =	sadd.s32 $0x14000, s0;
	s17 =	sor.u32 s16, s24;
	s4 =	sadd.s32 s7, s5  }
0x16: {  	s9 =	sor.u32 s16, s30;
	s16 =	simm.s32 $0x80;
	s25 =	sshrl.u32 s17, $0x3  }
0x17: {  	s9 =	sor.u32 s6, s9;
	s17 =	simm.s32 $0x400;
	s5 =	sadd.s32 s7, s25  }
0x18: {  	s7 =	sor.u32 s8, s26;
	s8 =	sor.u32 s21, s29;
	s9 =	sshrl.u32 s9, $0x3  }
0x19: {  	v0 =	vlaneseq.u32;
	s25 =	simm.s32 $0x1B80;
	s7 =	sor.u32 s6, s7;
	s8 =	sor.u32 s6, s8  }
0x1a: {  	v1 =	vadd.s32 $0x1, v0;
	s26 =	simm.s32 $0x2580;
	s7 =	sshrl.u32 s7, $0x3;
	s8 =	sshrl.u32 s8, $0x3  }
0x1b: {  	v2 =	vadd.s32 $0x11, v0;
	v3 =	vadd.s32 $0x21, v0;
	v4 =	vadd.s32 $0x31, v0;
	s9 =	sadd.s32 s1, s9;
	s7 =	sadd.s32 s1, s7;
	s8 =	sadd.s32 s1, s8  }
.LBB2_1:
0x1c: {  	[tilespmem:s2], [sflag:$0x1] =	stream.strided.gather [hbm4b:s3+s16], $0x200, s17, s16, $0x38;
	[tilespmem:$0x3180] =	vst v63  }
0x1d: {  	_ =	swait.ge [sflag:s18], $0x200  }
0x1e: {  	[sflag:s18] =	ssyncset.done $0x0  }
0x1f: {  	[sflag:s18] =	ssyncadd.s32 $0xFFFFFE00  }
0x20: {  	[tilespmem:s19], [sflag:$0x1] =	stream.strided.gather [hbm4b:s4+s16], $0x200, s17, s16, $0x38;
	[tilespmem:$0x3180] =	vst v63  }
0x21: {  	_ =	swait.ge [sflag:s18], $0x200  }
0x22: {  	[sflag:s18] =	ssyncset.done $0x0  }
0x23: {  	[sflag:s18] =	ssyncadd.s32 $0xFFFFFE00  }
0x24: {  	[tilespmem:s17], [sflag:$0x1] =	stream.strided.gather [hbm4b:s5+s16], $0x200, s17, s16, $0x38;
	[tilespmem:$0x3180] =	vst v63  }
0x25: {  	_ =	swait.ge [sflag:s18], $0x200  }
0x26: {  	[sflag:s18] =	ssyncset.done $0x0  }
0x27: {  	s0 =	simm.s32 $0x600;
	[sflag:s18] =	ssyncadd.s32 $0xFFFFFE00  }
0x28: {  	[tilespmem:s0], [sflag:$0x1] =	stream.linear.gather [hbm4b:s7+s2], $0x20, $0x38;
	[tilespmem:$0x3180] =	vst v63  }
0x29: {  	_ =	swait.ge [sflag:s18], $0x20  }
0x2a: {  	[sflag:s18] =	ssyncset.done $0x0  }
0x2b: {  	s30 =	simm.s32 $0x680;
	[sflag:s18] =	ssyncadd.s32 $0xFFFFFFE0  }
0x2c: {  	[tilespmem:s30], [sflag:$0x1] =	stream.linear.gather [hbm4b:s8+s2], $0x20, $0x38;
	[tilespmem:$0x3180] =	vst v63  }
0x2d: {  	_ =	swait.ge [sflag:s18], $0x20  }
0x2e: {  	[sflag:s18] =	ssyncset.done $0x0  }
0x2f: {  	s31 =	simm.s32 $0x700;
	[sflag:s18] =	ssyncadd.s32 $0xFFFFFFE0  }
0x30: {  	[tilespmem:s31], [sflag:$0x1] =	stream.linear.gather [hbm4b:s9+s2], $0x20, $0x38;
	[tilespmem:$0x3180] =	vst v63  }
0x31: {  	_ =	swait.ge [sflag:s18], $0x20  }
0x32: {  	[sflag:s18] =	ssyncset.done $0x0  }
0x33: {  	s29 =	simm.s32 $0x0;
	[sflag:s18] =	ssyncadd.s32 $0xFFFFFFE0  }
.LBB2_2:
0x34: {  	s0 =	sadd.s32 s6, s29;
	s1 =	sshll.u32 s29, $0x4  }
0x35: {  	s0 =	sshll.u32 s0, $0x6;
	s1 =	sand.u32 $0x70, s1  }
0x36: {  	v5 =	vld.msk [tilespmem:s29+$0x600 ss:$0x0], $0xffff;
	s0 =	sand.u32 $0x1E00, s0;
	s1 =	sadd.s32 s1, s10  }
0x37: {  	v6 =	vld.msk [tilespmem:s29+$0x680 ss:$0x0], $0xffff;
	s23 =	simm.s32 $0x400;
	s20 =	simm.s32 $0x2F80;
	s0 =	sadd.s32 s0, s1  }
0x38: {  	v7 =	vld.msk [tilespmem:s29+$0x700 ss:$0x0], $0xffff;
	[tilespmem:s20], [sflag:$0x1] =	stream.strided.gather [hbm4b:s0+s16], $0x200, s23, s16, $0x38  }
0x39: {  	_ =	swait.ge [sflag:s18], $0x200  }
0x3a: {  	[sflag:s18] =	ssyncset.done $0x0  }
0x3b: {  	[sflag:s18] =	ssyncadd.s32 $0xFFFFFE00  }
0x3c: {  	v8 =	vld [tilespmem:s20+$0x0];
	_ =	sdelay $0x3  }
0x3d: {  	s30 =	smul.u32 $0x50, s29;
	s31 =	simm.s32 $0x0  }
0x3e: {  	s24 =	simm.s32 $0x200;
	v9 =	vld [tilespmem:s31+$0x0];
	vm0 =	vle.f32 v8, $1.599999960e-01  }
0x3f: {  	v10 =	vld [tilespmem:s24+$0x0];
	v8 =	vmov s30;
	_ =	sdelay $0x1  }
0x40: {  	v12 =	vor.u32 s31, v0  }
0x41: {  	p0 =	por $0x1, $0x1;
	v12 =	vcvt.s32.f32 v12;
	s0 =	simm.s32 $0x0  }
0x42: {  	s0 =	simm.s32 @!p0 $0x40;
	v9 =	vsub.f32 v9, v5  }
0x43: {  	v11 =	vld [tilespmem:s23+$0x0];
	v10 =	vsub.f32 v10, v6;
	[tilespmem:v8+s0+$0x780 ss:$0x1] =	vst.idx.msk vm0, v12  }
0x44: {  	[tilespmem:v8+s0+$0x1180 ss:$0x1] =	vst.idx.msk vm0, v9  }
0x45: {  	[tilespmem:v8+s0+$0x1B80 ss:$0x1] =	vst.idx.msk vm0, v10;
	v10 =	vmpcnt.ones.xlane vm0;
	_ =	sdelay $0x1  }
0x46: {  	(v2sf) =	vpush v10, $0x0;
	_ =	sdelay $0x3  }
0x47: {  	v11 =	vsub.f32 v11, v7;
	_ =	sdelay $0x1  }
0x48: {  	s20 =	simm.s32 $0x210;
	[tilespmem:v8+s0+$0x2580 ss:$0x1] =	vst.idx.msk vm0, v11  }
0x49: {  	s21 =	simm.s32 $0x2F90;
	s22 =	simm.s32 $0x0;
	v9 =	vld [tilespmem:s20+$0x0]  }
0x4a: {  	s1 =	simm.s32 $0x410;
	s23 =	simm.s32 $0x20;
	s0 =	simm.s32 $0x10;
	v10 =	vld [tilespmem:s21+$0x0]  }
.LBB2_3:
0x4b: {  	p0 =	sne.s32 s23, $0x1F0;
	v11 =	vld [tilespmem:s1+$0x0];
	s22 =	sadd.s32 $0x10, s22  }
0x4c: {  	v12 =	vld [tilespmem:s22+$0x0];
	_ =	sdelay $0x2  }
0x4d: {  	vm0 =	vle.f32 v10, $1.599999960e-01  }
0x4e: {  	v10 =	vmpcnt.ones.xlane vm0  }
0x4f: {  	s24 =	spop (v2sf)  }
0x50: {  	v13 =	vor.u32 s0, v0;
	s0 =	smov.u32 s23;
	(v2sf) =	vpush v10, $0x0;
	s31 =	sadd.s32 s31, s24  }
0x51: {  	v10 =	vcvt.s32.f32 v13;
	p1 =	slt.s32 s31, $0x40;
	s24 =	smov.u32 s31  }
0x52: {  	v12 =	vsub.f32 v12, v5;
	s24 =	simm.s32 @!p1 $0x40  }
0x53: {  	v9 =	vsub.f32 v9, v6;
	[tilespmem:v8+s24+$0x780 ss:$0x1] =	vst.idx.msk vm0, v10  }
.Ltmp0:
0x54: {  	v10 =	vsub.f32 v11, v7;
	[tilespmem:v8+s24+$0x1180 ss:$0x1] =	vst.idx.msk vm0, v12;
	(pc) =	sbr.rel @p0 .LBB2_3-.Ltmp0, $4  }
0x55: {  	[tilespmem:v8+s24+$0x1B80 ss:$0x1] =	vst.idx.msk vm0, v9  }
0x56: {  	s20 =	sadd.s32 $0x10, s20;
	[tilespmem:v8+s24+$0x2580 ss:$0x1] =	vst.idx.msk vm0, v10  }
0x57: {  	s21 =	sadd.s32 $0x10, s21;
	v9 =	vld [tilespmem:s20+$0x0]  }
0x58: {  	s23 =	sadd.s32 $0x10, s23;
	s1 =	sadd.s32 $0x10, s1;
	v10 =	vld [tilespmem:s21+$0x0]  }
0x59: {  	_ =	sdelay $0x3  }
0x5a: {  	vm0 =	vle.f32 v10, $1.599999960e-01  }
0x5b: {  	v10 =	vmpcnt.ones.xlane vm0;
	_ =	sdelay $0x1  }
0x5c: {  	(v2sf) =	vpush v10, $0x0;
	_ =	sdelay $0x2  }
0x5d: {  	s20 =	sadd.s32 $0x10, s22  }
0x5e: {  	v53 =	vld [tilespmem:s20+$0x0];
	_ =	sdelay $0x1  }
0x5f: {  	v11 =	vld [tilespmem:s1+$0x0];
	s23 =	spop (v2sf)  }
0x60: {  	v12 =	vor.u32 s0, v0;
	s24 =	sadd.s32 s31, s23  }
0x61: {  	v12 =	vcvt.s32.f32 v12;
	p0 =	slt.s32 s24, $0x40;
	s1 =	smov.u32 s24  }
0x62: {  	v5 =	vsub.f32 v53, v5;
	s1 =	simm.s32 @!p0 $0x40  }
0x63: {  	v6 =	vsub.f32 v9, v6;
	[tilespmem:v8+s1+$0x780 ss:$0x1] =	vst.idx.msk vm0, v12  }
0x64: {  	v7 =	vsub.f32 v11, v7;
	[tilespmem:v8+s1+$0x1180 ss:$0x1] =	vst.idx.msk vm0, v5  }
0x65: {  	[tilespmem:v8+s1+$0x1B80 ss:$0x1] =	vst.idx.msk vm0, v6  }
0x66: {  	[tilespmem:v8+s1+$0x2580 ss:$0x1] =	vst.idx.msk vm0, v7  }
0x67: {  	v5 =	vld [tilespmem:s30+$0x780]  }
0x68: {  	v6 =	vld [tilespmem:s30+$0x1180];
	s31 =	spop (v2sf)  }
0x69: {  	v7 =	vld [tilespmem:s30+$0x1B80];
	s0 =	sadd.s32 s24, s31  }
0x6a: {  	v8 =	vld [tilespmem:s30+$0x2580];
	p0 =	slt.s32 s0, $0x40  }
0x6b: {  	s0 =	simm.s32 @!p0 $0x40  }
0x6c: {  	v55 =	vbroadcast v5, $0x0;
	v54 =	vmov s0  }
0x6d: {  	v12 =	vld [tilespmem:s30+$0x790];
	v56 =	vbroadcast v6, $0x0;
	vm12 =	vlt.s32 v54, v1  }
0x6e: {  	v14 =	vld [tilespmem:s30+$0x1190];
	v13 =	vbroadcast v7, $0x0;
	v5 =	vsel vm12, v55, v5  }
0x6f: {  	v15 =	vld [tilespmem:s30+$0x1B90];
	[tilespmem:s30+$0x780] =	vst v5;
	v5 =	vsel vm12, v56, v6;
	v6 =	vbroadcast v8, $0x0  }
0x70: {  	[tilespmem:s30+$0x1180] =	vst v5;
	v5 =	vsel vm12, v13, v7;
	v7 =	vld [tilespmem:s30+$0x2590]  }
0x71: {  	v57 =	vld [tilespmem:s30+$0x7A0];
	vm13 =	vlt.s32 v54, v2;
	[tilespmem:s30+$0x1B80] =	vst v5;
	v5 =	vsel vm12, v6, v8  }
0x72: {  	v58 =	vld [tilespmem:s30+$0x11A0];
	[tilespmem:s30+$0x2580] =	vst v5;
	v5 =	vsel vm13, v55, v12  }
0x73: {  	v59 =	vld [tilespmem:s30+$0x1BA0];
	[tilespmem:s30+$0x790] =	vst v5;
	v5 =	vsel vm13, v56, v14  }
0x74: {  	v60 =	vld [tilespmem:s30+$0x25A0];
	[tilespmem:s30+$0x1190] =	vst v5;
	v5 =	vsel vm13, v13, v15  }
0x75: {  	vm14 =	vlt.s32 v54, v3;
	[tilespmem:s30+$0x1B90] =	vst v5;
	v5 =	vsel vm13, v6, v7;
	v7 =	vld [tilespmem:s30+$0x7B0]  }
0x76: {  	v61 =	vld [tilespmem:s30+$0x11B0];
	[tilespmem:s30+$0x2590] =	vst v5;
	v5 =	vsel vm14, v55, v57  }
0x77: {  	v62 =	vld [tilespmem:s30+$0x1BB0];
	[tilespmem:s30+$0x7A0] =	vst v5;
	v5 =	vsel vm14, v56, v58  }
0x78: {  	s29 =	sadd.s32 $0x1, s29;
	v63 =	vld [tilespmem:s30+$0x25B0];
	[tilespmem:s30+$0x11A0] =	vst v5;
	v5 =	vsel vm14, v13, v59  }
0x79: {  	p0 =	sne.s32 s29, $0x20;
	vm15 =	vlt.s32 v54, v4;
	[tilespmem:s30+$0x1BA0] =	vst v5;
	v5 =	vsel vm14, v6, v60  }
.Ltmp1:
0x7a: {  	[tilespmem:s30+$0x25A0] =	vst v5;
	v5 =	vsel vm15, v55, v7;
	(pc) =	sbr.rel @p0 .LBB2_2-.Ltmp1, $4  }
0x7b: {  	[tilespmem:s30+$0x7B0] =	vst v5;
	v5 =	vsel vm15, v56, v61  }
0x7c: {  	[tilespmem:s30+$0x11B0] =	vst v5;
	v5 =	vsel vm15, v13, v62  }
0x7d: {  	[tilespmem:s30+$0x1BB0] =	vst v5;
	v5 =	vsel vm15, v6, v63  }
0x7e: {  	[tilespmem:s30+$0x25B0] =	vst v5  }
0x7f: {  	s0 =	simm.s32 $0x780  }
0x80: {  	[hbm4b:s11+s16] =	stream.strided.scatter [tilespmem:s0], [sflag:$0x1], $0xA00, s19, s16, $0x38;
	[tilespmem:$0x3180] =	vst v63  }
0x81: {  	_ =	swait.ge [sflag:s18], $0xA00  }
0x82: {  	[sflag:s18] =	ssyncset.done $0x0  }
0x83: {  	s31 =	simm.s32 $0x1180;
	[sflag:s18] =	ssyncadd.s32 $0xFFFFF600  }
0x84: {  	[hbm4b:s12+s16] =	stream.strided.scatter [tilespmem:s31], [sflag:$0x1], $0xA00, s19, s16, $0x38;
	[tilespmem:$0x3180] =	vst v63  }
0x85: {  	_ =	swait.ge [sflag:s18], $0xA00  }
0x86: {  	[sflag:s18] =	ssyncset.done $0x0  }
0x87: {  	[sflag:s18] =	ssyncadd.s32 $0xFFFFF600  }
0x88: {  	[hbm4b:s13+s16] =	stream.strided.scatter [tilespmem:s25], [sflag:$0x1], $0xA00, s19, s16, $0x38;
	[tilespmem:$0x3180] =	vst v63  }
0x89: {  	s28 =	sadd.s32 $0x1, s28;
	_ =	swait.ge [sflag:s18], $0xA00  }
0x8a: {  	p0 =	sne.s32 s28, s15;
	[sflag:s18] =	ssyncset.done $0x0  }
.Ltmp2:
0x8b: {  	[sflag:s18] =	ssyncadd.s32 $0xFFFFF600;
	(pc) =	sbr.rel @p0 .LBB2_1-.Ltmp2, $4  }
0x8c: {  	[hbm4b:s14+s16] =	stream.strided.scatter [tilespmem:s26], [sflag:$0x1], $0xA00, s19, s16, $0x38;
	[tilespmem:$0x3180] =	vst v63  }
0x8d: {  	_ =	swait.ge [sflag:s18], $0xA00  }
0x8e: {  	[sflag:s18] =	ssyncset.done $0x0  }
0x8f: {  	[sflag:s18] =	ssyncadd.s32 $0xFFFFF600  }
0x90: {  	_ =	sfence.sel $0x180000  }
0x91: {  	[bflag:$0x0] =	sbarrier.arrive $0xFFFF  }
0x92: {  	_ =	strace $0x9000004D  }
0x93: {  	s0 =	stileid.u32;
	[bflag:$0x2] =	sbarrier.arrive $0xFFFF  }
0x94: {  	p0 =	sne.s32 s0, $0x0;
	s0 =	rddreg [dreg:$0x3]  }
0x95: {  	s0 =	sadd.s32 @!p0 $0x100000, s0  }
0x96: {  	[sflag:s0] =	ssyncadd.tile.s32 @!p0 $0x1;
	_ =	shalt  }
.Lfunc_end2:
_tile_overlayer_lowered:
.L_overlay_start_2:
0x97: {  	(tag) =	ssettag $0x2  }
0x98: {  	s0 =	rddreg [dreg:$0x0];
	s2 =	stileid.u32  }
0x99: {  	s1 =	rddreg [dreg:$0x1];
	p0 =	sne.s32 s2, $0x0  }
0x9a: {  	s3 =	rddreg [dreg:$0x2];
	[bflag:$0x3] =	sbarrier.arrive $0xFFFF;
	s2 =	simm.s32 @!p0 $0x1C01  }
0x9b: {  	[timem:s3], [sflag:s2] =	dma.local @!p0 [hbm:s0], s1  }
0x9c: {  	s0 =	simm.s32 @!p0 $0x1  }
0x9d: {  	_ =	swait.ge @!p0 [sflag:s0], s1  }
0x9e: {  	s1 =	ssub.s32 @!p0 $0x0, s1;
	[sflag:s0] =	ssyncset.done @!p0 $0x0  }
0x9f: {  	[sflag:s0] =	ssyncadd.s32 @!p0 s1  }
0xa0: {  	[bflag:$0x3] =	sbarrier.arrive $0xFFFF  }
0xa1: {  	_ =	shalt  }

</sc_bundles>
